<compile_context>
chip_gen: v7x
topology: tpu7x:2x2x1
jax: 0.10.2.dev20260603
libtpu: 0.0.44.dev20260713+nightly
codegen_flags: <defaults>
</compile_context>

<pallas_src>
import functools

import jax
import jax.numpy as jnp
from jax import lax
from jax.experimental import pallas as pl
from jax.experimental.pallas import tpu as pltpu
from jax.experimental.pallas import tpu_sc as plsc

B = 16
C = 128
K = 8
FD = 32 * 256
UPDATE_RATE = 0.2
CAP = C // K


def _iota(shape, dim):
    return lax.broadcasted_iota(jnp.int32, shape, dim)


def _argmax_row(x):
    m = jnp.max(x)
    n = x.shape[1]
    return jnp.min(jnp.where(x == m, _iota((1, n), 1), n))


def _row_of(D, i):
    n = D.shape[0]
    mask = _iota((n, n), 0) == i
    return jnp.sum(jnp.where(mask, D, 0.0), axis=0, keepdims=True)


def _to_col(x):
    n = x.shape[1]
    eye = _iota((n, n), 0) == _iota((n, n), 1)
    return jnp.sum(jnp.where(eye, jnp.broadcast_to(x, (n, n)), 0.0),
                   axis=1, keepdims=True)


def _to_row(x):
    n = x.shape[0]
    eye = _iota((n, n), 0) == _iota((n, n), 1)
    return jnp.sum(jnp.where(eye, jnp.broadcast_to(x, (n, n)), 0.0),
                   axis=0, keepdims=True)


def _fps_indices(d_scr, rowsum):
    sel = [_argmax_row(rowsum)]
    min_d = d_scr[pl.ds(sel[0], 1), :]
    for _ in range(1, K):
        f = _argmax_row(min_d)
        sel.append(f)
        min_d = jnp.minimum(min_d, d_scr[pl.ds(f, 1), :])
    return sel


def _feat_fps_step(ff_ref, sel_scr, d_scr):
    b = pl.program_id(0)
    A = ff_ref[0]
    a2_col = jnp.sum(A * A, axis=1, keepdims=True)
    a2_row = _to_row(a2_col)
    G = lax.dot_general(A, A, (((1,), (1,)), ((), ())),
                        preferred_element_type=jnp.float32)
    d2 = a2_col + a2_row - 2.0 * G
    d_scr[...] = jnp.sqrt(jnp.maximum(d2, 1e-12))
    rowsum = jnp.sum(d_scr[...], axis=0, keepdims=True)
    sel = _fps_indices(d_scr, rowsum)
    vec = jnp.zeros((1, K), jnp.int32)
    for t, v in enumerate(sel):
        vec = jnp.where(_iota((1, K), 1) == t, v, vec)
    sel_scr[pl.ds(b, 1), :] = vec


def _sqrt_dist(d2):
    return jnp.sqrt(jnp.maximum(d2, 1e-12))


def _bf(x):
    return x.astype(jnp.bfloat16).astype(jnp.float32)


def _cdist_terms(ax, ay, az, bx, by, bz):
    a2 = (ax * ax + ay * ay) + az * az
    b2 = (bx * bx + by * by) + bz * bz
    ab = (_bf(ax) * _bf(bx) + _bf(ay) * _bf(by)) + _bf(az) * _bf(bz)
    return _sqrt_dist((a2 + b2) - 2.0 * ab)


def _epilogue_compute(pos_ref, sel, prefs_ref, d_scr):
    px = pos_ref[0]
    py = pos_ref[1]
    pz = pos_ref[2]
    px0 = px[0:1, :]
    py0 = py[0:1, :]
    pz0 = pz[0:1, :]

    cx0 = _to_col(px0)
    cy0 = _to_col(py0)
    cz0 = _to_col(pz0)
    d_scr[...] = _cdist_terms(cx0, cy0, cz0, px0, py0, pz0)
    rowsum = jnp.sum(d_scr[...], axis=0, keepdims=True)
    init_idx = _fps_indices(d_scr, rowsum)
    iot = _iota((1, C), 1)
    cenx, ceny, cenz = [], [], []
    for t in range(K):
        m = iot == init_idx[t]
        cenx.append(jnp.sum(jnp.where(m, px0, 0.0)))
        ceny.append(jnp.sum(jnp.where(m, py0, 0.0)))
        cenz.append(jnp.sum(jnp.where(m, pz0, 0.0)))

    lane = _iota((B, C), 1)
    best_d = jnp.full((B, C), jnp.inf, jnp.float32)
    besti = jnp.zeros((B, C), jnp.int32)
    for j in range(K):
        selj = sel[:, j:j + 1]
        m = lane == selj
        ccx = jnp.sum(jnp.where(m, px, 0.0), axis=1, keepdims=True)
        ccy = jnp.sum(jnp.where(m, py, 0.0), axis=1, keepdims=True)
        ccz = jnp.sum(jnp.where(m, pz, 0.0), axis=1, keepdims=True)
        dj = _cdist_terms(px, py, pz, ccx, ccy, ccz)
        upd = dj < best_d
        besti = jnp.where(upd, j, besti)
        best_d = jnp.where(upd, dj, best_d)

    bx, by, bz = [], [], []
    for i in range(K):
        m = (besti == i).astype(jnp.float32)
        cnt = jnp.sum(m)
        sx = jnp.sum(px * m)
        sy = jnp.sum(py * m)
        sz = jnp.sum(pz * m)
        den = jnp.maximum(cnt, 1.0)
        has = cnt > 0
        bx.append(jnp.where(has, sx / den, 0.0))
        by.append(jnp.where(has, sy / den, 0.0))
        bz.append(jnp.where(has, sz / den, 0.0))

    ncx, ncy, ncz = [], [], []
    for i in range(K):
        best = jnp.float32(jnp.inf)
        mi = jnp.int32(0)
        for j in range(K):
            dd = _cdist_terms(cenx[i], ceny[i], cenz[i], bx[j], by[j], bz[j])
            win = dd < best
            mi = jnp.where(win, j, mi)
            best = jnp.where(win, dd, best)
        selx = jnp.float32(0.0)
        sely = jnp.float32(0.0)
        selz = jnp.float32(0.0)
        for j in range(K):
            selx = jnp.where(mi == j, bx[j], selx)
            sely = jnp.where(mi == j, by[j], sely)
            selz = jnp.where(mi == j, bz[j], selz)
        ncx.append((1.0 - UPDATE_RATE) * cenx[i] + UPDATE_RATE * selx)
        ncy.append((1.0 - UPDATE_RATE) * ceny[i] + UPDATE_RATE * sely)
        ncz.append((1.0 - UPDATE_RATE) * cenz[i] + UPDATE_RATE * selz)

    dm = [_cdist_terms(px0, py0, pz0, ncx[j], ncy[j], ncz[j])
          for j in range(K)]
    ranks = []
    for j in range(K):
        r = jnp.zeros((1, C), jnp.int32)
        for m in range(K):
            if m < j:
                r = r + jnp.where((dm[m] < dm[j]) | (dm[m] == dm[j]), 1, 0)
            elif m > j:
                r = r + jnp.where(dm[m] < dm[j], 1, 0)
        ranks.append(r)
    out = jnp.zeros((C, 2 * K), jnp.int32)
    col = _iota((C, 2 * K), 1)
    for r in range(K):
        pr = jnp.zeros((1, C), jnp.int32)
        for j in range(K):
            pr = pr + jnp.where(ranks[j] == r, j, 0)
        prc = jnp.sum(
            jnp.where(_iota((C, C), 0) == _iota((C, C), 1),
                      jnp.broadcast_to(pr.astype(jnp.float32), (C, C)), 0.0),
            axis=1, keepdims=True).astype(jnp.int32)
        out = jnp.where(col == r, prc, out)
    prefs_ref[...] = out


def _main_body(ff_ref, pos_ref, prefs_ref, sel_scr, d_scr):
    _feat_fps_step(ff_ref, sel_scr, d_scr)

    @pl.when(pl.program_id(0) == B - 1)
    def _():
        _epilogue_compute(pos_ref, sel_scr[...], prefs_ref, d_scr)


def _main(ff, posT):
    return pl.pallas_call(
        _main_body,
        grid=(B,),
        in_specs=[
            pl.BlockSpec((1, C, FD), lambda b: (b, 0, 0)),
            pl.BlockSpec((3, B, C), lambda b: (0, 0, 0)),
        ],
        out_specs=pl.BlockSpec((C, 2 * K), lambda b: (0, 0)),
        out_shape=jax.ShapeDtypeStruct((C, 2 * K), jnp.int32),
        scratch_shapes=[
            pltpu.VMEM((B, K), jnp.int32),
            pltpu.VMEM((C, C), jnp.float32),
        ],
    )(ff, posT)


def _greedy_body(prefs_hbm, out_hbm, prefs_v, counts_v, assign_v):
    cid = lax.axis_index("c")
    sid = lax.axis_index("s")

    @pl.when(jnp.logical_and(cid == 0, sid == 0))
    def _():
        pltpu.sync_copy(prefs_hbm, prefs_v)
        counts_v[...] = jnp.zeros((2 * K,), jnp.int32)
        lane = lax.iota(jnp.int32, 2 * K)
        ones = jnp.ones((2 * K,), jnp.int32)

        def body(ch, carry):
            prow = prefs_v[ch]
            cnts = plsc.load_gather(counts_v, [prow])
            ok = jnp.logical_and(cnts < CAP, lane < K)
            f = plsc.all_reduce_ffs(ok)
            hit = lane == f
            plsc.addupdate_scatter(counts_v, [prow], ones, mask=hit)
            pc = jnp.sum(jnp.where(hit, prow, 0))
            plsc.store_scatter(assign_v, [jnp.full((2 * K,), ch, jnp.int32)],
                               jnp.full((2 * K,), pc, jnp.int32),
                               mask=lane == 0)
            return carry

        lax.fori_loop(0, C, body, 0)
        pltpu.sync_copy(assign_v, out_hbm)


def _greedy(prefs):
    mesh = plsc.VectorSubcoreMesh(core_axis_name="c", subcore_axis_name="s")
    fn = functools.partial(
        pl.kernel,
        mesh=mesh,
        out_type=jax.ShapeDtypeStruct((C,), jnp.int32),
        compiler_params=pltpu.CompilerParams(needs_layout_passes=False),
        scratch_types=[
            pltpu.VMEM((C, 2 * K), jnp.int32),
            pltpu.VMEM((2 * K,), jnp.int32),
            pltpu.VMEM((C,), jnp.int32),
        ],
    )(_greedy_body)
    return fn(prefs)


def kernel(features, pos_emb_batch):
    b, c, nw, df = features.shape
    ff = features.reshape(b, c, nw * df)
    posT = jnp.transpose(pos_emb_batch, (2, 0, 1))
    prefs = _main(ff, posT)
    return _greedy(prefs)

# --- scband reference (transcript-rebuilt; emitter-appended) ---
"""Pipeline reference for scband-cluster-manager-62680752718153 (READ-ONLY COPY).

The authoritative reference and input builder live on the scoring server;
editing this copy changes nothing except your own understanding.
"""

import jax, jax.numpy as jnp
import numpy as np

NUM_CLUSTERS = 8
CHANNELS = 128
UPDATE_RATE = 0.2


def _cdist(a, b):
    a2 = jnp.sum(a * a, axis=-1)[..., :, None]
    b2 = jnp.sum(b * b, axis=-1)[..., None, :]
    d2 = a2 + b2 - 2.0 * jnp.einsum('...ik,...jk->...ij', a, b)
    return jnp.sqrt(jnp.maximum(d2, 1e-12))


def _fps(dist_matrix, k):
    start = jnp.argmax(dist_matrix.sum(axis=1))
    idxs = [start]
    min_d = dist_matrix[start]
    for _ in range(1, k):
        f = jnp.argmax(min_d)
        idxs.append(f)
        min_d = jnp.minimum(min_d, dist_matrix[f])
    return jnp.stack(idxs)


def _fixed_sizes(channels, k):
    base = channels // k
    rem = channels % k
    return jnp.array([base + 1] * rem + [base] * (k - rem), dtype=jnp.int32)


def _forward(features, pos_emb_batch):
    k = NUM_CLUSTERS
    pos_emb = pos_emb_batch[0]
    # initialize centers via farthest point sampling on channel positions
    init_idx = _fps(_cdist(pos_emb, pos_emb), k)
    centers = pos_emb[init_idx]
    b, c, nw, df = features.shape
    ff = features.reshape(b, c, -1)
    D = _cdist(ff, ff)  # [b, c, c]
    sel = jnp.stack([_fps(D[i], k) for i in range(b)])  # [b, k]
    # temp euclidean clustering of channels by position
    center_coords = pos_emb_batch[jnp.arange(b)[:, None], sel]  # [b, k, 3]
    dist = _cdist(pos_emb_batch, center_coords)  # [b, c, k]
    temp_assign = jnp.argmin(dist, axis=-1)  # [b, c]
    pos_flat = pos_emb_batch.reshape(-1, 3)
    ta_flat = temp_assign.reshape(-1)
    avg = []
    for i in range(k):
        m = (ta_flat == i).astype(pos_flat.dtype)
        cnt = m.sum()
        s = (pos_flat * m[:, None]).sum(axis=0)
        avg.append(jnp.where(cnt > 0, s / jnp.maximum(cnt, 1.0), jnp.zeros(3, pos_flat.dtype)))
    bat = jnp.stack(avg)
    matching = jnp.argmin(_cdist(centers, bat), axis=1)
    centers = (1.0 - UPDATE_RATE) * centers + UPDATE_RATE * bat[matching]
    # capacity-constrained greedy assignment
    dm2 = _cdist(pos_emb, centers)  # [c, k]
    sorted_idx = jnp.argsort(dm2, axis=1)
    sizes = _fixed_sizes(CHANNELS, k)
    assignments = jnp.full((CHANNELS,), -1, dtype=jnp.int32)
    counts = jnp.zeros((k,), dtype=jnp.int32)
    for ch in range(CHANNELS):
        done = jnp.array(False)
        for pref in range(k):
            pc = sorted_idx[ch, pref]
            can = jnp.logical_and(counts[pc] < sizes[pc], jnp.logical_not(done))
            assignments = assignments.at[ch].set(jnp.where(can, pc.astype(jnp.int32), assignments[ch]))
            counts = counts.at[pc].add(jnp.where(can, 1, 0))
            done = jnp.logical_or(done, can)
    return assignments


def setup_inputs(seed: int = 0):
    key = jax.random.key(seed)
    k1, k2 = jax.random.split(key)
    features = jax.random.normal(k1, (16, 128, 32, 256), dtype=jnp.float32)
    pos_emb_batch = jax.random.normal(k2, (16, 128, 3), dtype=jnp.float32)
    return {"features": features, "pos_emb_batch": pos_emb_batch}


def reference(features, pos_emb_batch):
    return _forward(features, pos_emb_batch)

if __name__ == "__main__":
    import jax
    _d = setup_inputs()
    print(jax.jit(kernel)(*tuple(_d.values())))

</pallas_src>

<mosaic_0001>
#map = affine_map<(d0, d1) -> (0, 0)>
#map1 = affine_map<(d0, d1) -> (0)>
module attributes {stable_mosaic.version = 14 : i64} {
  func.func @_greedy_body(%arg0: i32, %arg1: i32, %arg2: memref<128x16xi32, #tpu.memory_space<hbm>>, %arg3: memref<128xi32, #tpu.memory_space<hbm>>, %arg4: memref<128x16xi32, #tpu.memory_space<vmem>>, %arg5: memref<16xi32, #tpu.memory_space<vmem>>, %arg6: memref<128xi32, #tpu.memory_space<vmem>>) attributes {dimension_semantics = [#tpu.dimension_semantics<core_parallel>, #tpu.dimension_semantics<subcore_parallel>], iteration_bounds = array<i64: 2, 16>, scalar_prefetch = 0 : i64, scratch_operands = 3 : i64, tpu.core_type = #tpu.core_type<sc_vector_subcore>, window_params = [{transform_indices = #map}, {transform_indices = #map1}]} {
    %eq3A = arith.constant 0 : i32
    %eq3A_0 = arith.cmpi eq, %arg0, %eq3A : i32
    %eq3A_1 = arith.constant 0 : i32
    %eq3A_2 = arith.cmpi eq, %arg1, %eq3A_1 : i32
    %and3A = arith.andi %eq3A_0, %eq3A_2 : i1
    %convert_element_type3A = arith.extui %and3A : i1 to i32
    %cond3A = arith.constant 0 : i32
    %cond3A_3 = arith.cmpi ne, %convert_element_type3A, %cond3A : i32
    scf.if %cond3A_3 {
      "tpu.region"() ({
        %run_scoped3A = tpu.sem_alloc : memref<!tpu.dma_semaphore, #tpu.memory_space<semaphore_mem>>
        tpu.enqueue_dma source(%arg2 : memref<128x16xi32, #tpu.memory_space<hbm>>) target(%arg4 : memref<128x16xi32, #tpu.memory_space<vmem>>) target_semaphore(%run_scoped3A : memref<!tpu.dma_semaphore, #tpu.memory_space<semaphore_mem>>)
        tpu.wait_dma2 semaphore(%run_scoped3A : memref<!tpu.dma_semaphore, #tpu.memory_space<semaphore_mem>>) src(%arg2 : memref<128x16xi32, #tpu.memory_space<hbm>>) dst(%arg4 : memref<128x16xi32, #tpu.memory_space<vmem>>)
        tpu.yield
      }) : () -> ()
      %broadcast_in_dim3A = arith.constant 0 : i32
      %broadcast_in_dim3A_4 = vector.broadcast %broadcast_in_dim3A : i32 to vector<16xi32>
      %swap3A = arith.constant 0 : index
      %swap3A_5 = tpu.vector_load %arg5[%swap3A] {strides = array<i32>} : memref<16xi32, #tpu.memory_space<vmem>>, vector<16xi32>,
      tpu.vector_store %arg5[%swap3A], %broadcast_in_dim3A_4 {strides = array<i32>} : memref<16xi32, #tpu.memory_space<vmem>>, vector<16xi32>,
      %iota3A = tpu.iota {dimensions = array<i32: 0>} : vector<16xi32>
      %broadcast_in_dim3A_6 = arith.constant 1 : i32
      %broadcast_in_dim3A_7 = vector.broadcast %broadcast_in_dim3A_6 : i32 to vector<16xi32>
      %scan3A = arith.constant 0 : i32
      %scan3A_8 = arith.constant 0 : i32
      %scan3A_9 = arith.constant 128 : i32
      %scan3A_10 = arith.addi %scan3A_8, %scan3A_9 : i32
      %scan3A_11 = arith.constant 1 : i32
      scf.for %scan3A_13 = %scan3A_8 to %scan3A_10 step %scan3A_11  : i32 {
        %get3A = arith.index_cast %scan3A_13 : i32 to index
        %get3A_14 = arith.constant 0 : index
        %get3A_15 = tpu.vector_load %arg4[%get3A, %get3A_14] {strides = array<i32>} : memref<128x16xi32, #tpu.memory_space<vmem>>, vector<16xi32>,
        %gather3A = tpu.vector_load_idx %arg5[%get3A_15] : memref<16xi32, #tpu.memory_space<vmem>>[vector<16xi32>], vector<16xi32>,
        %lt3A = arith.constant 16 : i32
        %lt3A_16 = vector.broadcast %lt3A : i32 to vector<16xi32>
        %lt3A_17 = arith.cmpi slt, %gather3A, %lt3A_16 : vector<16xi32>
        %lt3A_18 = arith.constant 8 : i32
        %lt3A_19 = vector.broadcast %lt3A_18 : i32 to vector<16xi32>
        %lt3A_20 = arith.cmpi slt, %iota3A, %lt3A_19 : vector<16xi32>
        %and3A_21 = arith.andi %lt3A_17, %lt3A_20 : vector<16xi1>
        %all_reduce_ffs3A = tpu.all_reduce %and3A_21 {dim = 0 : i64, kind = #tpu.reduction_kind<find_first_set>} : vector<16xi1> -> vector<16xi32>
        %eq3A_22 = arith.cmpi eq, %iota3A, %all_reduce_ffs3A : vector<16xi32>
        tpu.vector_store_idx %arg5[%get3A_15], %broadcast_in_dim3A_7 masked %eq3A_22 {add = true} : memref<16xi32, #tpu.memory_space<vmem>>[vector<16xi32>], vector<16xi32>, vector<16xi1>
        %jit3A = arith.constant 0 : i32
        %broadcast_in_dim3A_23 = vector.broadcast %jit3A : i32 to vector<16xi32>
        %select_n3A = arith.select %eq3A_22, %get3A_15, %broadcast_in_dim3A_23 : vector<16xi1>, vector<16xi32>
        %reduce_sum3A = arith.constant true
        %reduce_sum3A_24 = vector.broadcast %reduce_sum3A : i1 to vector<16xi1>
        %reduce_sum3A_25 = tpu.scan <sum>, %select_n3A masked %reduce_sum3A_24 : vector<16xi32>, vector<16xi1> -> vector<16xi32>
        %reduce_sum3A_26 = vector.extract %reduce_sum3A_25[15] : i32 from vector<16xi32>
        %broadcast_in_dim3A_27 = vector.broadcast %scan3A_13 : i32 to vector<16xi32>
        %broadcast_in_dim3A_28 = vector.broadcast %reduce_sum3A_26 : i32 to vector<16xi32>
        %eq3A_29 = arith.constant 0 : i32
        %eq3A_30 = vector.broadcast %eq3A_29 : i32 to vector<16xi32>
        %eq3A_31 = arith.cmpi eq, %iota3A, %eq3A_30 : vector<16xi32>
        tpu.vector_store_idx %arg6[%broadcast_in_dim3A_27], %broadcast_in_dim3A_28 masked %eq3A_31 : memref<128xi32, #tpu.memory_space<vmem>>[vector<16xi32>], vector<16xi32>, vector<16xi1>
      }
      %scan3A_12 = arith.constant 128 : i32
      "tpu.region"() ({
        %run_scoped3A = tpu.sem_alloc : memref<!tpu.dma_semaphore, #tpu.memory_space<semaphore_mem>>
        tpu.enqueue_dma source(%arg6 : memref<128xi32, #tpu.memory_space<vmem>>) target(%arg3 : memref<128xi32, #tpu.memory_space<hbm>>) target_semaphore(%run_scoped3A : memref<!tpu.dma_semaphore, #tpu.memory_space<semaphore_mem>>)
        tpu.wait_dma2 semaphore(%run_scoped3A : memref<!tpu.dma_semaphore, #tpu.memory_space<semaphore_mem>>) src(%arg6 : memref<128xi32, #tpu.memory_space<vmem>>) dst(%arg3 : memref<128xi32, #tpu.memory_space<hbm>>)
        tpu.yield
      }) : () -> ()
    } else {
    }
    return
  }
}

module attributes {stable_mosaic.version = 14 : i64} {
  func.func @_main_body(%arg0: i32, %arg1: memref<1x128x8192xf32, #tpu.memory_space<vmem>>, %arg2: memref<3x16x128xf32, #tpu.memory_space<vmem>>, %arg3: memref<128x16xi32, #tpu.memory_space<vmem>>, %arg4: memref<16x8xi32, #tpu.memory_space<vmem>>, %arg5: memref<128x128xf32, #tpu.memory_space<vmem>>) attributes {dimension_semantics = [#tpu.dimension_semantics<arbitrary>], iteration_bounds = array<i64: 16>, scalar_prefetch = 0 : i64, scratch_operands = 2 : i64, tpu.core_type = #tpu.core_type<tc>, window_params = [{transform_indices = @transform_0, window_bounds = array<i64: 1, 128, 8192>}, {pipeline_mode = #tpu.pipeline_mode<synchronous>, transform_indices = @transform_1, window_bounds = array<i64: 3, 16, 128>}, {pipeline_mode = #tpu.pipeline_mode<synchronous>, transform_indices = @transform_2, window_bounds = array<i64: 128, 16>}]} {
    %get3A = arith.constant 0 : index
    %get3A_0 = arith.constant 0 : index
    %get3A_1 = arith.constant 0 : index
    %get3A_2 = vector.load %arg1[%get3A, %get3A_0, %get3A_1] : memref<1x128x8192xf32, #tpu.memory_space<vmem>>, vector<1x128x8192xf32>
    %get3A_3 = vector.shape_cast %get3A_2 : vector<1x128x8192xf32> to vector<128x8192xf32>
    %mul3A = arith.mulf %get3A_3, %get3A_3 : vector<128x8192xf32>
    %reduce_sum3A = arith.constant dense<0.000000e+00> : vector<128xf32>
    %reduce_sum3A_4 = vector.multi_reduction <add>, %mul3A, %reduce_sum3A [1] : vector<128x8192xf32> to vector<128xf32>
    %broadcast_in_dim3A = vector.shape_cast %reduce_sum3A_4 : vector<128xf32> to vector<128x1xf32>
    %iota3A = tpu.iota {dimensions = array<i32: 0>} : vector<128x128xi32>
    %iota3A_5 = tpu.iota {dimensions = array<i32: 1>} : vector<128x128xi32>
    %eq3A = arith.cmpi eq, %iota3A, %iota3A_5 : vector<128x128xi32>
    %broadcast_in_dim3A_6 = vector.shape_cast %broadcast_in_dim3A : vector<128x1xf32> to vector<128x1xf32>
    %broadcast_in_dim3A_7 = vector.broadcast %broadcast_in_dim3A_6 : vector<128x1xf32> to vector<128x128xf32>
    %jit3A = arith.constant 0.000000e+00 : f32
    %broadcast_in_dim3A_8 = vector.broadcast %jit3A : f32 to vector<128x128xf32>
    %select_n3A = arith.select %eq3A, %broadcast_in_dim3A_7, %broadcast_in_dim3A_8 : vector<128x128xi1>, vector<128x128xf32>
    %reduce_sum3A_9 = arith.constant dense<0.000000e+00> : vector<128xf32>
    %reduce_sum3A_10 = vector.multi_reduction <add>, %select_n3A, %reduce_sum3A_9 [0] : vector<128x128xf32> to vector<128xf32>
    %broadcast_in_dim3A_11 = vector.shape_cast %reduce_sum3A_10 : vector<128xf32> to vector<1x128xf32>
    %dot_general3A = arith.constant dense<0.000000e+00> : vector<128x128xf32>
    %dot_general3A_12 = tpu.matmul %get3A_3, %get3A_3, %dot_general3A {dimension_numbers = #tpu.dot_dimension_numbers<[1], [1], [0], [0], [0, 0, 1, 0], [], []>, transpose_lhs_hint = false} : vector<128x8192xf32>, vector<128x8192xf32>, vector<128x128xf32> -> vector<128x128xf32>
    %add3A = vector.broadcast %broadcast_in_dim3A : vector<128x1xf32> to vector<128x128xf32>
    %add3A_13 = vector.broadcast %broadcast_in_dim3A_11 : vector<1x128xf32> to vector<128x128xf32>
    %add3A_14 = arith.addf %add3A, %add3A_13 : vector<128x128xf32>
    %mul3A_15 = arith.constant 2.000000e+00 : f32
    %mul3A_16 = vector.broadcast %mul3A_15 : f32 to vector<128x128xf32>
    %mul3A_17 = arith.mulf %mul3A_16, %dot_general3A_12 : vector<128x128xf32>
    %sub3A = arith.subf %add3A_14, %mul3A_17 : vector<128x128xf32>
    %max3A = arith.constant 9.99999996E-13 : f32
    %max3A_18 = vector.broadcast %max3A : f32 to vector<128x128xf32>
    %max3A_19 = arith.maximumf %sub3A, %max3A_18 : vector<128x128xf32>
    %sqrt3A = math.sqrt %max3A_19 : vector<128x128xf32>
    %swap3A = arith.constant 0 : index
    %swap3A_20 = arith.constant 0 : index
    %swap3A_21 = vector.load %arg5[%swap3A, %swap3A_20] : memref<128x128xf32, #tpu.memory_space<vmem>>, vector<128x128xf32>
    tpu.vector_store %arg5[%swap3A, %swap3A_20], %sqrt3A {strides = array<i32>} : memref<128x128xf32, #tpu.memory_space<vmem>>, vector<128x128xf32>,
    %get3A_22 = arith.constant 0 : index
    %get3A_23 = arith.constant 0 : index
    %get3A_24 = vector.load %arg5[%get3A_22, %get3A_23] : memref<128x128xf32, #tpu.memory_space<vmem>>, vector<128x128xf32>
    %reduce_sum3A_25 = arith.constant dense<0.000000e+00> : vector<128xf32>
    %reduce_sum3A_26 = vector.multi_reduction <add>, %get3A_24, %reduce_sum3A_25 [0] : vector<128x128xf32> to vector<128xf32>
    %broadcast_in_dim3A_27 = vector.shape_cast %reduce_sum3A_26 : vector<128xf32> to vector<1x128xf32>
    %reduce_max3A = vector.shape_cast %broadcast_in_dim3A_27 : vector<1x128xf32> to vector<1x1x128xf32>
    %reduce_max3A_28 = arith.constant dense<0xFF800000> : vector<1xf32>
    %reduce_max3A_29 = vector.multi_reduction <maximumf>, %reduce_max3A, %reduce_max3A_28 [1, 2] : vector<1x1x128xf32> to vector<1xf32>
    %reduce_max3A_30 = vector.shape_cast %reduce_max3A_29 : vector<1xf32> to vector<1x1x1xf32>
    %reduce_max3A_31 = vector.extract %reduce_max3A_30[0, 0, 0] : f32 from vector<1x1x1xf32>
    %eq3A_32 = vector.broadcast %reduce_max3A_31 : f32 to vector<1x128xf32>
    %eq3A_33 = arith.cmpf oeq, %broadcast_in_dim3A_27, %eq3A_32 : vector<1x128xf32>
    %iota3A_34 = tpu.iota {dimensions = array<i32: 1>} : vector<1x128xi32>
    %jit3A_35 = arith.constant 128 : i32
    %broadcast_in_dim3A_36 = vector.broadcast %jit3A_35 : i32 to vector<1x128xi32>
    %select_n3A_37 = arith.select %eq3A_33, %iota3A_34, %broadcast_in_dim3A_36 : vector<1x128xi1>, vector<1x128xi32>
    %reduce_min3A = vector.shape_cast %select_n3A_37 : vector<1x128xi32> to vector<1x1x128xi32>
    %reduce_min3A_38 = arith.constant dense<2147483647> : vector<1xi32>
    %reduce_min3A_39 = vector.multi_reduction <minsi>, %reduce_min3A, %reduce_min3A_38 [1, 2] : vector<1x1x128xi32> to vector<1xi32>
    %reduce_min3A_40 = vector.shape_cast %reduce_min3A_39 : vector<1xi32> to vector<1x1x1xi32>
    %reduce_min3A_41 = vector.extract %reduce_min3A_40[0, 0, 0] : i32 from vector<1x1x1xi32>
    %get3A_42 = arith.index_cast %reduce_min3A_41 : i32 to index
    %get3A_43 = arith.constant 0 : index
    %get3A_44 = vector.load %arg5[%get3A_42, %get3A_43] : memref<128x128xf32, #tpu.memory_space<vmem>>, vector<1x128xf32>
    %reduce_max3A_45 = vector.shape_cast %get3A_44 : vector<1x128xf32> to vector<1x1x128xf32>
    %reduce_max3A_46 = arith.constant dense<0xFF800000> : vector<1xf32>
    %reduce_max3A_47 = vector.multi_reduction <maximumf>, %reduce_max3A_45, %reduce_max3A_46 [1, 2] : vector<1x1x128xf32> to vector<1xf32>
    %reduce_max3A_48 = vector.shape_cast %reduce_max3A_47 : vector<1xf32> to vector<1x1x1xf32>
    %reduce_max3A_49 = vector.extract %reduce_max3A_48[0, 0, 0] : f32 from vector<1x1x1xf32>
    %eq3A_50 = vector.broadcast %reduce_max3A_49 : f32 to vector<1x128xf32>
    %eq3A_51 = arith.cmpf oeq, %get3A_44, %eq3A_50 : vector<1x128xf32>
    %iota3A_52 = tpu.iota {dimensions = array<i32: 1>} : vector<1x128xi32>
    %jit3A_53 = arith.constant 128 : i32
    %broadcast_in_dim3A_54 = vector.broadcast %jit3A_53 : i32 to vector<1x128xi32>
    %select_n3A_55 = arith.select %eq3A_51, %iota3A_52, %broadcast_in_dim3A_54 : vector<1x128xi1>, vector<1x128xi32>
    %reduce_min3A_56 = vector.shape_cast %select_n3A_55 : vector<1x128xi32> to vector<1x1x128xi32>
    %reduce_min3A_57 = arith.constant dense<2147483647> : vector<1xi32>
    %reduce_min3A_58 = vector.multi_reduction <minsi>, %reduce_min3A_56, %reduce_min3A_57 [1, 2] : vector<1x1x128xi32> to vector<1xi32>
    %reduce_min3A_59 = vector.shape_cast %reduce_min3A_58 : vector<1xi32> to vector<1x1x1xi32>
    %reduce_min3A_60 = vector.extract %reduce_min3A_59[0, 0, 0] : i32 from vector<1x1x1xi32>
    %get3A_61 = arith.index_cast %reduce_min3A_60 : i32 to index
    %get3A_62 = arith.constant 0 : index
    %get3A_63 = vector.load %arg5[%get3A_61, %get3A_62] : memref<128x128xf32, #tpu.memory_space<vmem>>, vector<1x128xf32>
    %min3A = arith.minimumf %get3A_44, %get3A_63 : vector<1x128xf32>
    %reduce_max3A_64 = vector.shape_cast %min3A : vector<1x128xf32> to vector<1x1x128xf32>
    %reduce_max3A_65 = arith.constant dense<0xFF800000> : vector<1xf32>
    %reduce_max3A_66 = vector.multi_reduction <maximumf>, %reduce_max3A_64, %reduce_max3A_65 [1, 2] : vector<1x1x128xf32> to vector<1xf32>
    %reduce_max3A_67 = vector.shape_cast %reduce_max3A_66 : vector<1xf32> to vector<1x1x1xf32>
    %reduce_max3A_68 = vector.extract %reduce_max3A_67[0, 0, 0] : f32 from vector<1x1x1xf32>
    %eq3A_69 = vector.broadcast %reduce_max3A_68 : f32 to vector<1x128xf32>
    %eq3A_70 = arith.cmpf oeq, %min3A, %eq3A_69 : vector<1x128xf32>
    %iota3A_71 = tpu.iota {dimensions = array<i32: 1>} : vector<1x128xi32>
    %jit3A_72 = arith.constant 128 : i32
    %broadcast_in_dim3A_73 = vector.broadcast %jit3A_72 : i32 to vector<1x128xi32>
    %select_n3A_74 = arith.select %eq3A_70, %iota3A_71, %broadcast_in_dim3A_73 : vector<1x128xi1>, vector<1x128xi32>
    %reduce_min3A_75 = vector.shape_cast %select_n3A_74 : vector<1x128xi32> to vector<1x1x128xi32>
    %reduce_min3A_76 = arith.constant dense<2147483647> : vector<1xi32>
    %reduce_min3A_77 = vector.multi_reduction <minsi>, %reduce_min3A_75, %reduce_min3A_76 [1, 2] : vector<1x1x128xi32> to vector<1xi32>
    %reduce_min3A_78 = vector.shape_cast %reduce_min3A_77 : vector<1xi32> to vector<1x1x1xi32>
    %reduce_min3A_79 = vector.extract %reduce_min3A_78[0, 0, 0] : i32 from vector<1x1x1xi32>
    %get3A_80 = arith.index_cast %reduce_min3A_79 : i32 to index
    %get3A_81 = arith.constant 0 : index
    %get3A_82 = vector.load %arg5[%get3A_80, %get3A_81] : memref<128x128xf32, #tpu.memory_space<vmem>>, vector<1x128xf32>
    %min3A_83 = arith.minimumf %min3A, %get3A_82 : vector<1x128xf32>
    %reduce_max3A_84 = vector.shape_cast %min3A_83 : vector<1x128xf32> to vector<1x1x128xf32>
    %reduce_max3A_85 = arith.constant dense<0xFF800000> : vector<1xf32>
    %reduce_max3A_86 = vector.multi_reduction <maximumf>, %reduce_max3A_84, %reduce_max3A_85 [1, 2] : vector<1x1x128xf32> to vector<1xf32>
    %reduce_max3A_87 = vector.shape_cast %reduce_max3A_86 : vector<1xf32> to vector<1x1x1xf32>
    %reduce_max3A_88 = vector.extract %reduce_max3A_87[0, 0, 0] : f32 from vector<1x1x1xf32>
    %eq3A_89 = vector.broadcast %reduce_max3A_88 : f32 to vector<1x128xf32>
    %eq3A_90 = arith.cmpf oeq, %min3A_83, %eq3A_89 : vector<1x128xf32>
    %iota3A_91 = tpu.iota {dimensions = array<i32: 1>} : vector<1x128xi32>
    %jit3A_92 = arith.constant 128 : i32
    %broadcast_in_dim3A_93 = vector.broadcast %jit3A_92 : i32 to vector<1x128xi32>
    %select_n3A_94 = arith.select %eq3A_90, %iota3A_91, %broadcast_in_dim3A_93 : vector<1x128xi1>, vector<1x128xi32>
    %reduce_min3A_95 = vector.shape_cast %select_n3A_94 : vector<1x128xi32> to vector<1x1x128xi32>
    %reduce_min3A_96 = arith.constant dense<2147483647> : vector<1xi32>
    %reduce_min3A_97 = vector.multi_reduction <minsi>, %reduce_min3A_95, %reduce_min3A_96 [1, 2] : vector<1x1x128xi32> to vector<1xi32>
    %reduce_min3A_98 = vector.shape_cast %reduce_min3A_97 : vector<1xi32> to vector<1x1x1xi32>
    %reduce_min3A_99 = vector.extract %reduce_min3A_98[0, 0, 0] : i32 from vector<1x1x1xi32>
    %get3A_100 = arith.index_cast %reduce_min3A_99 : i32 to index
    %get3A_101 = arith.constant 0 : index
    %get3A_102 = vector.load %arg5[%get3A_100, %get3A_101] : memref<128x128xf32, #tpu.memory_space<vmem>>, vector<1x128xf32>
    %min3A_103 = arith.minimumf %min3A_83, %get3A_102 : vector<1x128xf32>
    %reduce_max3A_104 = vector.shape_cast %min3A_103 : vector<1x128xf32> to vector<1x1x128xf32>
    %reduce_max3A_105 = arith.constant dense<0xFF800000> : vector<1xf32>
    %reduce_max3A_106 = vector.multi_reduction <maximumf>, %reduce_max3A_104, %reduce_max3A_105 [1, 2] : vector<1x1x128xf32> to vector<1xf32>
    %reduce_max3A_107 = vector.shape_cast %reduce_max3A_106 : vector<1xf32> to vector<1x1x1xf32>
    %reduce_max3A_108 = vector.extract %reduce_max3A_107[0, 0, 0] : f32 from vector<1x1x1xf32>
    %eq3A_109 = vector.broadcast %reduce_max3A_108 : f32 to vector<1x128xf32>
    %eq3A_110 = arith.cmpf oeq, %min3A_103, %eq3A_109 : vector<1x128xf32>
    %iota3A_111 = tpu.iota {dimensions = array<i32: 1>} : vector<1x128xi32>
    %jit3A_112 = arith.constant 128 : i32
    %broadcast_in_dim3A_113 = vector.broadcast %jit3A_112 : i32 to vector<1x128xi32>
    %select_n3A_114 = arith.select %eq3A_110, %iota3A_111, %broadcast_in_dim3A_113 : vector<1x128xi1>, vector<1x128xi32>
    %reduce_min3A_115 = vector.shape_cast %select_n3A_114 : vector<1x128xi32> to vector<1x1x128xi32>
    %reduce_min3A_116 = arith.constant dense<2147483647> : vector<1xi32>
    %reduce_min3A_117 = vector.multi_reduction <minsi>, %reduce_min3A_115, %reduce_min3A_116 [1, 2] : vector<1x1x128xi32> to vector<1xi32>
    %reduce_min3A_118 = vector.shape_cast %reduce_min3A_117 : vector<1xi32> to vector<1x1x1xi32>
    %reduce_min3A_119 = vector.extract %reduce_min3A_118[0, 0, 0] : i32 from vector<1x1x1xi32>
    %get3A_120 = arith.index_cast %reduce_min3A_119 : i32 to index
    %get3A_121 = arith.constant 0 : index
    %get3A_122 = vector.load %arg5[%get3A_120, %get3A_121] : memref<128x128xf32, #tpu.memory_space<vmem>>, vector<1x128xf32>
    %min3A_123 = arith.minimumf %min3A_103, %get3A_122 : vector<1x128xf32>
    %reduce_max3A_124 = vector.shape_cast %min3A_123 : vector<1x128xf32> to vector<1x1x128xf32>
    %reduce_max3A_125 = arith.constant dense<0xFF800000> : vector<1xf32>
    %reduce_max3A_126 = vector.multi_reduction <maximumf>, %reduce_max3A_124, %reduce_max3A_125 [1, 2] : vector<1x1x128xf32> to vector<1xf32>
    %reduce_max3A_127 = vector.shape_cast %reduce_max3A_126 : vector<1xf32> to vector<1x1x1xf32>
    %reduce_max3A_128 = vector.extract %reduce_max3A_127[0, 0, 0] : f32 from vector<1x1x1xf32>
    %eq3A_129 = vector.broadcast %reduce_max3A_128 : f32 to vector<1x128xf32>
    %eq3A_130 = arith.cmpf oeq, %min3A_123, %eq3A_129 : vector<1x128xf32>
    %iota3A_131 = tpu.iota {dimensions = array<i32: 1>} : vector<1x128xi32>
    %jit3A_132 = arith.constant 128 : i32
    %broadcast_in_dim3A_133 = vector.broadcast %jit3A_132 : i32 to vector<1x128xi32>
    %select_n3A_134 = arith.select %eq3A_130, %iota3A_131, %broadcast_in_dim3A_133 : vector<1x128xi1>, vector<1x128xi32>
    %reduce_min3A_135 = vector.shape_cast %select_n3A_134 : vector<1x128xi32> to vector<1x1x128xi32>
    %reduce_min3A_136 = arith.constant dense<2147483647> : vector<1xi32>
    %reduce_min3A_137 = vector.multi_reduction <minsi>, %reduce_min3A_135, %reduce_min3A_136 [1, 2] : vector<1x1x128xi32> to vector<1xi32>
    %reduce_min3A_138 = vector.shape_cast %reduce_min3A_137 : vector<1xi32> to vector<1x1x1xi32>
    %reduce_min3A_139 = vector.extract %reduce_min3A_138[0, 0, 0] : i32 from vector<1x1x1xi32>
    %get3A_140 = arith.index_cast %reduce_min3A_139 : i32 to index
    %get3A_141 = arith.constant 0 : index
    %get3A_142 = vector.load %arg5[%get3A_140, %get3A_141] : memref<128x128xf32, #tpu.memory_space<vmem>>, vector<1x128xf32>
    %min3A_143 = arith.minimumf %min3A_123, %get3A_142 : vector<1x128xf32>
    %reduce_max3A_144 = vector.shape_cast %min3A_143 : vector<1x128xf32> to vector<1x1x128xf32>
    %reduce_max3A_145 = arith.constant dense<0xFF800000> : vector<1xf32>
    %reduce_max3A_146 = vector.multi_reduction <maximumf>, %reduce_max3A_144, %reduce_max3A_145 [1, 2] : vector<1x1x128xf32> to vector<1xf32>
    %reduce_max3A_147 = vector.shape_cast %reduce_max3A_146 : vector<1xf32> to vector<1x1x1xf32>
    %reduce_max3A_148 = vector.extract %reduce_max3A_147[0, 0, 0] : f32 from vector<1x1x1xf32>
    %eq3A_149 = vector.broadcast %reduce_max3A_148 : f32 to vector<1x128xf32>
    %eq3A_150 = arith.cmpf oeq, %min3A_143, %eq3A_149 : vector<1x128xf32>
    %iota3A_151 = tpu.iota {dimensions = array<i32: 1>} : vector<1x128xi32>
    %jit3A_152 = arith.constant 128 : i32
    %broadcast_in_dim3A_153 = vector.broadcast %jit3A_152 : i32 to vector<1x128xi32>
    %select_n3A_154 = arith.select %eq3A_150, %iota3A_151, %broadcast_in_dim3A_153 : vector<1x128xi1>, vector<1x128xi32>
    %reduce_min3A_155 = vector.shape_cast %select_n3A_154 : vector<1x128xi32> to vector<1x1x128xi32>
    %reduce_min3A_156 = arith.constant dense<2147483647> : vector<1xi32>
    %reduce_min3A_157 = vector.multi_reduction <minsi>, %reduce_min3A_155, %reduce_min3A_156 [1, 2] : vector<1x1x128xi32> to vector<1xi32>
    %reduce_min3A_158 = vector.shape_cast %reduce_min3A_157 : vector<1xi32> to vector<1x1x1xi32>
    %reduce_min3A_159 = vector.extract %reduce_min3A_158[0, 0, 0] : i32 from vector<1x1x1xi32>
    %get3A_160 = arith.index_cast %reduce_min3A_159 : i32 to index
    %get3A_161 = arith.constant 0 : index
    %get3A_162 = vector.load %arg5[%get3A_160, %get3A_161] : memref<128x128xf32, #tpu.memory_space<vmem>>, vector<1x128xf32>
    %min3A_163 = arith.minimumf %min3A_143, %get3A_162 : vector<1x128xf32>
    %reduce_max3A_164 = vector.shape_cast %min3A_163 : vector<1x128xf32> to vector<1x1x128xf32>
    %reduce_max3A_165 = arith.constant dense<0xFF800000> : vector<1xf32>
    %reduce_max3A_166 = vector.multi_reduction <maximumf>, %reduce_max3A_164, %reduce_max3A_165 [1, 2] : vector<1x1x128xf32> to vector<1xf32>
    %reduce_max3A_167 = vector.shape_cast %reduce_max3A_166 : vector<1xf32> to vector<1x1x1xf32>
    %reduce_max3A_168 = vector.extract %reduce_max3A_167[0, 0, 0] : f32 from vector<1x1x1xf32>
    %eq3A_169 = vector.broadcast %reduce_max3A_168 : f32 to vector<1x128xf32>
    %eq3A_170 = arith.cmpf oeq, %min3A_163, %eq3A_169 : vector<1x128xf32>
    %iota3A_171 = tpu.iota {dimensions = array<i32: 1>} : vector<1x128xi32>
    %jit3A_172 = arith.constant 128 : i32
    %broadcast_in_dim3A_173 = vector.broadcast %jit3A_172 : i32 to vector<1x128xi32>
    %select_n3A_174 = arith.select %eq3A_170, %iota3A_171, %broadcast_in_dim3A_173 : vector<1x128xi1>, vector<1x128xi32>
    %reduce_min3A_175 = vector.shape_cast %select_n3A_174 : vector<1x128xi32> to vector<1x1x128xi32>
    %reduce_min3A_176 = arith.constant dense<2147483647> : vector<1xi32>
    %reduce_min3A_177 = vector.multi_reduction <minsi>, %reduce_min3A_175, %reduce_min3A_176 [1, 2] : vector<1x1x128xi32> to vector<1xi32>
    %reduce_min3A_178 = vector.shape_cast %reduce_min3A_177 : vector<1xi32> to vector<1x1x1xi32>
    %reduce_min3A_179 = vector.extract %reduce_min3A_178[0, 0, 0] : i32 from vector<1x1x1xi32>
    %broadcast_in_dim3A_180 = arith.constant 0 : i32
    %broadcast_in_dim3A_181 = vector.broadcast %broadcast_in_dim3A_180 : i32 to vector<1x8xi32>
    %iota3A_182 = tpu.iota {dimensions = array<i32: 1>} : vector<1x8xi32>
    %eq3A_183 = arith.constant 0 : i32
    %eq3A_184 = vector.broadcast %eq3A_183 : i32 to vector<1x8xi32>
    %eq3A_185 = arith.cmpi eq, %iota3A_182, %eq3A_184 : vector<1x8xi32>
    %broadcast_in_dim3A_186 = vector.broadcast %reduce_min3A_41 : i32 to vector<1x8xi32>
    %select_n3A_187 = arith.select %eq3A_185, %broadcast_in_dim3A_186, %broadcast_in_dim3A_181 : vector<1x8xi1>, vector<1x8xi32>
    %iota3A_188 = tpu.iota {dimensions = array<i32: 1>} : vector<1x8xi32>
    %eq3A_189 = arith.constant 1 : i32
    %eq3A_190 = vector.broadcast %eq3A_189 : i32 to vector<1x8xi32>
    %eq3A_191 = arith.cmpi eq, %iota3A_188, %eq3A_190 : vector<1x8xi32>
    %broadcast_in_dim3A_192 = vector.broadcast %reduce_min3A_60 : i32 to vector<1x8xi32>
    %select_n3A_193 = arith.select %eq3A_191, %broadcast_in_dim3A_192, %select_n3A_187 : vector<1x8xi1>, vector<1x8xi32>
    %iota3A_194 = tpu.iota {dimensions = array<i32: 1>} : vector<1x8xi32>
    %eq3A_195 = arith.constant 2 : i32
    %eq3A_196 = vector.broadcast %eq3A_195 : i32 to vector<1x8xi32>
    %eq3A_197 = arith.cmpi eq, %iota3A_194, %eq3A_196 : vector<1x8xi32>
    %broadcast_in_dim3A_198 = vector.broadcast %reduce_min3A_79 : i32 to vector<1x8xi32>
    %select_n3A_199 = arith.select %eq3A_197, %broadcast_in_dim3A_198, %select_n3A_193 : vector<1x8xi1>, vector<1x8xi32>
    %iota3A_200 = tpu.iota {dimensions = array<i32: 1>} : vector<1x8xi32>
    %eq3A_201 = arith.constant 3 : i32
    %eq3A_202 = vector.broadcast %eq3A_201 : i32 to vector<1x8xi32>
    %eq3A_203 = arith.cmpi eq, %iota3A_200, %eq3A_202 : vector<1x8xi32>
    %broadcast_in_dim3A_204 = vector.broadcast %reduce_min3A_99 : i32 to vector<1x8xi32>
    %select_n3A_205 = arith.select %eq3A_203, %broadcast_in_dim3A_204, %select_n3A_199 : vector<1x8xi1>, vector<1x8xi32>
    %iota3A_206 = tpu.iota {dimensions = array<i32: 1>} : vector<1x8xi32>
    %eq3A_207 = arith.constant 4 : i32
    %eq3A_208 = vector.broadcast %eq3A_207 : i32 to vector<1x8xi32>
    %eq3A_209 = arith.cmpi eq, %iota3A_206, %eq3A_208 : vector<1x8xi32>
    %broadcast_in_dim3A_210 = vector.broadcast %reduce_min3A_119 : i32 to vector<1x8xi32>
    %select_n3A_211 = arith.select %eq3A_209, %broadcast_in_dim3A_210, %select_n3A_205 : vector<1x8xi1>, vector<1x8xi32>
    %iota3A_212 = tpu.iota {dimensions = array<i32: 1>} : vector<1x8xi32>
    %eq3A_213 = arith.constant 5 : i32
    %eq3A_214 = vector.broadcast %eq3A_213 : i32 to vector<1x8xi32>
    %eq3A_215 = arith.cmpi eq, %iota3A_212, %eq3A_214 : vector<1x8xi32>
    %broadcast_in_dim3A_216 = vector.broadcast %reduce_min3A_139 : i32 to vector<1x8xi32>
    %select_n3A_217 = arith.select %eq3A_215, %broadcast_in_dim3A_216, %select_n3A_211 : vector<1x8xi1>, vector<1x8xi32>
    %iota3A_218 = tpu.iota {dimensions = array<i32: 1>} : vector<1x8xi32>
    %eq3A_219 = arith.constant 6 : i32
    %eq3A_220 = vector.broadcast %eq3A_219 : i32 to vector<1x8xi32>
    %eq3A_221 = arith.cmpi eq, %iota3A_218, %eq3A_220 : vector<1x8xi32>
    %broadcast_in_dim3A_222 = vector.broadcast %reduce_min3A_159 : i32 to vector<1x8xi32>
    %select_n3A_223 = arith.select %eq3A_221, %broadcast_in_dim3A_222, %select_n3A_217 : vector<1x8xi1>, vector<1x8xi32>
    %iota3A_224 = tpu.iota {dimensions = array<i32: 1>} : vector<1x8xi32>
    %eq3A_225 = arith.constant 7 : i32
    %eq3A_226 = vector.broadcast %eq3A_225 : i32 to vector<1x8xi32>
    %eq3A_227 = arith.cmpi eq, %iota3A_224, %eq3A_226 : vector<1x8xi32>
    %broadcast_in_dim3A_228 = vector.broadcast %reduce_min3A_179 : i32 to vector<1x8xi32>
    %select_n3A_229 = arith.select %eq3A_227, %broadcast_in_dim3A_228, %select_n3A_223 : vector<1x8xi1>, vector<1x8xi32>
    %swap3A_230 = arith.index_cast %arg0 : i32 to index
    %swap3A_231 = arith.constant 0 : index
    %swap3A_232 = vector.load %arg4[%swap3A_230, %swap3A_231] : memref<16x8xi32, #tpu.memory_space<vmem>>, vector<1x8xi32>
    tpu.vector_store %arg4[%swap3A_230, %swap3A_231], %select_n3A_229 {strides = array<i32>} : memref<16x8xi32, #tpu.memory_space<vmem>>, vector<1x8xi32>,
    %eq3A_233 = arith.constant 15 : i32
    %eq3A_234 = arith.cmpi eq, %arg0, %eq3A_233 : i32
    %convert_element_type3A = arith.extui %eq3A_234 : i1 to i32
    %cond3A = arith.constant 0 : i32
    %cond3A_235 = arith.cmpi ne, %convert_element_type3A, %cond3A : i32
    scf.if %cond3A_235 {
      %get3A_236 = arith.constant 0 : index
      %get3A_237 = arith.constant 0 : index
      %get3A_238 = vector.load %arg4[%get3A_236, %get3A_237] : memref<16x8xi32, #tpu.memory_space<vmem>>, vector<16x8xi32>
      %get3A_239 = arith.constant 0 : index
      %get3A_240 = arith.constant 0 : index
      %get3A_241 = arith.constant 0 : index
      %get3A_242 = vector.load %arg2[%get3A_239, %get3A_240, %get3A_241] : memref<3x16x128xf32, #tpu.memory_space<vmem>>, vector<1x16x128xf32>
      %get3A_243 = vector.shape_cast %get3A_242 : vector<1x16x128xf32> to vector<16x128xf32>
      %get3A_244 = arith.constant 1 : index
      %get3A_245 = arith.constant 0 : index
      %get3A_246 = arith.constant 0 : index
      %get3A_247 = vector.load %arg2[%get3A_244, %get3A_245, %get3A_246] : memref<3x16x128xf32, #tpu.memory_space<vmem>>, vector<1x16x128xf32>
      %get3A_248 = vector.shape_cast %get3A_247 : vector<1x16x128xf32> to vector<16x128xf32>
      %get3A_249 = arith.constant 2 : index
      %get3A_250 = arith.constant 0 : index
      %get3A_251 = arith.constant 0 : index
      %get3A_252 = vector.load %arg2[%get3A_249, %get3A_250, %get3A_251] : memref<3x16x128xf32, #tpu.memory_space<vmem>>, vector<1x16x128xf32>
      %get3A_253 = vector.shape_cast %get3A_252 : vector<1x16x128xf32> to vector<16x128xf32>
      %slice3A = vector.extract_strided_slice %get3A_243 {offsets = [0, 0], sizes = [1, 128], strides = [1, 1]} : vector<16x128xf32> to vector<1x128xf32>
      %slice3A_254 = vector.extract_strided_slice %get3A_248 {offsets = [0, 0], sizes = [1, 128], strides = [1, 1]} : vector<16x128xf32> to vector<1x128xf32>
      %slice3A_255 = vector.extract_strided_slice %get3A_253 {offsets = [0, 0], sizes = [1, 128], strides = [1, 1]} : vector<16x128xf32> to vector<1x128xf32>
      %iota3A_256 = tpu.iota {dimensions = array<i32: 0>} : vector<128x128xi32>
      %iota3A_257 = tpu.iota {dimensions = array<i32: 1>} : vector<128x128xi32>
      %eq3A_258 = arith.cmpi eq, %iota3A_256, %iota3A_257 : vector<128x128xi32>
      %broadcast_in_dim3A_259 = vector.shape_cast %slice3A : vector<1x128xf32> to vector<1x128xf32>
      %broadcast_in_dim3A_260 = vector.broadcast %broadcast_in_dim3A_259 : vector<1x128xf32> to vector<128x128xf32>
      %jit3A_261 = arith.constant 0.000000e+00 : f32
      %broadcast_in_dim3A_262 = vector.broadcast %jit3A_261 : f32 to vector<128x128xf32>
      %select_n3A_263 = arith.select %eq3A_258, %broadcast_in_dim3A_260, %broadcast_in_dim3A_262 : vector<128x128xi1>, vector<128x128xf32>
      %reduce_sum3A_264 = arith.constant dense<0.000000e+00> : vector<128xf32>
      %reduce_sum3A_265 = vector.multi_reduction <add>, %select_n3A_263, %reduce_sum3A_264 [1] : vector<128x128xf32> to vector<128xf32>
      %broadcast_in_dim3A_266 = vector.shape_cast %reduce_sum3A_265 : vector<128xf32> to vector<128x1xf32>
      %iota3A_267 = tpu.iota {dimensions = array<i32: 0>} : vector<128x128xi32>
      %iota3A_268 = tpu.iota {dimensions = array<i32: 1>} : vector<128x128xi32>
      %eq3A_269 = arith.cmpi eq, %iota3A_267, %iota3A_268 : vector<128x128xi32>
      %broadcast_in_dim3A_270 = vector.shape_cast %slice3A_254 : vector<1x128xf32> to vector<1x128xf32>
      %broadcast_in_dim3A_271 = vector.broadcast %broadcast_in_dim3A_270 : vector<1x128xf32> to vector<128x128xf32>
      %jit3A_272 = arith.constant 0.000000e+00 : f32
      %broadcast_in_dim3A_273 = vector.broadcast %jit3A_272 : f32 to vector<128x128xf32>
      %select_n3A_274 = arith.select %eq3A_269, %broadcast_in_dim3A_271, %broadcast_in_dim3A_273 : vector<128x128xi1>, vector<128x128xf32>
      %reduce_sum3A_275 = arith.constant dense<0.000000e+00> : vector<128xf32>
      %reduce_sum3A_276 = vector.multi_reduction <add>, %select_n3A_274, %reduce_sum3A_275 [1] : vector<128x128xf32> to vector<128xf32>
      %broadcast_in_dim3A_277 = vector.shape_cast %reduce_sum3A_276 : vector<128xf32> to vector<128x1xf32>
      %iota3A_278 = tpu.iota {dimensions = array<i32: 0>} : vector<128x128xi32>
      %iota3A_279 = tpu.iota {dimensions = array<i32: 1>} : vector<128x128xi32>
      %eq3A_280 = arith.cmpi eq, %iota3A_278, %iota3A_279 : vector<128x128xi32>
      %broadcast_in_dim3A_281 = vector.shape_cast %slice3A_255 : vector<1x128xf32> to vector<1x128xf32>
      %broadcast_in_dim3A_282 = vector.broadcast %broadcast_in_dim3A_281 : vector<1x128xf32> to vector<128x128xf32>
      %jit3A_283 = arith.constant 0.000000e+00 : f32
      %broadcast_in_dim3A_284 = vector.broadcast %jit3A_283 : f32 to vector<128x128xf32>
      %select_n3A_285 = arith.select %eq3A_280, %broadcast_in_dim3A_282, %broadcast_in_dim3A_284 : vector<128x128xi1>, vector<128x128xf32>
      %reduce_sum3A_286 = arith.constant dense<0.000000e+00> : vector<128xf32>
      %reduce_sum3A_287 = vector.multi_reduction <add>, %select_n3A_285, %reduce_sum3A_286 [1] : vector<128x128xf32> to vector<128xf32>
      %broadcast_in_dim3A_288 = vector.shape_cast %reduce_sum3A_287 : vector<128xf32> to vector<128x1xf32>
      %mul3A_289 = arith.mulf %broadcast_in_dim3A_266, %broadcast_in_dim3A_266 : vector<128x1xf32>
      %mul3A_290 = arith.mulf %broadcast_in_dim3A_277, %broadcast_in_dim3A_277 : vector<128x1xf32>
      %add3A_291 = arith.addf %mul3A_289, %mul3A_290 : vector<128x1xf32>
      %mul3A_292 = arith.mulf %broadcast_in_dim3A_288, %broadcast_in_dim3A_288 : vector<128x1xf32>
      %add3A_293 = arith.addf %add3A_291, %mul3A_292 : vector<128x1xf32>
      %mul3A_294 = arith.mulf %slice3A, %slice3A : vector<1x128xf32>
      %mul3A_295 = arith.mulf %slice3A_254, %slice3A_254 : vector<1x128xf32>
      %add3A_296 = arith.addf %mul3A_294, %mul3A_295 : vector<1x128xf32>
      %mul3A_297 = arith.mulf %slice3A_255, %slice3A_255 : vector<1x128xf32>
      %add3A_298 = arith.addf %add3A_296, %mul3A_297 : vector<1x128xf32>
      %convert_element_type3A_299 = arith.truncf %broadcast_in_dim3A_266 : vector<128x1xf32> to vector<128x1xbf16>
      %convert_element_type3A_300 = arith.extf %convert_element_type3A_299 : vector<128x1xbf16> to vector<128x1xf32>
      %convert_element_type3A_301 = arith.truncf %slice3A : vector<1x128xf32> to vector<1x128xbf16>
      %convert_element_type3A_302 = arith.extf %convert_element_type3A_301 : vector<1x128xbf16> to vector<1x128xf32>
      %mul3A_303 = vector.broadcast %convert_element_type3A_300 : vector<128x1xf32> to vector<128x128xf32>
      %mul3A_304 = vector.broadcast %convert_element_type3A_302 : vector<1x128xf32> to vector<128x128xf32>
      %mul3A_305 = arith.mulf %mul3A_303, %mul3A_304 : vector<128x128xf32>
      %convert_element_type3A_306 = arith.truncf %broadcast_in_dim3A_277 : vector<128x1xf32> to vector<128x1xbf16>
      %convert_element_type3A_307 = arith.extf %convert_element_type3A_306 : vector<128x1xbf16> to vector<128x1xf32>
      %convert_element_type3A_308 = arith.truncf %slice3A_254 : vector<1x128xf32> to vector<1x128xbf16>
      %convert_element_type3A_309 = arith.extf %convert_element_type3A_308 : vector<1x128xbf16> to vector<1x128xf32>
      %mul3A_310 = vector.broadcast %convert_element_type3A_307 : vector<128x1xf32> to vector<128x128xf32>
      %mul3A_311 = vector.broadcast %convert_element_type3A_309 : vector<1x128xf32> to vector<128x128xf32>
      %mul3A_312 = arith.mulf %mul3A_310, %mul3A_311 : vector<128x128xf32>
      %add3A_313 = arith.addf %mul3A_305, %mul3A_312 : vector<128x128xf32>
      %convert_element_type3A_314 = arith.truncf %broadcast_in_dim3A_288 : vector<128x1xf32> to vector<128x1xbf16>
      %convert_element_type3A_315 = arith.extf %convert_element_type3A_314 : vector<128x1xbf16> to vector<128x1xf32>
      %convert_element_type3A_316 = arith.truncf %slice3A_255 : vector<1x128xf32> to vector<1x128xbf16>
      %convert_element_type3A_317 = arith.extf %convert_element_type3A_316 : vector<1x128xbf16> to vector<1x128xf32>
      %mul3A_318 = vector.broadcast %convert_element_type3A_315 : vector<128x1xf32> to vector<128x128xf32>
      %mul3A_319 = vector.broadcast %convert_element_type3A_317 : vector<1x128xf32> to vector<128x128xf32>
      %mul3A_320 = arith.mulf %mul3A_318, %mul3A_319 : vector<128x128xf32>
      %add3A_321 = arith.addf %add3A_313, %mul3A_320 : vector<128x128xf32>
      %add3A_322 = vector.broadcast %add3A_293 : vector<128x1xf32> to vector<128x128xf32>
      %add3A_323 = vector.broadcast %add3A_298 : vector<1x128xf32> to vector<128x128xf32>
      %add3A_324 = arith.addf %add3A_322, %add3A_323 : vector<128x128xf32>
      %mul3A_325 = arith.constant 2.000000e+00 : f32
      %mul3A_326 = vector.broadcast %mul3A_325 : f32 to vector<128x128xf32>
      %mul3A_327 = arith.mulf %mul3A_326, %add3A_321 : vector<128x128xf32>
      %sub3A_328 = arith.subf %add3A_324, %mul3A_327 : vector<128x128xf32>
      %max3A_329 = arith.constant 9.99999996E-13 : f32
      %max3A_330 = vector.broadcast %max3A_329 : f32 to vector<128x128xf32>
      %max3A_331 = arith.maximumf %sub3A_328, %max3A_330 : vector<128x128xf32>
      %sqrt3A_332 = math.sqrt %max3A_331 : vector<128x128xf32>
      %swap3A_333 = arith.constant 0 : index
      %swap3A_334 = arith.constant 0 : index
      %swap3A_335 = vector.load %arg5[%swap3A_333, %swap3A_334] : memref<128x128xf32, #tpu.memory_space<vmem>>, vector<128x128xf32>
      tpu.vector_store %arg5[%swap3A_333, %swap3A_334], %sqrt3A_332 {strides = array<i32>} : memref<128x128xf32, #tpu.memory_space<vmem>>, vector<128x128xf32>,
      %get3A_336 = arith.constant 0 : index
      %get3A_337 = arith.constant 0 : index
      %get3A_338 = vector.load %arg5[%get3A_336, %get3A_337] : memref<128x128xf32, #tpu.memory_space<vmem>>, vector<128x128xf32>
      %reduce_sum3A_339 = arith.constant dense<0.000000e+00> : vector<128xf32>
      %reduce_sum3A_340 = vector.multi_reduction <add>, %get3A_338, %reduce_sum3A_339 [0] : vector<128x128xf32> to vector<128xf32>
      %broadcast_in_dim3A_341 = vector.shape_cast %reduce_sum3A_340 : vector<128xf32> to vector<1x128xf32>
      %reduce_max3A_342 = vector.shape_cast %broadcast_in_dim3A_341 : vector<1x128xf32> to vector<1x1x128xf32>
      %reduce_max3A_343 = arith.constant dense<0xFF800000> : vector<1xf32>
      %reduce_max3A_344 = vector.multi_reduction <maximumf>, %reduce_max3A_342, %reduce_max3A_343 [1, 2] : vector<1x1x128xf32> to vector<1xf32>
      %reduce_max3A_345 = vector.shape_cast %reduce_max3A_344 : vector<1xf32> to vector<1x1x1xf32>
      %reduce_max3A_346 = vector.extract %reduce_max3A_345[0, 0, 0] : f32 from vector<1x1x1xf32>
      %eq3A_347 = vector.broadcast %reduce_max3A_346 : f32 to vector<1x128xf32>
      %eq3A_348 = arith.cmpf oeq, %broadcast_in_dim3A_341, %eq3A_347 : vector<1x128xf32>
      %iota3A_349 = tpu.iota {dimensions = array<i32: 1>} : vector<1x128xi32>
      %jit3A_350 = arith.constant 128 : i32
      %broadcast_in_dim3A_351 = vector.broadcast %jit3A_350 : i32 to vector<1x128xi32>
      %select_n3A_352 = arith.select %eq3A_348, %iota3A_349, %broadcast_in_dim3A_351 : vector<1x128xi1>, vector<1x128xi32>
      %reduce_min3A_353 = vector.shape_cast %select_n3A_352 : vector<1x128xi32> to vector<1x1x128xi32>
      %reduce_min3A_354 = arith.constant dense<2147483647> : vector<1xi32>
      %reduce_min3A_355 = vector.multi_reduction <minsi>, %reduce_min3A_353, %reduce_min3A_354 [1, 2] : vector<1x1x128xi32> to vector<1xi32>
      %reduce_min3A_356 = vector.shape_cast %reduce_min3A_355 : vector<1xi32> to vector<1x1x1xi32>
      %reduce_min3A_357 = vector.extract %reduce_min3A_356[0, 0, 0] : i32 from vector<1x1x1xi32>
      %get3A_358 = arith.index_cast %reduce_min3A_357 : i32 to index
      %get3A_359 = arith.constant 0 : index
      %get3A_360 = vector.load %arg5[%get3A_358, %get3A_359] : memref<128x128xf32, #tpu.memory_space<vmem>>, vector<1x128xf32>
      %reduce_max3A_361 = vector.shape_cast %get3A_360 : vector<1x128xf32> to vector<1x1x128xf32>
      %reduce_max3A_362 = arith.constant dense<0xFF800000> : vector<1xf32>
      %reduce_max3A_363 = vector.multi_reduction <maximumf>, %reduce_max3A_361, %reduce_max3A_362 [1, 2] : vector<1x1x128xf32> to vector<1xf32>
      %reduce_max3A_364 = vector.shape_cast %reduce_max3A_363 : vector<1xf32> to vector<1x1x1xf32>
      %reduce_max3A_365 = vector.extract %reduce_max3A_364[0, 0, 0] : f32 from vector<1x1x1xf32>
      %eq3A_366 = vector.broadcast %reduce_max3A_365 : f32 to vector<1x128xf32>
      %eq3A_367 = arith.cmpf oeq, %get3A_360, %eq3A_366 : vector<1x128xf32>
      %iota3A_368 = tpu.iota {dimensions = array<i32: 1>} : vector<1x128xi32>
      %jit3A_369 = arith.constant 128 : i32
      %broadcast_in_dim3A_370 = vector.broadcast %jit3A_369 : i32 to vector<1x128xi32>
      %select_n3A_371 = arith.select %eq3A_367, %iota3A_368, %broadcast_in_dim3A_370 : vector<1x128xi1>, vector<1x128xi32>
      %reduce_min3A_372 = vector.shape_cast %select_n3A_371 : vector<1x128xi32> to vector<1x1x128xi32>
      %reduce_min3A_373 = arith.constant dense<2147483647> : vector<1xi32>
      %reduce_min3A_374 = vector.multi_reduction <minsi>, %reduce_min3A_372, %reduce_min3A_373 [1, 2] : vector<1x1x128xi32> to vector<1xi32>
      %reduce_min3A_375 = vector.shape_cast %reduce_min3A_374 : vector<1xi32> to vector<1x1x1xi32>
      %reduce_min3A_376 = vector.extract %reduce_min3A_375[0, 0, 0] : i32 from vector<1x1x1xi32>
      %get3A_377 = arith.index_cast %reduce_min3A_376 : i32 to index
      %get3A_378 = arith.constant 0 : index
      %get3A_379 = vector.load %arg5[%get3A_377, %get3A_378] : memref<128x128xf32, #tpu.memory_space<vmem>>, vector<1x128xf32>
      %min3A_380 = arith.minimumf %get3A_360, %get3A_379 : vector<1x128xf32>
      %reduce_max3A_381 = vector.shape_cast %min3A_380 : vector<1x128xf32> to vector<1x1x128xf32>
      %reduce_max3A_382 = arith.constant dense<0xFF800000> : vector<1xf32>
      %reduce_max3A_383 = vector.multi_reduction <maximumf>, %reduce_max3A_381, %reduce_max3A_382 [1, 2] : vector<1x1x128xf32> to vector<1xf32>
      %reduce_max3A_384 = vector.shape_cast %reduce_max3A_383 : vector<1xf32> to vector<1x1x1xf32>
      %reduce_max3A_385 = vector.extract %reduce_max3A_384[0, 0, 0] : f32 from vector<1x1x1xf32>
      %eq3A_386 = vector.broadcast %reduce_max3A_385 : f32 to vector<1x128xf32>
      %eq3A_387 = arith.cmpf oeq, %min3A_380, %eq3A_386 : vector<1x128xf32>
      %iota3A_388 = tpu.iota {dimensions = array<i32: 1>} : vector<1x128xi32>
      %jit3A_389 = arith.constant 128 : i32
      %broadcast_in_dim3A_390 = vector.broadcast %jit3A_389 : i32 to vector<1x128xi32>
      %select_n3A_391 = arith.select %eq3A_387, %iota3A_388, %broadcast_in_dim3A_390 : vector<1x128xi1>, vector<1x128xi32>
      %reduce_min3A_392 = vector.shape_cast %select_n3A_391 : vector<1x128xi32> to vector<1x1x128xi32>
      %reduce_min3A_393 = arith.constant dense<2147483647> : vector<1xi32>
      %reduce_min3A_394 = vector.multi_reduction <minsi>, %reduce_min3A_392, %reduce_min3A_393 [1, 2] : vector<1x1x128xi32> to vector<1xi32>
      %reduce_min3A_395 = vector.shape_cast %reduce_min3A_394 : vector<1xi32> to vector<1x1x1xi32>
      %reduce_min3A_396 = vector.extract %reduce_min3A_395[0, 0, 0] : i32 from vector<1x1x1xi32>
      %get3A_397 = arith.index_cast %reduce_min3A_396 : i32 to index
      %get3A_398 = arith.constant 0 : index
      %get3A_399 = vector.load %arg5[%get3A_397, %get3A_398] : memref<128x128xf32, #tpu.memory_space<vmem>>, vector<1x128xf32>
      %min3A_400 = arith.minimumf %min3A_380, %get3A_399 : vector<1x128xf32>
      %reduce_max3A_401 = vector.shape_cast %min3A_400 : vector<1x128xf32> to vector<1x1x128xf32>
      %reduce_max3A_402 = arith.constant dense<0xFF800000> : vector<1xf32>
      %reduce_max3A_403 = vector.multi_reduction <maximumf>, %reduce_max3A_401, %reduce_max3A_402 [1, 2] : vector<1x1x128xf32> to vector<1xf32>
      %reduce_max3A_404 = vector.shape_cast %reduce_max3A_403 : vector<1xf32> to vector<1x1x1xf32>
      %reduce_max3A_405 = vector.extract %reduce_max3A_404[0, 0, 0] : f32 from vector<1x1x1xf32>
      %eq3A_406 = vector.broadcast %reduce_max3A_405 : f32 to vector<1x128xf32>
      %eq3A_407 = arith.cmpf oeq, %min3A_400, %eq3A_406 : vector<1x128xf32>
      %iota3A_408 = tpu.iota {dimensions = array<i32: 1>} : vector<1x128xi32>
      %jit3A_409 = arith.constant 128 : i32
      %broadcast_in_dim3A_410 = vector.broadcast %jit3A_409 : i32 to vector<1x128xi32>
      %select_n3A_411 = arith.select %eq3A_407, %iota3A_408, %broadcast_in_dim3A_410 : vector<1x128xi1>, vector<1x128xi32>
      %reduce_min3A_412 = vector.shape_cast %select_n3A_411 : vector<1x128xi32> to vector<1x1x128xi32>
      %reduce_min3A_413 = arith.constant dense<2147483647> : vector<1xi32>
      %reduce_min3A_414 = vector.multi_reduction <minsi>, %reduce_min3A_412, %reduce_min3A_413 [1, 2] : vector<1x1x128xi32> to vector<1xi32>
      %reduce_min3A_415 = vector.shape_cast %reduce_min3A_414 : vector<1xi32> to vector<1x1x1xi32>
      %reduce_min3A_416 = vector.extract %reduce_min3A_415[0, 0, 0] : i32 from vector<1x1x1xi32>
      %get3A_417 = arith.index_cast %reduce_min3A_416 : i32 to index
      %get3A_418 = arith.constant 0 : index
      %get3A_419 = vector.load %arg5[%get3A_417, %get3A_418] : memref<128x128xf32, #tpu.memory_space<vmem>>, vector<1x128xf32>
      %min3A_420 = arith.minimumf %min3A_400, %get3A_419 : vector<1x128xf32>
      %reduce_max3A_421 = vector.shape_cast %min3A_420 : vector<1x128xf32> to vector<1x1x128xf32>
      %reduce_max3A_422 = arith.constant dense<0xFF800000> : vector<1xf32>
      %reduce_max3A_423 = vector.multi_reduction <maximumf>, %reduce_max3A_421, %reduce_max3A_422 [1, 2] : vector<1x1x128xf32> to vector<1xf32>
      %reduce_max3A_424 = vector.shape_cast %reduce_max3A_423 : vector<1xf32> to vector<1x1x1xf32>
      %reduce_max3A_425 = vector.extract %reduce_max3A_424[0, 0, 0] : f32 from vector<1x1x1xf32>
      %eq3A_426 = vector.broadcast %reduce_max3A_425 : f32 to vector<1x128xf32>
      %eq3A_427 = arith.cmpf oeq, %min3A_420, %eq3A_426 : vector<1x128xf32>
      %iota3A_428 = tpu.iota {dimensions = array<i32: 1>} : vector<1x128xi32>
      %jit3A_429 = arith.constant 128 : i32
      %broadcast_in_dim3A_430 = vector.broadcast %jit3A_429 : i32 to vector<1x128xi32>
      %select_n3A_431 = arith.select %eq3A_427, %iota3A_428, %broadcast_in_dim3A_430 : vector<1x128xi1>, vector<1x128xi32>
      %reduce_min3A_432 = vector.shape_cast %select_n3A_431 : vector<1x128xi32> to vector<1x1x128xi32>
      %reduce_min3A_433 = arith.constant dense<2147483647> : vector<1xi32>
      %reduce_min3A_434 = vector.multi_reduction <minsi>, %reduce_min3A_432, %reduce_min3A_433 [1, 2] : vector<1x1x128xi32> to vector<1xi32>
      %reduce_min3A_435 = vector.shape_cast %reduce_min3A_434 : vector<1xi32> to vector<1x1x1xi32>
      %reduce_min3A_436 = vector.extract %reduce_min3A_435[0, 0, 0] : i32 from vector<1x1x1xi32>
      %get3A_437 = arith.index_cast %reduce_min3A_436 : i32 to index
      %get3A_438 = arith.constant 0 : index
      %get3A_439 = vector.load %arg5[%get3A_437, %get3A_438] : memref<128x128xf32, #tpu.memory_space<vmem>>, vector<1x128xf32>
      %min3A_440 = arith.minimumf %min3A_420, %get3A_439 : vector<1x128xf32>
      %reduce_max3A_441 = vector.shape_cast %min3A_440 : vector<1x128xf32> to vector<1x1x128xf32>
      %reduce_max3A_442 = arith.constant dense<0xFF800000> : vector<1xf32>
      %reduce_max3A_443 = vector.multi_reduction <maximumf>, %reduce_max3A_441, %reduce_max3A_442 [1, 2] : vector<1x1x128xf32> to vector<1xf32>
      %reduce_max3A_444 = vector.shape_cast %reduce_max3A_443 : vector<1xf32> to vector<1x1x1xf32>
      %reduce_max3A_445 = vector.extract %reduce_max3A_444[0, 0, 0] : f32 from vector<1x1x1xf32>
      %eq3A_446 = vector.broadcast %reduce_max3A_445 : f32 to vector<1x128xf32>
      %eq3A_447 = arith.cmpf oeq, %min3A_440, %eq3A_446 : vector<1x128xf32>
      %iota3A_448 = tpu.iota {dimensions = array<i32: 1>} : vector<1x128xi32>
      %jit3A_449 = arith.constant 128 : i32
      %broadcast_in_dim3A_450 = vector.broadcast %jit3A_449 : i32 to vector<1x128xi32>
      %select_n3A_451 = arith.select %eq3A_447, %iota3A_448, %broadcast_in_dim3A_450 : vector<1x128xi1>, vector<1x128xi32>
      %reduce_min3A_452 = vector.shape_cast %select_n3A_451 : vector<1x128xi32> to vector<1x1x128xi32>
      %reduce_min3A_453 = arith.constant dense<2147483647> : vector<1xi32>
      %reduce_min3A_454 = vector.multi_reduction <minsi>, %reduce_min3A_452, %reduce_min3A_453 [1, 2] : vector<1x1x128xi32> to vector<1xi32>
      %reduce_min3A_455 = vector.shape_cast %reduce_min3A_454 : vector<1xi32> to vector<1x1x1xi32>
      %reduce_min3A_456 = vector.extract %reduce_min3A_455[0, 0, 0] : i32 from vector<1x1x1xi32>
      %get3A_457 = arith.index_cast %reduce_min3A_456 : i32 to index
      %get3A_458 = arith.constant 0 : index
      %get3A_459 = vector.load %arg5[%get3A_457, %get3A_458] : memref<128x128xf32, #tpu.memory_space<vmem>>, vector<1x128xf32>
      %min3A_460 = arith.minimumf %min3A_440, %get3A_459 : vector<1x128xf32>
      %reduce_max3A_461 = vector.shape_cast %min3A_460 : vector<1x128xf32> to vector<1x1x128xf32>
      %reduce_max3A_462 = arith.constant dense<0xFF800000> : vector<1xf32>
      %reduce_max3A_463 = vector.multi_reduction <maximumf>, %reduce_max3A_461, %reduce_max3A_462 [1, 2] : vector<1x1x128xf32> to vector<1xf32>
      %reduce_max3A_464 = vector.shape_cast %reduce_max3A_463 : vector<1xf32> to vector<1x1x1xf32>
      %reduce_max3A_465 = vector.extract %reduce_max3A_464[0, 0, 0] : f32 from vector<1x1x1xf32>
      %eq3A_466 = vector.broadcast %reduce_max3A_465 : f32 to vector<1x128xf32>
      %eq3A_467 = arith.cmpf oeq, %min3A_460, %eq3A_466 : vector<1x128xf32>
      %iota3A_468 = tpu.iota {dimensions = array<i32: 1>} : vector<1x128xi32>
      %jit3A_469 = arith.constant 128 : i32
      %broadcast_in_dim3A_470 = vector.broadcast %jit3A_469 : i32 to vector<1x128xi32>
      %select_n3A_471 = arith.select %eq3A_467, %iota3A_468, %broadcast_in_dim3A_470 : vector<1x128xi1>, vector<1x128xi32>
      %reduce_min3A_472 = vector.shape_cast %select_n3A_471 : vector<1x128xi32> to vector<1x1x128xi32>
      %reduce_min3A_473 = arith.constant dense<2147483647> : vector<1xi32>
      %reduce_min3A_474 = vector.multi_reduction <minsi>, %reduce_min3A_472, %reduce_min3A_473 [1, 2] : vector<1x1x128xi32> to vector<1xi32>
      %reduce_min3A_475 = vector.shape_cast %reduce_min3A_474 : vector<1xi32> to vector<1x1x1xi32>
      %reduce_min3A_476 = vector.extract %reduce_min3A_475[0, 0, 0] : i32 from vector<1x1x1xi32>
      %get3A_477 = arith.index_cast %reduce_min3A_476 : i32 to index
      %get3A_478 = arith.constant 0 : index
      %get3A_479 = vector.load %arg5[%get3A_477, %get3A_478] : memref<128x128xf32, #tpu.memory_space<vmem>>, vector<1x128xf32>
      %min3A_480 = arith.minimumf %min3A_460, %get3A_479 : vector<1x128xf32>
      %reduce_max3A_481 = vector.shape_cast %min3A_480 : vector<1x128xf32> to vector<1x1x128xf32>
      %reduce_max3A_482 = arith.constant dense<0xFF800000> : vector<1xf32>
      %reduce_max3A_483 = vector.multi_reduction <maximumf>, %reduce_max3A_481, %reduce_max3A_482 [1, 2] : vector<1x1x128xf32> to vector<1xf32>
      %reduce_max3A_484 = vector.shape_cast %reduce_max3A_483 : vector<1xf32> to vector<1x1x1xf32>
      %reduce_max3A_485 = vector.extract %reduce_max3A_484[0, 0, 0] : f32 from vector<1x1x1xf32>
      %eq3A_486 = vector.broadcast %reduce_max3A_485 : f32 to vector<1x128xf32>
      %eq3A_487 = arith.cmpf oeq, %min3A_480, %eq3A_486 : vector<1x128xf32>
      %iota3A_488 = tpu.iota {dimensions = array<i32: 1>} : vector<1x128xi32>
      %jit3A_489 = arith.constant 128 : i32
      %broadcast_in_dim3A_490 = vector.broadcast %jit3A_489 : i32 to vector<1x128xi32>
      %select_n3A_491 = arith.select %eq3A_487, %iota3A_488, %broadcast_in_dim3A_490 : vector<1x128xi1>, vector<1x128xi32>
      %reduce_min3A_492 = vector.shape_cast %select_n3A_491 : vector<1x128xi32> to vector<1x1x128xi32>
      %reduce_min3A_493 = arith.constant dense<2147483647> : vector<1xi32>
      %reduce_min3A_494 = vector.multi_reduction <minsi>, %reduce_min3A_492, %reduce_min3A_493 [1, 2] : vector<1x1x128xi32> to vector<1xi32>
      %reduce_min3A_495 = vector.shape_cast %reduce_min3A_494 : vector<1xi32> to vector<1x1x1xi32>
      %reduce_min3A_496 = vector.extract %reduce_min3A_495[0, 0, 0] : i32 from vector<1x1x1xi32>
      %iota3A_497 = tpu.iota {dimensions = array<i32: 1>} : vector<1x128xi32>
      %eq3A_498 = vector.broadcast %reduce_min3A_357 : i32 to vector<1x128xi32>
      %eq3A_499 = arith.cmpi eq, %iota3A_497, %eq3A_498 : vector<1x128xi32>
      %jit3A_500 = arith.constant 0.000000e+00 : f32
      %broadcast_in_dim3A_501 = vector.broadcast %jit3A_500 : f32 to vector<1x128xf32>
      %select_n3A_502 = arith.select %eq3A_499, %slice3A, %broadcast_in_dim3A_501 : vector<1x128xi1>, vector<1x128xf32>
      %reduce_sum3A_503 = vector.shape_cast %select_n3A_502 : vector<1x128xf32> to vector<1x1x128xf32>
      %reduce_sum3A_504 = arith.constant dense<0.000000e+00> : vector<1xf32>
      %reduce_sum3A_505 = vector.multi_reduction <add>, %reduce_sum3A_503, %reduce_sum3A_504 [1, 2] : vector<1x1x128xf32> to vector<1xf32>
      %reduce_sum3A_506 = vector.shape_cast %reduce_sum3A_505 : vector<1xf32> to vector<1x1x1xf32>
      %reduce_sum3A_507 = vector.extract %reduce_sum3A_506[0, 0, 0] : f32 from vector<1x1x1xf32>
      %jit3A_508 = arith.constant 0.000000e+00 : f32
      %broadcast_in_dim3A_509 = vector.broadcast %jit3A_508 : f32 to vector<1x128xf32>
      %select_n3A_510 = arith.select %eq3A_499, %slice3A_254, %broadcast_in_dim3A_509 : vector<1x128xi1>, vector<1x128xf32>
      %reduce_sum3A_511 = vector.shape_cast %select_n3A_510 : vector<1x128xf32> to vector<1x1x128xf32>
      %reduce_sum3A_512 = arith.constant dense<0.000000e+00> : vector<1xf32>
      %reduce_sum3A_513 = vector.multi_reduction <add>, %reduce_sum3A_511, %reduce_sum3A_512 [1, 2] : vector<1x1x128xf32> to vector<1xf32>
      %reduce_sum3A_514 = vector.shape_cast %reduce_sum3A_513 : vector<1xf32> to vector<1x1x1xf32>
      %reduce_sum3A_515 = vector.extract %reduce_sum3A_514[0, 0, 0] : f32 from vector<1x1x1xf32>
      %jit3A_516 = arith.constant 0.000000e+00 : f32
      %broadcast_in_dim3A_517 = vector.broadcast %jit3A_516 : f32 to vector<1x128xf32>
      %select_n3A_518 = arith.select %eq3A_499, %slice3A_255, %broadcast_in_dim3A_517 : vector<1x128xi1>, vector<1x128xf32>
      %reduce_sum3A_519 = vector.shape_cast %select_n3A_518 : vector<1x128xf32> to vector<1x1x128xf32>
      %reduce_sum3A_520 = arith.constant dense<0.000000e+00> : vector<1xf32>
      %reduce_sum3A_521 = vector.multi_reduction <add>, %reduce_sum3A_519, %reduce_sum3A_520 [1, 2] : vector<1x1x128xf32> to vector<1xf32>
      %reduce_sum3A_522 = vector.shape_cast %reduce_sum3A_521 : vector<1xf32> to vector<1x1x1xf32>
      %reduce_sum3A_523 = vector.extract %reduce_sum3A_522[0, 0, 0] : f32 from vector<1x1x1xf32>
      %eq3A_524 = vector.broadcast %reduce_min3A_376 : i32 to vector<1x128xi32>
      %eq3A_525 = arith.cmpi eq, %iota3A_497, %eq3A_524 : vector<1x128xi32>
      %jit3A_526 = arith.constant 0.000000e+00 : f32
      %broadcast_in_dim3A_527 = vector.broadcast %jit3A_526 : f32 to vector<1x128xf32>
      %select_n3A_528 = arith.select %eq3A_525, %slice3A, %broadcast_in_dim3A_527 : vector<1x128xi1>, vector<1x128xf32>
      %reduce_sum3A_529 = vector.shape_cast %select_n3A_528 : vector<1x128xf32> to vector<1x1x128xf32>
      %reduce_sum3A_530 = arith.constant dense<0.000000e+00> : vector<1xf32>
      %reduce_sum3A_531 = vector.multi_reduction <add>, %reduce_sum3A_529, %reduce_sum3A_530 [1, 2] : vector<1x1x128xf32> to vector<1xf32>
      %reduce_sum3A_532 = vector.shape_cast %reduce_sum3A_531 : vector<1xf32> to vector<1x1x1xf32>
      %reduce_sum3A_533 = vector.extract %reduce_sum3A_532[0, 0, 0] : f32 from vector<1x1x1xf32>
      %jit3A_534 = arith.constant 0.000000e+00 : f32
      %broadcast_in_dim3A_535 = vector.broadcast %jit3A_534 : f32 to vector<1x128xf32>
      %select_n3A_536 = arith.select %eq3A_525, %slice3A_254, %broadcast_in_dim3A_535 : vector<1x128xi1>, vector<1x128xf32>
      %reduce_sum3A_537 = vector.shape_cast %select_n3A_536 : vector<1x128xf32> to vector<1x1x128xf32>
      %reduce_sum3A_538 = arith.constant dense<0.000000e+00> : vector<1xf32>
      %reduce_sum3A_539 = vector.multi_reduction <add>, %reduce_sum3A_537, %reduce_sum3A_538 [1, 2] : vector<1x1x128xf32> to vector<1xf32>
      %reduce_sum3A_540 = vector.shape_cast %reduce_sum3A_539 : vector<1xf32> to vector<1x1x1xf32>
      %reduce_sum3A_541 = vector.extract %reduce_sum3A_540[0, 0, 0] : f32 from vector<1x1x1xf32>
      %jit3A_542 = arith.constant 0.000000e+00 : f32
      %broadcast_in_dim3A_543 = vector.broadcast %jit3A_542 : f32 to vector<1x128xf32>
      %select_n3A_544 = arith.select %eq3A_525, %slice3A_255, %broadcast_in_dim3A_543 : vector<1x128xi1>, vector<1x128xf32>
      %reduce_sum3A_545 = vector.shape_cast %select_n3A_544 : vector<1x128xf32> to vector<1x1x128xf32>
      %reduce_sum3A_546 = arith.constant dense<0.000000e+00> : vector<1xf32>
      %reduce_sum3A_547 = vector.multi_reduction <add>, %reduce_sum3A_545, %reduce_sum3A_546 [1, 2] : vector<1x1x128xf32> to vector<1xf32>
      %reduce_sum3A_548 = vector.shape_cast %reduce_sum3A_547 : vector<1xf32> to vector<1x1x1xf32>
      %reduce_sum3A_549 = vector.extract %reduce_sum3A_548[0, 0, 0] : f32 from vector<1x1x1xf32>
      %eq3A_550 = vector.broadcast %reduce_min3A_396 : i32 to vector<1x128xi32>
      %eq3A_551 = arith.cmpi eq, %iota3A_497, %eq3A_550 : vector<1x128xi32>
      %jit3A_552 = arith.constant 0.000000e+00 : f32
      %broadcast_in_dim3A_553 = vector.broadcast %jit3A_552 : f32 to vector<1x128xf32>
      %select_n3A_554 = arith.select %eq3A_551, %slice3A, %broadcast_in_dim3A_553 : vector<1x128xi1>, vector<1x128xf32>
      %reduce_sum3A_555 = vector.shape_cast %select_n3A_554 : vector<1x128xf32> to vector<1x1x128xf32>
      %reduce_sum3A_556 = arith.constant dense<0.000000e+00> : vector<1xf32>
      %reduce_sum3A_557 = vector.multi_reduction <add>, %reduce_sum3A_555, %reduce_sum3A_556 [1, 2] : vector<1x1x128xf32> to vector<1xf32>
      %reduce_sum3A_558 = vector.shape_cast %reduce_sum3A_557 : vector<1xf32> to vector<1x1x1xf32>
      %reduce_sum3A_559 = vector.extract %reduce_sum3A_558[0, 0, 0] : f32 from vector<1x1x1xf32>
      %jit3A_560 = arith.constant 0.000000e+00 : f32
      %broadcast_in_dim3A_561 = vector.broadcast %jit3A_560 : f32 to vector<1x128xf32>
      %select_n3A_562 = arith.select %eq3A_551, %slice3A_254, %broadcast_in_dim3A_561 : vector<1x128xi1>, vector<1x128xf32>
      %reduce_sum3A_563 = vector.shape_cast %select_n3A_562 : vector<1x128xf32> to vector<1x1x128xf32>
      %reduce_sum3A_564 = arith.constant dense<0.000000e+00> : vector<1xf32>
      %reduce_sum3A_565 = vector.multi_reduction <add>, %reduce_sum3A_563, %reduce_sum3A_564 [1, 2] : vector<1x1x128xf32> to vector<1xf32>
      %reduce_sum3A_566 = vector.shape_cast %reduce_sum3A_565 : vector<1xf32> to vector<1x1x1xf32>
      %reduce_sum3A_567 = vector.extract %reduce_sum3A_566[0, 0, 0] : f32 from vector<1x1x1xf32>
      %jit3A_568 = arith.constant 0.000000e+00 : f32
      %broadcast_in_dim3A_569 = vector.broadcast %jit3A_568 : f32 to vector<1x128xf32>
      %select_n3A_570 = arith.select %eq3A_551, %slice3A_255, %broadcast_in_dim3A_569 : vector<1x128xi1>, vector<1x128xf32>
      %reduce_sum3A_571 = vector.shape_cast %select_n3A_570 : vector<1x128xf32> to vector<1x1x128xf32>
      %reduce_sum3A_572 = arith.constant dense<0.000000e+00> : vector<1xf32>
      %reduce_sum3A_573 = vector.multi_reduction <add>, %reduce_sum3A_571, %reduce_sum3A_572 [1, 2] : vector<1x1x128xf32> to vector<1xf32>
      %reduce_sum3A_574 = vector.shape_cast %reduce_sum3A_573 : vector<1xf32> to vector<1x1x1xf32>
      %reduce_sum3A_575 = vector.extract %reduce_sum3A_574[0, 0, 0] : f32 from vector<1x1x1xf32>
      %eq3A_576 = vector.broadcast %reduce_min3A_416 : i32 to vector<1x128xi32>
      %eq3A_577 = arith.cmpi eq, %iota3A_497, %eq3A_576 : vector<1x128xi32>
      %jit3A_578 = arith.constant 0.000000e+00 : f32
      %broadcast_in_dim3A_579 = vector.broadcast %jit3A_578 : f32 to vector<1x128xf32>
      %select_n3A_580 = arith.select %eq3A_577, %slice3A, %broadcast_in_dim3A_579 : vector<1x128xi1>, vector<1x128xf32>
      %reduce_sum3A_581 = vector.shape_cast %select_n3A_580 : vector<1x128xf32> to vector<1x1x128xf32>
      %reduce_sum3A_582 = arith.constant dense<0.000000e+00> : vector<1xf32>
      %reduce_sum3A_583 = vector.multi_reduction <add>, %reduce_sum3A_581, %reduce_sum3A_582 [1, 2] : vector<1x1x128xf32> to vector<1xf32>
      %reduce_sum3A_584 = vector.shape_cast %reduce_sum3A_583 : vector<1xf32> to vector<1x1x1xf32>
      %reduce_sum3A_585 = vector.extract %reduce_sum3A_584[0, 0, 0] : f32 from vector<1x1x1xf32>
      %jit3A_586 = arith.constant 0.000000e+00 : f32
      %broadcast_in_dim3A_587 = vector.broadcast %jit3A_586 : f32 to vector<1x128xf32>
      %select_n3A_588 = arith.select %eq3A_577, %slice3A_254, %broadcast_in_dim3A_587 : vector<1x128xi1>, vector<1x128xf32>
      %reduce_sum3A_589 = vector.shape_cast %select_n3A_588 : vector<1x128xf32> to vector<1x1x128xf32>
      %reduce_sum3A_590 = arith.constant dense<0.000000e+00> : vector<1xf32>
      %reduce_sum3A_591 = vector.multi_reduction <add>, %reduce_sum3A_589, %reduce_sum3A_590 [1, 2] : vector<1x1x128xf32> to vector<1xf32>
      %reduce_sum3A_592 = vector.shape_cast %reduce_sum3A_591 : vector<1xf32> to vector<1x1x1xf32>
      %reduce_sum3A_593 = vector.extract %reduce_sum3A_592[0, 0, 0] : f32 from vector<1x1x1xf32>
      %jit3A_594 = arith.constant 0.000000e+00 : f32
      %broadcast_in_dim3A_595 = vector.broadcast %jit3A_594 : f32 to vector<1x128xf32>
      %select_n3A_596 = arith.select %eq3A_577, %slice3A_255, %broadcast_in_dim3A_595 : vector<1x128xi1>, vector<1x128xf32>
      %reduce_sum3A_597 = vector.shape_cast %select_n3A_596 : vector<1x128xf32> to vector<1x1x128xf32>
      %reduce_sum3A_598 = arith.constant dense<0.000000e+00> : vector<1xf32>
      %reduce_sum3A_599 = vector.multi_reduction <add>, %reduce_sum3A_597, %reduce_sum3A_598 [1, 2] : vector<1x1x128xf32> to vector<1xf32>
      %reduce_sum3A_600 = vector.shape_cast %reduce_sum3A_599 : vector<1xf32> to vector<1x1x1xf32>
      %reduce_sum3A_601 = vector.extract %reduce_sum3A_600[0, 0, 0] : f32 from vector<1x1x1xf32>
      %eq3A_602 = vector.broadcast %reduce_min3A_436 : i32 to vector<1x128xi32>
      %eq3A_603 = arith.cmpi eq, %iota3A_497, %eq3A_602 : vector<1x128xi32>
      %jit3A_604 = arith.constant 0.000000e+00 : f32
      %broadcast_in_dim3A_605 = vector.broadcast %jit3A_604 : f32 to vector<1x128xf32>
      %select_n3A_606 = arith.select %eq3A_603, %slice3A, %broadcast_in_dim3A_605 : vector<1x128xi1>, vector<1x128xf32>
      %reduce_sum3A_607 = vector.shape_cast %select_n3A_606 : vector<1x128xf32> to vector<1x1x128xf32>
      %reduce_sum3A_608 = arith.constant dense<0.000000e+00> : vector<1xf32>
      %reduce_sum3A_609 = vector.multi_reduction <add>, %reduce_sum3A_607, %reduce_sum3A_608 [1, 2] : vector<1x1x128xf32> to vector<1xf32>
      %reduce_sum3A_610 = vector.shape_cast %reduce_sum3A_609 : vector<1xf32> to vector<1x1x1xf32>
      %reduce_sum3A_611 = vector.extract %reduce_sum3A_610[0, 0, 0] : f32 from vector<1x1x1xf32>
      %jit3A_612 = arith.constant 0.000000e+00 : f32
      %broadcast_in_dim3A_613 = vector.broadcast %jit3A_612 : f32 to vector<1x128xf32>
      %select_n3A_614 = arith.select %eq3A_603, %slice3A_254, %broadcast_in_dim3A_613 : vector<1x128xi1>, vector<1x128xf32>
      %reduce_sum3A_615 = vector.shape_cast %select_n3A_614 : vector<1x128xf32> to vector<1x1x128xf32>
      %reduce_sum3A_616 = arith.constant dense<0.000000e+00> : vector<1xf32>
      %reduce_sum3A_617 = vector.multi_reduction <add>, %reduce_sum3A_615, %reduce_sum3A_616 [1, 2] : vector<1x1x128xf32> to vector<1xf32>
      %reduce_sum3A_618 = vector.shape_cast %reduce_sum3A_617 : vector<1xf32> to vector<1x1x1xf32>
      %reduce_sum3A_619 = vector.extract %reduce_sum3A_618[0, 0, 0] : f32 from vector<1x1x1xf32>
      %jit3A_620 = arith.constant 0.000000e+00 : f32
      %broadcast_in_dim3A_621 = vector.broadcast %jit3A_620 : f32 to vector<1x128xf32>
      %select_n3A_622 = arith.select %eq3A_603, %slice3A_255, %broadcast_in_dim3A_621 : vector<1x128xi1>, vector<1x128xf32>
      %reduce_sum3A_623 = vector.shape_cast %select_n3A_622 : vector<1x128xf32> to vector<1x1x128xf32>
      %reduce_sum3A_624 = arith.constant dense<0.000000e+00> : vector<1xf32>
      %reduce_sum3A_625 = vector.multi_reduction <add>, %reduce_sum3A_623, %reduce_sum3A_624 [1, 2] : vector<1x1x128xf32> to vector<1xf32>
      %reduce_sum3A_626 = vector.shape_cast %reduce_sum3A_625 : vector<1xf32> to vector<1x1x1xf32>
      %reduce_sum3A_627 = vector.extract %reduce_sum3A_626[0, 0, 0] : f32 from vector<1x1x1xf32>
      %eq3A_628 = vector.broadcast %reduce_min3A_456 : i32 to vector<1x128xi32>
      %eq3A_629 = arith.cmpi eq, %iota3A_497, %eq3A_628 : vector<1x128xi32>
      %jit3A_630 = arith.constant 0.000000e+00 : f32
      %broadcast_in_dim3A_631 = vector.broadcast %jit3A_630 : f32 to vector<1x128xf32>
      %select_n3A_632 = arith.select %eq3A_629, %slice3A, %broadcast_in_dim3A_631 : vector<1x128xi1>, vector<1x128xf32>
      %reduce_sum3A_633 = vector.shape_cast %select_n3A_632 : vector<1x128xf32> to vector<1x1x128xf32>
      %reduce_sum3A_634 = arith.constant dense<0.000000e+00> : vector<1xf32>
      %reduce_sum3A_635 = vector.multi_reduction <add>, %reduce_sum3A_633, %reduce_sum3A_634 [1, 2] : vector<1x1x128xf32> to vector<1xf32>
      %reduce_sum3A_636 = vector.shape_cast %reduce_sum3A_635 : vector<1xf32> to vector<1x1x1xf32>
      %reduce_sum3A_637 = vector.extract %reduce_sum3A_636[0, 0, 0] : f32 from vector<1x1x1xf32>
      %jit3A_638 = arith.constant 0.000000e+00 : f32
      %broadcast_in_dim3A_639 = vector.broadcast %jit3A_638 : f32 to vector<1x128xf32>
      %select_n3A_640 = arith.select %eq3A_629, %slice3A_254, %broadcast_in_dim3A_639 : vector<1x128xi1>, vector<1x128xf32>
      %reduce_sum3A_641 = vector.shape_cast %select_n3A_640 : vector<1x128xf32> to vector<1x1x128xf32>
      %reduce_sum3A_642 = arith.constant dense<0.000000e+00> : vector<1xf32>
      %reduce_sum3A_643 = vector.multi_reduction <add>, %reduce_sum3A_641, %reduce_sum3A_642 [1, 2] : vector<1x1x128xf32> to vector<1xf32>
      %reduce_sum3A_644 = vector.shape_cast %reduce_sum3A_643 : vector<1xf32> to vector<1x1x1xf32>
      %reduce_sum3A_645 = vector.extract %reduce_sum3A_644[0, 0, 0] : f32 from vector<1x1x1xf32>
      %jit3A_646 = arith.constant 0.000000e+00 : f32
      %broadcast_in_dim3A_647 = vector.broadcast %jit3A_646 : f32 to vector<1x128xf32>
      %select_n3A_648 = arith.select %eq3A_629, %slice3A_255, %broadcast_in_dim3A_647 : vector<1x128xi1>, vector<1x128xf32>
      %reduce_sum3A_649 = vector.shape_cast %select_n3A_648 : vector<1x128xf32> to vector<1x1x128xf32>
      %reduce_sum3A_650 = arith.constant dense<0.000000e+00> : vector<1xf32>
      %reduce_sum3A_651 = vector.multi_reduction <add>, %reduce_sum3A_649, %reduce_sum3A_650 [1, 2] : vector<1x1x128xf32> to vector<1xf32>
      %reduce_sum3A_652 = vector.shape_cast %reduce_sum3A_651 : vector<1xf32> to vector<1x1x1xf32>
      %reduce_sum3A_653 = vector.extract %reduce_sum3A_652[0, 0, 0] : f32 from vector<1x1x1xf32>
      %eq3A_654 = vector.broadcast %reduce_min3A_476 : i32 to vector<1x128xi32>
      %eq3A_655 = arith.cmpi eq, %iota3A_497, %eq3A_654 : vector<1x128xi32>
      %jit3A_656 = arith.constant 0.000000e+00 : f32
      %broadcast_in_dim3A_657 = vector.broadcast %jit3A_656 : f32 to vector<1x128xf32>
      %select_n3A_658 = arith.select %eq3A_655, %slice3A, %broadcast_in_dim3A_657 : vector<1x128xi1>, vector<1x128xf32>
      %reduce_sum3A_659 = vector.shape_cast %select_n3A_658 : vector<1x128xf32> to vector<1x1x128xf32>
      %reduce_sum3A_660 = arith.constant dense<0.000000e+00> : vector<1xf32>
      %reduce_sum3A_661 = vector.multi_reduction <add>, %reduce_sum3A_659, %reduce_sum3A_660 [1, 2] : vector<1x1x128xf32> to vector<1xf32>
      %reduce_sum3A_662 = vector.shape_cast %reduce_sum3A_661 : vector<1xf32> to vector<1x1x1xf32>
      %reduce_sum3A_663 = vector.extract %reduce_sum3A_662[0, 0, 0] : f32 from vector<1x1x1xf32>
      %jit3A_664 = arith.constant 0.000000e+00 : f32
      %broadcast_in_dim3A_665 = vector.broadcast %jit3A_664 : f32 to vector<1x128xf32>
      %select_n3A_666 = arith.select %eq3A_655, %slice3A_254, %broadcast_in_dim3A_665 : vector<1x128xi1>, vector<1x128xf32>
      %reduce_sum3A_667 = vector.shape_cast %select_n3A_666 : vector<1x128xf32> to vector<1x1x128xf32>
      %reduce_sum3A_668 = arith.constant dense<0.000000e+00> : vector<1xf32>
      %reduce_sum3A_669 = vector.multi_reduction <add>, %reduce_sum3A_667, %reduce_sum3A_668 [1, 2] : vector<1x1x128xf32> to vector<1xf32>
      %reduce_sum3A_670 = vector.shape_cast %reduce_sum3A_669 : vector<1xf32> to vector<1x1x1xf32>
      %reduce_sum3A_671 = vector.extract %reduce_sum3A_670[0, 0, 0] : f32 from vector<1x1x1xf32>
      %jit3A_672 = arith.constant 0.000000e+00 : f32
      %broadcast_in_dim3A_673 = vector.broadcast %jit3A_672 : f32 to vector<1x128xf32>
      %select_n3A_674 = arith.select %eq3A_655, %slice3A_255, %broadcast_in_dim3A_673 : vector<1x128xi1>, vector<1x128xf32>
      %reduce_sum3A_675 = vector.shape_cast %select_n3A_674 : vector<1x128xf32> to vector<1x1x128xf32>
      %reduce_sum3A_676 = arith.constant dense<0.000000e+00> : vector<1xf32>
      %reduce_sum3A_677 = vector.multi_reduction <add>, %reduce_sum3A_675, %reduce_sum3A_676 [1, 2] : vector<1x1x128xf32> to vector<1xf32>
      %reduce_sum3A_678 = vector.shape_cast %reduce_sum3A_677 : vector<1xf32> to vector<1x1x1xf32>
      %reduce_sum3A_679 = vector.extract %reduce_sum3A_678[0, 0, 0] : f32 from vector<1x1x1xf32>
      %eq3A_680 = vector.broadcast %reduce_min3A_496 : i32 to vector<1x128xi32>
      %eq3A_681 = arith.cmpi eq, %iota3A_497, %eq3A_680 : vector<1x128xi32>
      %jit3A_682 = arith.constant 0.000000e+00 : f32
      %broadcast_in_dim3A_683 = vector.broadcast %jit3A_682 : f32 to vector<1x128xf32>
      %select_n3A_684 = arith.select %eq3A_681, %slice3A, %broadcast_in_dim3A_683 : vector<1x128xi1>, vector<1x128xf32>
      %reduce_sum3A_685 = vector.shape_cast %select_n3A_684 : vector<1x128xf32> to vector<1x1x128xf32>
      %reduce_sum3A_686 = arith.constant dense<0.000000e+00> : vector<1xf32>
      %reduce_sum3A_687 = vector.multi_reduction <add>, %reduce_sum3A_685, %reduce_sum3A_686 [1, 2] : vector<1x1x128xf32> to vector<1xf32>
      %reduce_sum3A_688 = vector.shape_cast %reduce_sum3A_687 : vector<1xf32> to vector<1x1x1xf32>
      %reduce_sum3A_689 = vector.extract %reduce_sum3A_688[0, 0, 0] : f32 from vector<1x1x1xf32>
      %jit3A_690 = arith.constant 0.000000e+00 : f32
      %broadcast_in_dim3A_691 = vector.broadcast %jit3A_690 : f32 to vector<1x128xf32>
      %select_n3A_692 = arith.select %eq3A_681, %slice3A_254, %broadcast_in_dim3A_691 : vector<1x128xi1>, vector<1x128xf32>
      %reduce_sum3A_693 = vector.shape_cast %select_n3A_692 : vector<1x128xf32> to vector<1x1x128xf32>
      %reduce_sum3A_694 = arith.constant dense<0.000000e+00> : vector<1xf32>
      %reduce_sum3A_695 = vector.multi_reduction <add>, %reduce_sum3A_693, %reduce_sum3A_694 [1, 2] : vector<1x1x128xf32> to vector<1xf32>
      %reduce_sum3A_696 = vector.shape_cast %reduce_sum3A_695 : vector<1xf32> to vector<1x1x1xf32>
      %reduce_sum3A_697 = vector.extract %reduce_sum3A_696[0, 0, 0] : f32 from vector<1x1x1xf32>
      %jit3A_698 = arith.constant 0.000000e+00 : f32
      %broadcast_in_dim3A_699 = vector.broadcast %jit3A_698 : f32 to vector<1x128xf32>
      %select_n3A_700 = arith.select %eq3A_681, %slice3A_255, %broadcast_in_dim3A_699 : vector<1x128xi1>, vector<1x128xf32>
      %reduce_sum3A_701 = vector.shape_cast %select_n3A_700 : vector<1x128xf32> to vector<1x1x128xf32>
      %reduce_sum3A_702 = arith.constant dense<0.000000e+00> : vector<1xf32>
      %reduce_sum3A_703 = vector.multi_reduction <add>, %reduce_sum3A_701, %reduce_sum3A_702 [1, 2] : vector<1x1x128xf32> to vector<1xf32>
      %reduce_sum3A_704 = vector.shape_cast %reduce_sum3A_703 : vector<1xf32> to vector<1x1x1xf32>
      %reduce_sum3A_705 = vector.extract %reduce_sum3A_704[0, 0, 0] : f32 from vector<1x1x1xf32>
      %iota3A_706 = tpu.iota {dimensions = array<i32: 1>} : vector<16x128xi32>
      %broadcast_in_dim3A_707 = arith.constant 0x7F800000 : f32
      %broadcast_in_dim3A_708 = vector.broadcast %broadcast_in_dim3A_707 : f32 to vector<16x128xf32>
      %broadcast_in_dim3A_709 = arith.constant 0 : i32
      %broadcast_in_dim3A_710 = vector.broadcast %broadcast_in_dim3A_709 : i32 to vector<16x128xi32>
      %slice3A_711 = vector.extract_strided_slice %get3A_238 {offsets = [0, 0], sizes = [16, 1], strides = [1, 1]} : vector<16x8xi32> to vector<16x1xi32>
      %eq3A_712 = vector.broadcast %slice3A_711 : vector<16x1xi32> to vector<16x128xi32>
      %eq3A_713 = arith.cmpi eq, %iota3A_706, %eq3A_712 : vector<16x128xi32>
      %jit3A_714 = arith.constant 0.000000e+00 : f32
      %broadcast_in_dim3A_715 = vector.broadcast %jit3A_714 : f32 to vector<16x128xf32>
      %select_n3A_716 = arith.select %eq3A_713, %get3A_243, %broadcast_in_dim3A_715 : vector<16x128xi1>, vector<16x128xf32>
      %reduce_sum3A_717 = arith.constant dense<0.000000e+00> : vector<16xf32>
      %reduce_sum3A_718 = vector.multi_reduction <add>, %select_n3A_716, %reduce_sum3A_717 [1] : vector<16x128xf32> to vector<16xf32>
      %broadcast_in_dim3A_719 = vector.shape_cast %reduce_sum3A_718 : vector<16xf32> to vector<16x1xf32>
      %jit3A_720 = arith.constant 0.000000e+00 : f32
      %broadcast_in_dim3A_721 = vector.broadcast %jit3A_720 : f32 to vector<16x128xf32>
      %select_n3A_722 = arith.select %eq3A_713, %get3A_248, %broadcast_in_dim3A_721 : vector<16x128xi1>, vector<16x128xf32>
      %reduce_sum3A_723 = arith.constant dense<0.000000e+00> : vector<16xf32>
      %reduce_sum3A_724 = vector.multi_reduction <add>, %select_n3A_722, %reduce_sum3A_723 [1] : vector<16x128xf32> to vector<16xf32>
      %broadcast_in_dim3A_725 = vector.shape_cast %reduce_sum3A_724 : vector<16xf32> to vector<16x1xf32>
      %jit3A_726 = arith.constant 0.000000e+00 : f32
      %broadcast_in_dim3A_727 = vector.broadcast %jit3A_726 : f32 to vector<16x128xf32>
      %select_n3A_728 = arith.select %eq3A_713, %get3A_253, %broadcast_in_dim3A_727 : vector<16x128xi1>, vector<16x128xf32>
      %reduce_sum3A_729 = arith.constant dense<0.000000e+00> : vector<16xf32>
      %reduce_sum3A_730 = vector.multi_reduction <add>, %select_n3A_728, %reduce_sum3A_729 [1] : vector<16x128xf32> to vector<16xf32>
      %broadcast_in_dim3A_731 = vector.shape_cast %reduce_sum3A_730 : vector<16xf32> to vector<16x1xf32>
      %mul3A_732 = arith.mulf %get3A_243, %get3A_243 : vector<16x128xf32>
      %mul3A_733 = arith.mulf %get3A_248, %get3A_248 : vector<16x128xf32>
      %add3A_734 = arith.addf %mul3A_732, %mul3A_733 : vector<16x128xf32>
      %mul3A_735 = arith.mulf %get3A_253, %get3A_253 : vector<16x128xf32>
      %add3A_736 = arith.addf %add3A_734, %mul3A_735 : vector<16x128xf32>
      %mul3A_737 = arith.mulf %broadcast_in_dim3A_719, %broadcast_in_dim3A_719 : vector<16x1xf32>
      %mul3A_738 = arith.mulf %broadcast_in_dim3A_725, %broadcast_in_dim3A_725 : vector<16x1xf32>
      %add3A_739 = arith.addf %mul3A_737, %mul3A_738 : vector<16x1xf32>
      %mul3A_740 = arith.mulf %broadcast_in_dim3A_731, %broadcast_in_dim3A_731 : vector<16x1xf32>
      %add3A_741 = arith.addf %add3A_739, %mul3A_740 : vector<16x1xf32>
      %convert_element_type3A_742 = arith.truncf %get3A_243 : vector<16x128xf32> to vector<16x128xbf16>
      %convert_element_type3A_743 = arith.extf %convert_element_type3A_742 : vector<16x128xbf16> to vector<16x128xf32>
      %convert_element_type3A_744 = arith.truncf %broadcast_in_dim3A_719 : vector<16x1xf32> to vector<16x1xbf16>
      %convert_element_type3A_745 = arith.extf %convert_element_type3A_744 : vector<16x1xbf16> to vector<16x1xf32>
      %mul3A_746 = vector.broadcast %convert_element_type3A_745 : vector<16x1xf32> to vector<16x128xf32>
      %mul3A_747 = arith.mulf %convert_element_type3A_743, %mul3A_746 : vector<16x128xf32>
      %convert_element_type3A_748 = arith.truncf %get3A_248 : vector<16x128xf32> to vector<16x128xbf16>
      %convert_element_type3A_749 = arith.extf %convert_element_type3A_748 : vector<16x128xbf16> to vector<16x128xf32>
      %convert_element_type3A_750 = arith.truncf %broadcast_in_dim3A_725 : vector<16x1xf32> to vector<16x1xbf16>
      %convert_element_type3A_751 = arith.extf %convert_element_type3A_750 : vector<16x1xbf16> to vector<16x1xf32>
      %mul3A_752 = vector.broadcast %convert_element_type3A_751 : vector<16x1xf32> to vector<16x128xf32>
      %mul3A_753 = arith.mulf %convert_element_type3A_749, %mul3A_752 : vector<16x128xf32>
      %add3A_754 = arith.addf %mul3A_747, %mul3A_753 : vector<16x128xf32>
      %convert_element_type3A_755 = arith.truncf %get3A_253 : vector<16x128xf32> to vector<16x128xbf16>
      %convert_element_type3A_756 = arith.extf %convert_element_type3A_755 : vector<16x128xbf16> to vector<16x128xf32>
      %convert_element_type3A_757 = arith.truncf %broadcast_in_dim3A_731 : vector<16x1xf32> to vector<16x1xbf16>
      %convert_element_type3A_758 = arith.extf %convert_element_type3A_757 : vector<16x1xbf16> to vector<16x1xf32>
      %mul3A_759 = vector.broadcast %convert_element_type3A_758 : vector<16x1xf32> to vector<16x128xf32>
      %mul3A_760 = arith.mulf %convert_element_type3A_756, %mul3A_759 : vector<16x128xf32>
      %add3A_761 = arith.addf %add3A_754, %mul3A_760 : vector<16x128xf32>
      %add3A_762 = vector.broadcast %add3A_741 : vector<16x1xf32> to vector<16x128xf32>
      %add3A_763 = arith.addf %add3A_736, %add3A_762 : vector<16x128xf32>
      %mul3A_764 = arith.constant 2.000000e+00 : f32
      %mul3A_765 = vector.broadcast %mul3A_764 : f32 to vector<16x128xf32>
      %mul3A_766 = arith.mulf %mul3A_765, %add3A_761 : vector<16x128xf32>
      %sub3A_767 = arith.subf %add3A_763, %mul3A_766 : vector<16x128xf32>
      %max3A_768 = arith.constant 9.99999996E-13 : f32
      %max3A_769 = vector.broadcast %max3A_768 : f32 to vector<16x128xf32>
      %max3A_770 = arith.maximumf %sub3A_767, %max3A_769 : vector<16x128xf32>
      %sqrt3A_771 = math.sqrt %max3A_770 : vector<16x128xf32>
      %lt3A = arith.cmpf olt, %sqrt3A_771, %broadcast_in_dim3A_708 : vector<16x128xf32>
      %jit3A_772 = arith.constant 0 : i32
      %broadcast_in_dim3A_773 = vector.broadcast %jit3A_772 : i32 to vector<16x128xi32>
      %select_n3A_774 = arith.select %lt3A, %broadcast_in_dim3A_773, %broadcast_in_dim3A_710 : vector<16x128xi1>, vector<16x128xi32>
      %select_n3A_775 = arith.select %lt3A, %sqrt3A_771, %broadcast_in_dim3A_708 : vector<16x128xi1>, vector<16x128xf32>
      %slice3A_776 = vector.extract_strided_slice %get3A_238 {offsets = [0, 1], sizes = [16, 1], strides = [1, 1]} : vector<16x8xi32> to vector<16x1xi32>
      %eq3A_777 = vector.broadcast %slice3A_776 : vector<16x1xi32> to vector<16x128xi32>
      %eq3A_778 = arith.cmpi eq, %iota3A_706, %eq3A_777 : vector<16x128xi32>
      %jit3A_779 = arith.constant 0.000000e+00 : f32
      %broadcast_in_dim3A_780 = vector.broadcast %jit3A_779 : f32 to vector<16x128xf32>
      %select_n3A_781 = arith.select %eq3A_778, %get3A_243, %broadcast_in_dim3A_780 : vector<16x128xi1>, vector<16x128xf32>
      %reduce_sum3A_782 = arith.constant dense<0.000000e+00> : vector<16xf32>
      %reduce_sum3A_783 = vector.multi_reduction <add>, %select_n3A_781, %reduce_sum3A_782 [1] : vector<16x128xf32> to vector<16xf32>
      %broadcast_in_dim3A_784 = vector.shape_cast %reduce_sum3A_783 : vector<16xf32> to vector<16x1xf32>
      %jit3A_785 = arith.constant 0.000000e+00 : f32
      %broadcast_in_dim3A_786 = vector.broadcast %jit3A_785 : f32 to vector<16x128xf32>
      %select_n3A_787 = arith.select %eq3A_778, %get3A_248, %broadcast_in_dim3A_786 : vector<16x128xi1>, vector<16x128xf32>
      %reduce_sum3A_788 = arith.constant dense<0.000000e+00> : vector<16xf32>
      %reduce_sum3A_789 = vector.multi_reduction <add>, %select_n3A_787, %reduce_sum3A_788 [1] : vector<16x128xf32> to vector<16xf32>
      %broadcast_in_dim3A_790 = vector.shape_cast %reduce_sum3A_789 : vector<16xf32> to vector<16x1xf32>
      %jit3A_791 = arith.constant 0.000000e+00 : f32
      %broadcast_in_dim3A_792 = vector.broadcast %jit3A_791 : f32 to vector<16x128xf32>
      %select_n3A_793 = arith.select %eq3A_778, %get3A_253, %broadcast_in_dim3A_792 : vector<16x128xi1>, vector<16x128xf32>
      %reduce_sum3A_794 = arith.constant dense<0.000000e+00> : vector<16xf32>
      %reduce_sum3A_795 = vector.multi_reduction <add>, %select_n3A_793, %reduce_sum3A_794 [1] : vector<16x128xf32> to vector<16xf32>
      %broadcast_in_dim3A_796 = vector.shape_cast %reduce_sum3A_795 : vector<16xf32> to vector<16x1xf32>
      %mul3A_797 = arith.mulf %get3A_243, %get3A_243 : vector<16x128xf32>
      %mul3A_798 = arith.mulf %get3A_248, %get3A_248 : vector<16x128xf32>
      %add3A_799 = arith.addf %mul3A_797, %mul3A_798 : vector<16x128xf32>
      %mul3A_800 = arith.mulf %get3A_253, %get3A_253 : vector<16x128xf32>
      %add3A_801 = arith.addf %add3A_799, %mul3A_800 : vector<16x128xf32>
      %mul3A_802 = arith.mulf %broadcast_in_dim3A_784, %broadcast_in_dim3A_784 : vector<16x1xf32>
      %mul3A_803 = arith.mulf %broadcast_in_dim3A_790, %broadcast_in_dim3A_790 : vector<16x1xf32>
      %add3A_804 = arith.addf %mul3A_802, %mul3A_803 : vector<16x1xf32>
      %mul3A_805 = arith.mulf %broadcast_in_dim3A_796, %broadcast_in_dim3A_796 : vector<16x1xf32>
      %add3A_806 = arith.addf %add3A_804, %mul3A_805 : vector<16x1xf32>
      %convert_element_type3A_807 = arith.truncf %get3A_243 : vector<16x128xf32> to vector<16x128xbf16>
      %convert_element_type3A_808 = arith.extf %convert_element_type3A_807 : vector<16x128xbf16> to vector<16x128xf32>
      %convert_element_type3A_809 = arith.truncf %broadcast_in_dim3A_784 : vector<16x1xf32> to vector<16x1xbf16>
      %convert_element_type3A_810 = arith.extf %convert_element_type3A_809 : vector<16x1xbf16> to vector<16x1xf32>
      %mul3A_811 = vector.broadcast %convert_element_type3A_810 : vector<16x1xf32> to vector<16x128xf32>
      %mul3A_812 = arith.mulf %convert_element_type3A_808, %mul3A_811 : vector<16x128xf32>
      %convert_element_type3A_813 = arith.truncf %get3A_248 : vector<16x128xf32> to vector<16x128xbf16>
      %convert_element_type3A_814 = arith.extf %convert_element_type3A_813 : vector<16x128xbf16> to vector<16x128xf32>
      %convert_element_type3A_815 = arith.truncf %broadcast_in_dim3A_790 : vector<16x1xf32> to vector<16x1xbf16>
      %convert_element_type3A_816 = arith.extf %convert_element_type3A_815 : vector<16x1xbf16> to vector<16x1xf32>
      %mul3A_817 = vector.broadcast %convert_element_type3A_816 : vector<16x1xf32> to vector<16x128xf32>
      %mul3A_818 = arith.mulf %convert_element_type3A_814, %mul3A_817 : vector<16x128xf32>
      %add3A_819 = arith.addf %mul3A_812, %mul3A_818 : vector<16x128xf32>
      %convert_element_type3A_820 = arith.truncf %get3A_253 : vector<16x128xf32> to vector<16x128xbf16>
      %convert_element_type3A_821 = arith.extf %convert_element_type3A_820 : vector<16x128xbf16> to vector<16x128xf32>
      %convert_element_type3A_822 = arith.truncf %broadcast_in_dim3A_796 : vector<16x1xf32> to vector<16x1xbf16>
      %convert_element_type3A_823 = arith.extf %convert_element_type3A_822 : vector<16x1xbf16> to vector<16x1xf32>
      %mul3A_824 = vector.broadcast %convert_element_type3A_823 : vector<16x1xf32> to vector<16x128xf32>
      %mul3A_825 = arith.mulf %convert_element_type3A_821, %mul3A_824 : vector<16x128xf32>
      %add3A_826 = arith.addf %add3A_819, %mul3A_825 : vector<16x128xf32>
      %add3A_827 = vector.broadcast %add3A_806 : vector<16x1xf32> to vector<16x128xf32>
      %add3A_828 = arith.addf %add3A_801, %add3A_827 : vector<16x128xf32>
      %mul3A_829 = arith.constant 2.000000e+00 : f32
      %mul3A_830 = vector.broadcast %mul3A_829 : f32 to vector<16x128xf32>
      %mul3A_831 = arith.mulf %mul3A_830, %add3A_826 : vector<16x128xf32>
      %sub3A_832 = arith.subf %add3A_828, %mul3A_831 : vector<16x128xf32>
      %max3A_833 = arith.constant 9.99999996E-13 : f32
      %max3A_834 = vector.broadcast %max3A_833 : f32 to vector<16x128xf32>
      %max3A_835 = arith.maximumf %sub3A_832, %max3A_834 : vector<16x128xf32>
      %sqrt3A_836 = math.sqrt %max3A_835 : vector<16x128xf32>
      %lt3A_837 = arith.cmpf olt, %sqrt3A_836, %select_n3A_775 : vector<16x128xf32>
      %jit3A_838 = arith.constant 1 : i32
      %broadcast_in_dim3A_839 = vector.broadcast %jit3A_838 : i32 to vector<16x128xi32>
      %select_n3A_840 = arith.select %lt3A_837, %broadcast_in_dim3A_839, %select_n3A_774 : vector<16x128xi1>, vector<16x128xi32>
      %select_n3A_841 = arith.select %lt3A_837, %sqrt3A_836, %select_n3A_775 : vector<16x128xi1>, vector<16x128xf32>
      %slice3A_842 = vector.extract_strided_slice %get3A_238 {offsets = [0, 2], sizes = [16, 1], strides = [1, 1]} : vector<16x8xi32> to vector<16x1xi32>
      %eq3A_843 = vector.broadcast %slice3A_842 : vector<16x1xi32> to vector<16x128xi32>
      %eq3A_844 = arith.cmpi eq, %iota3A_706, %eq3A_843 : vector<16x128xi32>
      %jit3A_845 = arith.constant 0.000000e+00 : f32
      %broadcast_in_dim3A_846 = vector.broadcast %jit3A_845 : f32 to vector<16x128xf32>
      %select_n3A_847 = arith.select %eq3A_844, %get3A_243, %broadcast_in_dim3A_846 : vector<16x128xi1>, vector<16x128xf32>
      %reduce_sum3A_848 = arith.constant dense<0.000000e+00> : vector<16xf32>
      %reduce_sum3A_849 = vector.multi_reduction <add>, %select_n3A_847, %reduce_sum3A_848 [1] : vector<16x128xf32> to vector<16xf32>
      %broadcast_in_dim3A_850 = vector.shape_cast %reduce_sum3A_849 : vector<16xf32> to vector<16x1xf32>
      %jit3A_851 = arith.constant 0.000000e+00 : f32
      %broadcast_in_dim3A_852 = vector.broadcast %jit3A_851 : f32 to vector<16x128xf32>
      %select_n3A_853 = arith.select %eq3A_844, %get3A_248, %broadcast_in_dim3A_852 : vector<16x128xi1>, vector<16x128xf32>
      %reduce_sum3A_854 = arith.constant dense<0.000000e+00> : vector<16xf32>
      %reduce_sum3A_855 = vector.multi_reduction <add>, %select_n3A_853, %reduce_sum3A_854 [1] : vector<16x128xf32> to vector<16xf32>
      %broadcast_in_dim3A_856 = vector.shape_cast %reduce_sum3A_855 : vector<16xf32> to vector<16x1xf32>
      %jit3A_857 = arith.constant 0.000000e+00 : f32
      %broadcast_in_dim3A_858 = vector.broadcast %jit3A_857 : f32 to vector<16x128xf32>
      %select_n3A_859 = arith.select %eq3A_844, %get3A_253, %broadcast_in_dim3A_858 : vector<16x128xi1>, vector<16x128xf32>
      %reduce_sum3A_860 = arith.constant dense<0.000000e+00> : vector<16xf32>
      %reduce_sum3A_861 = vector.multi_reduction <add>, %select_n3A_859, %reduce_sum3A_860 [1] : vector<16x128xf32> to vector<16xf32>
      %broadcast_in_dim3A_862 = vector.shape_cast %reduce_sum3A_861 : vector<16xf32> to vector<16x1xf32>
      %mul3A_863 = arith.mulf %get3A_243, %get3A_243 : vector<16x128xf32>
      %mul3A_864 = arith.mulf %get3A_248, %get3A_248 : vector<16x128xf32>
      %add3A_865 = arith.addf %mul3A_863, %mul3A_864 : vector<16x128xf32>
      %mul3A_866 = arith.mulf %get3A_253, %get3A_253 : vector<16x128xf32>
      %add3A_867 = arith.addf %add3A_865, %mul3A_866 : vector<16x128xf32>
      %mul3A_868 = arith.mulf %broadcast_in_dim3A_850, %broadcast_in_dim3A_850 : vector<16x1xf32>
      %mul3A_869 = arith.mulf %broadcast_in_dim3A_856, %broadcast_in_dim3A_856 : vector<16x1xf32>
      %add3A_870 = arith.addf %mul3A_868, %mul3A_869 : vector<16x1xf32>
      %mul3A_871 = arith.mulf %broadcast_in_dim3A_862, %broadcast_in_dim3A_862 : vector<16x1xf32>
      %add3A_872 = arith.addf %add3A_870, %mul3A_871 : vector<16x1xf32>
      %convert_element_type3A_873 = arith.truncf %get3A_243 : vector<16x128xf32> to vector<16x128xbf16>
      %convert_element_type3A_874 = arith.extf %convert_element_type3A_873 : vector<16x128xbf16> to vector<16x128xf32>
      %convert_element_type3A_875 = arith.truncf %broadcast_in_dim3A_850 : vector<16x1xf32> to vector<16x1xbf16>
      %convert_element_type3A_876 = arith.extf %convert_element_type3A_875 : vector<16x1xbf16> to vector<16x1xf32>
      %mul3A_877 = vector.broadcast %convert_element_type3A_876 : vector<16x1xf32> to vector<16x128xf32>
      %mul3A_878 = arith.mulf %convert_element_type3A_874, %mul3A_877 : vector<16x128xf32>
      %convert_element_type3A_879 = arith.truncf %get3A_248 : vector<16x128xf32> to vector<16x128xbf16>
      %convert_element_type3A_880 = arith.extf %convert_element_type3A_879 : vector<16x128xbf16> to vector<16x128xf32>
      %convert_element_type3A_881 = arith.truncf %broadcast_in_dim3A_856 : vector<16x1xf32> to vector<16x1xbf16>
      %convert_element_type3A_882 = arith.extf %convert_element_type3A_881 : vector<16x1xbf16> to vector<16x1xf32>
      %mul3A_883 = vector.broadcast %convert_element_type3A_882 : vector<16x1xf32> to vector<16x128xf32>
      %mul3A_884 = arith.mulf %convert_element_type3A_880, %mul3A_883 : vector<16x128xf32>
      %add3A_885 = arith.addf %mul3A_878, %mul3A_884 : vector<16x128xf32>
      %convert_element_type3A_886 = arith.truncf %get3A_253 : vector<16x128xf32> to vector<16x128xbf16>
      %convert_element_type3A_887 = arith.extf %convert_element_type3A_886 : vector<16x128xbf16> to vector<16x128xf32>
      %convert_element_type3A_888 = arith.truncf %broadcast_in_dim3A_862 : vector<16x1xf32> to vector<16x1xbf16>
      %convert_element_type3A_889 = arith.extf %convert_element_type3A_888 : vector<16x1xbf16> to vector<16x1xf32>
      %mul3A_890 = vector.broadcast %convert_element_type3A_889 : vector<16x1xf32> to vector<16x128xf32>
      %mul3A_891 = arith.mulf %convert_element_type3A_887, %mul3A_890 : vector<16x128xf32>
      %add3A_892 = arith.addf %add3A_885, %mul3A_891 : vector<16x128xf32>
      %add3A_893 = vector.broadcast %add3A_872 : vector<16x1xf32> to vector<16x128xf32>
      %add3A_894 = arith.addf %add3A_867, %add3A_893 : vector<16x128xf32>
      %mul3A_895 = arith.constant 2.000000e+00 : f32
      %mul3A_896 = vector.broadcast %mul3A_895 : f32 to vector<16x128xf32>
      %mul3A_897 = arith.mulf %mul3A_896, %add3A_892 : vector<16x128xf32>
      %sub3A_898 = arith.subf %add3A_894, %mul3A_897 : vector<16x128xf32>
      %max3A_899 = arith.constant 9.99999996E-13 : f32
      %max3A_900 = vector.broadcast %max3A_899 : f32 to vector<16x128xf32>
      %max3A_901 = arith.maximumf %sub3A_898, %max3A_900 : vector<16x128xf32>
      %sqrt3A_902 = math.sqrt %max3A_901 : vector<16x128xf32>
      %lt3A_903 = arith.cmpf olt, %sqrt3A_902, %select_n3A_841 : vector<16x128xf32>
      %jit3A_904 = arith.constant 2 : i32
      %broadcast_in_dim3A_905 = vector.broadcast %jit3A_904 : i32 to vector<16x128xi32>
      %select_n3A_906 = arith.select %lt3A_903, %broadcast_in_dim3A_905, %select_n3A_840 : vector<16x128xi1>, vector<16x128xi32>
      %select_n3A_907 = arith.select %lt3A_903, %sqrt3A_902, %select_n3A_841 : vector<16x128xi1>, vector<16x128xf32>
      %slice3A_908 = vector.extract_strided_slice %get3A_238 {offsets = [0, 3], sizes = [16, 1], strides = [1, 1]} : vector<16x8xi32> to vector<16x1xi32>
      %eq3A_909 = vector.broadcast %slice3A_908 : vector<16x1xi32> to vector<16x128xi32>
      %eq3A_910 = arith.cmpi eq, %iota3A_706, %eq3A_909 : vector<16x128xi32>
      %jit3A_911 = arith.constant 0.000000e+00 : f32
      %broadcast_in_dim3A_912 = vector.broadcast %jit3A_911 : f32 to vector<16x128xf32>
      %select_n3A_913 = arith.select %eq3A_910, %get3A_243, %broadcast_in_dim3A_912 : vector<16x128xi1>, vector<16x128xf32>
      %reduce_sum3A_914 = arith.constant dense<0.000000e+00> : vector<16xf32>
      %reduce_sum3A_915 = vector.multi_reduction <add>, %select_n3A_913, %reduce_sum3A_914 [1] : vector<16x128xf32> to vector<16xf32>
      %broadcast_in_dim3A_916 = vector.shape_cast %reduce_sum3A_915 : vector<16xf32> to vector<16x1xf32>
      %jit3A_917 = arith.constant 0.000000e+00 : f32
      %broadcast_in_dim3A_918 = vector.broadcast %jit3A_917 : f32 to vector<16x128xf32>
      %select_n3A_919 = arith.select %eq3A_910, %get3A_248, %broadcast_in_dim3A_918 : vector<16x128xi1>, vector<16x128xf32>
      %reduce_sum3A_920 = arith.constant dense<0.000000e+00> : vector<16xf32>
      %reduce_sum3A_921 = vector.multi_reduction <add>, %select_n3A_919, %reduce_sum3A_920 [1] : vector<16x128xf32> to vector<16xf32>
      %broadcast_in_dim3A_922 = vector.shape_cast %reduce_sum3A_921 : vector<16xf32> to vector<16x1xf32>
      %jit3A_923 = arith.constant 0.000000e+00 : f32
      %broadcast_in_dim3A_924 = vector.broadcast %jit3A_923 : f32 to vector<16x128xf32>
      %select_n3A_925 = arith.select %eq3A_910, %get3A_253, %broadcast_in_dim3A_924 : vector<16x128xi1>, vector<16x128xf32>
      %reduce_sum3A_926 = arith.constant dense<0.000000e+00> : vector<16xf32>
      %reduce_sum3A_927 = vector.multi_reduction <add>, %select_n3A_925, %reduce_sum3A_926 [1] : vector<16x128xf32> to vector<16xf32>
      %broadcast_in_dim3A_928 = vector.shape_cast %reduce_sum3A_927 : vector<16xf32> to vector<16x1xf32>
      %mul3A_929 = arith.mulf %get3A_243, %get3A_243 : vector<16x128xf32>
      %mul3A_930 = arith.mulf %get3A_248, %get3A_248 : vector<16x128xf32>
      %add3A_931 = arith.addf %mul3A_929, %mul3A_930 : vector<16x128xf32>
      %mul3A_932 = arith.mulf %get3A_253, %get3A_253 : vector<16x128xf32>
      %add3A_933 = arith.addf %add3A_931, %mul3A_932 : vector<16x128xf32>
      %mul3A_934 = arith.mulf %broadcast_in_dim3A_916, %broadcast_in_dim3A_916 : vector<16x1xf32>
      %mul3A_935 = arith.mulf %broadcast_in_dim3A_922, %broadcast_in_dim3A_922 : vector<16x1xf32>
      %add3A_936 = arith.addf %mul3A_934, %mul3A_935 : vector<16x1xf32>
      %mul3A_937 = arith.mulf %broadcast_in_dim3A_928, %broadcast_in_dim3A_928 : vector<16x1xf32>
      %add3A_938 = arith.addf %add3A_936, %mul3A_937 : vector<16x1xf32>
      %convert_element_type3A_939 = arith.truncf %get3A_243 : vector<16x128xf32> to vector<16x128xbf16>
      %convert_element_type3A_940 = arith.extf %convert_element_type3A_939 : vector<16x128xbf16> to vector<16x128xf32>
      %convert_element_type3A_941 = arith.truncf %broadcast_in_dim3A_916 : vector<16x1xf32> to vector<16x1xbf16>
      %convert_element_type3A_942 = arith.extf %convert_element_type3A_941 : vector<16x1xbf16> to vector<16x1xf32>
      %mul3A_943 = vector.broadcast %convert_element_type3A_942 : vector<16x1xf32> to vector<16x128xf32>
      %mul3A_944 = arith.mulf %convert_element_type3A_940, %mul3A_943 : vector<16x128xf32>
      %convert_element_type3A_945 = arith.truncf %get3A_248 : vector<16x128xf32> to vector<16x128xbf16>
      %convert_element_type3A_946 = arith.extf %convert_element_type3A_945 : vector<16x128xbf16> to vector<16x128xf32>
      %convert_element_type3A_947 = arith.truncf %broadcast_in_dim3A_922 : vector<16x1xf32> to vector<16x1xbf16>
      %convert_element_type3A_948 = arith.extf %convert_element_type3A_947 : vector<16x1xbf16> to vector<16x1xf32>
      %mul3A_949 = vector.broadcast %convert_element_type3A_948 : vector<16x1xf32> to vector<16x128xf32>
      %mul3A_950 = arith.mulf %convert_element_type3A_946, %mul3A_949 : vector<16x128xf32>
      %add3A_951 = arith.addf %mul3A_944, %mul3A_950 : vector<16x128xf32>
      %convert_element_type3A_952 = arith.truncf %get3A_253 : vector<16x128xf32> to vector<16x128xbf16>
      %convert_element_type3A_953 = arith.extf %convert_element_type3A_952 : vector<16x128xbf16> to vector<16x128xf32>
      %convert_element_type3A_954 = arith.truncf %broadcast_in_dim3A_928 : vector<16x1xf32> to vector<16x1xbf16>
      %convert_element_type3A_955 = arith.extf %convert_element_type3A_954 : vector<16x1xbf16> to vector<16x1xf32>
      %mul3A_956 = vector.broadcast %convert_element_type3A_955 : vector<16x1xf32> to vector<16x128xf32>
      %mul3A_957 = arith.mulf %convert_element_type3A_953, %mul3A_956 : vector<16x128xf32>
      %add3A_958 = arith.addf %add3A_951, %mul3A_957 : vector<16x128xf32>
      %add3A_959 = vector.broadcast %add3A_938 : vector<16x1xf32> to vector<16x128xf32>
      %add3A_960 = arith.addf %add3A_933, %add3A_959 : vector<16x128xf32>
      %mul3A_961 = arith.constant 2.000000e+00 : f32
      %mul3A_962 = vector.broadcast %mul3A_961 : f32 to vector<16x128xf32>
      %mul3A_963 = arith.mulf %mul3A_962, %add3A_958 : vector<16x128xf32>
      %sub3A_964 = arith.subf %add3A_960, %mul3A_963 : vector<16x128xf32>
      %max3A_965 = arith.constant 9.99999996E-13 : f32
      %max3A_966 = vector.broadcast %max3A_965 : f32 to vector<16x128xf32>
      %max3A_967 = arith.maximumf %sub3A_964, %max3A_966 : vector<16x128xf32>
      %sqrt3A_968 = math.sqrt %max3A_967 : vector<16x128xf32>
      %lt3A_969 = arith.cmpf olt, %sqrt3A_968, %select_n3A_907 : vector<16x128xf32>
      %jit3A_970 = arith.constant 3 : i32
      %broadcast_in_dim3A_971 = vector.broadcast %jit3A_970 : i32 to vector<16x128xi32>
      %select_n3A_972 = arith.select %lt3A_969, %broadcast_in_dim3A_971, %select_n3A_906 : vector<16x128xi1>, vector<16x128xi32>
      %select_n3A_973 = arith.select %lt3A_969, %sqrt3A_968, %select_n3A_907 : vector<16x128xi1>, vector<16x128xf32>
      %slice3A_974 = vector.extract_strided_slice %get3A_238 {offsets = [0, 4], sizes = [16, 1], strides = [1, 1]} : vector<16x8xi32> to vector<16x1xi32>
      %eq3A_975 = vector.broadcast %slice3A_974 : vector<16x1xi32> to vector<16x128xi32>
      %eq3A_976 = arith.cmpi eq, %iota3A_706, %eq3A_975 : vector<16x128xi32>
      %jit3A_977 = arith.constant 0.000000e+00 : f32
      %broadcast_in_dim3A_978 = vector.broadcast %jit3A_977 : f32 to vector<16x128xf32>
      %select_n3A_979 = arith.select %eq3A_976, %get3A_243, %broadcast_in_dim3A_978 : vector<16x128xi1>, vector<16x128xf32>
      %reduce_sum3A_980 = arith.constant dense<0.000000e+00> : vector<16xf32>
      %reduce_sum3A_981 = vector.multi_reduction <add>, %select_n3A_979, %reduce_sum3A_980 [1] : vector<16x128xf32> to vector<16xf32>
      %broadcast_in_dim3A_982 = vector.shape_cast %reduce_sum3A_981 : vector<16xf32> to vector<16x1xf32>
      %jit3A_983 = arith.constant 0.000000e+00 : f32
      %broadcast_in_dim3A_984 = vector.broadcast %jit3A_983 : f32 to vector<16x128xf32>
      %select_n3A_985 = arith.select %eq3A_976, %get3A_248, %broadcast_in_dim3A_984 : vector<16x128xi1>, vector<16x128xf32>
      %reduce_sum3A_986 = arith.constant dense<0.000000e+00> : vector<16xf32>
      %reduce_sum3A_987 = vector.multi_reduction <add>, %select_n3A_985, %reduce_sum3A_986 [1] : vector<16x128xf32> to vector<16xf32>
      %broadcast_in_dim3A_988 = vector.shape_cast %reduce_sum3A_987 : vector<16xf32> to vector<16x1xf32>
      %jit3A_989 = arith.constant 0.000000e+00 : f32
      %broadcast_in_dim3A_990 = vector.broadcast %jit3A_989 : f32 to vector<16x128xf32>
      %select_n3A_991 = arith.select %eq3A_976, %get3A_253, %broadcast_in_dim3A_990 : vector<16x128xi1>, vector<16x128xf32>
      %reduce_sum3A_992 = arith.constant dense<0.000000e+00> : vector<16xf32>
      %reduce_sum3A_993 = vector.multi_reduction <add>, %select_n3A_991, %reduce_sum3A_992 [1] : vector<16x128xf32> to vector<16xf32>
      %broadcast_in_dim3A_994 = vector.shape_cast %reduce_sum3A_993 : vector<16xf32> to vector<16x1xf32>
      %mul3A_995 = arith.mulf %get3A_243, %get3A_243 : vector<16x128xf32>
      %mul3A_996 = arith.mulf %get3A_248, %get3A_248 : vector<16x128xf32>
      %add3A_997 = arith.addf %mul3A_995, %mul3A_996 : vector<16x128xf32>
      %mul3A_998 = arith.mulf %get3A_253, %get3A_253 : vector<16x128xf32>
      %add3A_999 = arith.addf %add3A_997, %mul3A_998 : vector<16x128xf32>
      %mul3A_1000 = arith.mulf %broadcast_in_dim3A_982, %broadcast_in_dim3A_982 : vector<16x1xf32>
      %mul3A_1001 = arith.mulf %broadcast_in_dim3A_988, %broadcast_in_dim3A_988 : vector<16x1xf32>
      %add3A_1002 = arith.addf %mul3A_1000, %mul3A_1001 : vector<16x1xf32>
      %mul3A_1003 = arith.mulf %broadcast_in_dim3A_994, %broadcast_in_dim3A_994 : vector<16x1xf32>
      %add3A_1004 = arith.addf %add3A_1002, %mul3A_1003 : vector<16x1xf32>
      %convert_element_type3A_1005 = arith.truncf %get3A_243 : vector<16x128xf32> to vector<16x128xbf16>
      %convert_element_type3A_1006 = arith.extf %convert_element_type3A_1005 : vector<16x128xbf16> to vector<16x128xf32>
      %convert_element_type3A_1007 = arith.truncf %broadcast_in_dim3A_982 : vector<16x1xf32> to vector<16x1xbf16>
      %convert_element_type3A_1008 = arith.extf %convert_element_type3A_1007 : vector<16x1xbf16> to vector<16x1xf32>
      %mul3A_1009 = vector.broadcast %convert_element_type3A_1008 : vector<16x1xf32> to vector<16x128xf32>
      %mul3A_1010 = arith.mulf %convert_element_type3A_1006, %mul3A_1009 : vector<16x128xf32>
      %convert_element_type3A_1011 = arith.truncf %get3A_248 : vector<16x128xf32> to vector<16x128xbf16>
      %convert_element_type3A_1012 = arith.extf %convert_element_type3A_1011 : vector<16x128xbf16> to vector<16x128xf32>
      %convert_element_type3A_1013 = arith.truncf %broadcast_in_dim3A_988 : vector<16x1xf32> to vector<16x1xbf16>
      %convert_element_type3A_1014 = arith.extf %convert_element_type3A_1013 : vector<16x1xbf16> to vector<16x1xf32>
      %mul3A_1015 = vector.broadcast %convert_element_type3A_1014 : vector<16x1xf32> to vector<16x128xf32>
      %mul3A_1016 = arith.mulf %convert_element_type3A_1012, %mul3A_1015 : vector<16x128xf32>
      %add3A_1017 = arith.addf %mul3A_1010, %mul3A_1016 : vector<16x128xf32>
      %convert_element_type3A_1018 = arith.truncf %get3A_253 : vector<16x128xf32> to vector<16x128xbf16>
      %convert_element_type3A_1019 = arith.extf %convert_element_type3A_1018 : vector<16x128xbf16> to vector<16x128xf32>
      %convert_element_type3A_1020 = arith.truncf %broadcast_in_dim3A_994 : vector<16x1xf32> to vector<16x1xbf16>
      %convert_element_type3A_1021 = arith.extf %convert_element_type3A_1020 : vector<16x1xbf16> to vector<16x1xf32>
      %mul3A_1022 = vector.broadcast %convert_element_type3A_1021 : vector<16x1xf32> to vector<16x128xf32>
      %mul3A_1023 = arith.mulf %convert_element_type3A_1019, %mul3A_1022 : vector<16x128xf32>
      %add3A_1024 = arith.addf %add3A_1017, %mul3A_1023 : vector<16x128xf32>
      %add3A_1025 = vector.broadcast %add3A_1004 : vector<16x1xf32> to vector<16x128xf32>
      %add3A_1026 = arith.addf %add3A_999, %add3A_1025 : vector<16x128xf32>
      %mul3A_1027 = arith.constant 2.000000e+00 : f32
      %mul3A_1028 = vector.broadcast %mul3A_1027 : f32 to vector<16x128xf32>
      %mul3A_1029 = arith.mulf %mul3A_1028, %add3A_1024 : vector<16x128xf32>
      %sub3A_1030 = arith.subf %add3A_1026, %mul3A_1029 : vector<16x128xf32>
      %max3A_1031 = arith.constant 9.99999996E-13 : f32
      %max3A_1032 = vector.broadcast %max3A_1031 : f32 to vector<16x128xf32>
      %max3A_1033 = arith.maximumf %sub3A_1030, %max3A_1032 : vector<16x128xf32>
      %sqrt3A_1034 = math.sqrt %max3A_1033 : vector<16x128xf32>
      %lt3A_1035 = arith.cmpf olt, %sqrt3A_1034, %select_n3A_973 : vector<16x128xf32>
      %jit3A_1036 = arith.constant 4 : i32
      %broadcast_in_dim3A_1037 = vector.broadcast %jit3A_1036 : i32 to vector<16x128xi32>
      %select_n3A_1038 = arith.select %lt3A_1035, %broadcast_in_dim3A_1037, %select_n3A_972 : vector<16x128xi1>, vector<16x128xi32>
      %select_n3A_1039 = arith.select %lt3A_1035, %sqrt3A_1034, %select_n3A_973 : vector<16x128xi1>, vector<16x128xf32>
      %slice3A_1040 = vector.extract_strided_slice %get3A_238 {offsets = [0, 5], sizes = [16, 1], strides = [1, 1]} : vector<16x8xi32> to vector<16x1xi32>
      %eq3A_1041 = vector.broadcast %slice3A_1040 : vector<16x1xi32> to vector<16x128xi32>
      %eq3A_1042 = arith.cmpi eq, %iota3A_706, %eq3A_1041 : vector<16x128xi32>
      %jit3A_1043 = arith.constant 0.000000e+00 : f32
      %broadcast_in_dim3A_1044 = vector.broadcast %jit3A_1043 : f32 to vector<16x128xf32>
      %select_n3A_1045 = arith.select %eq3A_1042, %get3A_243, %broadcast_in_dim3A_1044 : vector<16x128xi1>, vector<16x128xf32>
      %reduce_sum3A_1046 = arith.constant dense<0.000000e+00> : vector<16xf32>
      %reduce_sum3A_1047 = vector.multi_reduction <add>, %select_n3A_1045, %reduce_sum3A_1046 [1] : vector<16x128xf32> to vector<16xf32>
      %broadcast_in_dim3A_1048 = vector.shape_cast %reduce_sum3A_1047 : vector<16xf32> to vector<16x1xf32>
      %jit3A_1049 = arith.constant 0.000000e+00 : f32
      %broadcast_in_dim3A_1050 = vector.broadcast %jit3A_1049 : f32 to vector<16x128xf32>
      %select_n3A_1051 = arith.select %eq3A_1042, %get3A_248, %broadcast_in_dim3A_1050 : vector<16x128xi1>, vector<16x128xf32>
      %reduce_sum3A_1052 = arith.constant dense<0.000000e+00> : vector<16xf32>
      %reduce_sum3A_1053 = vector.multi_reduction <add>, %select_n3A_1051, %reduce_sum3A_1052 [1] : vector<16x128xf32> to vector<16xf32>
      %broadcast_in_dim3A_1054 = vector.shape_cast %reduce_sum3A_1053 : vector<16xf32> to vector<16x1xf32>
      %jit3A_1055 = arith.constant 0.000000e+00 : f32
      %broadcast_in_dim3A_1056 = vector.broadcast %jit3A_1055 : f32 to vector<16x128xf32>
      %select_n3A_1057 = arith.select %eq3A_1042, %get3A_253, %broadcast_in_dim3A_1056 : vector<16x128xi1>, vector<16x128xf32>
      %reduce_sum3A_1058 = arith.constant dense<0.000000e+00> : vector<16xf32>
      %reduce_sum3A_1059 = vector.multi_reduction <add>, %select_n3A_1057, %reduce_sum3A_1058 [1] : vector<16x128xf32> to vector<16xf32>
      %broadcast_in_dim3A_1060 = vector.shape_cast %reduce_sum3A_1059 : vector<16xf32> to vector<16x1xf32>
      %mul3A_1061 = arith.mulf %get3A_243, %get3A_243 : vector<16x128xf32>
      %mul3A_1062 = arith.mulf %get3A_248, %get3A_248 : vector<16x128xf32>
      %add3A_1063 = arith.addf %mul3A_1061, %mul3A_1062 : vector<16x128xf32>
      %mul3A_1064 = arith.mulf %get3A_253, %get3A_253 : vector<16x128xf32>
      %add3A_1065 = arith.addf %add3A_1063, %mul3A_1064 : vector<16x128xf32>
      %mul3A_1066 = arith.mulf %broadcast_in_dim3A_1048, %broadcast_in_dim3A_1048 : vector<16x1xf32>
      %mul3A_1067 = arith.mulf %broadcast_in_dim3A_1054, %broadcast_in_dim3A_1054 : vector<16x1xf32>
      %add3A_1068 = arith.addf %mul3A_1066, %mul3A_1067 : vector<16x1xf32>
      %mul3A_1069 = arith.mulf %broadcast_in_dim3A_1060, %broadcast_in_dim3A_1060 : vector<16x1xf32>
      %add3A_1070 = arith.addf %add3A_1068, %mul3A_1069 : vector<16x1xf32>
      %convert_element_type3A_1071 = arith.truncf %get3A_243 : vector<16x128xf32> to vector<16x128xbf16>
      %convert_element_type3A_1072 = arith.extf %convert_element_type3A_1071 : vector<16x128xbf16> to vector<16x128xf32>
      %convert_element_type3A_1073 = arith.truncf %broadcast_in_dim3A_1048 : vector<16x1xf32> to vector<16x1xbf16>
      %convert_element_type3A_1074 = arith.extf %convert_element_type3A_1073 : vector<16x1xbf16> to vector<16x1xf32>
      %mul3A_1075 = vector.broadcast %convert_element_type3A_1074 : vector<16x1xf32> to vector<16x128xf32>
      %mul3A_1076 = arith.mulf %convert_element_type3A_1072, %mul3A_1075 : vector<16x128xf32>
      %convert_element_type3A_1077 = arith.truncf %get3A_248 : vector<16x128xf32> to vector<16x128xbf16>
      %convert_element_type3A_1078 = arith.extf %convert_element_type3A_1077 : vector<16x128xbf16> to vector<16x128xf32>
      %convert_element_type3A_1079 = arith.truncf %broadcast_in_dim3A_1054 : vector<16x1xf32> to vector<16x1xbf16>
      %convert_element_type3A_1080 = arith.extf %convert_element_type3A_1079 : vector<16x1xbf16> to vector<16x1xf32>
      %mul3A_1081 = vector.broadcast %convert_element_type3A_1080 : vector<16x1xf32> to vector<16x128xf32>
      %mul3A_1082 = arith.mulf %convert_element_type3A_1078, %mul3A_1081 : vector<16x128xf32>
      %add3A_1083 = arith.addf %mul3A_1076, %mul3A_1082 : vector<16x128xf32>
      %convert_element_type3A_1084 = arith.truncf %get3A_253 : vector<16x128xf32> to vector<16x128xbf16>
      %convert_element_type3A_1085 = arith.extf %convert_element_type3A_1084 : vector<16x128xbf16> to vector<16x128xf32>
      %convert_element_type3A_1086 = arith.truncf %broadcast_in_dim3A_1060 : vector<16x1xf32> to vector<16x1xbf16>
      %convert_element_type3A_1087 = arith.extf %convert_element_type3A_1086 : vector<16x1xbf16> to vector<16x1xf32>
      %mul3A_1088 = vector.broadcast %convert_element_type3A_1087 : vector<16x1xf32> to vector<16x128xf32>
      %mul3A_1089 = arith.mulf %convert_element_type3A_1085, %mul3A_1088 : vector<16x128xf32>
      %add3A_1090 = arith.addf %add3A_1083, %mul3A_1089 : vector<16x128xf32>
      %add3A_1091 = vector.broadcast %add3A_1070 : vector<16x1xf32> to vector<16x128xf32>
      %add3A_1092 = arith.addf %add3A_1065, %add3A_1091 : vector<16x128xf32>
      %mul3A_1093 = arith.constant 2.000000e+00 : f32
      %mul3A_1094 = vector.broadcast %mul3A_1093 : f32 to vector<16x128xf32>
      %mul3A_1095 = arith.mulf %mul3A_1094, %add3A_1090 : vector<16x128xf32>
      %sub3A_1096 = arith.subf %add3A_1092, %mul3A_1095 : vector<16x128xf32>
      %max3A_1097 = arith.constant 9.99999996E-13 : f32
      %max3A_1098 = vector.broadcast %max3A_1097 : f32 to vector<16x128xf32>
      %max3A_1099 = arith.maximumf %sub3A_1096, %max3A_1098 : vector<16x128xf32>
      %sqrt3A_1100 = math.sqrt %max3A_1099 : vector<16x128xf32>
      %lt3A_1101 = arith.cmpf olt, %sqrt3A_1100, %select_n3A_1039 : vector<16x128xf32>
      %jit3A_1102 = arith.constant 5 : i32
      %broadcast_in_dim3A_1103 = vector.broadcast %jit3A_1102 : i32 to vector<16x128xi32>
      %select_n3A_1104 = arith.select %lt3A_1101, %broadcast_in_dim3A_1103, %select_n3A_1038 : vector<16x128xi1>, vector<16x128xi32>
      %select_n3A_1105 = arith.select %lt3A_1101, %sqrt3A_1100, %select_n3A_1039 : vector<16x128xi1>, vector<16x128xf32>
      %slice3A_1106 = vector.extract_strided_slice %get3A_238 {offsets = [0, 6], sizes = [16, 1], strides = [1, 1]} : vector<16x8xi32> to vector<16x1xi32>
      %eq3A_1107 = vector.broadcast %slice3A_1106 : vector<16x1xi32> to vector<16x128xi32>
      %eq3A_1108 = arith.cmpi eq, %iota3A_706, %eq3A_1107 : vector<16x128xi32>
      %jit3A_1109 = arith.constant 0.000000e+00 : f32
      %broadcast_in_dim3A_1110 = vector.broadcast %jit3A_1109 : f32 to vector<16x128xf32>
      %select_n3A_1111 = arith.select %eq3A_1108, %get3A_243, %broadcast_in_dim3A_1110 : vector<16x128xi1>, vector<16x128xf32>
      %reduce_sum3A_1112 = arith.constant dense<0.000000e+00> : vector<16xf32>
      %reduce_sum3A_1113 = vector.multi_reduction <add>, %select_n3A_1111, %reduce_sum3A_1112 [1] : vector<16x128xf32> to vector<16xf32>
      %broadcast_in_dim3A_1114 = vector.shape_cast %reduce_sum3A_1113 : vector<16xf32> to vector<16x1xf32>
      %jit3A_1115 = arith.constant 0.000000e+00 : f32
      %broadcast_in_dim3A_1116 = vector.broadcast %jit3A_1115 : f32 to vector<16x128xf32>
      %select_n3A_1117 = arith.select %eq3A_1108, %get3A_248, %broadcast_in_dim3A_1116 : vector<16x128xi1>, vector<16x128xf32>
      %reduce_sum3A_1118 = arith.constant dense<0.000000e+00> : vector<16xf32>
      %reduce_sum3A_1119 = vector.multi_reduction <add>, %select_n3A_1117, %reduce_sum3A_1118 [1] : vector<16x128xf32> to vector<16xf32>
      %broadcast_in_dim3A_1120 = vector.shape_cast %reduce_sum3A_1119 : vector<16xf32> to vector<16x1xf32>
      %jit3A_1121 = arith.constant 0.000000e+00 : f32
      %broadcast_in_dim3A_1122 = vector.broadcast %jit3A_1121 : f32 to vector<16x128xf32>
      %select_n3A_1123 = arith.select %eq3A_1108, %get3A_253, %broadcast_in_dim3A_1122 : vector<16x128xi1>, vector<16x128xf32>
      %reduce_sum3A_1124 = arith.constant dense<0.000000e+00> : vector<16xf32>
      %reduce_sum3A_1125 = vector.multi_reduction <add>, %select_n3A_1123, %reduce_sum3A_1124 [1] : vector<16x128xf32> to vector<16xf32>
      %broadcast_in_dim3A_1126 = vector.shape_cast %reduce_sum3A_1125 : vector<16xf32> to vector<16x1xf32>
      %mul3A_1127 = arith.mulf %get3A_243, %get3A_243 : vector<16x128xf32>
      %mul3A_1128 = arith.mulf %get3A_248, %get3A_248 : vector<16x128xf32>
      %add3A_1129 = arith.addf %mul3A_1127, %mul3A_1128 : vector<16x128xf32>
      %mul3A_1130 = arith.mulf %get3A_253, %get3A_253 : vector<16x128xf32>
      %add3A_1131 = arith.addf %add3A_1129, %mul3A_1130 : vector<16x128xf32>
      %mul3A_1132 = arith.mulf %broadcast_in_dim3A_1114, %broadcast_in_dim3A_1114 : vector<16x1xf32>
      %mul3A_1133 = arith.mulf %broadcast_in_dim3A_1120, %broadcast_in_dim3A_1120 : vector<16x1xf32>
      %add3A_1134 = arith.addf %mul3A_1132, %mul3A_1133 : vector<16x1xf32>
      %mul3A_1135 = arith.mulf %broadcast_in_dim3A_1126, %broadcast_in_dim3A_1126 : vector<16x1xf32>
      %add3A_1136 = arith.addf %add3A_1134, %mul3A_1135 : vector<16x1xf32>
      %convert_element_type3A_1137 = arith.truncf %get3A_243 : vector<16x128xf32> to vector<16x128xbf16>
      %convert_element_type3A_1138 = arith.extf %convert_element_type3A_1137 : vector<16x128xbf16> to vector<16x128xf32>
      %convert_element_type3A_1139 = arith.truncf %broadcast_in_dim3A_1114 : vector<16x1xf32> to vector<16x1xbf16>
      %convert_element_type3A_1140 = arith.extf %convert_element_type3A_1139 : vector<16x1xbf16> to vector<16x1xf32>
      %mul3A_1141 = vector.broadcast %convert_element_type3A_1140 : vector<16x1xf32> to vector<16x128xf32>
      %mul3A_1142 = arith.mulf %convert_element_type3A_1138, %mul3A_1141 : vector<16x128xf32>
      %convert_element_type3A_1143 = arith.truncf %get3A_248 : vector<16x128xf32> to vector<16x128xbf16>
      %convert_element_type3A_1144 = arith.extf %convert_element_type3A_1143 : vector<16x128xbf16> to vector<16x128xf32>
      %convert_element_type3A_1145 = arith.truncf %broadcast_in_dim3A_1120 : vector<16x1xf32> to vector<16x1xbf16>
      %convert_element_type3A_1146 = arith.extf %convert_element_type3A_1145 : vector<16x1xbf16> to vector<16x1xf32>
      %mul3A_1147 = vector.broadcast %convert_element_type3A_1146 : vector<16x1xf32> to vector<16x128xf32>
      %mul3A_1148 = arith.mulf %convert_element_type3A_1144, %mul3A_1147 : vector<16x128xf32>
      %add3A_1149 = arith.addf %mul3A_1142, %mul3A_1148 : vector<16x128xf32>
      %convert_element_type3A_1150 = arith.truncf %get3A_253 : vector<16x128xf32> to vector<16x128xbf16>
      %convert_element_type3A_1151 = arith.extf %convert_element_type3A_1150 : vector<16x128xbf16> to vector<16x128xf32>
      %convert_element_type3A_1152 = arith.truncf %broadcast_in_dim3A_1126 : vector<16x1xf32> to vector<16x1xbf16>
      %convert_element_type3A_1153 = arith.extf %convert_element_type3A_1152 : vector<16x1xbf16> to vector<16x1xf32>
      %mul3A_1154 = vector.broadcast %convert_element_type3A_1153 : vector<16x1xf32> to vector<16x128xf32>
      %mul3A_1155 = arith.mulf %convert_element_type3A_1151, %mul3A_1154 : vector<16x128xf32>
      %add3A_1156 = arith.addf %add3A_1149, %mul3A_1155 : vector<16x128xf32>
      %add3A_1157 = vector.broadcast %add3A_1136 : vector<16x1xf32> to vector<16x128xf32>
      %add3A_1158 = arith.addf %add3A_1131, %add3A_1157 : vector<16x128xf32>
      %mul3A_1159 = arith.constant 2.000000e+00 : f32
      %mul3A_1160 = vector.broadcast %mul3A_1159 : f32 to vector<16x128xf32>
      %mul3A_1161 = arith.mulf %mul3A_1160, %add3A_1156 : vector<16x128xf32>
      %sub3A_1162 = arith.subf %add3A_1158, %mul3A_1161 : vector<16x128xf32>
      %max3A_1163 = arith.constant 9.99999996E-13 : f32
      %max3A_1164 = vector.broadcast %max3A_1163 : f32 to vector<16x128xf32>
      %max3A_1165 = arith.maximumf %sub3A_1162, %max3A_1164 : vector<16x128xf32>
      %sqrt3A_1166 = math.sqrt %max3A_1165 : vector<16x128xf32>
      %lt3A_1167 = arith.cmpf olt, %sqrt3A_1166, %select_n3A_1105 : vector<16x128xf32>
      %jit3A_1168 = arith.constant 6 : i32
      %broadcast_in_dim3A_1169 = vector.broadcast %jit3A_1168 : i32 to vector<16x128xi32>
      %select_n3A_1170 = arith.select %lt3A_1167, %broadcast_in_dim3A_1169, %select_n3A_1104 : vector<16x128xi1>, vector<16x128xi32>
      %select_n3A_1171 = arith.select %lt3A_1167, %sqrt3A_1166, %select_n3A_1105 : vector<16x128xi1>, vector<16x128xf32>
      %slice3A_1172 = vector.extract_strided_slice %get3A_238 {offsets = [0, 7], sizes = [16, 1], strides = [1, 1]} : vector<16x8xi32> to vector<16x1xi32>
      %eq3A_1173 = vector.broadcast %slice3A_1172 : vector<16x1xi32> to vector<16x128xi32>
      %eq3A_1174 = arith.cmpi eq, %iota3A_706, %eq3A_1173 : vector<16x128xi32>
      %jit3A_1175 = arith.constant 0.000000e+00 : f32
      %broadcast_in_dim3A_1176 = vector.broadcast %jit3A_1175 : f32 to vector<16x128xf32>
      %select_n3A_1177 = arith.select %eq3A_1174, %get3A_243, %broadcast_in_dim3A_1176 : vector<16x128xi1>, vector<16x128xf32>
      %reduce_sum3A_1178 = arith.constant dense<0.000000e+00> : vector<16xf32>
      %reduce_sum3A_1179 = vector.multi_reduction <add>, %select_n3A_1177, %reduce_sum3A_1178 [1] : vector<16x128xf32> to vector<16xf32>
      %broadcast_in_dim3A_1180 = vector.shape_cast %reduce_sum3A_1179 : vector<16xf32> to vector<16x1xf32>
      %jit3A_1181 = arith.constant 0.000000e+00 : f32
      %broadcast_in_dim3A_1182 = vector.broadcast %jit3A_1181 : f32 to vector<16x128xf32>
      %select_n3A_1183 = arith.select %eq3A_1174, %get3A_248, %broadcast_in_dim3A_1182 : vector<16x128xi1>, vector<16x128xf32>
      %reduce_sum3A_1184 = arith.constant dense<0.000000e+00> : vector<16xf32>
      %reduce_sum3A_1185 = vector.multi_reduction <add>, %select_n3A_1183, %reduce_sum3A_1184 [1] : vector<16x128xf32> to vector<16xf32>
      %broadcast_in_dim3A_1186 = vector.shape_cast %reduce_sum3A_1185 : vector<16xf32> to vector<16x1xf32>
      %jit3A_1187 = arith.constant 0.000000e+00 : f32
      %broadcast_in_dim3A_1188 = vector.broadcast %jit3A_1187 : f32 to vector<16x128xf32>
      %select_n3A_1189 = arith.select %eq3A_1174, %get3A_253, %broadcast_in_dim3A_1188 : vector<16x128xi1>, vector<16x128xf32>
      %reduce_sum3A_1190 = arith.constant dense<0.000000e+00> : vector<16xf32>
      %reduce_sum3A_1191 = vector.multi_reduction <add>, %select_n3A_1189, %reduce_sum3A_1190 [1] : vector<16x128xf32> to vector<16xf32>
      %broadcast_in_dim3A_1192 = vector.shape_cast %reduce_sum3A_1191 : vector<16xf32> to vector<16x1xf32>
      %mul3A_1193 = arith.mulf %get3A_243, %get3A_243 : vector<16x128xf32>
      %mul3A_1194 = arith.mulf %get3A_248, %get3A_248 : vector<16x128xf32>
      %add3A_1195 = arith.addf %mul3A_1193, %mul3A_1194 : vector<16x128xf32>
      %mul3A_1196 = arith.mulf %get3A_253, %get3A_253 : vector<16x128xf32>
      %add3A_1197 = arith.addf %add3A_1195, %mul3A_1196 : vector<16x128xf32>
      %mul3A_1198 = arith.mulf %broadcast_in_dim3A_1180, %broadcast_in_dim3A_1180 : vector<16x1xf32>
      %mul3A_1199 = arith.mulf %broadcast_in_dim3A_1186, %broadcast_in_dim3A_1186 : vector<16x1xf32>
      %add3A_1200 = arith.addf %mul3A_1198, %mul3A_1199 : vector<16x1xf32>
      %mul3A_1201 = arith.mulf %broadcast_in_dim3A_1192, %broadcast_in_dim3A_1192 : vector<16x1xf32>
      %add3A_1202 = arith.addf %add3A_1200, %mul3A_1201 : vector<16x1xf32>
      %convert_element_type3A_1203 = arith.truncf %get3A_243 : vector<16x128xf32> to vector<16x128xbf16>
      %convert_element_type3A_1204 = arith.extf %convert_element_type3A_1203 : vector<16x128xbf16> to vector<16x128xf32>
      %convert_element_type3A_1205 = arith.truncf %broadcast_in_dim3A_1180 : vector<16x1xf32> to vector<16x1xbf16>
      %convert_element_type3A_1206 = arith.extf %convert_element_type3A_1205 : vector<16x1xbf16> to vector<16x1xf32>
      %mul3A_1207 = vector.broadcast %convert_element_type3A_1206 : vector<16x1xf32> to vector<16x128xf32>
      %mul3A_1208 = arith.mulf %convert_element_type3A_1204, %mul3A_1207 : vector<16x128xf32>
      %convert_element_type3A_1209 = arith.truncf %get3A_248 : vector<16x128xf32> to vector<16x128xbf16>
      %convert_element_type3A_1210 = arith.extf %convert_element_type3A_1209 : vector<16x128xbf16> to vector<16x128xf32>
      %convert_element_type3A_1211 = arith.truncf %broadcast_in_dim3A_1186 : vector<16x1xf32> to vector<16x1xbf16>
      %convert_element_type3A_1212 = arith.extf %convert_element_type3A_1211 : vector<16x1xbf16> to vector<16x1xf32>
      %mul3A_1213 = vector.broadcast %convert_element_type3A_1212 : vector<16x1xf32> to vector<16x128xf32>
      %mul3A_1214 = arith.mulf %convert_element_type3A_1210, %mul3A_1213 : vector<16x128xf32>
      %add3A_1215 = arith.addf %mul3A_1208, %mul3A_1214 : vector<16x128xf32>
      %convert_element_type3A_1216 = arith.truncf %get3A_253 : vector<16x128xf32> to vector<16x128xbf16>
      %convert_element_type3A_1217 = arith.extf %convert_element_type3A_1216 : vector<16x128xbf16> to vector<16x128xf32>
      %convert_element_type3A_1218 = arith.truncf %broadcast_in_dim3A_1192 : vector<16x1xf32> to vector<16x1xbf16>
      %convert_element_type3A_1219 = arith.extf %convert_element_type3A_1218 : vector<16x1xbf16> to vector<16x1xf32>
      %mul3A_1220 = vector.broadcast %convert_element_type3A_1219 : vector<16x1xf32> to vector<16x128xf32>
      %mul3A_1221 = arith.mulf %convert_element_type3A_1217, %mul3A_1220 : vector<16x128xf32>
      %add3A_1222 = arith.addf %add3A_1215, %mul3A_1221 : vector<16x128xf32>
      %add3A_1223 = vector.broadcast %add3A_1202 : vector<16x1xf32> to vector<16x128xf32>
      %add3A_1224 = arith.addf %add3A_1197, %add3A_1223 : vector<16x128xf32>
      %mul3A_1225 = arith.constant 2.000000e+00 : f32
      %mul3A_1226 = vector.broadcast %mul3A_1225 : f32 to vector<16x128xf32>
      %mul3A_1227 = arith.mulf %mul3A_1226, %add3A_1222 : vector<16x128xf32>
      %sub3A_1228 = arith.subf %add3A_1224, %mul3A_1227 : vector<16x128xf32>
      %max3A_1229 = arith.constant 9.99999996E-13 : f32
      %max3A_1230 = vector.broadcast %max3A_1229 : f32 to vector<16x128xf32>
      %max3A_1231 = arith.maximumf %sub3A_1228, %max3A_1230 : vector<16x128xf32>
      %sqrt3A_1232 = math.sqrt %max3A_1231 : vector<16x128xf32>
      %lt3A_1233 = arith.cmpf olt, %sqrt3A_1232, %select_n3A_1171 : vector<16x128xf32>
      %jit3A_1234 = arith.constant 7 : i32
      %broadcast_in_dim3A_1235 = vector.broadcast %jit3A_1234 : i32 to vector<16x128xi32>
      %select_n3A_1236 = arith.select %lt3A_1233, %broadcast_in_dim3A_1235, %select_n3A_1170 : vector<16x128xi1>, vector<16x128xi32>
      %eq3A_1237 = arith.constant 0 : i32
      %eq3A_1238 = vector.broadcast %eq3A_1237 : i32 to vector<16x128xi32>
      %eq3A_1239 = arith.cmpi eq, %select_n3A_1236, %eq3A_1238 : vector<16x128xi32>
      %convert_element_type3A_1240 = arith.extui %eq3A_1239 : vector<16x128xi1> to vector<16x128xi32>
      %convert_element_type3A_1241 = arith.sitofp %convert_element_type3A_1240 : vector<16x128xi32> to vector<16x128xf32>
      %reduce_sum3A_1242 = vector.shape_cast %convert_element_type3A_1241 : vector<16x128xf32> to vector<1x16x128xf32>
      %reduce_sum3A_1243 = arith.constant dense<0.000000e+00> : vector<1xf32>
      %reduce_sum3A_1244 = vector.multi_reduction <add>, %reduce_sum3A_1242, %reduce_sum3A_1243 [1, 2] : vector<1x16x128xf32> to vector<1xf32>
      %reduce_sum3A_1245 = vector.shape_cast %reduce_sum3A_1244 : vector<1xf32> to vector<1x1x1xf32>
      %reduce_sum3A_1246 = vector.extract %reduce_sum3A_1245[0, 0, 0] : f32 from vector<1x1x1xf32>
      %mul3A_1247 = arith.mulf %get3A_243, %convert_element_type3A_1241 : vector<16x128xf32>
      %reduce_sum3A_1248 = vector.shape_cast %mul3A_1247 : vector<16x128xf32> to vector<1x16x128xf32>
      %reduce_sum3A_1249 = arith.constant dense<0.000000e+00> : vector<1xf32>
      %reduce_sum3A_1250 = vector.multi_reduction <add>, %reduce_sum3A_1248, %reduce_sum3A_1249 [1, 2] : vector<1x16x128xf32> to vector<1xf32>
      %reduce_sum3A_1251 = vector.shape_cast %reduce_sum3A_1250 : vector<1xf32> to vector<1x1x1xf32>
      %reduce_sum3A_1252 = vector.extract %reduce_sum3A_1251[0, 0, 0] : f32 from vector<1x1x1xf32>
      %mul3A_1253 = arith.mulf %get3A_248, %convert_element_type3A_1241 : vector<16x128xf32>
      %reduce_sum3A_1254 = vector.shape_cast %mul3A_1253 : vector<16x128xf32> to vector<1x16x128xf32>
      %reduce_sum3A_1255 = arith.constant dense<0.000000e+00> : vector<1xf32>
      %reduce_sum3A_1256 = vector.multi_reduction <add>, %reduce_sum3A_1254, %reduce_sum3A_1255 [1, 2] : vector<1x16x128xf32> to vector<1xf32>
      %reduce_sum3A_1257 = vector.shape_cast %reduce_sum3A_1256 : vector<1xf32> to vector<1x1x1xf32>
      %reduce_sum3A_1258 = vector.extract %reduce_sum3A_1257[0, 0, 0] : f32 from vector<1x1x1xf32>
      %mul3A_1259 = arith.mulf %get3A_253, %convert_element_type3A_1241 : vector<16x128xf32>
      %reduce_sum3A_1260 = vector.shape_cast %mul3A_1259 : vector<16x128xf32> to vector<1x16x128xf32>
      %reduce_sum3A_1261 = arith.constant dense<0.000000e+00> : vector<1xf32>
      %reduce_sum3A_1262 = vector.multi_reduction <add>, %reduce_sum3A_1260, %reduce_sum3A_1261 [1, 2] : vector<1x16x128xf32> to vector<1xf32>
      %reduce_sum3A_1263 = vector.shape_cast %reduce_sum3A_1262 : vector<1xf32> to vector<1x1x1xf32>
      %reduce_sum3A_1264 = vector.extract %reduce_sum3A_1263[0, 0, 0] : f32 from vector<1x1x1xf32>
      %max3A_1265 = arith.constant 1.000000e+00 : f32
      %max3A_1266 = arith.maximumf %reduce_sum3A_1246, %max3A_1265 : f32
      %gt3A = arith.constant 0.000000e+00 : f32
      %gt3A_1267 = arith.cmpf ogt, %reduce_sum3A_1246, %gt3A : f32
      %div3A = arith.divf %reduce_sum3A_1252, %max3A_1266 : f32
      %jit3A_1268 = arith.constant 0.000000e+00 : f32
      %select_n3A_1269 = arith.select %gt3A_1267, %div3A, %jit3A_1268 : f32
      %div3A_1270 = arith.divf %reduce_sum3A_1258, %max3A_1266 : f32
      %jit3A_1271 = arith.constant 0.000000e+00 : f32
      %select_n3A_1272 = arith.select %gt3A_1267, %div3A_1270, %jit3A_1271 : f32
      %div3A_1273 = arith.divf %reduce_sum3A_1264, %max3A_1266 : f32
      %jit3A_1274 = arith.constant 0.000000e+00 : f32
      %select_n3A_1275 = arith.select %gt3A_1267, %div3A_1273, %jit3A_1274 : f32
      %eq3A_1276 = arith.constant 1 : i32
      %eq3A_1277 = vector.broadcast %eq3A_1276 : i32 to vector<16x128xi32>
      %eq3A_1278 = arith.cmpi eq, %select_n3A_1236, %eq3A_1277 : vector<16x128xi32>
      %convert_element_type3A_1279 = arith.extui %eq3A_1278 : vector<16x128xi1> to vector<16x128xi32>
      %convert_element_type3A_1280 = arith.sitofp %convert_element_type3A_1279 : vector<16x128xi32> to vector<16x128xf32>
      %reduce_sum3A_1281 = vector.shape_cast %convert_element_type3A_1280 : vector<16x128xf32> to vector<1x16x128xf32>
      %reduce_sum3A_1282 = arith.constant dense<0.000000e+00> : vector<1xf32>
      %reduce_sum3A_1283 = vector.multi_reduction <add>, %reduce_sum3A_1281, %reduce_sum3A_1282 [1, 2] : vector<1x16x128xf32> to vector<1xf32>
      %reduce_sum3A_1284 = vector.shape_cast %reduce_sum3A_1283 : vector<1xf32> to vector<1x1x1xf32>
      %reduce_sum3A_1285 = vector.extract %reduce_sum3A_1284[0, 0, 0] : f32 from vector<1x1x1xf32>
      %mul3A_1286 = arith.mulf %get3A_243, %convert_element_type3A_1280 : vector<16x128xf32>
      %reduce_sum3A_1287 = vector.shape_cast %mul3A_1286 : vector<16x128xf32> to vector<1x16x128xf32>
      %reduce_sum3A_1288 = arith.constant dense<0.000000e+00> : vector<1xf32>
      %reduce_sum3A_1289 = vector.multi_reduction <add>, %reduce_sum3A_1287, %reduce_sum3A_1288 [1, 2] : vector<1x16x128xf32> to vector<1xf32>
      %reduce_sum3A_1290 = vector.shape_cast %reduce_sum3A_1289 : vector<1xf32> to vector<1x1x1xf32>
      %reduce_sum3A_1291 = vector.extract %reduce_sum3A_1290[0, 0, 0] : f32 from vector<1x1x1xf32>
      %mul3A_1292 = arith.mulf %get3A_248, %convert_element_type3A_1280 : vector<16x128xf32>
      %reduce_sum3A_1293 = vector.shape_cast %mul3A_1292 : vector<16x128xf32> to vector<1x16x128xf32>
      %reduce_sum3A_1294 = arith.constant dense<0.000000e+00> : vector<1xf32>
      %reduce_sum3A_1295 = vector.multi_reduction <add>, %reduce_sum3A_1293, %reduce_sum3A_1294 [1, 2] : vector<1x16x128xf32> to vector<1xf32>
      %reduce_sum3A_1296 = vector.shape_cast %reduce_sum3A_1295 : vector<1xf32> to vector<1x1x1xf32>
      %reduce_sum3A_1297 = vector.extract %reduce_sum3A_1296[0, 0, 0] : f32 from vector<1x1x1xf32>
      %mul3A_1298 = arith.mulf %get3A_253, %convert_element_type3A_1280 : vector<16x128xf32>
      %reduce_sum3A_1299 = vector.shape_cast %mul3A_1298 : vector<16x128xf32> to vector<1x16x128xf32>
      %reduce_sum3A_1300 = arith.constant dense<0.000000e+00> : vector<1xf32>
      %reduce_sum3A_1301 = vector.multi_reduction <add>, %reduce_sum3A_1299, %reduce_sum3A_1300 [1, 2] : vector<1x16x128xf32> to vector<1xf32>
      %reduce_sum3A_1302 = vector.shape_cast %reduce_sum3A_1301 : vector<1xf32> to vector<1x1x1xf32>
      %reduce_sum3A_1303 = vector.extract %reduce_sum3A_1302[0, 0, 0] : f32 from vector<1x1x1xf32>
      %max3A_1304 = arith.constant 1.000000e+00 : f32
      %max3A_1305 = arith.maximumf %reduce_sum3A_1285, %max3A_1304 : f32
      %gt3A_1306 = arith.constant 0.000000e+00 : f32
      %gt3A_1307 = arith.cmpf ogt, %reduce_sum3A_1285, %gt3A_1306 : f32
      %div3A_1308 = arith.divf %reduce_sum3A_1291, %max3A_1305 : f32
      %jit3A_1309 = arith.constant 0.000000e+00 : f32
      %select_n3A_1310 = arith.select %gt3A_1307, %div3A_1308, %jit3A_1309 : f32
      %div3A_1311 = arith.divf %reduce_sum3A_1297, %max3A_1305 : f32
      %jit3A_1312 = arith.constant 0.000000e+00 : f32
      %select_n3A_1313 = arith.select %gt3A_1307, %div3A_1311, %jit3A_1312 : f32
      %div3A_1314 = arith.divf %reduce_sum3A_1303, %max3A_1305 : f32
      %jit3A_1315 = arith.constant 0.000000e+00 : f32
      %select_n3A_1316 = arith.select %gt3A_1307, %div3A_1314, %jit3A_1315 : f32
      %eq3A_1317 = arith.constant 2 : i32
      %eq3A_1318 = vector.broadcast %eq3A_1317 : i32 to vector<16x128xi32>
      %eq3A_1319 = arith.cmpi eq, %select_n3A_1236, %eq3A_1318 : vector<16x128xi32>
      %convert_element_type3A_1320 = arith.extui %eq3A_1319 : vector<16x128xi1> to vector<16x128xi32>
      %convert_element_type3A_1321 = arith.sitofp %convert_element_type3A_1320 : vector<16x128xi32> to vector<16x128xf32>
      %reduce_sum3A_1322 = vector.shape_cast %convert_element_type3A_1321 : vector<16x128xf32> to vector<1x16x128xf32>
      %reduce_sum3A_1323 = arith.constant dense<0.000000e+00> : vector<1xf32>
      %reduce_sum3A_1324 = vector.multi_reduction <add>, %reduce_sum3A_1322, %reduce_sum3A_1323 [1, 2] : vector<1x16x128xf32> to vector<1xf32>
      %reduce_sum3A_1325 = vector.shape_cast %reduce_sum3A_1324 : vector<1xf32> to vector<1x1x1xf32>
      %reduce_sum3A_1326 = vector.extract %reduce_sum3A_1325[0, 0, 0] : f32 from vector<1x1x1xf32>
      %mul3A_1327 = arith.mulf %get3A_243, %convert_element_type3A_1321 : vector<16x128xf32>
      %reduce_sum3A_1328 = vector.shape_cast %mul3A_1327 : vector<16x128xf32> to vector<1x16x128xf32>
      %reduce_sum3A_1329 = arith.constant dense<0.000000e+00> : vector<1xf32>
      %reduce_sum3A_1330 = vector.multi_reduction <add>, %reduce_sum3A_1328, %reduce_sum3A_1329 [1, 2] : vector<1x16x128xf32> to vector<1xf32>
      %reduce_sum3A_1331 = vector.shape_cast %reduce_sum3A_1330 : vector<1xf32> to vector<1x1x1xf32>
      %reduce_sum3A_1332 = vector.extract %reduce_sum3A_1331[0, 0, 0] : f32 from vector<1x1x1xf32>
      %mul3A_1333 = arith.mulf %get3A_248, %convert_element_type3A_1321 : vector<16x128xf32>
      %reduce_sum3A_1334 = vector.shape_cast %mul3A_1333 : vector<16x128xf32> to vector<1x16x128xf32>
      %reduce_sum3A_1335 = arith.constant dense<0.000000e+00> : vector<1xf32>
      %reduce_sum3A_1336 = vector.multi_reduction <add>, %reduce_sum3A_1334, %reduce_sum3A_1335 [1, 2] : vector<1x16x128xf32> to vector<1xf32>
      %reduce_sum3A_1337 = vector.shape_cast %reduce_sum3A_1336 : vector<1xf32> to vector<1x1x1xf32>
      %reduce_sum3A_1338 = vector.extract %reduce_sum3A_1337[0, 0, 0] : f32 from vector<1x1x1xf32>
      %mul3A_1339 = arith.mulf %get3A_253, %convert_element_type3A_1321 : vector<16x128xf32>
      %reduce_sum3A_1340 = vector.shape_cast %mul3A_1339 : vector<16x128xf32> to vector<1x16x128xf32>
      %reduce_sum3A_1341 = arith.constant dense<0.000000e+00> : vector<1xf32>
      %reduce_sum3A_1342 = vector.multi_reduction <add>, %reduce_sum3A_1340, %reduce_sum3A_1341 [1, 2] : vector<1x16x128xf32> to vector<1xf32>
      %reduce_sum3A_1343 = vector.shape_cast %reduce_sum3A_1342 : vector<1xf32> to vector<1x1x1xf32>
      %reduce_sum3A_1344 = vector.extract %reduce_sum3A_1343[0, 0, 0] : f32 from vector<1x1x1xf32>
      %max3A_1345 = arith.constant 1.000000e+00 : f32
      %max3A_1346 = arith.maximumf %reduce_sum3A_1326, %max3A_1345 : f32
      %gt3A_1347 = arith.constant 0.000000e+00 : f32
      %gt3A_1348 = arith.cmpf ogt, %reduce_sum3A_1326, %gt3A_1347 : f32
      %div3A_1349 = arith.divf %reduce_sum3A_1332, %max3A_1346 : f32
      %jit3A_1350 = arith.constant 0.000000e+00 : f32
      %select_n3A_1351 = arith.select %gt3A_1348, %div3A_1349, %jit3A_1350 : f32
      %div3A_1352 = arith.divf %reduce_sum3A_1338, %max3A_1346 : f32
      %jit3A_1353 = arith.constant 0.000000e+00 : f32
      %select_n3A_1354 = arith.select %gt3A_1348, %div3A_1352, %jit3A_1353 : f32
      %div3A_1355 = arith.divf %reduce_sum3A_1344, %max3A_1346 : f32
      %jit3A_1356 = arith.constant 0.000000e+00 : f32
      %select_n3A_1357 = arith.select %gt3A_1348, %div3A_1355, %jit3A_1356 : f32
      %eq3A_1358 = arith.constant 3 : i32
      %eq3A_1359 = vector.broadcast %eq3A_1358 : i32 to vector<16x128xi32>
      %eq3A_1360 = arith.cmpi eq, %select_n3A_1236, %eq3A_1359 : vector<16x128xi32>
      %convert_element_type3A_1361 = arith.extui %eq3A_1360 : vector<16x128xi1> to vector<16x128xi32>
      %convert_element_type3A_1362 = arith.sitofp %convert_element_type3A_1361 : vector<16x128xi32> to vector<16x128xf32>
      %reduce_sum3A_1363 = vector.shape_cast %convert_element_type3A_1362 : vector<16x128xf32> to vector<1x16x128xf32>
      %reduce_sum3A_1364 = arith.constant dense<0.000000e+00> : vector<1xf32>
      %reduce_sum3A_1365 = vector.multi_reduction <add>, %reduce_sum3A_1363, %reduce_sum3A_1364 [1, 2] : vector<1x16x128xf32> to vector<1xf32>
      %reduce_sum3A_1366 = vector.shape_cast %reduce_sum3A_1365 : vector<1xf32> to vector<1x1x1xf32>
      %reduce_sum3A_1367 = vector.extract %reduce_sum3A_1366[0, 0, 0] : f32 from vector<1x1x1xf32>
      %mul3A_1368 = arith.mulf %get3A_243, %convert_element_type3A_1362 : vector<16x128xf32>
      %reduce_sum3A_1369 = vector.shape_cast %mul3A_1368 : vector<16x128xf32> to vector<1x16x128xf32>
      %reduce_sum3A_1370 = arith.constant dense<0.000000e+00> : vector<1xf32>
      %reduce_sum3A_1371 = vector.multi_reduction <add>, %reduce_sum3A_1369, %reduce_sum3A_1370 [1, 2] : vector<1x16x128xf32> to vector<1xf32>
      %reduce_sum3A_1372 = vector.shape_cast %reduce_sum3A_1371 : vector<1xf32> to vector<1x1x1xf32>
      %reduce_sum3A_1373 = vector.extract %reduce_sum3A_1372[0, 0, 0] : f32 from vector<1x1x1xf32>
      %mul3A_1374 = arith.mulf %get3A_248, %convert_element_type3A_1362 : vector<16x128xf32>
      %reduce_sum3A_1375 = vector.shape_cast %mul3A_1374 : vector<16x128xf32> to vector<1x16x128xf32>
      %reduce_sum3A_1376 = arith.constant dense<0.000000e+00> : vector<1xf32>
      %reduce_sum3A_1377 = vector.multi_reduction <add>, %reduce_sum3A_1375, %reduce_sum3A_1376 [1, 2] : vector<1x16x128xf32> to vector<1xf32>
      %reduce_sum3A_1378 = vector.shape_cast %reduce_sum3A_1377 : vector<1xf32> to vector<1x1x1xf32>
      %reduce_sum3A_1379 = vector.extract %reduce_sum3A_1378[0, 0, 0] : f32 from vector<1x1x1xf32>
      %mul3A_1380 = arith.mulf %get3A_253, %convert_element_type3A_1362 : vector<16x128xf32>
      %reduce_sum3A_1381 = vector.shape_cast %mul3A_1380 : vector<16x128xf32> to vector<1x16x128xf32>
      %reduce_sum3A_1382 = arith.constant dense<0.000000e+00> : vector<1xf32>
      %reduce_sum3A_1383 = vector.multi_reduction <add>, %reduce_sum3A_1381, %reduce_sum3A_1382 [1, 2] : vector<1x16x128xf32> to vector<1xf32>
      %reduce_sum3A_1384 = vector.shape_cast %reduce_sum3A_1383 : vector<1xf32> to vector<1x1x1xf32>
      %reduce_sum3A_1385 = vector.extract %reduce_sum3A_1384[0, 0, 0] : f32 from vector<1x1x1xf32>
      %max3A_1386 = arith.constant 1.000000e+00 : f32
      %max3A_1387 = arith.maximumf %reduce_sum3A_1367, %max3A_1386 : f32
      %gt3A_1388 = arith.constant 0.000000e+00 : f32
      %gt3A_1389 = arith.cmpf ogt, %reduce_sum3A_1367, %gt3A_1388 : f32
      %div3A_1390 = arith.divf %reduce_sum3A_1373, %max3A_1387 : f32
      %jit3A_1391 = arith.constant 0.000000e+00 : f32
      %select_n3A_1392 = arith.select %gt3A_1389, %div3A_1390, %jit3A_1391 : f32
      %div3A_1393 = arith.divf %reduce_sum3A_1379, %max3A_1387 : f32
      %jit3A_1394 = arith.constant 0.000000e+00 : f32
      %select_n3A_1395 = arith.select %gt3A_1389, %div3A_1393, %jit3A_1394 : f32
      %div3A_1396 = arith.divf %reduce_sum3A_1385, %max3A_1387 : f32
      %jit3A_1397 = arith.constant 0.000000e+00 : f32
      %select_n3A_1398 = arith.select %gt3A_1389, %div3A_1396, %jit3A_1397 : f32
      %eq3A_1399 = arith.constant 4 : i32
      %eq3A_1400 = vector.broadcast %eq3A_1399 : i32 to vector<16x128xi32>
      %eq3A_1401 = arith.cmpi eq, %select_n3A_1236, %eq3A_1400 : vector<16x128xi32>
      %convert_element_type3A_1402 = arith.extui %eq3A_1401 : vector<16x128xi1> to vector<16x128xi32>
      %convert_element_type3A_1403 = arith.sitofp %convert_element_type3A_1402 : vector<16x128xi32> to vector<16x128xf32>
      %reduce_sum3A_1404 = vector.shape_cast %convert_element_type3A_1403 : vector<16x128xf32> to vector<1x16x128xf32>
      %reduce_sum3A_1405 = arith.constant dense<0.000000e+00> : vector<1xf32>
      %reduce_sum3A_1406 = vector.multi_reduction <add>, %reduce_sum3A_1404, %reduce_sum3A_1405 [1, 2] : vector<1x16x128xf32> to vector<1xf32>
      %reduce_sum3A_1407 = vector.shape_cast %reduce_sum3A_1406 : vector<1xf32> to vector<1x1x1xf32>
      %reduce_sum3A_1408 = vector.extract %reduce_sum3A_1407[0, 0, 0] : f32 from vector<1x1x1xf32>
      %mul3A_1409 = arith.mulf %get3A_243, %convert_element_type3A_1403 : vector<16x128xf32>
      %reduce_sum3A_1410 = vector.shape_cast %mul3A_1409 : vector<16x128xf32> to vector<1x16x128xf32>
      %reduce_sum3A_1411 = arith.constant dense<0.000000e+00> : vector<1xf32>
      %reduce_sum3A_1412 = vector.multi_reduction <add>, %reduce_sum3A_1410, %reduce_sum3A_1411 [1, 2] : vector<1x16x128xf32> to vector<1xf32>
      %reduce_sum3A_1413 = vector.shape_cast %reduce_sum3A_1412 : vector<1xf32> to vector<1x1x1xf32>
      %reduce_sum3A_1414 = vector.extract %reduce_sum3A_1413[0, 0, 0] : f32 from vector<1x1x1xf32>
      %mul3A_1415 = arith.mulf %get3A_248, %convert_element_type3A_1403 : vector<16x128xf32>
      %reduce_sum3A_1416 = vector.shape_cast %mul3A_1415 : vector<16x128xf32> to vector<1x16x128xf32>
      %reduce_sum3A_1417 = arith.constant dense<0.000000e+00> : vector<1xf32>
      %reduce_sum3A_1418 = vector.multi_reduction <add>, %reduce_sum3A_1416, %reduce_sum3A_1417 [1, 2] : vector<1x16x128xf32> to vector<1xf32>
      %reduce_sum3A_1419 = vector.shape_cast %reduce_sum3A_1418 : vector<1xf32> to vector<1x1x1xf32>
      %reduce_sum3A_1420 = vector.extract %reduce_sum3A_1419[0, 0, 0] : f32 from vector<1x1x1xf32>
      %mul3A_1421 = arith.mulf %get3A_253, %convert_element_type3A_1403 : vector<16x128xf32>
      %reduce_sum3A_1422 = vector.shape_cast %mul3A_1421 : vector<16x128xf32> to vector<1x16x128xf32>
      %reduce_sum3A_1423 = arith.constant dense<0.000000e+00> : vector<1xf32>
      %reduce_sum3A_1424 = vector.multi_reduction <add>, %reduce_sum3A_1422, %reduce_sum3A_1423 [1, 2] : vector<1x16x128xf32> to vector<1xf32>
      %reduce_sum3A_1425 = vector.shape_cast %reduce_sum3A_1424 : vector<1xf32> to vector<1x1x1xf32>
      %reduce_sum3A_1426 = vector.extract %reduce_sum3A_1425[0, 0, 0] : f32 from vector<1x1x1xf32>
      %max3A_1427 = arith.constant 1.000000e+00 : f32
      %max3A_1428 = arith.maximumf %reduce_sum3A_1408, %max3A_1427 : f32
      %gt3A_1429 = arith.constant 0.000000e+00 : f32
      %gt3A_1430 = arith.cmpf ogt, %reduce_sum3A_1408, %gt3A_1429 : f32
      %div3A_1431 = arith.divf %reduce_sum3A_1414, %max3A_1428 : f32
      %jit3A_1432 = arith.constant 0.000000e+00 : f32
      %select_n3A_1433 = arith.select %gt3A_1430, %div3A_1431, %jit3A_1432 : f32
      %div3A_1434 = arith.divf %reduce_sum3A_1420, %max3A_1428 : f32
      %jit3A_1435 = arith.constant 0.000000e+00 : f32
      %select_n3A_1436 = arith.select %gt3A_1430, %div3A_1434, %jit3A_1435 : f32
      %div3A_1437 = arith.divf %reduce_sum3A_1426, %max3A_1428 : f32
      %jit3A_1438 = arith.constant 0.000000e+00 : f32
      %select_n3A_1439 = arith.select %gt3A_1430, %div3A_1437, %jit3A_1438 : f32
      %eq3A_1440 = arith.constant 5 : i32
      %eq3A_1441 = vector.broadcast %eq3A_1440 : i32 to vector<16x128xi32>
      %eq3A_1442 = arith.cmpi eq, %select_n3A_1236, %eq3A_1441 : vector<16x128xi32>
      %convert_element_type3A_1443 = arith.extui %eq3A_1442 : vector<16x128xi1> to vector<16x128xi32>
      %convert_element_type3A_1444 = arith.sitofp %convert_element_type3A_1443 : vector<16x128xi32> to vector<16x128xf32>
      %reduce_sum3A_1445 = vector.shape_cast %convert_element_type3A_1444 : vector<16x128xf32> to vector<1x16x128xf32>
      %reduce_sum3A_1446 = arith.constant dense<0.000000e+00> : vector<1xf32>
      %reduce_sum3A_1447 = vector.multi_reduction <add>, %reduce_sum3A_1445, %reduce_sum3A_1446 [1, 2] : vector<1x16x128xf32> to vector<1xf32>
      %reduce_sum3A_1448 = vector.shape_cast %reduce_sum3A_1447 : vector<1xf32> to vector<1x1x1xf32>
      %reduce_sum3A_1449 = vector.extract %reduce_sum3A_1448[0, 0, 0] : f32 from vector<1x1x1xf32>
      %mul3A_1450 = arith.mulf %get3A_243, %convert_element_type3A_1444 : vector<16x128xf32>
      %reduce_sum3A_1451 = vector.shape_cast %mul3A_1450 : vector<16x128xf32> to vector<1x16x128xf32>
      %reduce_sum3A_1452 = arith.constant dense<0.000000e+00> : vector<1xf32>
      %reduce_sum3A_1453 = vector.multi_reduction <add>, %reduce_sum3A_1451, %reduce_sum3A_1452 [1, 2] : vector<1x16x128xf32> to vector<1xf32>
      %reduce_sum3A_1454 = vector.shape_cast %reduce_sum3A_1453 : vector<1xf32> to vector<1x1x1xf32>
      %reduce_sum3A_1455 = vector.extract %reduce_sum3A_1454[0, 0, 0] : f32 from vector<1x1x1xf32>
      %mul3A_1456 = arith.mulf %get3A_248, %convert_element_type3A_1444 : vector<16x128xf32>
      %reduce_sum3A_1457 = vector.shape_cast %mul3A_1456 : vector<16x128xf32> to vector<1x16x128xf32>
      %reduce_sum3A_1458 = arith.constant dense<0.000000e+00> : vector<1xf32>
      %reduce_sum3A_1459 = vector.multi_reduction <add>, %reduce_sum3A_1457, %reduce_sum3A_1458 [1, 2] : vector<1x16x128xf32> to vector<1xf32>
      %reduce_sum3A_1460 = vector.shape_cast %reduce_sum3A_1459 : vector<1xf32> to vector<1x1x1xf32>
      %reduce_sum3A_1461 = vector.extract %reduce_sum3A_1460[0, 0, 0] : f32 from vector<1x1x1xf32>
      %mul3A_1462 = arith.mulf %get3A_253, %convert_element_type3A_1444 : vector<16x128xf32>
      %reduce_sum3A_1463 = vector.shape_cast %mul3A_1462 : vector<16x128xf32> to vector<1x16x128xf32>
      %reduce_sum3A_1464 = arith.constant dense<0.000000e+00> : vector<1xf32>
      %reduce_sum3A_1465 = vector.multi_reduction <add>, %reduce_sum3A_1463, %reduce_sum3A_1464 [1, 2] : vector<1x16x128xf32> to vector<1xf32>
      %reduce_sum3A_1466 = vector.shape_cast %reduce_sum3A_1465 : vector<1xf32> to vector<1x1x1xf32>
      %reduce_sum3A_1467 = vector.extract %reduce_sum3A_1466[0, 0, 0] : f32 from vector<1x1x1xf32>
      %max3A_1468 = arith.constant 1.000000e+00 : f32
      %max3A_1469 = arith.maximumf %reduce_sum3A_1449, %max3A_1468 : f32
      %gt3A_1470 = arith.constant 0.000000e+00 : f32
      %gt3A_1471 = arith.cmpf ogt, %reduce_sum3A_1449, %gt3A_1470 : f32
      %div3A_1472 = arith.divf %reduce_sum3A_1455, %max3A_1469 : f32
      %jit3A_1473 = arith.constant 0.000000e+00 : f32
      %select_n3A_1474 = arith.select %gt3A_1471, %div3A_1472, %jit3A_1473 : f32
      %div3A_1475 = arith.divf %reduce_sum3A_1461, %max3A_1469 : f32
      %jit3A_1476 = arith.constant 0.000000e+00 : f32
      %select_n3A_1477 = arith.select %gt3A_1471, %div3A_1475, %jit3A_1476 : f32
      %div3A_1478 = arith.divf %reduce_sum3A_1467, %max3A_1469 : f32
      %jit3A_1479 = arith.constant 0.000000e+00 : f32
      %select_n3A_1480 = arith.select %gt3A_1471, %div3A_1478, %jit3A_1479 : f32
      %eq3A_1481 = arith.constant 6 : i32
      %eq3A_1482 = vector.broadcast %eq3A_1481 : i32 to vector<16x128xi32>
      %eq3A_1483 = arith.cmpi eq, %select_n3A_1236, %eq3A_1482 : vector<16x128xi32>
      %convert_element_type3A_1484 = arith.extui %eq3A_1483 : vector<16x128xi1> to vector<16x128xi32>
      %convert_element_type3A_1485 = arith.sitofp %convert_element_type3A_1484 : vector<16x128xi32> to vector<16x128xf32>
      %reduce_sum3A_1486 = vector.shape_cast %convert_element_type3A_1485 : vector<16x128xf32> to vector<1x16x128xf32>
      %reduce_sum3A_1487 = arith.constant dense<0.000000e+00> : vector<1xf32>
      %reduce_sum3A_1488 = vector.multi_reduction <add>, %reduce_sum3A_1486, %reduce_sum3A_1487 [1, 2] : vector<1x16x128xf32> to vector<1xf32>
      %reduce_sum3A_1489 = vector.shape_cast %reduce_sum3A_1488 : vector<1xf32> to vector<1x1x1xf32>
      %reduce_sum3A_1490 = vector.extract %reduce_sum3A_1489[0, 0, 0] : f32 from vector<1x1x1xf32>
      %mul3A_1491 = arith.mulf %get3A_243, %convert_element_type3A_1485 : vector<16x128xf32>
      %reduce_sum3A_1492 = vector.shape_cast %mul3A_1491 : vector<16x128xf32> to vector<1x16x128xf32>
      %reduce_sum3A_1493 = arith.constant dense<0.000000e+00> : vector<1xf32>
      %reduce_sum3A_1494 = vector.multi_reduction <add>, %reduce_sum3A_1492, %reduce_sum3A_1493 [1, 2] : vector<1x16x128xf32> to vector<1xf32>
      %reduce_sum3A_1495 = vector.shape_cast %reduce_sum3A_1494 : vector<1xf32> to vector<1x1x1xf32>
      %reduce_sum3A_1496 = vector.extract %reduce_sum3A_1495[0, 0, 0] : f32 from vector<1x1x1xf32>
      %mul3A_1497 = arith.mulf %get3A_248, %convert_element_type3A_1485 : vector<16x128xf32>
      %reduce_sum3A_1498 = vector.shape_cast %mul3A_1497 : vector<16x128xf32> to vector<1x16x128xf32>
      %reduce_sum3A_1499 = arith.constant dense<0.000000e+00> : vector<1xf32>
      %reduce_sum3A_1500 = vector.multi_reduction <add>, %reduce_sum3A_1498, %reduce_sum3A_1499 [1, 2] : vector<1x16x128xf32> to vector<1xf32>
      %reduce_sum3A_1501 = vector.shape_cast %reduce_sum3A_1500 : vector<1xf32> to vector<1x1x1xf32>
      %reduce_sum3A_1502 = vector.extract %reduce_sum3A_1501[0, 0, 0] : f32 from vector<1x1x1xf32>
      %mul3A_1503 = arith.mulf %get3A_253, %convert_element_type3A_1485 : vector<16x128xf32>
      %reduce_sum3A_1504 = vector.shape_cast %mul3A_1503 : vector<16x128xf32> to vector<1x16x128xf32>
      %reduce_sum3A_1505 = arith.constant dense<0.000000e+00> : vector<1xf32>
      %reduce_sum3A_1506 = vector.multi_reduction <add>, %reduce_sum3A_1504, %reduce_sum3A_1505 [1, 2] : vector<1x16x128xf32> to vector<1xf32>
      %reduce_sum3A_1507 = vector.shape_cast %reduce_sum3A_1506 : vector<1xf32> to vector<1x1x1xf32>
      %reduce_sum3A_1508 = vector.extract %reduce_sum3A_1507[0, 0, 0] : f32 from vector<1x1x1xf32>
      %max3A_1509 = arith.constant 1.000000e+00 : f32
      %max3A_1510 = arith.maximumf %reduce_sum3A_1490, %max3A_1509 : f32
      %gt3A_1511 = arith.constant 0.000000e+00 : f32
      %gt3A_1512 = arith.cmpf ogt, %reduce_sum3A_1490, %gt3A_1511 : f32
      %div3A_1513 = arith.divf %reduce_sum3A_1496, %max3A_1510 : f32
      %jit3A_1514 = arith.constant 0.000000e+00 : f32
      %select_n3A_1515 = arith.select %gt3A_1512, %div3A_1513, %jit3A_1514 : f32
      %div3A_1516 = arith.divf %reduce_sum3A_1502, %max3A_1510 : f32
      %jit3A_1517 = arith.constant 0.000000e+00 : f32
      %select_n3A_1518 = arith.select %gt3A_1512, %div3A_1516, %jit3A_1517 : f32
      %div3A_1519 = arith.divf %reduce_sum3A_1508, %max3A_1510 : f32
      %jit3A_1520 = arith.constant 0.000000e+00 : f32
      %select_n3A_1521 = arith.select %gt3A_1512, %div3A_1519, %jit3A_1520 : f32
      %eq3A_1522 = arith.constant 7 : i32
      %eq3A_1523 = vector.broadcast %eq3A_1522 : i32 to vector<16x128xi32>
      %eq3A_1524 = arith.cmpi eq, %select_n3A_1236, %eq3A_1523 : vector<16x128xi32>
      %convert_element_type3A_1525 = arith.extui %eq3A_1524 : vector<16x128xi1> to vector<16x128xi32>
      %convert_element_type3A_1526 = arith.sitofp %convert_element_type3A_1525 : vector<16x128xi32> to vector<16x128xf32>
      %reduce_sum3A_1527 = vector.shape_cast %convert_element_type3A_1526 : vector<16x128xf32> to vector<1x16x128xf32>
      %reduce_sum3A_1528 = arith.constant dense<0.000000e+00> : vector<1xf32>
      %reduce_sum3A_1529 = vector.multi_reduction <add>, %reduce_sum3A_1527, %reduce_sum3A_1528 [1, 2] : vector<1x16x128xf32> to vector<1xf32>
      %reduce_sum3A_1530 = vector.shape_cast %reduce_sum3A_1529 : vector<1xf32> to vector<1x1x1xf32>
      %reduce_sum3A_1531 = vector.extract %reduce_sum3A_1530[0, 0, 0] : f32 from vector<1x1x1xf32>
      %mul3A_1532 = arith.mulf %get3A_243, %convert_element_type3A_1526 : vector<16x128xf32>
      %reduce_sum3A_1533 = vector.shape_cast %mul3A_1532 : vector<16x128xf32> to vector<1x16x128xf32>
      %reduce_sum3A_1534 = arith.constant dense<0.000000e+00> : vector<1xf32>
      %reduce_sum3A_1535 = vector.multi_reduction <add>, %reduce_sum3A_1533, %reduce_sum3A_1534 [1, 2] : vector<1x16x128xf32> to vector<1xf32>
      %reduce_sum3A_1536 = vector.shape_cast %reduce_sum3A_1535 : vector<1xf32> to vector<1x1x1xf32>
      %reduce_sum3A_1537 = vector.extract %reduce_sum3A_1536[0, 0, 0] : f32 from vector<1x1x1xf32>
      %mul3A_1538 = arith.mulf %get3A_248, %convert_element_type3A_1526 : vector<16x128xf32>
      %reduce_sum3A_1539 = vector.shape_cast %mul3A_1538 : vector<16x128xf32> to vector<1x16x128xf32>
      %reduce_sum3A_1540 = arith.constant dense<0.000000e+00> : vector<1xf32>
      %reduce_sum3A_1541 = vector.multi_reduction <add>, %reduce_sum3A_1539, %reduce_sum3A_1540 [1, 2] : vector<1x16x128xf32> to vector<1xf32>
      %reduce_sum3A_1542 = vector.shape_cast %reduce_sum3A_1541 : vector<1xf32> to vector<1x1x1xf32>
      %reduce_sum3A_1543 = vector.extract %reduce_sum3A_1542[0, 0, 0] : f32 from vector<1x1x1xf32>
      %mul3A_1544 = arith.mulf %get3A_253, %convert_element_type3A_1526 : vector<16x128xf32>
      %reduce_sum3A_1545 = vector.shape_cast %mul3A_1544 : vector<16x128xf32> to vector<1x16x128xf32>
      %reduce_sum3A_1546 = arith.constant dense<0.000000e+00> : vector<1xf32>
      %reduce_sum3A_1547 = vector.multi_reduction <add>, %reduce_sum3A_1545, %reduce_sum3A_1546 [1, 2] : vector<1x16x128xf32> to vector<1xf32>
      %reduce_sum3A_1548 = vector.shape_cast %reduce_sum3A_1547 : vector<1xf32> to vector<1x1x1xf32>
      %reduce_sum3A_1549 = vector.extract %reduce_sum3A_1548[0, 0, 0] : f32 from vector<1x1x1xf32>
      %max3A_1550 = arith.constant 1.000000e+00 : f32
      %max3A_1551 = arith.maximumf %reduce_sum3A_1531, %max3A_1550 : f32
      %gt3A_1552 = arith.constant 0.000000e+00 : f32
      %gt3A_1553 = arith.cmpf ogt, %reduce_sum3A_1531, %gt3A_1552 : f32
      %div3A_1554 = arith.divf %reduce_sum3A_1537, %max3A_1551 : f32
      %jit3A_1555 = arith.constant 0.000000e+00 : f32
      %select_n3A_1556 = arith.select %gt3A_1553, %div3A_1554, %jit3A_1555 : f32
      %div3A_1557 = arith.divf %reduce_sum3A_1543, %max3A_1551 : f32
      %jit3A_1558 = arith.constant 0.000000e+00 : f32
      %select_n3A_1559 = arith.select %gt3A_1553, %div3A_1557, %jit3A_1558 : f32
      %div3A_1560 = arith.divf %reduce_sum3A_1549, %max3A_1551 : f32
      %jit3A_1561 = arith.constant 0.000000e+00 : f32
      %select_n3A_1562 = arith.select %gt3A_1553, %div3A_1560, %jit3A_1561 : f32
      %mul3A_1563 = arith.mulf %reduce_sum3A_507, %reduce_sum3A_507 : f32
      %mul3A_1564 = arith.mulf %reduce_sum3A_515, %reduce_sum3A_515 : f32
      %add3A_1565 = arith.addf %mul3A_1563, %mul3A_1564 : f32
      %mul3A_1566 = arith.mulf %reduce_sum3A_523, %reduce_sum3A_523 : f32
      %add3A_1567 = arith.addf %add3A_1565, %mul3A_1566 : f32
      %mul3A_1568 = arith.mulf %select_n3A_1269, %select_n3A_1269 : f32
      %mul3A_1569 = arith.mulf %select_n3A_1272, %select_n3A_1272 : f32
      %add3A_1570 = arith.addf %mul3A_1568, %mul3A_1569 : f32
      %mul3A_1571 = arith.mulf %select_n3A_1275, %select_n3A_1275 : f32
      %add3A_1572 = arith.addf %add3A_1570, %mul3A_1571 : f32
      %convert_element_type3A_1573 = arith.truncf %reduce_sum3A_507 : f32 to bf16
      %convert_element_type3A_1574 = arith.extf %convert_element_type3A_1573 : bf16 to f32
      %convert_element_type3A_1575 = arith.truncf %select_n3A_1269 : f32 to bf16
      %convert_element_type3A_1576 = arith.extf %convert_element_type3A_1575 : bf16 to f32
      %mul3A_1577 = arith.mulf %convert_element_type3A_1574, %convert_element_type3A_1576 : f32
      %convert_element_type3A_1578 = arith.truncf %reduce_sum3A_515 : f32 to bf16
      %convert_element_type3A_1579 = arith.extf %convert_element_type3A_1578 : bf16 to f32
      %convert_element_type3A_1580 = arith.truncf %select_n3A_1272 : f32 to bf16
      %convert_element_type3A_1581 = arith.extf %convert_element_type3A_1580 : bf16 to f32
      %mul3A_1582 = arith.mulf %convert_element_type3A_1579, %convert_element_type3A_1581 : f32
      %add3A_1583 = arith.addf %mul3A_1577, %mul3A_1582 : f32
      %convert_element_type3A_1584 = arith.truncf %reduce_sum3A_523 : f32 to bf16
      %convert_element_type3A_1585 = arith.extf %convert_element_type3A_1584 : bf16 to f32
      %convert_element_type3A_1586 = arith.truncf %select_n3A_1275 : f32 to bf16
      %convert_element_type3A_1587 = arith.extf %convert_element_type3A_1586 : bf16 to f32
      %mul3A_1588 = arith.mulf %convert_element_type3A_1585, %convert_element_type3A_1587 : f32
      %add3A_1589 = arith.addf %add3A_1583, %mul3A_1588 : f32
      %add3A_1590 = arith.addf %add3A_1567, %add3A_1572 : f32
      %mul3A_1591 = arith.constant 2.000000e+00 : f32
      %mul3A_1592 = arith.mulf %mul3A_1591, %add3A_1589 : f32
      %sub3A_1593 = arith.subf %add3A_1590, %mul3A_1592 : f32
      %max3A_1594 = arith.constant 9.99999996E-13 : f32
      %max3A_1595 = arith.maximumf %sub3A_1593, %max3A_1594 : f32
      %sqrt3A_1596 = math.sqrt %max3A_1595 : f32
      %lt3A_1597 = arith.constant 0x7F800000 : f32
      %lt3A_1598 = arith.cmpf olt, %sqrt3A_1596, %lt3A_1597 : f32
      %jit3A_1599 = arith.constant 0 : i32
      %jit3A_1600 = arith.constant 0 : i32
      %select_n3A_1601 = arith.select %lt3A_1598, %jit3A_1599, %jit3A_1600 : i32
      %jit3A_1602 = arith.constant 0x7F800000 : f32
      %select_n3A_1603 = arith.select %lt3A_1598, %sqrt3A_1596, %jit3A_1602 : f32
      %mul3A_1604 = arith.mulf %reduce_sum3A_507, %reduce_sum3A_507 : f32
      %mul3A_1605 = arith.mulf %reduce_sum3A_515, %reduce_sum3A_515 : f32
      %add3A_1606 = arith.addf %mul3A_1604, %mul3A_1605 : f32
      %mul3A_1607 = arith.mulf %reduce_sum3A_523, %reduce_sum3A_523 : f32
      %add3A_1608 = arith.addf %add3A_1606, %mul3A_1607 : f32
      %mul3A_1609 = arith.mulf %select_n3A_1310, %select_n3A_1310 : f32
      %mul3A_1610 = arith.mulf %select_n3A_1313, %select_n3A_1313 : f32
      %add3A_1611 = arith.addf %mul3A_1609, %mul3A_1610 : f32
      %mul3A_1612 = arith.mulf %select_n3A_1316, %select_n3A_1316 : f32
      %add3A_1613 = arith.addf %add3A_1611, %mul3A_1612 : f32
      %convert_element_type3A_1614 = arith.truncf %reduce_sum3A_507 : f32 to bf16
      %convert_element_type3A_1615 = arith.extf %convert_element_type3A_1614 : bf16 to f32
      %convert_element_type3A_1616 = arith.truncf %select_n3A_1310 : f32 to bf16
      %convert_element_type3A_1617 = arith.extf %convert_element_type3A_1616 : bf16 to f32
      %mul3A_1618 = arith.mulf %convert_element_type3A_1615, %convert_element_type3A_1617 : f32
      %convert_element_type3A_1619 = arith.truncf %reduce_sum3A_515 : f32 to bf16
      %convert_element_type3A_1620 = arith.extf %convert_element_type3A_1619 : bf16 to f32
      %convert_element_type3A_1621 = arith.truncf %select_n3A_1313 : f32 to bf16
      %convert_element_type3A_1622 = arith.extf %convert_element_type3A_1621 : bf16 to f32
      %mul3A_1623 = arith.mulf %convert_element_type3A_1620, %convert_element_type3A_1622 : f32
      %add3A_1624 = arith.addf %mul3A_1618, %mul3A_1623 : f32
      %convert_element_type3A_1625 = arith.truncf %reduce_sum3A_523 : f32 to bf16
      %convert_element_type3A_1626 = arith.extf %convert_element_type3A_1625 : bf16 to f32
      %convert_element_type3A_1627 = arith.truncf %select_n3A_1316 : f32 to bf16
      %convert_element_type3A_1628 = arith.extf %convert_element_type3A_1627 : bf16 to f32
      %mul3A_1629 = arith.mulf %convert_element_type3A_1626, %convert_element_type3A_1628 : f32
      %add3A_1630 = arith.addf %add3A_1624, %mul3A_1629 : f32
      %add3A_1631 = arith.addf %add3A_1608, %add3A_1613 : f32
      %mul3A_1632 = arith.constant 2.000000e+00 : f32
      %mul3A_1633 = arith.mulf %mul3A_1632, %add3A_1630 : f32
      %sub3A_1634 = arith.subf %add3A_1631, %mul3A_1633 : f32
      %max3A_1635 = arith.constant 9.99999996E-13 : f32
      %max3A_1636 = arith.maximumf %sub3A_1634, %max3A_1635 : f32
      %sqrt3A_1637 = math.sqrt %max3A_1636 : f32
      %lt3A_1638 = arith.cmpf olt, %sqrt3A_1637, %select_n3A_1603 : f32
      %jit3A_1639 = arith.constant 1 : i32
      %select_n3A_1640 = arith.select %lt3A_1638, %jit3A_1639, %select_n3A_1601 : i32
      %select_n3A_1641 = arith.select %lt3A_1638, %sqrt3A_1637, %select_n3A_1603 : f32
      %mul3A_1642 = arith.mulf %reduce_sum3A_507, %reduce_sum3A_507 : f32
      %mul3A_1643 = arith.mulf %reduce_sum3A_515, %reduce_sum3A_515 : f32
      %add3A_1644 = arith.addf %mul3A_1642, %mul3A_1643 : f32
      %mul3A_1645 = arith.mulf %reduce_sum3A_523, %reduce_sum3A_523 : f32
      %add3A_1646 = arith.addf %add3A_1644, %mul3A_1645 : f32
      %mul3A_1647 = arith.mulf %select_n3A_1351, %select_n3A_1351 : f32
      %mul3A_1648 = arith.mulf %select_n3A_1354, %select_n3A_1354 : f32
      %add3A_1649 = arith.addf %mul3A_1647, %mul3A_1648 : f32
      %mul3A_1650 = arith.mulf %select_n3A_1357, %select_n3A_1357 : f32
      %add3A_1651 = arith.addf %add3A_1649, %mul3A_1650 : f32
      %convert_element_type3A_1652 = arith.truncf %reduce_sum3A_507 : f32 to bf16
      %convert_element_type3A_1653 = arith.extf %convert_element_type3A_1652 : bf16 to f32
      %convert_element_type3A_1654 = arith.truncf %select_n3A_1351 : f32 to bf16
      %convert_element_type3A_1655 = arith.extf %convert_element_type3A_1654 : bf16 to f32
      %mul3A_1656 = arith.mulf %convert_element_type3A_1653, %convert_element_type3A_1655 : f32
      %convert_element_type3A_1657 = arith.truncf %reduce_sum3A_515 : f32 to bf16
      %convert_element_type3A_1658 = arith.extf %convert_element_type3A_1657 : bf16 to f32
      %convert_element_type3A_1659 = arith.truncf %select_n3A_1354 : f32 to bf16
      %convert_element_type3A_1660 = arith.extf %convert_element_type3A_1659 : bf16 to f32
      %mul3A_1661 = arith.mulf %convert_element_type3A_1658, %convert_element_type3A_1660 : f32
      %add3A_1662 = arith.addf %mul3A_1656, %mul3A_1661 : f32
      %convert_element_type3A_1663 = arith.truncf %reduce_sum3A_523 : f32 to bf16
      %convert_element_type3A_1664 = arith.extf %convert_element_type3A_1663 : bf16 to f32
      %convert_element_type3A_1665 = arith.truncf %select_n3A_1357 : f32 to bf16
      %convert_element_type3A_1666 = arith.extf %convert_element_type3A_1665 : bf16 to f32
      %mul3A_1667 = arith.mulf %convert_element_type3A_1664, %convert_element_type3A_1666 : f32
      %add3A_1668 = arith.addf %add3A_1662, %mul3A_1667 : f32
      %add3A_1669 = arith.addf %add3A_1646, %add3A_1651 : f32
      %mul3A_1670 = arith.constant 2.000000e+00 : f32
      %mul3A_1671 = arith.mulf %mul3A_1670, %add3A_1668 : f32
      %sub3A_1672 = arith.subf %add3A_1669, %mul3A_1671 : f32
      %max3A_1673 = arith.constant 9.99999996E-13 : f32
      %max3A_1674 = arith.maximumf %sub3A_1672, %max3A_1673 : f32
      %sqrt3A_1675 = math.sqrt %max3A_1674 : f32
      %lt3A_1676 = arith.cmpf olt, %sqrt3A_1675, %select_n3A_1641 : f32
      %jit3A_1677 = arith.constant 2 : i32
      %select_n3A_1678 = arith.select %lt3A_1676, %jit3A_1677, %select_n3A_1640 : i32
      %select_n3A_1679 = arith.select %lt3A_1676, %sqrt3A_1675, %select_n3A_1641 : f32
      %mul3A_1680 = arith.mulf %reduce_sum3A_507, %reduce_sum3A_507 : f32
      %mul3A_1681 = arith.mulf %reduce_sum3A_515, %reduce_sum3A_515 : f32
      %add3A_1682 = arith.addf %mul3A_1680, %mul3A_1681 : f32
      %mul3A_1683 = arith.mulf %reduce_sum3A_523, %reduce_sum3A_523 : f32
      %add3A_1684 = arith.addf %add3A_1682, %mul3A_1683 : f32
      %mul3A_1685 = arith.mulf %select_n3A_1392, %select_n3A_1392 : f32
      %mul3A_1686 = arith.mulf %select_n3A_1395, %select_n3A_1395 : f32
      %add3A_1687 = arith.addf %mul3A_1685, %mul3A_1686 : f32
      %mul3A_1688 = arith.mulf %select_n3A_1398, %select_n3A_1398 : f32
      %add3A_1689 = arith.addf %add3A_1687, %mul3A_1688 : f32
      %convert_element_type3A_1690 = arith.truncf %reduce_sum3A_507 : f32 to bf16
      %convert_element_type3A_1691 = arith.extf %convert_element_type3A_1690 : bf16 to f32
      %convert_element_type3A_1692 = arith.truncf %select_n3A_1392 : f32 to bf16
      %convert_element_type3A_1693 = arith.extf %convert_element_type3A_1692 : bf16 to f32
      %mul3A_1694 = arith.mulf %convert_element_type3A_1691, %convert_element_type3A_1693 : f32
      %convert_element_type3A_1695 = arith.truncf %reduce_sum3A_515 : f32 to bf16
      %convert_element_type3A_1696 = arith.extf %convert_element_type3A_1695 : bf16 to f32
      %convert_element_type3A_1697 = arith.truncf %select_n3A_1395 : f32 to bf16
      %convert_element_type3A_1698 = arith.extf %convert_element_type3A_1697 : bf16 to f32
      %mul3A_1699 = arith.mulf %convert_element_type3A_1696, %convert_element_type3A_1698 : f32
      %add3A_1700 = arith.addf %mul3A_1694, %mul3A_1699 : f32
      %convert_element_type3A_1701 = arith.truncf %reduce_sum3A_523 : f32 to bf16
      %convert_element_type3A_1702 = arith.extf %convert_element_type3A_1701 : bf16 to f32
      %convert_element_type3A_1703 = arith.truncf %select_n3A_1398 : f32 to bf16
      %convert_element_type3A_1704 = arith.extf %convert_element_type3A_1703 : bf16 to f32
      %mul3A_1705 = arith.mulf %convert_element_type3A_1702, %convert_element_type3A_1704 : f32
      %add3A_1706 = arith.addf %add3A_1700, %mul3A_1705 : f32
      %add3A_1707 = arith.addf %add3A_1684, %add3A_1689 : f32
      %mul3A_1708 = arith.constant 2.000000e+00 : f32
      %mul3A_1709 = arith.mulf %mul3A_1708, %add3A_1706 : f32
      %sub3A_1710 = arith.subf %add3A_1707, %mul3A_1709 : f32
      %max3A_1711 = arith.constant 9.99999996E-13 : f32
      %max3A_1712 = arith.maximumf %sub3A_1710, %max3A_1711 : f32
      %sqrt3A_1713 = math.sqrt %max3A_1712 : f32
      %lt3A_1714 = arith.cmpf olt, %sqrt3A_1713, %select_n3A_1679 : f32
      %jit3A_1715 = arith.constant 3 : i32
      %select_n3A_1716 = arith.select %lt3A_1714, %jit3A_1715, %select_n3A_1678 : i32
      %select_n3A_1717 = arith.select %lt3A_1714, %sqrt3A_1713, %select_n3A_1679 : f32
      %mul3A_1718 = arith.mulf %reduce_sum3A_507, %reduce_sum3A_507 : f32
      %mul3A_1719 = arith.mulf %reduce_sum3A_515, %reduce_sum3A_515 : f32
      %add3A_1720 = arith.addf %mul3A_1718, %mul3A_1719 : f32
      %mul3A_1721 = arith.mulf %reduce_sum3A_523, %reduce_sum3A_523 : f32
      %add3A_1722 = arith.addf %add3A_1720, %mul3A_1721 : f32
      %mul3A_1723 = arith.mulf %select_n3A_1433, %select_n3A_1433 : f32
      %mul3A_1724 = arith.mulf %select_n3A_1436, %select_n3A_1436 : f32
      %add3A_1725 = arith.addf %mul3A_1723, %mul3A_1724 : f32
      %mul3A_1726 = arith.mulf %select_n3A_1439, %select_n3A_1439 : f32
      %add3A_1727 = arith.addf %add3A_1725, %mul3A_1726 : f32
      %convert_element_type3A_1728 = arith.truncf %reduce_sum3A_507 : f32 to bf16
      %convert_element_type3A_1729 = arith.extf %convert_element_type3A_1728 : bf16 to f32
      %convert_element_type3A_1730 = arith.truncf %select_n3A_1433 : f32 to bf16
      %convert_element_type3A_1731 = arith.extf %convert_element_type3A_1730 : bf16 to f32
      %mul3A_1732 = arith.mulf %convert_element_type3A_1729, %convert_element_type3A_1731 : f32
      %convert_element_type3A_1733 = arith.truncf %reduce_sum3A_515 : f32 to bf16
      %convert_element_type3A_1734 = arith.extf %convert_element_type3A_1733 : bf16 to f32
      %convert_element_type3A_1735 = arith.truncf %select_n3A_1436 : f32 to bf16
      %convert_element_type3A_1736 = arith.extf %convert_element_type3A_1735 : bf16 to f32
      %mul3A_1737 = arith.mulf %convert_element_type3A_1734, %convert_element_type3A_1736 : f32
      %add3A_1738 = arith.addf %mul3A_1732, %mul3A_1737 : f32
      %convert_element_type3A_1739 = arith.truncf %reduce_sum3A_523 : f32 to bf16
      %convert_element_type3A_1740 = arith.extf %convert_element_type3A_1739 : bf16 to f32
      %convert_element_type3A_1741 = arith.truncf %select_n3A_1439 : f32 to bf16
      %convert_element_type3A_1742 = arith.extf %convert_element_type3A_1741 : bf16 to f32
      %mul3A_1743 = arith.mulf %convert_element_type3A_1740, %convert_element_type3A_1742 : f32
      %add3A_1744 = arith.addf %add3A_1738, %mul3A_1743 : f32
      %add3A_1745 = arith.addf %add3A_1722, %add3A_1727 : f32
      %mul3A_1746 = arith.constant 2.000000e+00 : f32
      %mul3A_1747 = arith.mulf %mul3A_1746, %add3A_1744 : f32
      %sub3A_1748 = arith.subf %add3A_1745, %mul3A_1747 : f32
      %max3A_1749 = arith.constant 9.99999996E-13 : f32
      %max3A_1750 = arith.maximumf %sub3A_1748, %max3A_1749 : f32
      %sqrt3A_1751 = math.sqrt %max3A_1750 : f32
      %lt3A_1752 = arith.cmpf olt, %sqrt3A_1751, %select_n3A_1717 : f32
      %jit3A_1753 = arith.constant 4 : i32
      %select_n3A_1754 = arith.select %lt3A_1752, %jit3A_1753, %select_n3A_1716 : i32
      %select_n3A_1755 = arith.select %lt3A_1752, %sqrt3A_1751, %select_n3A_1717 : f32
      %mul3A_1756 = arith.mulf %reduce_sum3A_507, %reduce_sum3A_507 : f32
      %mul3A_1757 = arith.mulf %reduce_sum3A_515, %reduce_sum3A_515 : f32
      %add3A_1758 = arith.addf %mul3A_1756, %mul3A_1757 : f32
      %mul3A_1759 = arith.mulf %reduce_sum3A_523, %reduce_sum3A_523 : f32
      %add3A_1760 = arith.addf %add3A_1758, %mul3A_1759 : f32
      %mul3A_1761 = arith.mulf %select_n3A_1474, %select_n3A_1474 : f32
      %mul3A_1762 = arith.mulf %select_n3A_1477, %select_n3A_1477 : f32
      %add3A_1763 = arith.addf %mul3A_1761, %mul3A_1762 : f32
      %mul3A_1764 = arith.mulf %select_n3A_1480, %select_n3A_1480 : f32
      %add3A_1765 = arith.addf %add3A_1763, %mul3A_1764 : f32
      %convert_element_type3A_1766 = arith.truncf %reduce_sum3A_507 : f32 to bf16
      %convert_element_type3A_1767 = arith.extf %convert_element_type3A_1766 : bf16 to f32
      %convert_element_type3A_1768 = arith.truncf %select_n3A_1474 : f32 to bf16
      %convert_element_type3A_1769 = arith.extf %convert_element_type3A_1768 : bf16 to f32
      %mul3A_1770 = arith.mulf %convert_element_type3A_1767, %convert_element_type3A_1769 : f32
      %convert_element_type3A_1771 = arith.truncf %reduce_sum3A_515 : f32 to bf16
      %convert_element_type3A_1772 = arith.extf %convert_element_type3A_1771 : bf16 to f32
      %convert_element_type3A_1773 = arith.truncf %select_n3A_1477 : f32 to bf16
      %convert_element_type3A_1774 = arith.extf %convert_element_type3A_1773 : bf16 to f32
      %mul3A_1775 = arith.mulf %convert_element_type3A_1772, %convert_element_type3A_1774 : f32
      %add3A_1776 = arith.addf %mul3A_1770, %mul3A_1775 : f32
      %convert_element_type3A_1777 = arith.truncf %reduce_sum3A_523 : f32 to bf16
      %convert_element_type3A_1778 = arith.extf %convert_element_type3A_1777 : bf16 to f32
      %convert_element_type3A_1779 = arith.truncf %select_n3A_1480 : f32 to bf16
      %convert_element_type3A_1780 = arith.extf %convert_element_type3A_1779 : bf16 to f32
      %mul3A_1781 = arith.mulf %convert_element_type3A_1778, %convert_element_type3A_1780 : f32
      %add3A_1782 = arith.addf %add3A_1776, %mul3A_1781 : f32
      %add3A_1783 = arith.addf %add3A_1760, %add3A_1765 : f32
      %mul3A_1784 = arith.constant 2.000000e+00 : f32
      %mul3A_1785 = arith.mulf %mul3A_1784, %add3A_1782 : f32
      %sub3A_1786 = arith.subf %add3A_1783, %mul3A_1785 : f32
      %max3A_1787 = arith.constant 9.99999996E-13 : f32
      %max3A_1788 = arith.maximumf %sub3A_1786, %max3A_1787 : f32
      %sqrt3A_1789 = math.sqrt %max3A_1788 : f32
      %lt3A_1790 = arith.cmpf olt, %sqrt3A_1789, %select_n3A_1755 : f32
      %jit3A_1791 = arith.constant 5 : i32
      %select_n3A_1792 = arith.select %lt3A_1790, %jit3A_1791, %select_n3A_1754 : i32
      %select_n3A_1793 = arith.select %lt3A_1790, %sqrt3A_1789, %select_n3A_1755 : f32
      %mul3A_1794 = arith.mulf %reduce_sum3A_507, %reduce_sum3A_507 : f32
      %mul3A_1795 = arith.mulf %reduce_sum3A_515, %reduce_sum3A_515 : f32
      %add3A_1796 = arith.addf %mul3A_1794, %mul3A_1795 : f32
      %mul3A_1797 = arith.mulf %reduce_sum3A_523, %reduce_sum3A_523 : f32
      %add3A_1798 = arith.addf %add3A_1796, %mul3A_1797 : f32
      %mul3A_1799 = arith.mulf %select_n3A_1515, %select_n3A_1515 : f32
      %mul3A_1800 = arith.mulf %select_n3A_1518, %select_n3A_1518 : f32
      %add3A_1801 = arith.addf %mul3A_1799, %mul3A_1800 : f32
      %mul3A_1802 = arith.mulf %select_n3A_1521, %select_n3A_1521 : f32
      %add3A_1803 = arith.addf %add3A_1801, %mul3A_1802 : f32
      %convert_element_type3A_1804 = arith.truncf %reduce_sum3A_507 : f32 to bf16
      %convert_element_type3A_1805 = arith.extf %convert_element_type3A_1804 : bf16 to f32
      %convert_element_type3A_1806 = arith.truncf %select_n3A_1515 : f32 to bf16
      %convert_element_type3A_1807 = arith.extf %convert_element_type3A_1806 : bf16 to f32
      %mul3A_1808 = arith.mulf %convert_element_type3A_1805, %convert_element_type3A_1807 : f32
      %convert_element_type3A_1809 = arith.truncf %reduce_sum3A_515 : f32 to bf16
      %convert_element_type3A_1810 = arith.extf %convert_element_type3A_1809 : bf16 to f32
      %convert_element_type3A_1811 = arith.truncf %select_n3A_1518 : f32 to bf16
      %convert_element_type3A_1812 = arith.extf %convert_element_type3A_1811 : bf16 to f32
      %mul3A_1813 = arith.mulf %convert_element_type3A_1810, %convert_element_type3A_1812 : f32
      %add3A_1814 = arith.addf %mul3A_1808, %mul3A_1813 : f32
      %convert_element_type3A_1815 = arith.truncf %reduce_sum3A_523 : f32 to bf16
      %convert_element_type3A_1816 = arith.extf %convert_element_type3A_1815 : bf16 to f32
      %convert_element_type3A_1817 = arith.truncf %select_n3A_1521 : f32 to bf16
      %convert_element_type3A_1818 = arith.extf %convert_element_type3A_1817 : bf16 to f32
      %mul3A_1819 = arith.mulf %convert_element_type3A_1816, %convert_element_type3A_1818 : f32
      %add3A_1820 = arith.addf %add3A_1814, %mul3A_1819 : f32
      %add3A_1821 = arith.addf %add3A_1798, %add3A_1803 : f32
      %mul3A_1822 = arith.constant 2.000000e+00 : f32
      %mul3A_1823 = arith.mulf %mul3A_1822, %add3A_1820 : f32
      %sub3A_1824 = arith.subf %add3A_1821, %mul3A_1823 : f32
      %max3A_1825 = arith.constant 9.99999996E-13 : f32
      %max3A_1826 = arith.maximumf %sub3A_1824, %max3A_1825 : f32
      %sqrt3A_1827 = math.sqrt %max3A_1826 : f32
      %lt3A_1828 = arith.cmpf olt, %sqrt3A_1827, %select_n3A_1793 : f32
      %jit3A_1829 = arith.constant 6 : i32
      %select_n3A_1830 = arith.select %lt3A_1828, %jit3A_1829, %select_n3A_1792 : i32
      %select_n3A_1831 = arith.select %lt3A_1828, %sqrt3A_1827, %select_n3A_1793 : f32
      %mul3A_1832 = arith.mulf %reduce_sum3A_507, %reduce_sum3A_507 : f32
      %mul3A_1833 = arith.mulf %reduce_sum3A_515, %reduce_sum3A_515 : f32
      %add3A_1834 = arith.addf %mul3A_1832, %mul3A_1833 : f32
      %mul3A_1835 = arith.mulf %reduce_sum3A_523, %reduce_sum3A_523 : f32
      %add3A_1836 = arith.addf %add3A_1834, %mul3A_1835 : f32
      %mul3A_1837 = arith.mulf %select_n3A_1556, %select_n3A_1556 : f32
      %mul3A_1838 = arith.mulf %select_n3A_1559, %select_n3A_1559 : f32
      %add3A_1839 = arith.addf %mul3A_1837, %mul3A_1838 : f32
      %mul3A_1840 = arith.mulf %select_n3A_1562, %select_n3A_1562 : f32
      %add3A_1841 = arith.addf %add3A_1839, %mul3A_1840 : f32
      %convert_element_type3A_1842 = arith.truncf %reduce_sum3A_507 : f32 to bf16
      %convert_element_type3A_1843 = arith.extf %convert_element_type3A_1842 : bf16 to f32
      %convert_element_type3A_1844 = arith.truncf %select_n3A_1556 : f32 to bf16
      %convert_element_type3A_1845 = arith.extf %convert_element_type3A_1844 : bf16 to f32
      %mul3A_1846 = arith.mulf %convert_element_type3A_1843, %convert_element_type3A_1845 : f32
      %convert_element_type3A_1847 = arith.truncf %reduce_sum3A_515 : f32 to bf16
      %convert_element_type3A_1848 = arith.extf %convert_element_type3A_1847 : bf16 to f32
      %convert_element_type3A_1849 = arith.truncf %select_n3A_1559 : f32 to bf16
      %convert_element_type3A_1850 = arith.extf %convert_element_type3A_1849 : bf16 to f32
      %mul3A_1851 = arith.mulf %convert_element_type3A_1848, %convert_element_type3A_1850 : f32
      %add3A_1852 = arith.addf %mul3A_1846, %mul3A_1851 : f32
      %convert_element_type3A_1853 = arith.truncf %reduce_sum3A_523 : f32 to bf16
      %convert_element_type3A_1854 = arith.extf %convert_element_type3A_1853 : bf16 to f32
      %convert_element_type3A_1855 = arith.truncf %select_n3A_1562 : f32 to bf16
      %convert_element_type3A_1856 = arith.extf %convert_element_type3A_1855 : bf16 to f32
      %mul3A_1857 = arith.mulf %convert_element_type3A_1854, %convert_element_type3A_1856 : f32
      %add3A_1858 = arith.addf %add3A_1852, %mul3A_1857 : f32
      %add3A_1859 = arith.addf %add3A_1836, %add3A_1841 : f32
      %mul3A_1860 = arith.constant 2.000000e+00 : f32
      %mul3A_1861 = arith.mulf %mul3A_1860, %add3A_1858 : f32
      %sub3A_1862 = arith.subf %add3A_1859, %mul3A_1861 : f32
      %max3A_1863 = arith.constant 9.99999996E-13 : f32
      %max3A_1864 = arith.maximumf %sub3A_1862, %max3A_1863 : f32
      %sqrt3A_1865 = math.sqrt %max3A_1864 : f32
      %lt3A_1866 = arith.cmpf olt, %sqrt3A_1865, %select_n3A_1831 : f32
      %jit3A_1867 = arith.constant 7 : i32
      %select_n3A_1868 = arith.select %lt3A_1866, %jit3A_1867, %select_n3A_1830 : i32
      %eq3A_1869 = arith.constant 0 : i32
      %eq3A_1870 = arith.cmpi eq, %select_n3A_1868, %eq3A_1869 : i32
      %jit3A_1871 = arith.constant 0.000000e+00 : f32
      %select_n3A_1872 = arith.select %eq3A_1870, %select_n3A_1269, %jit3A_1871 : f32
      %eq3A_1873 = arith.constant 0 : i32
      %eq3A_1874 = arith.cmpi eq, %select_n3A_1868, %eq3A_1873 : i32
      %jit3A_1875 = arith.constant 0.000000e+00 : f32
      %select_n3A_1876 = arith.select %eq3A_1874, %select_n3A_1272, %jit3A_1875 : f32
      %eq3A_1877 = arith.constant 0 : i32
      %eq3A_1878 = arith.cmpi eq, %select_n3A_1868, %eq3A_1877 : i32
      %jit3A_1879 = arith.constant 0.000000e+00 : f32
      %select_n3A_1880 = arith.select %eq3A_1878, %select_n3A_1275, %jit3A_1879 : f32
      %eq3A_1881 = arith.constant 1 : i32
      %eq3A_1882 = arith.cmpi eq, %select_n3A_1868, %eq3A_1881 : i32
      %select_n3A_1883 = arith.select %eq3A_1882, %select_n3A_1310, %select_n3A_1872 : f32
      %eq3A_1884 = arith.constant 1 : i32
      %eq3A_1885 = arith.cmpi eq, %select_n3A_1868, %eq3A_1884 : i32
      %select_n3A_1886 = arith.select %eq3A_1885, %select_n3A_1313, %select_n3A_1876 : f32
      %eq3A_1887 = arith.constant 1 : i32
      %eq3A_1888 = arith.cmpi eq, %select_n3A_1868, %eq3A_1887 : i32
      %select_n3A_1889 = arith.select %eq3A_1888, %select_n3A_1316, %select_n3A_1880 : f32
      %eq3A_1890 = arith.constant 2 : i32
      %eq3A_1891 = arith.cmpi eq, %select_n3A_1868, %eq3A_1890 : i32
      %select_n3A_1892 = arith.select %eq3A_1891, %select_n3A_1351, %select_n3A_1883 : f32
      %eq3A_1893 = arith.constant 2 : i32
      %eq3A_1894 = arith.cmpi eq, %select_n3A_1868, %eq3A_1893 : i32
      %select_n3A_1895 = arith.select %eq3A_1894, %select_n3A_1354, %select_n3A_1886 : f32
      %eq3A_1896 = arith.constant 2 : i32
      %eq3A_1897 = arith.cmpi eq, %select_n3A_1868, %eq3A_1896 : i32
      %select_n3A_1898 = arith.select %eq3A_1897, %select_n3A_1357, %select_n3A_1889 : f32
      %eq3A_1899 = arith.constant 3 : i32
      %eq3A_1900 = arith.cmpi eq, %select_n3A_1868, %eq3A_1899 : i32
      %select_n3A_1901 = arith.select %eq3A_1900, %select_n3A_1392, %select_n3A_1892 : f32
      %eq3A_1902 = arith.constant 3 : i32
      %eq3A_1903 = arith.cmpi eq, %select_n3A_1868, %eq3A_1902 : i32
      %select_n3A_1904 = arith.select %eq3A_1903, %select_n3A_1395, %select_n3A_1895 : f32
      %eq3A_1905 = arith.constant 3 : i32
      %eq3A_1906 = arith.cmpi eq, %select_n3A_1868, %eq3A_1905 : i32
      %select_n3A_1907 = arith.select %eq3A_1906, %select_n3A_1398, %select_n3A_1898 : f32
      %eq3A_1908 = arith.constant 4 : i32
      %eq3A_1909 = arith.cmpi eq, %select_n3A_1868, %eq3A_1908 : i32
      %select_n3A_1910 = arith.select %eq3A_1909, %select_n3A_1433, %select_n3A_1901 : f32
      %eq3A_1911 = arith.constant 4 : i32
      %eq3A_1912 = arith.cmpi eq, %select_n3A_1868, %eq3A_1911 : i32
      %select_n3A_1913 = arith.select %eq3A_1912, %select_n3A_1436, %select_n3A_1904 : f32
      %eq3A_1914 = arith.constant 4 : i32
      %eq3A_1915 = arith.cmpi eq, %select_n3A_1868, %eq3A_1914 : i32
      %select_n3A_1916 = arith.select %eq3A_1915, %select_n3A_1439, %select_n3A_1907 : f32
      %eq3A_1917 = arith.constant 5 : i32
      %eq3A_1918 = arith.cmpi eq, %select_n3A_1868, %eq3A_1917 : i32
      %select_n3A_1919 = arith.select %eq3A_1918, %select_n3A_1474, %select_n3A_1910 : f32
      %eq3A_1920 = arith.constant 5 : i32
      %eq3A_1921 = arith.cmpi eq, %select_n3A_1868, %eq3A_1920 : i32
      %select_n3A_1922 = arith.select %eq3A_1921, %select_n3A_1477, %select_n3A_1913 : f32
      %eq3A_1923 = arith.constant 5 : i32
      %eq3A_1924 = arith.cmpi eq, %select_n3A_1868, %eq3A_1923 : i32
      %select_n3A_1925 = arith.select %eq3A_1924, %select_n3A_1480, %select_n3A_1916 : f32
      %eq3A_1926 = arith.constant 6 : i32
      %eq3A_1927 = arith.cmpi eq, %select_n3A_1868, %eq3A_1926 : i32
      %select_n3A_1928 = arith.select %eq3A_1927, %select_n3A_1515, %select_n3A_1919 : f32
      %eq3A_1929 = arith.constant 6 : i32
      %eq3A_1930 = arith.cmpi eq, %select_n3A_1868, %eq3A_1929 : i32
      %select_n3A_1931 = arith.select %eq3A_1930, %select_n3A_1518, %select_n3A_1922 : f32
      %eq3A_1932 = arith.constant 6 : i32
      %eq3A_1933 = arith.cmpi eq, %select_n3A_1868, %eq3A_1932 : i32
      %select_n3A_1934 = arith.select %eq3A_1933, %select_n3A_1521, %select_n3A_1925 : f32
      %eq3A_1935 = arith.constant 7 : i32
      %eq3A_1936 = arith.cmpi eq, %select_n3A_1868, %eq3A_1935 : i32
      %select_n3A_1937 = arith.select %eq3A_1936, %select_n3A_1556, %select_n3A_1928 : f32
      %eq3A_1938 = arith.constant 7 : i32
      %eq3A_1939 = arith.cmpi eq, %select_n3A_1868, %eq3A_1938 : i32
      %select_n3A_1940 = arith.select %eq3A_1939, %select_n3A_1559, %select_n3A_1931 : f32
      %eq3A_1941 = arith.constant 7 : i32
      %eq3A_1942 = arith.cmpi eq, %select_n3A_1868, %eq3A_1941 : i32
      %select_n3A_1943 = arith.select %eq3A_1942, %select_n3A_1562, %select_n3A_1934 : f32
      %mul3A_1944 = arith.constant 8.000000e-01 : f32
      %mul3A_1945 = arith.mulf %mul3A_1944, %reduce_sum3A_507 : f32
      %mul3A_1946 = arith.constant 2.000000e-01 : f32
      %mul3A_1947 = arith.mulf %mul3A_1946, %select_n3A_1937 : f32
      %add3A_1948 = arith.addf %mul3A_1945, %mul3A_1947 : f32
      %mul3A_1949 = arith.constant 8.000000e-01 : f32
      %mul3A_1950 = arith.mulf %mul3A_1949, %reduce_sum3A_515 : f32
      %mul3A_1951 = arith.constant 2.000000e-01 : f32
      %mul3A_1952 = arith.mulf %mul3A_1951, %select_n3A_1940 : f32
      %add3A_1953 = arith.addf %mul3A_1950, %mul3A_1952 : f32
      %mul3A_1954 = arith.constant 8.000000e-01 : f32
      %mul3A_1955 = arith.mulf %mul3A_1954, %reduce_sum3A_523 : f32
      %mul3A_1956 = arith.constant 2.000000e-01 : f32
      %mul3A_1957 = arith.mulf %mul3A_1956, %select_n3A_1943 : f32
      %add3A_1958 = arith.addf %mul3A_1955, %mul3A_1957 : f32
      %mul3A_1959 = arith.mulf %reduce_sum3A_533, %reduce_sum3A_533 : f32
      %mul3A_1960 = arith.mulf %reduce_sum3A_541, %reduce_sum3A_541 : f32
      %add3A_1961 = arith.addf %mul3A_1959, %mul3A_1960 : f32
      %mul3A_1962 = arith.mulf %reduce_sum3A_549, %reduce_sum3A_549 : f32
      %add3A_1963 = arith.addf %add3A_1961, %mul3A_1962 : f32
      %mul3A_1964 = arith.mulf %select_n3A_1269, %select_n3A_1269 : f32
      %mul3A_1965 = arith.mulf %select_n3A_1272, %select_n3A_1272 : f32
      %add3A_1966 = arith.addf %mul3A_1964, %mul3A_1965 : f32
      %mul3A_1967 = arith.mulf %select_n3A_1275, %select_n3A_1275 : f32
      %add3A_1968 = arith.addf %add3A_1966, %mul3A_1967 : f32
      %convert_element_type3A_1969 = arith.truncf %reduce_sum3A_533 : f32 to bf16
      %convert_element_type3A_1970 = arith.extf %convert_element_type3A_1969 : bf16 to f32
      %convert_element_type3A_1971 = arith.truncf %select_n3A_1269 : f32 to bf16
      %convert_element_type3A_1972 = arith.extf %convert_element_type3A_1971 : bf16 to f32
      %mul3A_1973 = arith.mulf %convert_element_type3A_1970, %convert_element_type3A_1972 : f32
      %convert_element_type3A_1974 = arith.truncf %reduce_sum3A_541 : f32 to bf16
      %convert_element_type3A_1975 = arith.extf %convert_element_type3A_1974 : bf16 to f32
      %convert_element_type3A_1976 = arith.truncf %select_n3A_1272 : f32 to bf16
      %convert_element_type3A_1977 = arith.extf %convert_element_type3A_1976 : bf16 to f32
      %mul3A_1978 = arith.mulf %convert_element_type3A_1975, %convert_element_type3A_1977 : f32
      %add3A_1979 = arith.addf %mul3A_1973, %mul3A_1978 : f32
      %convert_element_type3A_1980 = arith.truncf %reduce_sum3A_549 : f32 to bf16
      %convert_element_type3A_1981 = arith.extf %convert_element_type3A_1980 : bf16 to f32
      %convert_element_type3A_1982 = arith.truncf %select_n3A_1275 : f32 to bf16
      %convert_element_type3A_1983 = arith.extf %convert_element_type3A_1982 : bf16 to f32
      %mul3A_1984 = arith.mulf %convert_element_type3A_1981, %convert_element_type3A_1983 : f32
      %add3A_1985 = arith.addf %add3A_1979, %mul3A_1984 : f32
      %add3A_1986 = arith.addf %add3A_1963, %add3A_1968 : f32
      %mul3A_1987 = arith.constant 2.000000e+00 : f32
      %mul3A_1988 = arith.mulf %mul3A_1987, %add3A_1985 : f32
      %sub3A_1989 = arith.subf %add3A_1986, %mul3A_1988 : f32
      %max3A_1990 = arith.constant 9.99999996E-13 : f32
      %max3A_1991 = arith.maximumf %sub3A_1989, %max3A_1990 : f32
      %sqrt3A_1992 = math.sqrt %max3A_1991 : f32
      %lt3A_1993 = arith.constant 0x7F800000 : f32
      %lt3A_1994 = arith.cmpf olt, %sqrt3A_1992, %lt3A_1993 : f32
      %jit3A_1995 = arith.constant 0 : i32
      %jit3A_1996 = arith.constant 0 : i32
      %select_n3A_1997 = arith.select %lt3A_1994, %jit3A_1995, %jit3A_1996 : i32
      %jit3A_1998 = arith.constant 0x7F800000 : f32
      %select_n3A_1999 = arith.select %lt3A_1994, %sqrt3A_1992, %jit3A_1998 : f32
      %mul3A_2000 = arith.mulf %reduce_sum3A_533, %reduce_sum3A_533 : f32
      %mul3A_2001 = arith.mulf %reduce_sum3A_541, %reduce_sum3A_541 : f32
      %add3A_2002 = arith.addf %mul3A_2000, %mul3A_2001 : f32
      %mul3A_2003 = arith.mulf %reduce_sum3A_549, %reduce_sum3A_549 : f32
      %add3A_2004 = arith.addf %add3A_2002, %mul3A_2003 : f32
      %mul3A_2005 = arith.mulf %select_n3A_1310, %select_n3A_1310 : f32
      %mul3A_2006 = arith.mulf %select_n3A_1313, %select_n3A_1313 : f32
      %add3A_2007 = arith.addf %mul3A_2005, %mul3A_2006 : f32
      %mul3A_2008 = arith.mulf %select_n3A_1316, %select_n3A_1316 : f32
      %add3A_2009 = arith.addf %add3A_2007, %mul3A_2008 : f32
      %convert_element_type3A_2010 = arith.truncf %reduce_sum3A_533 : f32 to bf16
      %convert_element_type3A_2011 = arith.extf %convert_element_type3A_2010 : bf16 to f32
      %convert_element_type3A_2012 = arith.truncf %select_n3A_1310 : f32 to bf16
      %convert_element_type3A_2013 = arith.extf %convert_element_type3A_2012 : bf16 to f32
      %mul3A_2014 = arith.mulf %convert_element_type3A_2011, %convert_element_type3A_2013 : f32
      %convert_element_type3A_2015 = arith.truncf %reduce_sum3A_541 : f32 to bf16
      %convert_element_type3A_2016 = arith.extf %convert_element_type3A_2015 : bf16 to f32
      %convert_element_type3A_2017 = arith.truncf %select_n3A_1313 : f32 to bf16
      %convert_element_type3A_2018 = arith.extf %convert_element_type3A_2017 : bf16 to f32
      %mul3A_2019 = arith.mulf %convert_element_type3A_2016, %convert_element_type3A_2018 : f32
      %add3A_2020 = arith.addf %mul3A_2014, %mul3A_2019 : f32
      %convert_element_type3A_2021 = arith.truncf %reduce_sum3A_549 : f32 to bf16
      %convert_element_type3A_2022 = arith.extf %convert_element_type3A_2021 : bf16 to f32
      %convert_element_type3A_2023 = arith.truncf %select_n3A_1316 : f32 to bf16
      %convert_element_type3A_2024 = arith.extf %convert_element_type3A_2023 : bf16 to f32
      %mul3A_2025 = arith.mulf %convert_element_type3A_2022, %convert_element_type3A_2024 : f32
      %add3A_2026 = arith.addf %add3A_2020, %mul3A_2025 : f32
      %add3A_2027 = arith.addf %add3A_2004, %add3A_2009 : f32
      %mul3A_2028 = arith.constant 2.000000e+00 : f32
      %mul3A_2029 = arith.mulf %mul3A_2028, %add3A_2026 : f32
      %sub3A_2030 = arith.subf %add3A_2027, %mul3A_2029 : f32
      %max3A_2031 = arith.constant 9.99999996E-13 : f32
      %max3A_2032 = arith.maximumf %sub3A_2030, %max3A_2031 : f32
      %sqrt3A_2033 = math.sqrt %max3A_2032 : f32
      %lt3A_2034 = arith.cmpf olt, %sqrt3A_2033, %select_n3A_1999 : f32
      %jit3A_2035 = arith.constant 1 : i32
      %select_n3A_2036 = arith.select %lt3A_2034, %jit3A_2035, %select_n3A_1997 : i32
      %select_n3A_2037 = arith.select %lt3A_2034, %sqrt3A_2033, %select_n3A_1999 : f32
      %mul3A_2038 = arith.mulf %reduce_sum3A_533, %reduce_sum3A_533 : f32
      %mul3A_2039 = arith.mulf %reduce_sum3A_541, %reduce_sum3A_541 : f32
      %add3A_2040 = arith.addf %mul3A_2038, %mul3A_2039 : f32
      %mul3A_2041 = arith.mulf %reduce_sum3A_549, %reduce_sum3A_549 : f32
      %add3A_2042 = arith.addf %add3A_2040, %mul3A_2041 : f32
      %mul3A_2043 = arith.mulf %select_n3A_1351, %select_n3A_1351 : f32
      %mul3A_2044 = arith.mulf %select_n3A_1354, %select_n3A_1354 : f32
      %add3A_2045 = arith.addf %mul3A_2043, %mul3A_2044 : f32
      %mul3A_2046 = arith.mulf %select_n3A_1357, %select_n3A_1357 : f32
      %add3A_2047 = arith.addf %add3A_2045, %mul3A_2046 : f32
      %convert_element_type3A_2048 = arith.truncf %reduce_sum3A_533 : f32 to bf16
      %convert_element_type3A_2049 = arith.extf %convert_element_type3A_2048 : bf16 to f32
      %convert_element_type3A_2050 = arith.truncf %select_n3A_1351 : f32 to bf16
      %convert_element_type3A_2051 = arith.extf %convert_element_type3A_2050 : bf16 to f32
      %mul3A_2052 = arith.mulf %convert_element_type3A_2049, %convert_element_type3A_2051 : f32
      %convert_element_type3A_2053 = arith.truncf %reduce_sum3A_541 : f32 to bf16
      %convert_element_type3A_2054 = arith.extf %convert_element_type3A_2053 : bf16 to f32
      %convert_element_type3A_2055 = arith.truncf %select_n3A_1354 : f32 to bf16
      %convert_element_type3A_2056 = arith.extf %convert_element_type3A_2055 : bf16 to f32
      %mul3A_2057 = arith.mulf %convert_element_type3A_2054, %convert_element_type3A_2056 : f32
      %add3A_2058 = arith.addf %mul3A_2052, %mul3A_2057 : f32
      %convert_element_type3A_2059 = arith.truncf %reduce_sum3A_549 : f32 to bf16
      %convert_element_type3A_2060 = arith.extf %convert_element_type3A_2059 : bf16 to f32
      %convert_element_type3A_2061 = arith.truncf %select_n3A_1357 : f32 to bf16
      %convert_element_type3A_2062 = arith.extf %convert_element_type3A_2061 : bf16 to f32
      %mul3A_2063 = arith.mulf %convert_element_type3A_2060, %convert_element_type3A_2062 : f32
      %add3A_2064 = arith.addf %add3A_2058, %mul3A_2063 : f32
      %add3A_2065 = arith.addf %add3A_2042, %add3A_2047 : f32
      %mul3A_2066 = arith.constant 2.000000e+00 : f32
      %mul3A_2067 = arith.mulf %mul3A_2066, %add3A_2064 : f32
      %sub3A_2068 = arith.subf %add3A_2065, %mul3A_2067 : f32
      %max3A_2069 = arith.constant 9.99999996E-13 : f32
      %max3A_2070 = arith.maximumf %sub3A_2068, %max3A_2069 : f32
      %sqrt3A_2071 = math.sqrt %max3A_2070 : f32
      %lt3A_2072 = arith.cmpf olt, %sqrt3A_2071, %select_n3A_2037 : f32
      %jit3A_2073 = arith.constant 2 : i32
      %select_n3A_2074 = arith.select %lt3A_2072, %jit3A_2073, %select_n3A_2036 : i32
      %select_n3A_2075 = arith.select %lt3A_2072, %sqrt3A_2071, %select_n3A_2037 : f32
      %mul3A_2076 = arith.mulf %reduce_sum3A_533, %reduce_sum3A_533 : f32
      %mul3A_2077 = arith.mulf %reduce_sum3A_541, %reduce_sum3A_541 : f32
      %add3A_2078 = arith.addf %mul3A_2076, %mul3A_2077 : f32
      %mul3A_2079 = arith.mulf %reduce_sum3A_549, %reduce_sum3A_549 : f32
      %add3A_2080 = arith.addf %add3A_2078, %mul3A_2079 : f32
      %mul3A_2081 = arith.mulf %select_n3A_1392, %select_n3A_1392 : f32
      %mul3A_2082 = arith.mulf %select_n3A_1395, %select_n3A_1395 : f32
      %add3A_2083 = arith.addf %mul3A_2081, %mul3A_2082 : f32
      %mul3A_2084 = arith.mulf %select_n3A_1398, %select_n3A_1398 : f32
      %add3A_2085 = arith.addf %add3A_2083, %mul3A_2084 : f32
      %convert_element_type3A_2086 = arith.truncf %reduce_sum3A_533 : f32 to bf16
      %convert_element_type3A_2087 = arith.extf %convert_element_type3A_2086 : bf16 to f32
      %convert_element_type3A_2088 = arith.truncf %select_n3A_1392 : f32 to bf16
      %convert_element_type3A_2089 = arith.extf %convert_element_type3A_2088 : bf16 to f32
      %mul3A_2090 = arith.mulf %convert_element_type3A_2087, %convert_element_type3A_2089 : f32
      %convert_element_type3A_2091 = arith.truncf %reduce_sum3A_541 : f32 to bf16
      %convert_element_type3A_2092 = arith.extf %convert_element_type3A_2091 : bf16 to f32
      %convert_element_type3A_2093 = arith.truncf %select_n3A_1395 : f32 to bf16
      %convert_element_type3A_2094 = arith.extf %convert_element_type3A_2093 : bf16 to f32
      %mul3A_2095 = arith.mulf %convert_element_type3A_2092, %convert_element_type3A_2094 : f32
      %add3A_2096 = arith.addf %mul3A_2090, %mul3A_2095 : f32
      %convert_element_type3A_2097 = arith.truncf %reduce_sum3A_549 : f32 to bf16
      %convert_element_type3A_2098 = arith.extf %convert_element_type3A_2097 : bf16 to f32
      %convert_element_type3A_2099 = arith.truncf %select_n3A_1398 : f32 to bf16
      %convert_element_type3A_2100 = arith.extf %convert_element_type3A_2099 : bf16 to f32
      %mul3A_2101 = arith.mulf %convert_element_type3A_2098, %convert_element_type3A_2100 : f32
      %add3A_2102 = arith.addf %add3A_2096, %mul3A_2101 : f32
      %add3A_2103 = arith.addf %add3A_2080, %add3A_2085 : f32
      %mul3A_2104 = arith.constant 2.000000e+00 : f32
      %mul3A_2105 = arith.mulf %mul3A_2104, %add3A_2102 : f32
      %sub3A_2106 = arith.subf %add3A_2103, %mul3A_2105 : f32
      %max3A_2107 = arith.constant 9.99999996E-13 : f32
      %max3A_2108 = arith.maximumf %sub3A_2106, %max3A_2107 : f32
      %sqrt3A_2109 = math.sqrt %max3A_2108 : f32
      %lt3A_2110 = arith.cmpf olt, %sqrt3A_2109, %select_n3A_2075 : f32
      %jit3A_2111 = arith.constant 3 : i32
      %select_n3A_2112 = arith.select %lt3A_2110, %jit3A_2111, %select_n3A_2074 : i32
      %select_n3A_2113 = arith.select %lt3A_2110, %sqrt3A_2109, %select_n3A_2075 : f32
      %mul3A_2114 = arith.mulf %reduce_sum3A_533, %reduce_sum3A_533 : f32
      %mul3A_2115 = arith.mulf %reduce_sum3A_541, %reduce_sum3A_541 : f32
      %add3A_2116 = arith.addf %mul3A_2114, %mul3A_2115 : f32
      %mul3A_2117 = arith.mulf %reduce_sum3A_549, %reduce_sum3A_549 : f32
      %add3A_2118 = arith.addf %add3A_2116, %mul3A_2117 : f32
      %mul3A_2119 = arith.mulf %select_n3A_1433, %select_n3A_1433 : f32
      %mul3A_2120 = arith.mulf %select_n3A_1436, %select_n3A_1436 : f32
      %add3A_2121 = arith.addf %mul3A_2119, %mul3A_2120 : f32
      %mul3A_2122 = arith.mulf %select_n3A_1439, %select_n3A_1439 : f32
      %add3A_2123 = arith.addf %add3A_2121, %mul3A_2122 : f32
      %convert_element_type3A_2124 = arith.truncf %reduce_sum3A_533 : f32 to bf16
      %convert_element_type3A_2125 = arith.extf %convert_element_type3A_2124 : bf16 to f32
      %convert_element_type3A_2126 = arith.truncf %select_n3A_1433 : f32 to bf16
      %convert_element_type3A_2127 = arith.extf %convert_element_type3A_2126 : bf16 to f32
      %mul3A_2128 = arith.mulf %convert_element_type3A_2125, %convert_element_type3A_2127 : f32
      %convert_element_type3A_2129 = arith.truncf %reduce_sum3A_541 : f32 to bf16
      %convert_element_type3A_2130 = arith.extf %convert_element_type3A_2129 : bf16 to f32
      %convert_element_type3A_2131 = arith.truncf %select_n3A_1436 : f32 to bf16
      %convert_element_type3A_2132 = arith.extf %convert_element_type3A_2131 : bf16 to f32
      %mul3A_2133 = arith.mulf %convert_element_type3A_2130, %convert_element_type3A_2132 : f32
      %add3A_2134 = arith.addf %mul3A_2128, %mul3A_2133 : f32
      %convert_element_type3A_2135 = arith.truncf %reduce_sum3A_549 : f32 to bf16
      %convert_element_type3A_2136 = arith.extf %convert_element_type3A_2135 : bf16 to f32
      %convert_element_type3A_2137 = arith.truncf %select_n3A_1439 : f32 to bf16
      %convert_element_type3A_2138 = arith.extf %convert_element_type3A_2137 : bf16 to f32
      %mul3A_2139 = arith.mulf %convert_element_type3A_2136, %convert_element_type3A_2138 : f32
      %add3A_2140 = arith.addf %add3A_2134, %mul3A_2139 : f32
      %add3A_2141 = arith.addf %add3A_2118, %add3A_2123 : f32
      %mul3A_2142 = arith.constant 2.000000e+00 : f32
      %mul3A_2143 = arith.mulf %mul3A_2142, %add3A_2140 : f32
      %sub3A_2144 = arith.subf %add3A_2141, %mul3A_2143 : f32
      %max3A_2145 = arith.constant 9.99999996E-13 : f32
      %max3A_2146 = arith.maximumf %sub3A_2144, %max3A_2145 : f32
      %sqrt3A_2147 = math.sqrt %max3A_2146 : f32
      %lt3A_2148 = arith.cmpf olt, %sqrt3A_2147, %select_n3A_2113 : f32
      %jit3A_2149 = arith.constant 4 : i32
      %select_n3A_2150 = arith.select %lt3A_2148, %jit3A_2149, %select_n3A_2112 : i32
      %select_n3A_2151 = arith.select %lt3A_2148, %sqrt3A_2147, %select_n3A_2113 : f32
      %mul3A_2152 = arith.mulf %reduce_sum3A_533, %reduce_sum3A_533 : f32
      %mul3A_2153 = arith.mulf %reduce_sum3A_541, %reduce_sum3A_541 : f32
      %add3A_2154 = arith.addf %mul3A_2152, %mul3A_2153 : f32
      %mul3A_2155 = arith.mulf %reduce_sum3A_549, %reduce_sum3A_549 : f32
      %add3A_2156 = arith.addf %add3A_2154, %mul3A_2155 : f32
      %mul3A_2157 = arith.mulf %select_n3A_1474, %select_n3A_1474 : f32
      %mul3A_2158 = arith.mulf %select_n3A_1477, %select_n3A_1477 : f32
      %add3A_2159 = arith.addf %mul3A_2157, %mul3A_2158 : f32
      %mul3A_2160 = arith.mulf %select_n3A_1480, %select_n3A_1480 : f32
      %add3A_2161 = arith.addf %add3A_2159, %mul3A_2160 : f32
      %convert_element_type3A_2162 = arith.truncf %reduce_sum3A_533 : f32 to bf16
      %convert_element_type3A_2163 = arith.extf %convert_element_type3A_2162 : bf16 to f32
      %convert_element_type3A_2164 = arith.truncf %select_n3A_1474 : f32 to bf16
      %convert_element_type3A_2165 = arith.extf %convert_element_type3A_2164 : bf16 to f32
      %mul3A_2166 = arith.mulf %convert_element_type3A_2163, %convert_element_type3A_2165 : f32
      %convert_element_type3A_2167 = arith.truncf %reduce_sum3A_541 : f32 to bf16
      %convert_element_type3A_2168 = arith.extf %convert_element_type3A_2167 : bf16 to f32
      %convert_element_type3A_2169 = arith.truncf %select_n3A_1477 : f32 to bf16
      %convert_element_type3A_2170 = arith.extf %convert_element_type3A_2169 : bf16 to f32
      %mul3A_2171 = arith.mulf %convert_element_type3A_2168, %convert_element_type3A_2170 : f32
      %add3A_2172 = arith.addf %mul3A_2166, %mul3A_2171 : f32
      %convert_element_type3A_2173 = arith.truncf %reduce_sum3A_549 : f32 to bf16
      %convert_element_type3A_2174 = arith.extf %convert_element_type3A_2173 : bf16 to f32
      %convert_element_type3A_2175 = arith.truncf %select_n3A_1480 : f32 to bf16
      %convert_element_type3A_2176 = arith.extf %convert_element_type3A_2175 : bf16 to f32
      %mul3A_2177 = arith.mulf %convert_element_type3A_2174, %convert_element_type3A_2176 : f32
      %add3A_2178 = arith.addf %add3A_2172, %mul3A_2177 : f32
      %add3A_2179 = arith.addf %add3A_2156, %add3A_2161 : f32
      %mul3A_2180 = arith.constant 2.000000e+00 : f32
      %mul3A_2181 = arith.mulf %mul3A_2180, %add3A_2178 : f32
      %sub3A_2182 = arith.subf %add3A_2179, %mul3A_2181 : f32
      %max3A_2183 = arith.constant 9.99999996E-13 : f32
      %max3A_2184 = arith.maximumf %sub3A_2182, %max3A_2183 : f32
      %sqrt3A_2185 = math.sqrt %max3A_2184 : f32
      %lt3A_2186 = arith.cmpf olt, %sqrt3A_2185, %select_n3A_2151 : f32
      %jit3A_2187 = arith.constant 5 : i32
      %select_n3A_2188 = arith.select %lt3A_2186, %jit3A_2187, %select_n3A_2150 : i32
      %select_n3A_2189 = arith.select %lt3A_2186, %sqrt3A_2185, %select_n3A_2151 : f32
      %mul3A_2190 = arith.mulf %reduce_sum3A_533, %reduce_sum3A_533 : f32
      %mul3A_2191 = arith.mulf %reduce_sum3A_541, %reduce_sum3A_541 : f32
      %add3A_2192 = arith.addf %mul3A_2190, %mul3A_2191 : f32
      %mul3A_2193 = arith.mulf %reduce_sum3A_549, %reduce_sum3A_549 : f32
      %add3A_2194 = arith.addf %add3A_2192, %mul3A_2193 : f32
      %mul3A_2195 = arith.mulf %select_n3A_1515, %select_n3A_1515 : f32
      %mul3A_2196 = arith.mulf %select_n3A_1518, %select_n3A_1518 : f32
      %add3A_2197 = arith.addf %mul3A_2195, %mul3A_2196 : f32
      %mul3A_2198 = arith.mulf %select_n3A_1521, %select_n3A_1521 : f32
      %add3A_2199 = arith.addf %add3A_2197, %mul3A_2198 : f32
      %convert_element_type3A_2200 = arith.truncf %reduce_sum3A_533 : f32 to bf16
      %convert_element_type3A_2201 = arith.extf %convert_element_type3A_2200 : bf16 to f32
      %convert_element_type3A_2202 = arith.truncf %select_n3A_1515 : f32 to bf16
      %convert_element_type3A_2203 = arith.extf %convert_element_type3A_2202 : bf16 to f32
      %mul3A_2204 = arith.mulf %convert_element_type3A_2201, %convert_element_type3A_2203 : f32
      %convert_element_type3A_2205 = arith.truncf %reduce_sum3A_541 : f32 to bf16
      %convert_element_type3A_2206 = arith.extf %convert_element_type3A_2205 : bf16 to f32
      %convert_element_type3A_2207 = arith.truncf %select_n3A_1518 : f32 to bf16
      %convert_element_type3A_2208 = arith.extf %convert_element_type3A_2207 : bf16 to f32
      %mul3A_2209 = arith.mulf %convert_element_type3A_2206, %convert_element_type3A_2208 : f32
      %add3A_2210 = arith.addf %mul3A_2204, %mul3A_2209 : f32
      %convert_element_type3A_2211 = arith.truncf %reduce_sum3A_549 : f32 to bf16
      %convert_element_type3A_2212 = arith.extf %convert_element_type3A_2211 : bf16 to f32
      %convert_element_type3A_2213 = arith.truncf %select_n3A_1521 : f32 to bf16
      %convert_element_type3A_2214 = arith.extf %convert_element_type3A_2213 : bf16 to f32
      %mul3A_2215 = arith.mulf %convert_element_type3A_2212, %convert_element_type3A_2214 : f32
      %add3A_2216 = arith.addf %add3A_2210, %mul3A_2215 : f32
      %add3A_2217 = arith.addf %add3A_2194, %add3A_2199 : f32
      %mul3A_2218 = arith.constant 2.000000e+00 : f32
      %mul3A_2219 = arith.mulf %mul3A_2218, %add3A_2216 : f32
      %sub3A_2220 = arith.subf %add3A_2217, %mul3A_2219 : f32
      %max3A_2221 = arith.constant 9.99999996E-13 : f32
      %max3A_2222 = arith.maximumf %sub3A_2220, %max3A_2221 : f32
      %sqrt3A_2223 = math.sqrt %max3A_2222 : f32
      %lt3A_2224 = arith.cmpf olt, %sqrt3A_2223, %select_n3A_2189 : f32
      %jit3A_2225 = arith.constant 6 : i32
      %select_n3A_2226 = arith.select %lt3A_2224, %jit3A_2225, %select_n3A_2188 : i32
      %select_n3A_2227 = arith.select %lt3A_2224, %sqrt3A_2223, %select_n3A_2189 : f32
      %mul3A_2228 = arith.mulf %reduce_sum3A_533, %reduce_sum3A_533 : f32
      %mul3A_2229 = arith.mulf %reduce_sum3A_541, %reduce_sum3A_541 : f32
      %add3A_2230 = arith.addf %mul3A_2228, %mul3A_2229 : f32
      %mul3A_2231 = arith.mulf %reduce_sum3A_549, %reduce_sum3A_549 : f32
      %add3A_2232 = arith.addf %add3A_2230, %mul3A_2231 : f32
      %mul3A_2233 = arith.mulf %select_n3A_1556, %select_n3A_1556 : f32
      %mul3A_2234 = arith.mulf %select_n3A_1559, %select_n3A_1559 : f32
      %add3A_2235 = arith.addf %mul3A_2233, %mul3A_2234 : f32
      %mul3A_2236 = arith.mulf %select_n3A_1562, %select_n3A_1562 : f32
      %add3A_2237 = arith.addf %add3A_2235, %mul3A_2236 : f32
      %convert_element_type3A_2238 = arith.truncf %reduce_sum3A_533 : f32 to bf16
      %convert_element_type3A_2239 = arith.extf %convert_element_type3A_2238 : bf16 to f32
      %convert_element_type3A_2240 = arith.truncf %select_n3A_1556 : f32 to bf16
      %convert_element_type3A_2241 = arith.extf %convert_element_type3A_2240 : bf16 to f32
      %mul3A_2242 = arith.mulf %convert_element_type3A_2239, %convert_element_type3A_2241 : f32
      %convert_element_type3A_2243 = arith.truncf %reduce_sum3A_541 : f32 to bf16
      %convert_element_type3A_2244 = arith.extf %convert_element_type3A_2243 : bf16 to f32
      %convert_element_type3A_2245 = arith.truncf %select_n3A_1559 : f32 to bf16
      %convert_element_type3A_2246 = arith.extf %convert_element_type3A_2245 : bf16 to f32
      %mul3A_2247 = arith.mulf %convert_element_type3A_2244, %convert_element_type3A_2246 : f32
      %add3A_2248 = arith.addf %mul3A_2242, %mul3A_2247 : f32
      %convert_element_type3A_2249 = arith.truncf %reduce_sum3A_549 : f32 to bf16
      %convert_element_type3A_2250 = arith.extf %convert_element_type3A_2249 : bf16 to f32
      %convert_element_type3A_2251 = arith.truncf %select_n3A_1562 : f32 to bf16
      %convert_element_type3A_2252 = arith.extf %convert_element_type3A_2251 : bf16 to f32
      %mul3A_2253 = arith.mulf %convert_element_type3A_2250, %convert_element_type3A_2252 : f32
      %add3A_2254 = arith.addf %add3A_2248, %mul3A_2253 : f32
      %add3A_2255 = arith.addf %add3A_2232, %add3A_2237 : f32
      %mul3A_2256 = arith.constant 2.000000e+00 : f32
      %mul3A_2257 = arith.mulf %mul3A_2256, %add3A_2254 : f32
      %sub3A_2258 = arith.subf %add3A_2255, %mul3A_2257 : f32
      %max3A_2259 = arith.constant 9.99999996E-13 : f32
      %max3A_2260 = arith.maximumf %sub3A_2258, %max3A_2259 : f32
      %sqrt3A_2261 = math.sqrt %max3A_2260 : f32
      %lt3A_2262 = arith.cmpf olt, %sqrt3A_2261, %select_n3A_2227 : f32
      %jit3A_2263 = arith.constant 7 : i32
      %select_n3A_2264 = arith.select %lt3A_2262, %jit3A_2263, %select_n3A_2226 : i32
      %eq3A_2265 = arith.constant 0 : i32
      %eq3A_2266 = arith.cmpi eq, %select_n3A_2264, %eq3A_2265 : i32
      %jit3A_2267 = arith.constant 0.000000e+00 : f32
      %select_n3A_2268 = arith.select %eq3A_2266, %select_n3A_1269, %jit3A_2267 : f32
      %eq3A_2269 = arith.constant 0 : i32
      %eq3A_2270 = arith.cmpi eq, %select_n3A_2264, %eq3A_2269 : i32
      %jit3A_2271 = arith.constant 0.000000e+00 : f32
      %select_n3A_2272 = arith.select %eq3A_2270, %select_n3A_1272, %jit3A_2271 : f32
      %eq3A_2273 = arith.constant 0 : i32
      %eq3A_2274 = arith.cmpi eq, %select_n3A_2264, %eq3A_2273 : i32
      %jit3A_2275 = arith.constant 0.000000e+00 : f32
      %select_n3A_2276 = arith.select %eq3A_2274, %select_n3A_1275, %jit3A_2275 : f32
      %eq3A_2277 = arith.constant 1 : i32
      %eq3A_2278 = arith.cmpi eq, %select_n3A_2264, %eq3A_2277 : i32
      %select_n3A_2279 = arith.select %eq3A_2278, %select_n3A_1310, %select_n3A_2268 : f32
      %eq3A_2280 = arith.constant 1 : i32
      %eq3A_2281 = arith.cmpi eq, %select_n3A_2264, %eq3A_2280 : i32
      %select_n3A_2282 = arith.select %eq3A_2281, %select_n3A_1313, %select_n3A_2272 : f32
      %eq3A_2283 = arith.constant 1 : i32
      %eq3A_2284 = arith.cmpi eq, %select_n3A_2264, %eq3A_2283 : i32
      %select_n3A_2285 = arith.select %eq3A_2284, %select_n3A_1316, %select_n3A_2276 : f32
      %eq3A_2286 = arith.constant 2 : i32
      %eq3A_2287 = arith.cmpi eq, %select_n3A_2264, %eq3A_2286 : i32
      %select_n3A_2288 = arith.select %eq3A_2287, %select_n3A_1351, %select_n3A_2279 : f32
      %eq3A_2289 = arith.constant 2 : i32
      %eq3A_2290 = arith.cmpi eq, %select_n3A_2264, %eq3A_2289 : i32
      %select_n3A_2291 = arith.select %eq3A_2290, %select_n3A_1354, %select_n3A_2282 : f32
      %eq3A_2292 = arith.constant 2 : i32
      %eq3A_2293 = arith.cmpi eq, %select_n3A_2264, %eq3A_2292 : i32
      %select_n3A_2294 = arith.select %eq3A_2293, %select_n3A_1357, %select_n3A_2285 : f32
      %eq3A_2295 = arith.constant 3 : i32
      %eq3A_2296 = arith.cmpi eq, %select_n3A_2264, %eq3A_2295 : i32
      %select_n3A_2297 = arith.select %eq3A_2296, %select_n3A_1392, %select_n3A_2288 : f32
      %eq3A_2298 = arith.constant 3 : i32
      %eq3A_2299 = arith.cmpi eq, %select_n3A_2264, %eq3A_2298 : i32
      %select_n3A_2300 = arith.select %eq3A_2299, %select_n3A_1395, %select_n3A_2291 : f32
      %eq3A_2301 = arith.constant 3 : i32
      %eq3A_2302 = arith.cmpi eq, %select_n3A_2264, %eq3A_2301 : i32
      %select_n3A_2303 = arith.select %eq3A_2302, %select_n3A_1398, %select_n3A_2294 : f32
      %eq3A_2304 = arith.constant 4 : i32
      %eq3A_2305 = arith.cmpi eq, %select_n3A_2264, %eq3A_2304 : i32
      %select_n3A_2306 = arith.select %eq3A_2305, %select_n3A_1433, %select_n3A_2297 : f32
      %eq3A_2307 = arith.constant 4 : i32
      %eq3A_2308 = arith.cmpi eq, %select_n3A_2264, %eq3A_2307 : i32
      %select_n3A_2309 = arith.select %eq3A_2308, %select_n3A_1436, %select_n3A_2300 : f32
      %eq3A_2310 = arith.constant 4 : i32
      %eq3A_2311 = arith.cmpi eq, %select_n3A_2264, %eq3A_2310 : i32
      %select_n3A_2312 = arith.select %eq3A_2311, %select_n3A_1439, %select_n3A_2303 : f32
      %eq3A_2313 = arith.constant 5 : i32
      %eq3A_2314 = arith.cmpi eq, %select_n3A_2264, %eq3A_2313 : i32
      %select_n3A_2315 = arith.select %eq3A_2314, %select_n3A_1474, %select_n3A_2306 : f32
      %eq3A_2316 = arith.constant 5 : i32
      %eq3A_2317 = arith.cmpi eq, %select_n3A_2264, %eq3A_2316 : i32
      %select_n3A_2318 = arith.select %eq3A_2317, %select_n3A_1477, %select_n3A_2309 : f32
      %eq3A_2319 = arith.constant 5 : i32
      %eq3A_2320 = arith.cmpi eq, %select_n3A_2264, %eq3A_2319 : i32
      %select_n3A_2321 = arith.select %eq3A_2320, %select_n3A_1480, %select_n3A_2312 : f32
      %eq3A_2322 = arith.constant 6 : i32
      %eq3A_2323 = arith.cmpi eq, %select_n3A_2264, %eq3A_2322 : i32
      %select_n3A_2324 = arith.select %eq3A_2323, %select_n3A_1515, %select_n3A_2315 : f32
      %eq3A_2325 = arith.constant 6 : i32
      %eq3A_2326 = arith.cmpi eq, %select_n3A_2264, %eq3A_2325 : i32
      %select_n3A_2327 = arith.select %eq3A_2326, %select_n3A_1518, %select_n3A_2318 : f32
      %eq3A_2328 = arith.constant 6 : i32
      %eq3A_2329 = arith.cmpi eq, %select_n3A_2264, %eq3A_2328 : i32
      %select_n3A_2330 = arith.select %eq3A_2329, %select_n3A_1521, %select_n3A_2321 : f32
      %eq3A_2331 = arith.constant 7 : i32
      %eq3A_2332 = arith.cmpi eq, %select_n3A_2264, %eq3A_2331 : i32
      %select_n3A_2333 = arith.select %eq3A_2332, %select_n3A_1556, %select_n3A_2324 : f32
      %eq3A_2334 = arith.constant 7 : i32
      %eq3A_2335 = arith.cmpi eq, %select_n3A_2264, %eq3A_2334 : i32
      %select_n3A_2336 = arith.select %eq3A_2335, %select_n3A_1559, %select_n3A_2327 : f32
      %eq3A_2337 = arith.constant 7 : i32
      %eq3A_2338 = arith.cmpi eq, %select_n3A_2264, %eq3A_2337 : i32
      %select_n3A_2339 = arith.select %eq3A_2338, %select_n3A_1562, %select_n3A_2330 : f32
      %mul3A_2340 = arith.constant 8.000000e-01 : f32
      %mul3A_2341 = arith.mulf %mul3A_2340, %reduce_sum3A_533 : f32
      %mul3A_2342 = arith.constant 2.000000e-01 : f32
      %mul3A_2343 = arith.mulf %mul3A_2342, %select_n3A_2333 : f32
      %add3A_2344 = arith.addf %mul3A_2341, %mul3A_2343 : f32
      %mul3A_2345 = arith.constant 8.000000e-01 : f32
      %mul3A_2346 = arith.mulf %mul3A_2345, %reduce_sum3A_541 : f32
      %mul3A_2347 = arith.constant 2.000000e-01 : f32
      %mul3A_2348 = arith.mulf %mul3A_2347, %select_n3A_2336 : f32
      %add3A_2349 = arith.addf %mul3A_2346, %mul3A_2348 : f32
      %mul3A_2350 = arith.constant 8.000000e-01 : f32
      %mul3A_2351 = arith.mulf %mul3A_2350, %reduce_sum3A_549 : f32
      %mul3A_2352 = arith.constant 2.000000e-01 : f32
      %mul3A_2353 = arith.mulf %mul3A_2352, %select_n3A_2339 : f32
      %add3A_2354 = arith.addf %mul3A_2351, %mul3A_2353 : f32
      %mul3A_2355 = arith.mulf %reduce_sum3A_559, %reduce_sum3A_559 : f32
      %mul3A_2356 = arith.mulf %reduce_sum3A_567, %reduce_sum3A_567 : f32
      %add3A_2357 = arith.addf %mul3A_2355, %mul3A_2356 : f32
      %mul3A_2358 = arith.mulf %reduce_sum3A_575, %reduce_sum3A_575 : f32
      %add3A_2359 = arith.addf %add3A_2357, %mul3A_2358 : f32
      %mul3A_2360 = arith.mulf %select_n3A_1269, %select_n3A_1269 : f32
      %mul3A_2361 = arith.mulf %select_n3A_1272, %select_n3A_1272 : f32
      %add3A_2362 = arith.addf %mul3A_2360, %mul3A_2361 : f32
      %mul3A_2363 = arith.mulf %select_n3A_1275, %select_n3A_1275 : f32
      %add3A_2364 = arith.addf %add3A_2362, %mul3A_2363 : f32
      %convert_element_type3A_2365 = arith.truncf %reduce_sum3A_559 : f32 to bf16
      %convert_element_type3A_2366 = arith.extf %convert_element_type3A_2365 : bf16 to f32
      %convert_element_type3A_2367 = arith.truncf %select_n3A_1269 : f32 to bf16
      %convert_element_type3A_2368 = arith.extf %convert_element_type3A_2367 : bf16 to f32
      %mul3A_2369 = arith.mulf %convert_element_type3A_2366, %convert_element_type3A_2368 : f32
      %convert_element_type3A_2370 = arith.truncf %reduce_sum3A_567 : f32 to bf16
      %convert_element_type3A_2371 = arith.extf %convert_element_type3A_2370 : bf16 to f32
      %convert_element_type3A_2372 = arith.truncf %select_n3A_1272 : f32 to bf16
      %convert_element_type3A_2373 = arith.extf %convert_element_type3A_2372 : bf16 to f32
      %mul3A_2374 = arith.mulf %convert_element_type3A_2371, %convert_element_type3A_2373 : f32
      %add3A_2375 = arith.addf %mul3A_2369, %mul3A_2374 : f32
      %convert_element_type3A_2376 = arith.truncf %reduce_sum3A_575 : f32 to bf16
      %convert_element_type3A_2377 = arith.extf %convert_element_type3A_2376 : bf16 to f32
      %convert_element_type3A_2378 = arith.truncf %select_n3A_1275 : f32 to bf16
      %convert_element_type3A_2379 = arith.extf %convert_element_type3A_2378 : bf16 to f32
      %mul3A_2380 = arith.mulf %convert_element_type3A_2377, %convert_element_type3A_2379 : f32
      %add3A_2381 = arith.addf %add3A_2375, %mul3A_2380 : f32
      %add3A_2382 = arith.addf %add3A_2359, %add3A_2364 : f32
      %mul3A_2383 = arith.constant 2.000000e+00 : f32
      %mul3A_2384 = arith.mulf %mul3A_2383, %add3A_2381 : f32
      %sub3A_2385 = arith.subf %add3A_2382, %mul3A_2384 : f32
      %max3A_2386 = arith.constant 9.99999996E-13 : f32
      %max3A_2387 = arith.maximumf %sub3A_2385, %max3A_2386 : f32
      %sqrt3A_2388 = math.sqrt %max3A_2387 : f32
      %lt3A_2389 = arith.constant 0x7F800000 : f32
      %lt3A_2390 = arith.cmpf olt, %sqrt3A_2388, %lt3A_2389 : f32
      %jit3A_2391 = arith.constant 0 : i32
      %jit3A_2392 = arith.constant 0 : i32
      %select_n3A_2393 = arith.select %lt3A_2390, %jit3A_2391, %jit3A_2392 : i32
      %jit3A_2394 = arith.constant 0x7F800000 : f32
      %select_n3A_2395 = arith.select %lt3A_2390, %sqrt3A_2388, %jit3A_2394 : f32
      %mul3A_2396 = arith.mulf %reduce_sum3A_559, %reduce_sum3A_559 : f32
      %mul3A_2397 = arith.mulf %reduce_sum3A_567, %reduce_sum3A_567 : f32
      %add3A_2398 = arith.addf %mul3A_2396, %mul3A_2397 : f32
      %mul3A_2399 = arith.mulf %reduce_sum3A_575, %reduce_sum3A_575 : f32
      %add3A_2400 = arith.addf %add3A_2398, %mul3A_2399 : f32
      %mul3A_2401 = arith.mulf %select_n3A_1310, %select_n3A_1310 : f32
      %mul3A_2402 = arith.mulf %select_n3A_1313, %select_n3A_1313 : f32
      %add3A_2403 = arith.addf %mul3A_2401, %mul3A_2402 : f32
      %mul3A_2404 = arith.mulf %select_n3A_1316, %select_n3A_1316 : f32
      %add3A_2405 = arith.addf %add3A_2403, %mul3A_2404 : f32
      %convert_element_type3A_2406 = arith.truncf %reduce_sum3A_559 : f32 to bf16
      %convert_element_type3A_2407 = arith.extf %convert_element_type3A_2406 : bf16 to f32
      %convert_element_type3A_2408 = arith.truncf %select_n3A_1310 : f32 to bf16
      %convert_element_type3A_2409 = arith.extf %convert_element_type3A_2408 : bf16 to f32
      %mul3A_2410 = arith.mulf %convert_element_type3A_2407, %convert_element_type3A_2409 : f32
      %convert_element_type3A_2411 = arith.truncf %reduce_sum3A_567 : f32 to bf16
      %convert_element_type3A_2412 = arith.extf %convert_element_type3A_2411 : bf16 to f32
      %convert_element_type3A_2413 = arith.truncf %select_n3A_1313 : f32 to bf16
      %convert_element_type3A_2414 = arith.extf %convert_element_type3A_2413 : bf16 to f32
      %mul3A_2415 = arith.mulf %convert_element_type3A_2412, %convert_element_type3A_2414 : f32
      %add3A_2416 = arith.addf %mul3A_2410, %mul3A_2415 : f32
      %convert_element_type3A_2417 = arith.truncf %reduce_sum3A_575 : f32 to bf16
      %convert_element_type3A_2418 = arith.extf %convert_element_type3A_2417 : bf16 to f32
      %convert_element_type3A_2419 = arith.truncf %select_n3A_1316 : f32 to bf16
      %convert_element_type3A_2420 = arith.extf %convert_element_type3A_2419 : bf16 to f32
      %mul3A_2421 = arith.mulf %convert_element_type3A_2418, %convert_element_type3A_2420 : f32
      %add3A_2422 = arith.addf %add3A_2416, %mul3A_2421 : f32
      %add3A_2423 = arith.addf %add3A_2400, %add3A_2405 : f32
      %mul3A_2424 = arith.constant 2.000000e+00 : f32
      %mul3A_2425 = arith.mulf %mul3A_2424, %add3A_2422 : f32
      %sub3A_2426 = arith.subf %add3A_2423, %mul3A_2425 : f32
      %max3A_2427 = arith.constant 9.99999996E-13 : f32
      %max3A_2428 = arith.maximumf %sub3A_2426, %max3A_2427 : f32
      %sqrt3A_2429 = math.sqrt %max3A_2428 : f32
      %lt3A_2430 = arith.cmpf olt, %sqrt3A_2429, %select_n3A_2395 : f32
      %jit3A_2431 = arith.constant 1 : i32
      %select_n3A_2432 = arith.select %lt3A_2430, %jit3A_2431, %select_n3A_2393 : i32
      %select_n3A_2433 = arith.select %lt3A_2430, %sqrt3A_2429, %select_n3A_2395 : f32
      %mul3A_2434 = arith.mulf %reduce_sum3A_559, %reduce_sum3A_559 : f32
      %mul3A_2435 = arith.mulf %reduce_sum3A_567, %reduce_sum3A_567 : f32
      %add3A_2436 = arith.addf %mul3A_2434, %mul3A_2435 : f32
      %mul3A_2437 = arith.mulf %reduce_sum3A_575, %reduce_sum3A_575 : f32
      %add3A_2438 = arith.addf %add3A_2436, %mul3A_2437 : f32
      %mul3A_2439 = arith.mulf %select_n3A_1351, %select_n3A_1351 : f32
      %mul3A_2440 = arith.mulf %select_n3A_1354, %select_n3A_1354 : f32
      %add3A_2441 = arith.addf %mul3A_2439, %mul3A_2440 : f32
      %mul3A_2442 = arith.mulf %select_n3A_1357, %select_n3A_1357 : f32
      %add3A_2443 = arith.addf %add3A_2441, %mul3A_2442 : f32
      %convert_element_type3A_2444 = arith.truncf %reduce_sum3A_559 : f32 to bf16
      %convert_element_type3A_2445 = arith.extf %convert_element_type3A_2444 : bf16 to f32
      %convert_element_type3A_2446 = arith.truncf %select_n3A_1351 : f32 to bf16
      %convert_element_type3A_2447 = arith.extf %convert_element_type3A_2446 : bf16 to f32
      %mul3A_2448 = arith.mulf %convert_element_type3A_2445, %convert_element_type3A_2447 : f32
      %convert_element_type3A_2449 = arith.truncf %reduce_sum3A_567 : f32 to bf16
      %convert_element_type3A_2450 = arith.extf %convert_element_type3A_2449 : bf16 to f32
      %convert_element_type3A_2451 = arith.truncf %select_n3A_1354 : f32 to bf16
      %convert_element_type3A_2452 = arith.extf %convert_element_type3A_2451 : bf16 to f32
      %mul3A_2453 = arith.mulf %convert_element_type3A_2450, %convert_element_type3A_2452 : f32
      %add3A_2454 = arith.addf %mul3A_2448, %mul3A_2453 : f32
      %convert_element_type3A_2455 = arith.truncf %reduce_sum3A_575 : f32 to bf16
      %convert_element_type3A_2456 = arith.extf %convert_element_type3A_2455 : bf16 to f32
      %convert_element_type3A_2457 = arith.truncf %select_n3A_1357 : f32 to bf16
      %convert_element_type3A_2458 = arith.extf %convert_element_type3A_2457 : bf16 to f32
      %mul3A_2459 = arith.mulf %convert_element_type3A_2456, %convert_element_type3A_2458 : f32
      %add3A_2460 = arith.addf %add3A_2454, %mul3A_2459 : f32
      %add3A_2461 = arith.addf %add3A_2438, %add3A_2443 : f32
      %mul3A_2462 = arith.constant 2.000000e+00 : f32
      %mul3A_2463 = arith.mulf %mul3A_2462, %add3A_2460 : f32
      %sub3A_2464 = arith.subf %add3A_2461, %mul3A_2463 : f32
      %max3A_2465 = arith.constant 9.99999996E-13 : f32
      %max3A_2466 = arith.maximumf %sub3A_2464, %max3A_2465 : f32
      %sqrt3A_2467 = math.sqrt %max3A_2466 : f32
      %lt3A_2468 = arith.cmpf olt, %sqrt3A_2467, %select_n3A_2433 : f32
      %jit3A_2469 = arith.constant 2 : i32
      %select_n3A_2470 = arith.select %lt3A_2468, %jit3A_2469, %select_n3A_2432 : i32
      %select_n3A_2471 = arith.select %lt3A_2468, %sqrt3A_2467, %select_n3A_2433 : f32
      %mul3A_2472 = arith.mulf %reduce_sum3A_559, %reduce_sum3A_559 : f32
      %mul3A_2473 = arith.mulf %reduce_sum3A_567, %reduce_sum3A_567 : f32
      %add3A_2474 = arith.addf %mul3A_2472, %mul3A_2473 : f32
      %mul3A_2475 = arith.mulf %reduce_sum3A_575, %reduce_sum3A_575 : f32
      %add3A_2476 = arith.addf %add3A_2474, %mul3A_2475 : f32
      %mul3A_2477 = arith.mulf %select_n3A_1392, %select_n3A_1392 : f32
      %mul3A_2478 = arith.mulf %select_n3A_1395, %select_n3A_1395 : f32
      %add3A_2479 = arith.addf %mul3A_2477, %mul3A_2478 : f32
      %mul3A_2480 = arith.mulf %select_n3A_1398, %select_n3A_1398 : f32
      %add3A_2481 = arith.addf %add3A_2479, %mul3A_2480 : f32
      %convert_element_type3A_2482 = arith.truncf %reduce_sum3A_559 : f32 to bf16
      %convert_element_type3A_2483 = arith.extf %convert_element_type3A_2482 : bf16 to f32
      %convert_element_type3A_2484 = arith.truncf %select_n3A_1392 : f32 to bf16
      %convert_element_type3A_2485 = arith.extf %convert_element_type3A_2484 : bf16 to f32
      %mul3A_2486 = arith.mulf %convert_element_type3A_2483, %convert_element_type3A_2485 : f32
      %convert_element_type3A_2487 = arith.truncf %reduce_sum3A_567 : f32 to bf16
      %convert_element_type3A_2488 = arith.extf %convert_element_type3A_2487 : bf16 to f32
      %convert_element_type3A_2489 = arith.truncf %select_n3A_1395 : f32 to bf16
      %convert_element_type3A_2490 = arith.extf %convert_element_type3A_2489 : bf16 to f32
      %mul3A_2491 = arith.mulf %convert_element_type3A_2488, %convert_element_type3A_2490 : f32
      %add3A_2492 = arith.addf %mul3A_2486, %mul3A_2491 : f32
      %convert_element_type3A_2493 = arith.truncf %reduce_sum3A_575 : f32 to bf16
      %convert_element_type3A_2494 = arith.extf %convert_element_type3A_2493 : bf16 to f32
      %convert_element_type3A_2495 = arith.truncf %select_n3A_1398 : f32 to bf16
      %convert_element_type3A_2496 = arith.extf %convert_element_type3A_2495 : bf16 to f32
      %mul3A_2497 = arith.mulf %convert_element_type3A_2494, %convert_element_type3A_2496 : f32
      %add3A_2498 = arith.addf %add3A_2492, %mul3A_2497 : f32
      %add3A_2499 = arith.addf %add3A_2476, %add3A_2481 : f32
      %mul3A_2500 = arith.constant 2.000000e+00 : f32
      %mul3A_2501 = arith.mulf %mul3A_2500, %add3A_2498 : f32
      %sub3A_2502 = arith.subf %add3A_2499, %mul3A_2501 : f32
      %max3A_2503 = arith.constant 9.99999996E-13 : f32
      %max3A_2504 = arith.maximumf %sub3A_2502, %max3A_2503 : f32
      %sqrt3A_2505 = math.sqrt %max3A_2504 : f32
      %lt3A_2506 = arith.cmpf olt, %sqrt3A_2505, %select_n3A_2471 : f32
      %jit3A_2507 = arith.constant 3 : i32
      %select_n3A_2508 = arith.select %lt3A_2506, %jit3A_2507, %select_n3A_2470 : i32
      %select_n3A_2509 = arith.select %lt3A_2506, %sqrt3A_2505, %select_n3A_2471 : f32
      %mul3A_2510 = arith.mulf %reduce_sum3A_559, %reduce_sum3A_559 : f32
      %mul3A_2511 = arith.mulf %reduce_sum3A_567, %reduce_sum3A_567 : f32
      %add3A_2512 = arith.addf %mul3A_2510, %mul3A_2511 : f32
      %mul3A_2513 = arith.mulf %reduce_sum3A_575, %reduce_sum3A_575 : f32
      %add3A_2514 = arith.addf %add3A_2512, %mul3A_2513 : f32
      %mul3A_2515 = arith.mulf %select_n3A_1433, %select_n3A_1433 : f32
      %mul3A_2516 = arith.mulf %select_n3A_1436, %select_n3A_1436 : f32
      %add3A_2517 = arith.addf %mul3A_2515, %mul3A_2516 : f32
      %mul3A_2518 = arith.mulf %select_n3A_1439, %select_n3A_1439 : f32
      %add3A_2519 = arith.addf %add3A_2517, %mul3A_2518 : f32
      %convert_element_type3A_2520 = arith.truncf %reduce_sum3A_559 : f32 to bf16
      %convert_element_type3A_2521 = arith.extf %convert_element_type3A_2520 : bf16 to f32
      %convert_element_type3A_2522 = arith.truncf %select_n3A_1433 : f32 to bf16
      %convert_element_type3A_2523 = arith.extf %convert_element_type3A_2522 : bf16 to f32
      %mul3A_2524 = arith.mulf %convert_element_type3A_2521, %convert_element_type3A_2523 : f32
      %convert_element_type3A_2525 = arith.truncf %reduce_sum3A_567 : f32 to bf16
      %convert_element_type3A_2526 = arith.extf %convert_element_type3A_2525 : bf16 to f32
      %convert_element_type3A_2527 = arith.truncf %select_n3A_1436 : f32 to bf16
      %convert_element_type3A_2528 = arith.extf %convert_element_type3A_2527 : bf16 to f32
      %mul3A_2529 = arith.mulf %convert_element_type3A_2526, %convert_element_type3A_2528 : f32
      %add3A_2530 = arith.addf %mul3A_2524, %mul3A_2529 : f32
      %convert_element_type3A_2531 = arith.truncf %reduce_sum3A_575 : f32 to bf16
      %convert_element_type3A_2532 = arith.extf %convert_element_type3A_2531 : bf16 to f32
      %convert_element_type3A_2533 = arith.truncf %select_n3A_1439 : f32 to bf16
      %convert_element_type3A_2534 = arith.extf %convert_element_type3A_2533 : bf16 to f32
      %mul3A_2535 = arith.mulf %convert_element_type3A_2532, %convert_element_type3A_2534 : f32
      %add3A_2536 = arith.addf %add3A_2530, %mul3A_2535 : f32
      %add3A_2537 = arith.addf %add3A_2514, %add3A_2519 : f32
      %mul3A_2538 = arith.constant 2.000000e+00 : f32
      %mul3A_2539 = arith.mulf %mul3A_2538, %add3A_2536 : f32
      %sub3A_2540 = arith.subf %add3A_2537, %mul3A_2539 : f32
      %max3A_2541 = arith.constant 9.99999996E-13 : f32
      %max3A_2542 = arith.maximumf %sub3A_2540, %max3A_2541 : f32
      %sqrt3A_2543 = math.sqrt %max3A_2542 : f32
      %lt3A_2544 = arith.cmpf olt, %sqrt3A_2543, %select_n3A_2509 : f32
      %jit3A_2545 = arith.constant 4 : i32
      %select_n3A_2546 = arith.select %lt3A_2544, %jit3A_2545, %select_n3A_2508 : i32
      %select_n3A_2547 = arith.select %lt3A_2544, %sqrt3A_2543, %select_n3A_2509 : f32
      %mul3A_2548 = arith.mulf %reduce_sum3A_559, %reduce_sum3A_559 : f32
      %mul3A_2549 = arith.mulf %reduce_sum3A_567, %reduce_sum3A_567 : f32
      %add3A_2550 = arith.addf %mul3A_2548, %mul3A_2549 : f32
      %mul3A_2551 = arith.mulf %reduce_sum3A_575, %reduce_sum3A_575 : f32
      %add3A_2552 = arith.addf %add3A_2550, %mul3A_2551 : f32
      %mul3A_2553 = arith.mulf %select_n3A_1474, %select_n3A_1474 : f32
      %mul3A_2554 = arith.mulf %select_n3A_1477, %select_n3A_1477 : f32
      %add3A_2555 = arith.addf %mul3A_2553, %mul3A_2554 : f32
      %mul3A_2556 = arith.mulf %select_n3A_1480, %select_n3A_1480 : f32
      %add3A_2557 = arith.addf %add3A_2555, %mul3A_2556 : f32
      %convert_element_type3A_2558 = arith.truncf %reduce_sum3A_559 : f32 to bf16
      %convert_element_type3A_2559 = arith.extf %convert_element_type3A_2558 : bf16 to f32
      %convert_element_type3A_2560 = arith.truncf %select_n3A_1474 : f32 to bf16
      %convert_element_type3A_2561 = arith.extf %convert_element_type3A_2560 : bf16 to f32
      %mul3A_2562 = arith.mulf %convert_element_type3A_2559, %convert_element_type3A_2561 : f32
      %convert_element_type3A_2563 = arith.truncf %reduce_sum3A_567 : f32 to bf16
      %convert_element_type3A_2564 = arith.extf %convert_element_type3A_2563 : bf16 to f32
      %convert_element_type3A_2565 = arith.truncf %select_n3A_1477 : f32 to bf16
      %convert_element_type3A_2566 = arith.extf %convert_element_type3A_2565 : bf16 to f32
      %mul3A_2567 = arith.mulf %convert_element_type3A_2564, %convert_element_type3A_2566 : f32
      %add3A_2568 = arith.addf %mul3A_2562, %mul3A_2567 : f32
      %convert_element_type3A_2569 = arith.truncf %reduce_sum3A_575 : f32 to bf16
      %convert_element_type3A_2570 = arith.extf %convert_element_type3A_2569 : bf16 to f32
      %convert_element_type3A_2571 = arith.truncf %select_n3A_1480 : f32 to bf16
      %convert_element_type3A_2572 = arith.extf %convert_element_type3A_2571 : bf16 to f32
      %mul3A_2573 = arith.mulf %convert_element_type3A_2570, %convert_element_type3A_2572 : f32
      %add3A_2574 = arith.addf %add3A_2568, %mul3A_2573 : f32
      %add3A_2575 = arith.addf %add3A_2552, %add3A_2557 : f32
      %mul3A_2576 = arith.constant 2.000000e+00 : f32
      %mul3A_2577 = arith.mulf %mul3A_2576, %add3A_2574 : f32
      %sub3A_2578 = arith.subf %add3A_2575, %mul3A_2577 : f32
      %max3A_2579 = arith.constant 9.99999996E-13 : f32
      %max3A_2580 = arith.maximumf %sub3A_2578, %max3A_2579 : f32
      %sqrt3A_2581 = math.sqrt %max3A_2580 : f32
      %lt3A_2582 = arith.cmpf olt, %sqrt3A_2581, %select_n3A_2547 : f32
      %jit3A_2583 = arith.constant 5 : i32
      %select_n3A_2584 = arith.select %lt3A_2582, %jit3A_2583, %select_n3A_2546 : i32
      %select_n3A_2585 = arith.select %lt3A_2582, %sqrt3A_2581, %select_n3A_2547 : f32
      %mul3A_2586 = arith.mulf %reduce_sum3A_559, %reduce_sum3A_559 : f32
      %mul3A_2587 = arith.mulf %reduce_sum3A_567, %reduce_sum3A_567 : f32
      %add3A_2588 = arith.addf %mul3A_2586, %mul3A_2587 : f32
      %mul3A_2589 = arith.mulf %reduce_sum3A_575, %reduce_sum3A_575 : f32
      %add3A_2590 = arith.addf %add3A_2588, %mul3A_2589 : f32
      %mul3A_2591 = arith.mulf %select_n3A_1515, %select_n3A_1515 : f32
      %mul3A_2592 = arith.mulf %select_n3A_1518, %select_n3A_1518 : f32
      %add3A_2593 = arith.addf %mul3A_2591, %mul3A_2592 : f32
      %mul3A_2594 = arith.mulf %select_n3A_1521, %select_n3A_1521 : f32
      %add3A_2595 = arith.addf %add3A_2593, %mul3A_2594 : f32
      %convert_element_type3A_2596 = arith.truncf %reduce_sum3A_559 : f32 to bf16
      %convert_element_type3A_2597 = arith.extf %convert_element_type3A_2596 : bf16 to f32
      %convert_element_type3A_2598 = arith.truncf %select_n3A_1515 : f32 to bf16
      %convert_element_type3A_2599 = arith.extf %convert_element_type3A_2598 : bf16 to f32
      %mul3A_2600 = arith.mulf %convert_element_type3A_2597, %convert_element_type3A_2599 : f32
      %convert_element_type3A_2601 = arith.truncf %reduce_sum3A_567 : f32 to bf16
      %convert_element_type3A_2602 = arith.extf %convert_element_type3A_2601 : bf16 to f32
      %convert_element_type3A_2603 = arith.truncf %select_n3A_1518 : f32 to bf16
      %convert_element_type3A_2604 = arith.extf %convert_element_type3A_2603 : bf16 to f32
      %mul3A_2605 = arith.mulf %convert_element_type3A_2602, %convert_element_type3A_2604 : f32
      %add3A_2606 = arith.addf %mul3A_2600, %mul3A_2605 : f32
      %convert_element_type3A_2607 = arith.truncf %reduce_sum3A_575 : f32 to bf16
      %convert_element_type3A_2608 = arith.extf %convert_element_type3A_2607 : bf16 to f32
      %convert_element_type3A_2609 = arith.truncf %select_n3A_1521 : f32 to bf16
      %convert_element_type3A_2610 = arith.extf %convert_element_type3A_2609 : bf16 to f32
      %mul3A_2611 = arith.mulf %convert_element_type3A_2608, %convert_element_type3A_2610 : f32
      %add3A_2612 = arith.addf %add3A_2606, %mul3A_2611 : f32
      %add3A_2613 = arith.addf %add3A_2590, %add3A_2595 : f32
      %mul3A_2614 = arith.constant 2.000000e+00 : f32
      %mul3A_2615 = arith.mulf %mul3A_2614, %add3A_2612 : f32
      %sub3A_2616 = arith.subf %add3A_2613, %mul3A_2615 : f32
      %max3A_2617 = arith.constant 9.99999996E-13 : f32
      %max3A_2618 = arith.maximumf %sub3A_2616, %max3A_2617 : f32
      %sqrt3A_2619 = math.sqrt %max3A_2618 : f32
      %lt3A_2620 = arith.cmpf olt, %sqrt3A_2619, %select_n3A_2585 : f32
      %jit3A_2621 = arith.constant 6 : i32
      %select_n3A_2622 = arith.select %lt3A_2620, %jit3A_2621, %select_n3A_2584 : i32
      %select_n3A_2623 = arith.select %lt3A_2620, %sqrt3A_2619, %select_n3A_2585 : f32
      %mul3A_2624 = arith.mulf %reduce_sum3A_559, %reduce_sum3A_559 : f32
      %mul3A_2625 = arith.mulf %reduce_sum3A_567, %reduce_sum3A_567 : f32
      %add3A_2626 = arith.addf %mul3A_2624, %mul3A_2625 : f32
      %mul3A_2627 = arith.mulf %reduce_sum3A_575, %reduce_sum3A_575 : f32
      %add3A_2628 = arith.addf %add3A_2626, %mul3A_2627 : f32
      %mul3A_2629 = arith.mulf %select_n3A_1556, %select_n3A_1556 : f32
      %mul3A_2630 = arith.mulf %select_n3A_1559, %select_n3A_1559 : f32
      %add3A_2631 = arith.addf %mul3A_2629, %mul3A_2630 : f32
      %mul3A_2632 = arith.mulf %select_n3A_1562, %select_n3A_1562 : f32
      %add3A_2633 = arith.addf %add3A_2631, %mul3A_2632 : f32
      %convert_element_type3A_2634 = arith.truncf %reduce_sum3A_559 : f32 to bf16
      %convert_element_type3A_2635 = arith.extf %convert_element_type3A_2634 : bf16 to f32
      %convert_element_type3A_2636 = arith.truncf %select_n3A_1556 : f32 to bf16
      %convert_element_type3A_2637 = arith.extf %convert_element_type3A_2636 : bf16 to f32
      %mul3A_2638 = arith.mulf %convert_element_type3A_2635, %convert_element_type3A_2637 : f32
      %convert_element_type3A_2639 = arith.truncf %reduce_sum3A_567 : f32 to bf16
      %convert_element_type3A_2640 = arith.extf %convert_element_type3A_2639 : bf16 to f32
      %convert_element_type3A_2641 = arith.truncf %select_n3A_1559 : f32 to bf16
      %convert_element_type3A_2642 = arith.extf %convert_element_type3A_2641 : bf16 to f32
      %mul3A_2643 = arith.mulf %convert_element_type3A_2640, %convert_element_type3A_2642 : f32
      %add3A_2644 = arith.addf %mul3A_2638, %mul3A_2643 : f32
      %convert_element_type3A_2645 = arith.truncf %reduce_sum3A_575 : f32 to bf16
      %convert_element_type3A_2646 = arith.extf %convert_element_type3A_2645 : bf16 to f32
      %convert_element_type3A_2647 = arith.truncf %select_n3A_1562 : f32 to bf16
      %convert_element_type3A_2648 = arith.extf %convert_element_type3A_2647 : bf16 to f32
      %mul3A_2649 = arith.mulf %convert_element_type3A_2646, %convert_element_type3A_2648 : f32
      %add3A_2650 = arith.addf %add3A_2644, %mul3A_2649 : f32
      %add3A_2651 = arith.addf %add3A_2628, %add3A_2633 : f32
      %mul3A_2652 = arith.constant 2.000000e+00 : f32
      %mul3A_2653 = arith.mulf %mul3A_2652, %add3A_2650 : f32
      %sub3A_2654 = arith.subf %add3A_2651, %mul3A_2653 : f32
      %max3A_2655 = arith.constant 9.99999996E-13 : f32
      %max3A_2656 = arith.maximumf %sub3A_2654, %max3A_2655 : f32
      %sqrt3A_2657 = math.sqrt %max3A_2656 : f32
      %lt3A_2658 = arith.cmpf olt, %sqrt3A_2657, %select_n3A_2623 : f32
      %jit3A_2659 = arith.constant 7 : i32
      %select_n3A_2660 = arith.select %lt3A_2658, %jit3A_2659, %select_n3A_2622 : i32
      %eq3A_2661 = arith.constant 0 : i32
      %eq3A_2662 = arith.cmpi eq, %select_n3A_2660, %eq3A_2661 : i32
      %jit3A_2663 = arith.constant 0.000000e+00 : f32
      %select_n3A_2664 = arith.select %eq3A_2662, %select_n3A_1269, %jit3A_2663 : f32
      %eq3A_2665 = arith.constant 0 : i32
      %eq3A_2666 = arith.cmpi eq, %select_n3A_2660, %eq3A_2665 : i32
      %jit3A_2667 = arith.constant 0.000000e+00 : f32
      %select_n3A_2668 = arith.select %eq3A_2666, %select_n3A_1272, %jit3A_2667 : f32
      %eq3A_2669 = arith.constant 0 : i32
      %eq3A_2670 = arith.cmpi eq, %select_n3A_2660, %eq3A_2669 : i32
      %jit3A_2671 = arith.constant 0.000000e+00 : f32
      %select_n3A_2672 = arith.select %eq3A_2670, %select_n3A_1275, %jit3A_2671 : f32
      %eq3A_2673 = arith.constant 1 : i32
      %eq3A_2674 = arith.cmpi eq, %select_n3A_2660, %eq3A_2673 : i32
      %select_n3A_2675 = arith.select %eq3A_2674, %select_n3A_1310, %select_n3A_2664 : f32
      %eq3A_2676 = arith.constant 1 : i32
      %eq3A_2677 = arith.cmpi eq, %select_n3A_2660, %eq3A_2676 : i32
      %select_n3A_2678 = arith.select %eq3A_2677, %select_n3A_1313, %select_n3A_2668 : f32
      %eq3A_2679 = arith.constant 1 : i32
      %eq3A_2680 = arith.cmpi eq, %select_n3A_2660, %eq3A_2679 : i32
      %select_n3A_2681 = arith.select %eq3A_2680, %select_n3A_1316, %select_n3A_2672 : f32
      %eq3A_2682 = arith.constant 2 : i32
      %eq3A_2683 = arith.cmpi eq, %select_n3A_2660, %eq3A_2682 : i32
      %select_n3A_2684 = arith.select %eq3A_2683, %select_n3A_1351, %select_n3A_2675 : f32
      %eq3A_2685 = arith.constant 2 : i32
      %eq3A_2686 = arith.cmpi eq, %select_n3A_2660, %eq3A_2685 : i32
      %select_n3A_2687 = arith.select %eq3A_2686, %select_n3A_1354, %select_n3A_2678 : f32
      %eq3A_2688 = arith.constant 2 : i32
      %eq3A_2689 = arith.cmpi eq, %select_n3A_2660, %eq3A_2688 : i32
      %select_n3A_2690 = arith.select %eq3A_2689, %select_n3A_1357, %select_n3A_2681 : f32
      %eq3A_2691 = arith.constant 3 : i32
      %eq3A_2692 = arith.cmpi eq, %select_n3A_2660, %eq3A_2691 : i32
      %select_n3A_2693 = arith.select %eq3A_2692, %select_n3A_1392, %select_n3A_2684 : f32
      %eq3A_2694 = arith.constant 3 : i32
      %eq3A_2695 = arith.cmpi eq, %select_n3A_2660, %eq3A_2694 : i32
      %select_n3A_2696 = arith.select %eq3A_2695, %select_n3A_1395, %select_n3A_2687 : f32
      %eq3A_2697 = arith.constant 3 : i32
      %eq3A_2698 = arith.cmpi eq, %select_n3A_2660, %eq3A_2697 : i32
      %select_n3A_2699 = arith.select %eq3A_2698, %select_n3A_1398, %select_n3A_2690 : f32
      %eq3A_2700 = arith.constant 4 : i32
      %eq3A_2701 = arith.cmpi eq, %select_n3A_2660, %eq3A_2700 : i32
      %select_n3A_2702 = arith.select %eq3A_2701, %select_n3A_1433, %select_n3A_2693 : f32
      %eq3A_2703 = arith.constant 4 : i32
      %eq3A_2704 = arith.cmpi eq, %select_n3A_2660, %eq3A_2703 : i32
      %select_n3A_2705 = arith.select %eq3A_2704, %select_n3A_1436, %select_n3A_2696 : f32
      %eq3A_2706 = arith.constant 4 : i32
      %eq3A_2707 = arith.cmpi eq, %select_n3A_2660, %eq3A_2706 : i32
      %select_n3A_2708 = arith.select %eq3A_2707, %select_n3A_1439, %select_n3A_2699 : f32
      %eq3A_2709 = arith.constant 5 : i32
      %eq3A_2710 = arith.cmpi eq, %select_n3A_2660, %eq3A_2709 : i32
      %select_n3A_2711 = arith.select %eq3A_2710, %select_n3A_1474, %select_n3A_2702 : f32
      %eq3A_2712 = arith.constant 5 : i32
      %eq3A_2713 = arith.cmpi eq, %select_n3A_2660, %eq3A_2712 : i32
      %select_n3A_2714 = arith.select %eq3A_2713, %select_n3A_1477, %select_n3A_2705 : f32
      %eq3A_2715 = arith.constant 5 : i32
      %eq3A_2716 = arith.cmpi eq, %select_n3A_2660, %eq3A_2715 : i32
      %select_n3A_2717 = arith.select %eq3A_2716, %select_n3A_1480, %select_n3A_2708 : f32
      %eq3A_2718 = arith.constant 6 : i32
      %eq3A_2719 = arith.cmpi eq, %select_n3A_2660, %eq3A_2718 : i32
      %select_n3A_2720 = arith.select %eq3A_2719, %select_n3A_1515, %select_n3A_2711 : f32
      %eq3A_2721 = arith.constant 6 : i32
      %eq3A_2722 = arith.cmpi eq, %select_n3A_2660, %eq3A_2721 : i32
      %select_n3A_2723 = arith.select %eq3A_2722, %select_n3A_1518, %select_n3A_2714 : f32
      %eq3A_2724 = arith.constant 6 : i32
      %eq3A_2725 = arith.cmpi eq, %select_n3A_2660, %eq3A_2724 : i32
      %select_n3A_2726 = arith.select %eq3A_2725, %select_n3A_1521, %select_n3A_2717 : f32
      %eq3A_2727 = arith.constant 7 : i32
      %eq3A_2728 = arith.cmpi eq, %select_n3A_2660, %eq3A_2727 : i32
      %select_n3A_2729 = arith.select %eq3A_2728, %select_n3A_1556, %select_n3A_2720 : f32
      %eq3A_2730 = arith.constant 7 : i32
      %eq3A_2731 = arith.cmpi eq, %select_n3A_2660, %eq3A_2730 : i32
      %select_n3A_2732 = arith.select %eq3A_2731, %select_n3A_1559, %select_n3A_2723 : f32
      %eq3A_2733 = arith.constant 7 : i32
      %eq3A_2734 = arith.cmpi eq, %select_n3A_2660, %eq3A_2733 : i32
      %select_n3A_2735 = arith.select %eq3A_2734, %select_n3A_1562, %select_n3A_2726 : f32
      %mul3A_2736 = arith.constant 8.000000e-01 : f32
      %mul3A_2737 = arith.mulf %mul3A_2736, %reduce_sum3A_559 : f32
      %mul3A_2738 = arith.constant 2.000000e-01 : f32
      %mul3A_2739 = arith.mulf %mul3A_2738, %select_n3A_2729 : f32
      %add3A_2740 = arith.addf %mul3A_2737, %mul3A_2739 : f32
      %mul3A_2741 = arith.constant 8.000000e-01 : f32
      %mul3A_2742 = arith.mulf %mul3A_2741, %reduce_sum3A_567 : f32
      %mul3A_2743 = arith.constant 2.000000e-01 : f32
      %mul3A_2744 = arith.mulf %mul3A_2743, %select_n3A_2732 : f32
      %add3A_2745 = arith.addf %mul3A_2742, %mul3A_2744 : f32
      %mul3A_2746 = arith.constant 8.000000e-01 : f32
      %mul3A_2747 = arith.mulf %mul3A_2746, %reduce_sum3A_575 : f32
      %mul3A_2748 = arith.constant 2.000000e-01 : f32
      %mul3A_2749 = arith.mulf %mul3A_2748, %select_n3A_2735 : f32
      %add3A_2750 = arith.addf %mul3A_2747, %mul3A_2749 : f32
      %mul3A_2751 = arith.mulf %reduce_sum3A_585, %reduce_sum3A_585 : f32
      %mul3A_2752 = arith.mulf %reduce_sum3A_593, %reduce_sum3A_593 : f32
      %add3A_2753 = arith.addf %mul3A_2751, %mul3A_2752 : f32
      %mul3A_2754 = arith.mulf %reduce_sum3A_601, %reduce_sum3A_601 : f32
      %add3A_2755 = arith.addf %add3A_2753, %mul3A_2754 : f32
      %mul3A_2756 = arith.mulf %select_n3A_1269, %select_n3A_1269 : f32
      %mul3A_2757 = arith.mulf %select_n3A_1272, %select_n3A_1272 : f32
      %add3A_2758 = arith.addf %mul3A_2756, %mul3A_2757 : f32
      %mul3A_2759 = arith.mulf %select_n3A_1275, %select_n3A_1275 : f32
      %add3A_2760 = arith.addf %add3A_2758, %mul3A_2759 : f32
      %convert_element_type3A_2761 = arith.truncf %reduce_sum3A_585 : f32 to bf16
      %convert_element_type3A_2762 = arith.extf %convert_element_type3A_2761 : bf16 to f32
      %convert_element_type3A_2763 = arith.truncf %select_n3A_1269 : f32 to bf16
      %convert_element_type3A_2764 = arith.extf %convert_element_type3A_2763 : bf16 to f32
      %mul3A_2765 = arith.mulf %convert_element_type3A_2762, %convert_element_type3A_2764 : f32
      %convert_element_type3A_2766 = arith.truncf %reduce_sum3A_593 : f32 to bf16
      %convert_element_type3A_2767 = arith.extf %convert_element_type3A_2766 : bf16 to f32
      %convert_element_type3A_2768 = arith.truncf %select_n3A_1272 : f32 to bf16
      %convert_element_type3A_2769 = arith.extf %convert_element_type3A_2768 : bf16 to f32
      %mul3A_2770 = arith.mulf %convert_element_type3A_2767, %convert_element_type3A_2769 : f32
      %add3A_2771 = arith.addf %mul3A_2765, %mul3A_2770 : f32
      %convert_element_type3A_2772 = arith.truncf %reduce_sum3A_601 : f32 to bf16
      %convert_element_type3A_2773 = arith.extf %convert_element_type3A_2772 : bf16 to f32
      %convert_element_type3A_2774 = arith.truncf %select_n3A_1275 : f32 to bf16
      %convert_element_type3A_2775 = arith.extf %convert_element_type3A_2774 : bf16 to f32
      %mul3A_2776 = arith.mulf %convert_element_type3A_2773, %convert_element_type3A_2775 : f32
      %add3A_2777 = arith.addf %add3A_2771, %mul3A_2776 : f32
      %add3A_2778 = arith.addf %add3A_2755, %add3A_2760 : f32
      %mul3A_2779 = arith.constant 2.000000e+00 : f32
      %mul3A_2780 = arith.mulf %mul3A_2779, %add3A_2777 : f32
      %sub3A_2781 = arith.subf %add3A_2778, %mul3A_2780 : f32
      %max3A_2782 = arith.constant 9.99999996E-13 : f32
      %max3A_2783 = arith.maximumf %sub3A_2781, %max3A_2782 : f32
      %sqrt3A_2784 = math.sqrt %max3A_2783 : f32
      %lt3A_2785 = arith.constant 0x7F800000 : f32
      %lt3A_2786 = arith.cmpf olt, %sqrt3A_2784, %lt3A_2785 : f32
      %jit3A_2787 = arith.constant 0 : i32
      %jit3A_2788 = arith.constant 0 : i32
      %select_n3A_2789 = arith.select %lt3A_2786, %jit3A_2787, %jit3A_2788 : i32
      %jit3A_2790 = arith.constant 0x7F800000 : f32
      %select_n3A_2791 = arith.select %lt3A_2786, %sqrt3A_2784, %jit3A_2790 : f32
      %mul3A_2792 = arith.mulf %reduce_sum3A_585, %reduce_sum3A_585 : f32
      %mul3A_2793 = arith.mulf %reduce_sum3A_593, %reduce_sum3A_593 : f32
      %add3A_2794 = arith.addf %mul3A_2792, %mul3A_2793 : f32
      %mul3A_2795 = arith.mulf %reduce_sum3A_601, %reduce_sum3A_601 : f32
      %add3A_2796 = arith.addf %add3A_2794, %mul3A_2795 : f32
      %mul3A_2797 = arith.mulf %select_n3A_1310, %select_n3A_1310 : f32
      %mul3A_2798 = arith.mulf %select_n3A_1313, %select_n3A_1313 : f32
      %add3A_2799 = arith.addf %mul3A_2797, %mul3A_2798 : f32
      %mul3A_2800 = arith.mulf %select_n3A_1316, %select_n3A_1316 : f32
      %add3A_2801 = arith.addf %add3A_2799, %mul3A_2800 : f32
      %convert_element_type3A_2802 = arith.truncf %reduce_sum3A_585 : f32 to bf16
      %convert_element_type3A_2803 = arith.extf %convert_element_type3A_2802 : bf16 to f32
      %convert_element_type3A_2804 = arith.truncf %select_n3A_1310 : f32 to bf16
      %convert_element_type3A_2805 = arith.extf %convert_element_type3A_2804 : bf16 to f32
      %mul3A_2806 = arith.mulf %convert_element_type3A_2803, %convert_element_type3A_2805 : f32
      %convert_element_type3A_2807 = arith.truncf %reduce_sum3A_593 : f32 to bf16
      %convert_element_type3A_2808 = arith.extf %convert_element_type3A_2807 : bf16 to f32
      %convert_element_type3A_2809 = arith.truncf %select_n3A_1313 : f32 to bf16
      %convert_element_type3A_2810 = arith.extf %convert_element_type3A_2809 : bf16 to f32
      %mul3A_2811 = arith.mulf %convert_element_type3A_2808, %convert_element_type3A_2810 : f32
      %add3A_2812 = arith.addf %mul3A_2806, %mul3A_2811 : f32
      %convert_element_type3A_2813 = arith.truncf %reduce_sum3A_601 : f32 to bf16
      %convert_element_type3A_2814 = arith.extf %convert_element_type3A_2813 : bf16 to f32
      %convert_element_type3A_2815 = arith.truncf %select_n3A_1316 : f32 to bf16
      %convert_element_type3A_2816 = arith.extf %convert_element_type3A_2815 : bf16 to f32
      %mul3A_2817 = arith.mulf %convert_element_type3A_2814, %convert_element_type3A_2816 : f32
      %add3A_2818 = arith.addf %add3A_2812, %mul3A_2817 : f32
      %add3A_2819 = arith.addf %add3A_2796, %add3A_2801 : f32
      %mul3A_2820 = arith.constant 2.000000e+00 : f32
      %mul3A_2821 = arith.mulf %mul3A_2820, %add3A_2818 : f32
      %sub3A_2822 = arith.subf %add3A_2819, %mul3A_2821 : f32
      %max3A_2823 = arith.constant 9.99999996E-13 : f32
      %max3A_2824 = arith.maximumf %sub3A_2822, %max3A_2823 : f32
      %sqrt3A_2825 = math.sqrt %max3A_2824 : f32
      %lt3A_2826 = arith.cmpf olt, %sqrt3A_2825, %select_n3A_2791 : f32
      %jit3A_2827 = arith.constant 1 : i32
      %select_n3A_2828 = arith.select %lt3A_2826, %jit3A_2827, %select_n3A_2789 : i32
      %select_n3A_2829 = arith.select %lt3A_2826, %sqrt3A_2825, %select_n3A_2791 : f32
      %mul3A_2830 = arith.mulf %reduce_sum3A_585, %reduce_sum3A_585 : f32
      %mul3A_2831 = arith.mulf %reduce_sum3A_593, %reduce_sum3A_593 : f32
      %add3A_2832 = arith.addf %mul3A_2830, %mul3A_2831 : f32
      %mul3A_2833 = arith.mulf %reduce_sum3A_601, %reduce_sum3A_601 : f32
      %add3A_2834 = arith.addf %add3A_2832, %mul3A_2833 : f32
      %mul3A_2835 = arith.mulf %select_n3A_1351, %select_n3A_1351 : f32
      %mul3A_2836 = arith.mulf %select_n3A_1354, %select_n3A_1354 : f32
      %add3A_2837 = arith.addf %mul3A_2835, %mul3A_2836 : f32
      %mul3A_2838 = arith.mulf %select_n3A_1357, %select_n3A_1357 : f32
      %add3A_2839 = arith.addf %add3A_2837, %mul3A_2838 : f32
      %convert_element_type3A_2840 = arith.truncf %reduce_sum3A_585 : f32 to bf16
      %convert_element_type3A_2841 = arith.extf %convert_element_type3A_2840 : bf16 to f32
      %convert_element_type3A_2842 = arith.truncf %select_n3A_1351 : f32 to bf16
      %convert_element_type3A_2843 = arith.extf %convert_element_type3A_2842 : bf16 to f32
      %mul3A_2844 = arith.mulf %convert_element_type3A_2841, %convert_element_type3A_2843 : f32
      %convert_element_type3A_2845 = arith.truncf %reduce_sum3A_593 : f32 to bf16
      %convert_element_type3A_2846 = arith.extf %convert_element_type3A_2845 : bf16 to f32
      %convert_element_type3A_2847 = arith.truncf %select_n3A_1354 : f32 to bf16
      %convert_element_type3A_2848 = arith.extf %convert_element_type3A_2847 : bf16 to f32
      %mul3A_2849 = arith.mulf %convert_element_type3A_2846, %convert_element_type3A_2848 : f32
      %add3A_2850 = arith.addf %mul3A_2844, %mul3A_2849 : f32
      %convert_element_type3A_2851 = arith.truncf %reduce_sum3A_601 : f32 to bf16
      %convert_element_type3A_2852 = arith.extf %convert_element_type3A_2851 : bf16 to f32
      %convert_element_type3A_2853 = arith.truncf %select_n3A_1357 : f32 to bf16
      %convert_element_type3A_2854 = arith.extf %convert_element_type3A_2853 : bf16 to f32
      %mul3A_2855 = arith.mulf %convert_element_type3A_2852, %convert_element_type3A_2854 : f32
      %add3A_2856 = arith.addf %add3A_2850, %mul3A_2855 : f32
      %add3A_2857 = arith.addf %add3A_2834, %add3A_2839 : f32
      %mul3A_2858 = arith.constant 2.000000e+00 : f32
      %mul3A_2859 = arith.mulf %mul3A_2858, %add3A_2856 : f32
      %sub3A_2860 = arith.subf %add3A_2857, %mul3A_2859 : f32
      %max3A_2861 = arith.constant 9.99999996E-13 : f32
      %max3A_2862 = arith.maximumf %sub3A_2860, %max3A_2861 : f32
      %sqrt3A_2863 = math.sqrt %max3A_2862 : f32
      %lt3A_2864 = arith.cmpf olt, %sqrt3A_2863, %select_n3A_2829 : f32
      %jit3A_2865 = arith.constant 2 : i32
      %select_n3A_2866 = arith.select %lt3A_2864, %jit3A_2865, %select_n3A_2828 : i32
      %select_n3A_2867 = arith.select %lt3A_2864, %sqrt3A_2863, %select_n3A_2829 : f32
      %mul3A_2868 = arith.mulf %reduce_sum3A_585, %reduce_sum3A_585 : f32
      %mul3A_2869 = arith.mulf %reduce_sum3A_593, %reduce_sum3A_593 : f32
      %add3A_2870 = arith.addf %mul3A_2868, %mul3A_2869 : f32
      %mul3A_2871 = arith.mulf %reduce_sum3A_601, %reduce_sum3A_601 : f32
      %add3A_2872 = arith.addf %add3A_2870, %mul3A_2871 : f32
      %mul3A_2873 = arith.mulf %select_n3A_1392, %select_n3A_1392 : f32
      %mul3A_2874 = arith.mulf %select_n3A_1395, %select_n3A_1395 : f32
      %add3A_2875 = arith.addf %mul3A_2873, %mul3A_2874 : f32
      %mul3A_2876 = arith.mulf %select_n3A_1398, %select_n3A_1398 : f32
      %add3A_2877 = arith.addf %add3A_2875, %mul3A_2876 : f32
      %convert_element_type3A_2878 = arith.truncf %reduce_sum3A_585 : f32 to bf16
      %convert_element_type3A_2879 = arith.extf %convert_element_type3A_2878 : bf16 to f32
      %convert_element_type3A_2880 = arith.truncf %select_n3A_1392 : f32 to bf16
      %convert_element_type3A_2881 = arith.extf %convert_element_type3A_2880 : bf16 to f32
      %mul3A_2882 = arith.mulf %convert_element_type3A_2879, %convert_element_type3A_2881 : f32
      %convert_element_type3A_2883 = arith.truncf %reduce_sum3A_593 : f32 to bf16
      %convert_element_type3A_2884 = arith.extf %convert_element_type3A_2883 : bf16 to f32
      %convert_element_type3A_2885 = arith.truncf %select_n3A_1395 : f32 to bf16
      %convert_element_type3A_2886 = arith.extf %convert_element_type3A_2885 : bf16 to f32
      %mul3A_2887 = arith.mulf %convert_element_type3A_2884, %convert_element_type3A_2886 : f32
      %add3A_2888 = arith.addf %mul3A_2882, %mul3A_2887 : f32
      %convert_element_type3A_2889 = arith.truncf %reduce_sum3A_601 : f32 to bf16
      %convert_element_type3A_2890 = arith.extf %convert_element_type3A_2889 : bf16 to f32
      %convert_element_type3A_2891 = arith.truncf %select_n3A_1398 : f32 to bf16
      %convert_element_type3A_2892 = arith.extf %convert_element_type3A_2891 : bf16 to f32
      %mul3A_2893 = arith.mulf %convert_element_type3A_2890, %convert_element_type3A_2892 : f32
      %add3A_2894 = arith.addf %add3A_2888, %mul3A_2893 : f32
      %add3A_2895 = arith.addf %add3A_2872, %add3A_2877 : f32
      %mul3A_2896 = arith.constant 2.000000e+00 : f32
      %mul3A_2897 = arith.mulf %mul3A_2896, %add3A_2894 : f32
      %sub3A_2898 = arith.subf %add3A_2895, %mul3A_2897 : f32
      %max3A_2899 = arith.constant 9.99999996E-13 : f32
      %max3A_2900 = arith.maximumf %sub3A_2898, %max3A_2899 : f32
      %sqrt3A_2901 = math.sqrt %max3A_2900 : f32
      %lt3A_2902 = arith.cmpf olt, %sqrt3A_2901, %select_n3A_2867 : f32
      %jit3A_2903 = arith.constant 3 : i32
      %select_n3A_2904 = arith.select %lt3A_2902, %jit3A_2903, %select_n3A_2866 : i32
      %select_n3A_2905 = arith.select %lt3A_2902, %sqrt3A_2901, %select_n3A_2867 : f32
      %mul3A_2906 = arith.mulf %reduce_sum3A_585, %reduce_sum3A_585 : f32
      %mul3A_2907 = arith.mulf %reduce_sum3A_593, %reduce_sum3A_593 : f32
      %add3A_2908 = arith.addf %mul3A_2906, %mul3A_2907 : f32
      %mul3A_2909 = arith.mulf %reduce_sum3A_601, %reduce_sum3A_601 : f32
      %add3A_2910 = arith.addf %add3A_2908, %mul3A_2909 : f32
      %mul3A_2911 = arith.mulf %select_n3A_1433, %select_n3A_1433 : f32
      %mul3A_2912 = arith.mulf %select_n3A_1436, %select_n3A_1436 : f32
      %add3A_2913 = arith.addf %mul3A_2911, %mul3A_2912 : f32
      %mul3A_2914 = arith.mulf %select_n3A_1439, %select_n3A_1439 : f32
      %add3A_2915 = arith.addf %add3A_2913, %mul3A_2914 : f32
      %convert_element_type3A_2916 = arith.truncf %reduce_sum3A_585 : f32 to bf16
      %convert_element_type3A_2917 = arith.extf %convert_element_type3A_2916 : bf16 to f32
      %convert_element_type3A_2918 = arith.truncf %select_n3A_1433 : f32 to bf16
      %convert_element_type3A_2919 = arith.extf %convert_element_type3A_2918 : bf16 to f32
      %mul3A_2920 = arith.mulf %convert_element_type3A_2917, %convert_element_type3A_2919 : f32
      %convert_element_type3A_2921 = arith.truncf %reduce_sum3A_593 : f32 to bf16
      %convert_element_type3A_2922 = arith.extf %convert_element_type3A_2921 : bf16 to f32
      %convert_element_type3A_2923 = arith.truncf %select_n3A_1436 : f32 to bf16
      %convert_element_type3A_2924 = arith.extf %convert_element_type3A_2923 : bf16 to f32
      %mul3A_2925 = arith.mulf %convert_element_type3A_2922, %convert_element_type3A_2924 : f32
      %add3A_2926 = arith.addf %mul3A_2920, %mul3A_2925 : f32
      %convert_element_type3A_2927 = arith.truncf %reduce_sum3A_601 : f32 to bf16
      %convert_element_type3A_2928 = arith.extf %convert_element_type3A_2927 : bf16 to f32
      %convert_element_type3A_2929 = arith.truncf %select_n3A_1439 : f32 to bf16
      %convert_element_type3A_2930 = arith.extf %convert_element_type3A_2929 : bf16 to f32
      %mul3A_2931 = arith.mulf %convert_element_type3A_2928, %convert_element_type3A_2930 : f32
      %add3A_2932 = arith.addf %add3A_2926, %mul3A_2931 : f32
      %add3A_2933 = arith.addf %add3A_2910, %add3A_2915 : f32
      %mul3A_2934 = arith.constant 2.000000e+00 : f32
      %mul3A_2935 = arith.mulf %mul3A_2934, %add3A_2932 : f32
      %sub3A_2936 = arith.subf %add3A_2933, %mul3A_2935 : f32
      %max3A_2937 = arith.constant 9.99999996E-13 : f32
      %max3A_2938 = arith.maximumf %sub3A_2936, %max3A_2937 : f32
      %sqrt3A_2939 = math.sqrt %max3A_2938 : f32
      %lt3A_2940 = arith.cmpf olt, %sqrt3A_2939, %select_n3A_2905 : f32
      %jit3A_2941 = arith.constant 4 : i32
      %select_n3A_2942 = arith.select %lt3A_2940, %jit3A_2941, %select_n3A_2904 : i32
      %select_n3A_2943 = arith.select %lt3A_2940, %sqrt3A_2939, %select_n3A_2905 : f32
      %mul3A_2944 = arith.mulf %reduce_sum3A_585, %reduce_sum3A_585 : f32
      %mul3A_2945 = arith.mulf %reduce_sum3A_593, %reduce_sum3A_593 : f32
      %add3A_2946 = arith.addf %mul3A_2944, %mul3A_2945 : f32
      %mul3A_2947 = arith.mulf %reduce_sum3A_601, %reduce_sum3A_601 : f32
      %add3A_2948 = arith.addf %add3A_2946, %mul3A_2947 : f32
      %mul3A_2949 = arith.mulf %select_n3A_1474, %select_n3A_1474 : f32
      %mul3A_2950 = arith.mulf %select_n3A_1477, %select_n3A_1477 : f32
      %add3A_2951 = arith.addf %mul3A_2949, %mul3A_2950 : f32
      %mul3A_2952 = arith.mulf %select_n3A_1480, %select_n3A_1480 : f32
      %add3A_2953 = arith.addf %add3A_2951, %mul3A_2952 : f32
      %convert_element_type3A_2954 = arith.truncf %reduce_sum3A_585 : f32 to bf16
      %convert_element_type3A_2955 = arith.extf %convert_element_type3A_2954 : bf16 to f32
      %convert_element_type3A_2956 = arith.truncf %select_n3A_1474 : f32 to bf16
      %convert_element_type3A_2957 = arith.extf %convert_element_type3A_2956 : bf16 to f32
      %mul3A_2958 = arith.mulf %convert_element_type3A_2955, %convert_element_type3A_2957 : f32
      %convert_element_type3A_2959 = arith.truncf %reduce_sum3A_593 : f32 to bf16
      %convert_element_type3A_2960 = arith.extf %convert_element_type3A_2959 : bf16 to f32
      %convert_element_type3A_2961 = arith.truncf %select_n3A_1477 : f32 to bf16
      %convert_element_type3A_2962 = arith.extf %convert_element_type3A_2961 : bf16 to f32
      %mul3A_2963 = arith.mulf %convert_element_type3A_2960, %convert_element_type3A_2962 : f32
      %add3A_2964 = arith.addf %mul3A_2958, %mul3A_2963 : f32
      %convert_element_type3A_2965 = arith.truncf %reduce_sum3A_601 : f32 to bf16
      %convert_element_type3A_2966 = arith.extf %convert_element_type3A_2965 : bf16 to f32
      %convert_element_type3A_2967 = arith.truncf %select_n3A_1480 : f32 to bf16
      %convert_element_type3A_2968 = arith.extf %convert_element_type3A_2967 : bf16 to f32
      %mul3A_2969 = arith.mulf %convert_element_type3A_2966, %convert_element_type3A_2968 : f32
      %add3A_2970 = arith.addf %add3A_2964, %mul3A_2969 : f32
      %add3A_2971 = arith.addf %add3A_2948, %add3A_2953 : f32
      %mul3A_2972 = arith.constant 2.000000e+00 : f32
      %mul3A_2973 = arith.mulf %mul3A_2972, %add3A_2970 : f32
      %sub3A_2974 = arith.subf %add3A_2971, %mul3A_2973 : f32
      %max3A_2975 = arith.constant 9.99999996E-13 : f32
      %max3A_2976 = arith.maximumf %sub3A_2974, %max3A_2975 : f32
      %sqrt3A_2977 = math.sqrt %max3A_2976 : f32
      %lt3A_2978 = arith.cmpf olt, %sqrt3A_2977, %select_n3A_2943 : f32
      %jit3A_2979 = arith.constant 5 : i32
      %select_n3A_2980 = arith.select %lt3A_2978, %jit3A_2979, %select_n3A_2942 : i32
      %select_n3A_2981 = arith.select %lt3A_2978, %sqrt3A_2977, %select_n3A_2943 : f32
      %mul3A_2982 = arith.mulf %reduce_sum3A_585, %reduce_sum3A_585 : f32
      %mul3A_2983 = arith.mulf %reduce_sum3A_593, %reduce_sum3A_593 : f32
      %add3A_2984 = arith.addf %mul3A_2982, %mul3A_2983 : f32
      %mul3A_2985 = arith.mulf %reduce_sum3A_601, %reduce_sum3A_601 : f32
      %add3A_2986 = arith.addf %add3A_2984, %mul3A_2985 : f32
      %mul3A_2987 = arith.mulf %select_n3A_1515, %select_n3A_1515 : f32
      %mul3A_2988 = arith.mulf %select_n3A_1518, %select_n3A_1518 : f32
      %add3A_2989 = arith.addf %mul3A_2987, %mul3A_2988 : f32
      %mul3A_2990 = arith.mulf %select_n3A_1521, %select_n3A_1521 : f32
      %add3A_2991 = arith.addf %add3A_2989, %mul3A_2990 : f32
      %convert_element_type3A_2992 = arith.truncf %reduce_sum3A_585 : f32 to bf16
      %convert_element_type3A_2993 = arith.extf %convert_element_type3A_2992 : bf16 to f32
      %convert_element_type3A_2994 = arith.truncf %select_n3A_1515 : f32 to bf16
      %convert_element_type3A_2995 = arith.extf %convert_element_type3A_2994 : bf16 to f32
      %mul3A_2996 = arith.mulf %convert_element_type3A_2993, %convert_element_type3A_2995 : f32
      %convert_element_type3A_2997 = arith.truncf %reduce_sum3A_593 : f32 to bf16
      %convert_element_type3A_2998 = arith.extf %convert_element_type3A_2997 : bf16 to f32
      %convert_element_type3A_2999 = arith.truncf %select_n3A_1518 : f32 to bf16
      %convert_element_type3A_3000 = arith.extf %convert_element_type3A_2999 : bf16 to f32
      %mul3A_3001 = arith.mulf %convert_element_type3A_2998, %convert_element_type3A_3000 : f32
      %add3A_3002 = arith.addf %mul3A_2996, %mul3A_3001 : f32
      %convert_element_type3A_3003 = arith.truncf %reduce_sum3A_601 : f32 to bf16
      %convert_element_type3A_3004 = arith.extf %convert_element_type3A_3003 : bf16 to f32
      %convert_element_type3A_3005 = arith.truncf %select_n3A_1521 : f32 to bf16
      %convert_element_type3A_3006 = arith.extf %convert_element_type3A_3005 : bf16 to f32
      %mul3A_3007 = arith.mulf %convert_element_type3A_3004, %convert_element_type3A_3006 : f32
      %add3A_3008 = arith.addf %add3A_3002, %mul3A_3007 : f32
      %add3A_3009 = arith.addf %add3A_2986, %add3A_2991 : f32
      %mul3A_3010 = arith.constant 2.000000e+00 : f32
      %mul3A_3011 = arith.mulf %mul3A_3010, %add3A_3008 : f32
      %sub3A_3012 = arith.subf %add3A_3009, %mul3A_3011 : f32
      %max3A_3013 = arith.constant 9.99999996E-13 : f32
      %max3A_3014 = arith.maximumf %sub3A_3012, %max3A_3013 : f32
      %sqrt3A_3015 = math.sqrt %max3A_3014 : f32
      %lt3A_3016 = arith.cmpf olt, %sqrt3A_3015, %select_n3A_2981 : f32
      %jit3A_3017 = arith.constant 6 : i32
      %select_n3A_3018 = arith.select %lt3A_3016, %jit3A_3017, %select_n3A_2980 : i32
      %select_n3A_3019 = arith.select %lt3A_3016, %sqrt3A_3015, %select_n3A_2981 : f32
      %mul3A_3020 = arith.mulf %reduce_sum3A_585, %reduce_sum3A_585 : f32
      %mul3A_3021 = arith.mulf %reduce_sum3A_593, %reduce_sum3A_593 : f32
      %add3A_3022 = arith.addf %mul3A_3020, %mul3A_3021 : f32
      %mul3A_3023 = arith.mulf %reduce_sum3A_601, %reduce_sum3A_601 : f32
      %add3A_3024 = arith.addf %add3A_3022, %mul3A_3023 : f32
      %mul3A_3025 = arith.mulf %select_n3A_1556, %select_n3A_1556 : f32
      %mul3A_3026 = arith.mulf %select_n3A_1559, %select_n3A_1559 : f32
      %add3A_3027 = arith.addf %mul3A_3025, %mul3A_3026 : f32
      %mul3A_3028 = arith.mulf %select_n3A_1562, %select_n3A_1562 : f32
      %add3A_3029 = arith.addf %add3A_3027, %mul3A_3028 : f32
      %convert_element_type3A_3030 = arith.truncf %reduce_sum3A_585 : f32 to bf16
      %convert_element_type3A_3031 = arith.extf %convert_element_type3A_3030 : bf16 to f32
      %convert_element_type3A_3032 = arith.truncf %select_n3A_1556 : f32 to bf16
      %convert_element_type3A_3033 = arith.extf %convert_element_type3A_3032 : bf16 to f32
      %mul3A_3034 = arith.mulf %convert_element_type3A_3031, %convert_element_type3A_3033 : f32
      %convert_element_type3A_3035 = arith.truncf %reduce_sum3A_593 : f32 to bf16
      %convert_element_type3A_3036 = arith.extf %convert_element_type3A_3035 : bf16 to f32
      %convert_element_type3A_3037 = arith.truncf %select_n3A_1559 : f32 to bf16
      %convert_element_type3A_3038 = arith.extf %convert_element_type3A_3037 : bf16 to f32
      %mul3A_3039 = arith.mulf %convert_element_type3A_3036, %convert_element_type3A_3038 : f32
      %add3A_3040 = arith.addf %mul3A_3034, %mul3A_3039 : f32
      %convert_element_type3A_3041 = arith.truncf %reduce_sum3A_601 : f32 to bf16
      %convert_element_type3A_3042 = arith.extf %convert_element_type3A_3041 : bf16 to f32
      %convert_element_type3A_3043 = arith.truncf %select_n3A_1562 : f32 to bf16
      %convert_element_type3A_3044 = arith.extf %convert_element_type3A_3043 : bf16 to f32
      %mul3A_3045 = arith.mulf %convert_element_type3A_3042, %convert_element_type3A_3044 : f32
      %add3A_3046 = arith.addf %add3A_3040, %mul3A_3045 : f32
      %add3A_3047 = arith.addf %add3A_3024, %add3A_3029 : f32
      %mul3A_3048 = arith.constant 2.000000e+00 : f32
      %mul3A_3049 = arith.mulf %mul3A_3048, %add3A_3046 : f32
      %sub3A_3050 = arith.subf %add3A_3047, %mul3A_3049 : f32
      %max3A_3051 = arith.constant 9.99999996E-13 : f32
      %max3A_3052 = arith.maximumf %sub3A_3050, %max3A_3051 : f32
      %sqrt3A_3053 = math.sqrt %max3A_3052 : f32
      %lt3A_3054 = arith.cmpf olt, %sqrt3A_3053, %select_n3A_3019 : f32
      %jit3A_3055 = arith.constant 7 : i32
      %select_n3A_3056 = arith.select %lt3A_3054, %jit3A_3055, %select_n3A_3018 : i32
      %eq3A_3057 = arith.constant 0 : i32
      %eq3A_3058 = arith.cmpi eq, %select_n3A_3056, %eq3A_3057 : i32
      %jit3A_3059 = arith.constant 0.000000e+00 : f32
      %select_n3A_3060 = arith.select %eq3A_3058, %select_n3A_1269, %jit3A_3059 : f32
      %eq3A_3061 = arith.constant 0 : i32
      %eq3A_3062 = arith.cmpi eq, %select_n3A_3056, %eq3A_3061 : i32
      %jit3A_3063 = arith.constant 0.000000e+00 : f32
      %select_n3A_3064 = arith.select %eq3A_3062, %select_n3A_1272, %jit3A_3063 : f32
      %eq3A_3065 = arith.constant 0 : i32
      %eq3A_3066 = arith.cmpi eq, %select_n3A_3056, %eq3A_3065 : i32
      %jit3A_3067 = arith.constant 0.000000e+00 : f32
      %select_n3A_3068 = arith.select %eq3A_3066, %select_n3A_1275, %jit3A_3067 : f32
      %eq3A_3069 = arith.constant 1 : i32
      %eq3A_3070 = arith.cmpi eq, %select_n3A_3056, %eq3A_3069 : i32
      %select_n3A_3071 = arith.select %eq3A_3070, %select_n3A_1310, %select_n3A_3060 : f32
      %eq3A_3072 = arith.constant 1 : i32
      %eq3A_3073 = arith.cmpi eq, %select_n3A_3056, %eq3A_3072 : i32
      %select_n3A_3074 = arith.select %eq3A_3073, %select_n3A_1313, %select_n3A_3064 : f32
      %eq3A_3075 = arith.constant 1 : i32
      %eq3A_3076 = arith.cmpi eq, %select_n3A_3056, %eq3A_3075 : i32
      %select_n3A_3077 = arith.select %eq3A_3076, %select_n3A_1316, %select_n3A_3068 : f32
      %eq3A_3078 = arith.constant 2 : i32
      %eq3A_3079 = arith.cmpi eq, %select_n3A_3056, %eq3A_3078 : i32
      %select_n3A_3080 = arith.select %eq3A_3079, %select_n3A_1351, %select_n3A_3071 : f32
      %eq3A_3081 = arith.constant 2 : i32
      %eq3A_3082 = arith.cmpi eq, %select_n3A_3056, %eq3A_3081 : i32
      %select_n3A_3083 = arith.select %eq3A_3082, %select_n3A_1354, %select_n3A_3074 : f32
      %eq3A_3084 = arith.constant 2 : i32
      %eq3A_3085 = arith.cmpi eq, %select_n3A_3056, %eq3A_3084 : i32
      %select_n3A_3086 = arith.select %eq3A_3085, %select_n3A_1357, %select_n3A_3077 : f32
      %eq3A_3087 = arith.constant 3 : i32
      %eq3A_3088 = arith.cmpi eq, %select_n3A_3056, %eq3A_3087 : i32
      %select_n3A_3089 = arith.select %eq3A_3088, %select_n3A_1392, %select_n3A_3080 : f32
      %eq3A_3090 = arith.constant 3 : i32
      %eq3A_3091 = arith.cmpi eq, %select_n3A_3056, %eq3A_3090 : i32
      %select_n3A_3092 = arith.select %eq3A_3091, %select_n3A_1395, %select_n3A_3083 : f32
      %eq3A_3093 = arith.constant 3 : i32
      %eq3A_3094 = arith.cmpi eq, %select_n3A_3056, %eq3A_3093 : i32
      %select_n3A_3095 = arith.select %eq3A_3094, %select_n3A_1398, %select_n3A_3086 : f32
      %eq3A_3096 = arith.constant 4 : i32
      %eq3A_3097 = arith.cmpi eq, %select_n3A_3056, %eq3A_3096 : i32
      %select_n3A_3098 = arith.select %eq3A_3097, %select_n3A_1433, %select_n3A_3089 : f32
      %eq3A_3099 = arith.constant 4 : i32
      %eq3A_3100 = arith.cmpi eq, %select_n3A_3056, %eq3A_3099 : i32
      %select_n3A_3101 = arith.select %eq3A_3100, %select_n3A_1436, %select_n3A_3092 : f32
      %eq3A_3102 = arith.constant 4 : i32
      %eq3A_3103 = arith.cmpi eq, %select_n3A_3056, %eq3A_3102 : i32
      %select_n3A_3104 = arith.select %eq3A_3103, %select_n3A_1439, %select_n3A_3095 : f32
      %eq3A_3105 = arith.constant 5 : i32
      %eq3A_3106 = arith.cmpi eq, %select_n3A_3056, %eq3A_3105 : i32
      %select_n3A_3107 = arith.select %eq3A_3106, %select_n3A_1474, %select_n3A_3098 : f32
      %eq3A_3108 = arith.constant 5 : i32
      %eq3A_3109 = arith.cmpi eq, %select_n3A_3056, %eq3A_3108 : i32
      %select_n3A_3110 = arith.select %eq3A_3109, %select_n3A_1477, %select_n3A_3101 : f32
      %eq3A_3111 = arith.constant 5 : i32
      %eq3A_3112 = arith.cmpi eq, %select_n3A_3056, %eq3A_3111 : i32
      %select_n3A_3113 = arith.select %eq3A_3112, %select_n3A_1480, %select_n3A_3104 : f32
      %eq3A_3114 = arith.constant 6 : i32
      %eq3A_3115 = arith.cmpi eq, %select_n3A_3056, %eq3A_3114 : i32
      %select_n3A_3116 = arith.select %eq3A_3115, %select_n3A_1515, %select_n3A_3107 : f32
      %eq3A_3117 = arith.constant 6 : i32
      %eq3A_3118 = arith.cmpi eq, %select_n3A_3056, %eq3A_3117 : i32
      %select_n3A_3119 = arith.select %eq3A_3118, %select_n3A_1518, %select_n3A_3110 : f32
      %eq3A_3120 = arith.constant 6 : i32
      %eq3A_3121 = arith.cmpi eq, %select_n3A_3056, %eq3A_3120 : i32
      %select_n3A_3122 = arith.select %eq3A_3121, %select_n3A_1521, %select_n3A_3113 : f32
      %eq3A_3123 = arith.constant 7 : i32
      %eq3A_3124 = arith.cmpi eq, %select_n3A_3056, %eq3A_3123 : i32
      %select_n3A_3125 = arith.select %eq3A_3124, %select_n3A_1556, %select_n3A_3116 : f32
      %eq3A_3126 = arith.constant 7 : i32
      %eq3A_3127 = arith.cmpi eq, %select_n3A_3056, %eq3A_3126 : i32
      %select_n3A_3128 = arith.select %eq3A_3127, %select_n3A_1559, %select_n3A_3119 : f32
      %eq3A_3129 = arith.constant 7 : i32
      %eq3A_3130 = arith.cmpi eq, %select_n3A_3056, %eq3A_3129 : i32
      %select_n3A_3131 = arith.select %eq3A_3130, %select_n3A_1562, %select_n3A_3122 : f32
      %mul3A_3132 = arith.constant 8.000000e-01 : f32
      %mul3A_3133 = arith.mulf %mul3A_3132, %reduce_sum3A_585 : f32
      %mul3A_3134 = arith.constant 2.000000e-01 : f32
      %mul3A_3135 = arith.mulf %mul3A_3134, %select_n3A_3125 : f32
      %add3A_3136 = arith.addf %mul3A_3133, %mul3A_3135 : f32
      %mul3A_3137 = arith.constant 8.000000e-01 : f32
      %mul3A_3138 = arith.mulf %mul3A_3137, %reduce_sum3A_593 : f32
      %mul3A_3139 = arith.constant 2.000000e-01 : f32
      %mul3A_3140 = arith.mulf %mul3A_3139, %select_n3A_3128 : f32
      %add3A_3141 = arith.addf %mul3A_3138, %mul3A_3140 : f32
      %mul3A_3142 = arith.constant 8.000000e-01 : f32
      %mul3A_3143 = arith.mulf %mul3A_3142, %reduce_sum3A_601 : f32
      %mul3A_3144 = arith.constant 2.000000e-01 : f32
      %mul3A_3145 = arith.mulf %mul3A_3144, %select_n3A_3131 : f32
      %add3A_3146 = arith.addf %mul3A_3143, %mul3A_3145 : f32
      %mul3A_3147 = arith.mulf %reduce_sum3A_611, %reduce_sum3A_611 : f32
      %mul3A_3148 = arith.mulf %reduce_sum3A_619, %reduce_sum3A_619 : f32
      %add3A_3149 = arith.addf %mul3A_3147, %mul3A_3148 : f32
      %mul3A_3150 = arith.mulf %reduce_sum3A_627, %reduce_sum3A_627 : f32
      %add3A_3151 = arith.addf %add3A_3149, %mul3A_3150 : f32
      %mul3A_3152 = arith.mulf %select_n3A_1269, %select_n3A_1269 : f32
      %mul3A_3153 = arith.mulf %select_n3A_1272, %select_n3A_1272 : f32
      %add3A_3154 = arith.addf %mul3A_3152, %mul3A_3153 : f32
      %mul3A_3155 = arith.mulf %select_n3A_1275, %select_n3A_1275 : f32
      %add3A_3156 = arith.addf %add3A_3154, %mul3A_3155 : f32
      %convert_element_type3A_3157 = arith.truncf %reduce_sum3A_611 : f32 to bf16
      %convert_element_type3A_3158 = arith.extf %convert_element_type3A_3157 : bf16 to f32
      %convert_element_type3A_3159 = arith.truncf %select_n3A_1269 : f32 to bf16
      %convert_element_type3A_3160 = arith.extf %convert_element_type3A_3159 : bf16 to f32
      %mul3A_3161 = arith.mulf %convert_element_type3A_3158, %convert_element_type3A_3160 : f32
      %convert_element_type3A_3162 = arith.truncf %reduce_sum3A_619 : f32 to bf16
      %convert_element_type3A_3163 = arith.extf %convert_element_type3A_3162 : bf16 to f32
      %convert_element_type3A_3164 = arith.truncf %select_n3A_1272 : f32 to bf16
      %convert_element_type3A_3165 = arith.extf %convert_element_type3A_3164 : bf16 to f32
      %mul3A_3166 = arith.mulf %convert_element_type3A_3163, %convert_element_type3A_3165 : f32
      %add3A_3167 = arith.addf %mul3A_3161, %mul3A_3166 : f32
      %convert_element_type3A_3168 = arith.truncf %reduce_sum3A_627 : f32 to bf16
      %convert_element_type3A_3169 = arith.extf %convert_element_type3A_3168 : bf16 to f32
      %convert_element_type3A_3170 = arith.truncf %select_n3A_1275 : f32 to bf16
      %convert_element_type3A_3171 = arith.extf %convert_element_type3A_3170 : bf16 to f32
      %mul3A_3172 = arith.mulf %convert_element_type3A_3169, %convert_element_type3A_3171 : f32
      %add3A_3173 = arith.addf %add3A_3167, %mul3A_3172 : f32
      %add3A_3174 = arith.addf %add3A_3151, %add3A_3156 : f32
      %mul3A_3175 = arith.constant 2.000000e+00 : f32
      %mul3A_3176 = arith.mulf %mul3A_3175, %add3A_3173 : f32
      %sub3A_3177 = arith.subf %add3A_3174, %mul3A_3176 : f32
      %max3A_3178 = arith.constant 9.99999996E-13 : f32
      %max3A_3179 = arith.maximumf %sub3A_3177, %max3A_3178 : f32
      %sqrt3A_3180 = math.sqrt %max3A_3179 : f32
      %lt3A_3181 = arith.constant 0x7F800000 : f32
      %lt3A_3182 = arith.cmpf olt, %sqrt3A_3180, %lt3A_3181 : f32
      %jit3A_3183 = arith.constant 0 : i32
      %jit3A_3184 = arith.constant 0 : i32
      %select_n3A_3185 = arith.select %lt3A_3182, %jit3A_3183, %jit3A_3184 : i32
      %jit3A_3186 = arith.constant 0x7F800000 : f32
      %select_n3A_3187 = arith.select %lt3A_3182, %sqrt3A_3180, %jit3A_3186 : f32
      %mul3A_3188 = arith.mulf %reduce_sum3A_611, %reduce_sum3A_611 : f32
      %mul3A_3189 = arith.mulf %reduce_sum3A_619, %reduce_sum3A_619 : f32
      %add3A_3190 = arith.addf %mul3A_3188, %mul3A_3189 : f32
      %mul3A_3191 = arith.mulf %reduce_sum3A_627, %reduce_sum3A_627 : f32
      %add3A_3192 = arith.addf %add3A_3190, %mul3A_3191 : f32
      %mul3A_3193 = arith.mulf %select_n3A_1310, %select_n3A_1310 : f32
      %mul3A_3194 = arith.mulf %select_n3A_1313, %select_n3A_1313 : f32
      %add3A_3195 = arith.addf %mul3A_3193, %mul3A_3194 : f32
      %mul3A_3196 = arith.mulf %select_n3A_1316, %select_n3A_1316 : f32
      %add3A_3197 = arith.addf %add3A_3195, %mul3A_3196 : f32
      %convert_element_type3A_3198 = arith.truncf %reduce_sum3A_611 : f32 to bf16
      %convert_element_type3A_3199 = arith.extf %convert_element_type3A_3198 : bf16 to f32
      %convert_element_type3A_3200 = arith.truncf %select_n3A_1310 : f32 to bf16
      %convert_element_type3A_3201 = arith.extf %convert_element_type3A_3200 : bf16 to f32
      %mul3A_3202 = arith.mulf %convert_element_type3A_3199, %convert_element_type3A_3201 : f32
      %convert_element_type3A_3203 = arith.truncf %reduce_sum3A_619 : f32 to bf16
      %convert_element_type3A_3204 = arith.extf %convert_element_type3A_3203 : bf16 to f32
      %convert_element_type3A_3205 = arith.truncf %select_n3A_1313 : f32 to bf16
      %convert_element_type3A_3206 = arith.extf %convert_element_type3A_3205 : bf16 to f32
      %mul3A_3207 = arith.mulf %convert_element_type3A_3204, %convert_element_type3A_3206 : f32
      %add3A_3208 = arith.addf %mul3A_3202, %mul3A_3207 : f32
      %convert_element_type3A_3209 = arith.truncf %reduce_sum3A_627 : f32 to bf16
      %convert_element_type3A_3210 = arith.extf %convert_element_type3A_3209 : bf16 to f32
      %convert_element_type3A_3211 = arith.truncf %select_n3A_1316 : f32 to bf16
      %convert_element_type3A_3212 = arith.extf %convert_element_type3A_3211 : bf16 to f32
      %mul3A_3213 = arith.mulf %convert_element_type3A_3210, %convert_element_type3A_3212 : f32
      %add3A_3214 = arith.addf %add3A_3208, %mul3A_3213 : f32
      %add3A_3215 = arith.addf %add3A_3192, %add3A_3197 : f32
      %mul3A_3216 = arith.constant 2.000000e+00 : f32
      %mul3A_3217 = arith.mulf %mul3A_3216, %add3A_3214 : f32
      %sub3A_3218 = arith.subf %add3A_3215, %mul3A_3217 : f32
      %max3A_3219 = arith.constant 9.99999996E-13 : f32
      %max3A_3220 = arith.maximumf %sub3A_3218, %max3A_3219 : f32
      %sqrt3A_3221 = math.sqrt %max3A_3220 : f32
      %lt3A_3222 = arith.cmpf olt, %sqrt3A_3221, %select_n3A_3187 : f32
      %jit3A_3223 = arith.constant 1 : i32
      %select_n3A_3224 = arith.select %lt3A_3222, %jit3A_3223, %select_n3A_3185 : i32
      %select_n3A_3225 = arith.select %lt3A_3222, %sqrt3A_3221, %select_n3A_3187 : f32
      %mul3A_3226 = arith.mulf %reduce_sum3A_611, %reduce_sum3A_611 : f32
      %mul3A_3227 = arith.mulf %reduce_sum3A_619, %reduce_sum3A_619 : f32
      %add3A_3228 = arith.addf %mul3A_3226, %mul3A_3227 : f32
      %mul3A_3229 = arith.mulf %reduce_sum3A_627, %reduce_sum3A_627 : f32
      %add3A_3230 = arith.addf %add3A_3228, %mul3A_3229 : f32
      %mul3A_3231 = arith.mulf %select_n3A_1351, %select_n3A_1351 : f32
      %mul3A_3232 = arith.mulf %select_n3A_1354, %select_n3A_1354 : f32
      %add3A_3233 = arith.addf %mul3A_3231, %mul3A_3232 : f32
      %mul3A_3234 = arith.mulf %select_n3A_1357, %select_n3A_1357 : f32
      %add3A_3235 = arith.addf %add3A_3233, %mul3A_3234 : f32
      %convert_element_type3A_3236 = arith.truncf %reduce_sum3A_611 : f32 to bf16
      %convert_element_type3A_3237 = arith.extf %convert_element_type3A_3236 : bf16 to f32
      %convert_element_type3A_3238 = arith.truncf %select_n3A_1351 : f32 to bf16
      %convert_element_type3A_3239 = arith.extf %convert_element_type3A_3238 : bf16 to f32
      %mul3A_3240 = arith.mulf %convert_element_type3A_3237, %convert_element_type3A_3239 : f32
      %convert_element_type3A_3241 = arith.truncf %reduce_sum3A_619 : f32 to bf16
      %convert_element_type3A_3242 = arith.extf %convert_element_type3A_3241 : bf16 to f32
      %convert_element_type3A_3243 = arith.truncf %select_n3A_1354 : f32 to bf16
      %convert_element_type3A_3244 = arith.extf %convert_element_type3A_3243 : bf16 to f32
      %mul3A_3245 = arith.mulf %convert_element_type3A_3242, %convert_element_type3A_3244 : f32
      %add3A_3246 = arith.addf %mul3A_3240, %mul3A_3245 : f32
      %convert_element_type3A_3247 = arith.truncf %reduce_sum3A_627 : f32 to bf16
      %convert_element_type3A_3248 = arith.extf %convert_element_type3A_3247 : bf16 to f32
      %convert_element_type3A_3249 = arith.truncf %select_n3A_1357 : f32 to bf16
      %convert_element_type3A_3250 = arith.extf %convert_element_type3A_3249 : bf16 to f32
      %mul3A_3251 = arith.mulf %convert_element_type3A_3248, %convert_element_type3A_3250 : f32
      %add3A_3252 = arith.addf %add3A_3246, %mul3A_3251 : f32
      %add3A_3253 = arith.addf %add3A_3230, %add3A_3235 : f32
      %mul3A_3254 = arith.constant 2.000000e+00 : f32
      %mul3A_3255 = arith.mulf %mul3A_3254, %add3A_3252 : f32
      %sub3A_3256 = arith.subf %add3A_3253, %mul3A_3255 : f32
      %max3A_3257 = arith.constant 9.99999996E-13 : f32
      %max3A_3258 = arith.maximumf %sub3A_3256, %max3A_3257 : f32
      %sqrt3A_3259 = math.sqrt %max3A_3258 : f32
      %lt3A_3260 = arith.cmpf olt, %sqrt3A_3259, %select_n3A_3225 : f32
      %jit3A_3261 = arith.constant 2 : i32
      %select_n3A_3262 = arith.select %lt3A_3260, %jit3A_3261, %select_n3A_3224 : i32
      %select_n3A_3263 = arith.select %lt3A_3260, %sqrt3A_3259, %select_n3A_3225 : f32
      %mul3A_3264 = arith.mulf %reduce_sum3A_611, %reduce_sum3A_611 : f32
      %mul3A_3265 = arith.mulf %reduce_sum3A_619, %reduce_sum3A_619 : f32
      %add3A_3266 = arith.addf %mul3A_3264, %mul3A_3265 : f32
      %mul3A_3267 = arith.mulf %reduce_sum3A_627, %reduce_sum3A_627 : f32
      %add3A_3268 = arith.addf %add3A_3266, %mul3A_3267 : f32
      %mul3A_3269 = arith.mulf %select_n3A_1392, %select_n3A_1392 : f32
      %mul3A_3270 = arith.mulf %select_n3A_1395, %select_n3A_1395 : f32
      %add3A_3271 = arith.addf %mul3A_3269, %mul3A_3270 : f32
      %mul3A_3272 = arith.mulf %select_n3A_1398, %select_n3A_1398 : f32
      %add3A_3273 = arith.addf %add3A_3271, %mul3A_3272 : f32
      %convert_element_type3A_3274 = arith.truncf %reduce_sum3A_611 : f32 to bf16
      %convert_element_type3A_3275 = arith.extf %convert_element_type3A_3274 : bf16 to f32
      %convert_element_type3A_3276 = arith.truncf %select_n3A_1392 : f32 to bf16
      %convert_element_type3A_3277 = arith.extf %convert_element_type3A_3276 : bf16 to f32
      %mul3A_3278 = arith.mulf %convert_element_type3A_3275, %convert_element_type3A_3277 : f32
      %convert_element_type3A_3279 = arith.truncf %reduce_sum3A_619 : f32 to bf16
      %convert_element_type3A_3280 = arith.extf %convert_element_type3A_3279 : bf16 to f32
      %convert_element_type3A_3281 = arith.truncf %select_n3A_1395 : f32 to bf16
      %convert_element_type3A_3282 = arith.extf %convert_element_type3A_3281 : bf16 to f32
      %mul3A_3283 = arith.mulf %convert_element_type3A_3280, %convert_element_type3A_3282 : f32
      %add3A_3284 = arith.addf %mul3A_3278, %mul3A_3283 : f32
      %convert_element_type3A_3285 = arith.truncf %reduce_sum3A_627 : f32 to bf16
      %convert_element_type3A_3286 = arith.extf %convert_element_type3A_3285 : bf16 to f32
      %convert_element_type3A_3287 = arith.truncf %select_n3A_1398 : f32 to bf16
      %convert_element_type3A_3288 = arith.extf %convert_element_type3A_3287 : bf16 to f32
      %mul3A_3289 = arith.mulf %convert_element_type3A_3286, %convert_element_type3A_3288 : f32
      %add3A_3290 = arith.addf %add3A_3284, %mul3A_3289 : f32
      %add3A_3291 = arith.addf %add3A_3268, %add3A_3273 : f32
      %mul3A_3292 = arith.constant 2.000000e+00 : f32
      %mul3A_3293 = arith.mulf %mul3A_3292, %add3A_3290 : f32
      %sub3A_3294 = arith.subf %add3A_3291, %mul3A_3293 : f32
      %max3A_3295 = arith.constant 9.99999996E-13 : f32
      %max3A_3296 = arith.maximumf %sub3A_3294, %max3A_3295 : f32
      %sqrt3A_3297 = math.sqrt %max3A_3296 : f32
      %lt3A_3298 = arith.cmpf olt, %sqrt3A_3297, %select_n3A_3263 : f32
      %jit3A_3299 = arith.constant 3 : i32
      %select_n3A_3300 = arith.select %lt3A_3298, %jit3A_3299, %select_n3A_3262 : i32
      %select_n3A_3301 = arith.select %lt3A_3298, %sqrt3A_3297, %select_n3A_3263 : f32
      %mul3A_3302 = arith.mulf %reduce_sum3A_611, %reduce_sum3A_611 : f32
      %mul3A_3303 = arith.mulf %reduce_sum3A_619, %reduce_sum3A_619 : f32
      %add3A_3304 = arith.addf %mul3A_3302, %mul3A_3303 : f32
      %mul3A_3305 = arith.mulf %reduce_sum3A_627, %reduce_sum3A_627 : f32
      %add3A_3306 = arith.addf %add3A_3304, %mul3A_3305 : f32
      %mul3A_3307 = arith.mulf %select_n3A_1433, %select_n3A_1433 : f32
      %mul3A_3308 = arith.mulf %select_n3A_1436, %select_n3A_1436 : f32
      %add3A_3309 = arith.addf %mul3A_3307, %mul3A_3308 : f32
      %mul3A_3310 = arith.mulf %select_n3A_1439, %select_n3A_1439 : f32
      %add3A_3311 = arith.addf %add3A_3309, %mul3A_3310 : f32
      %convert_element_type3A_3312 = arith.truncf %reduce_sum3A_611 : f32 to bf16
      %convert_element_type3A_3313 = arith.extf %convert_element_type3A_3312 : bf16 to f32
      %convert_element_type3A_3314 = arith.truncf %select_n3A_1433 : f32 to bf16
      %convert_element_type3A_3315 = arith.extf %convert_element_type3A_3314 : bf16 to f32
      %mul3A_3316 = arith.mulf %convert_element_type3A_3313, %convert_element_type3A_3315 : f32
      %convert_element_type3A_3317 = arith.truncf %reduce_sum3A_619 : f32 to bf16
      %convert_element_type3A_3318 = arith.extf %convert_element_type3A_3317 : bf16 to f32
      %convert_element_type3A_3319 = arith.truncf %select_n3A_1436 : f32 to bf16
      %convert_element_type3A_3320 = arith.extf %convert_element_type3A_3319 : bf16 to f32
      %mul3A_3321 = arith.mulf %convert_element_type3A_3318, %convert_element_type3A_3320 : f32
      %add3A_3322 = arith.addf %mul3A_3316, %mul3A_3321 : f32
      %convert_element_type3A_3323 = arith.truncf %reduce_sum3A_627 : f32 to bf16
      %convert_element_type3A_3324 = arith.extf %convert_element_type3A_3323 : bf16 to f32
      %convert_element_type3A_3325 = arith.truncf %select_n3A_1439 : f32 to bf16
      %convert_element_type3A_3326 = arith.extf %convert_element_type3A_3325 : bf16 to f32
      %mul3A_3327 = arith.mulf %convert_element_type3A_3324, %convert_element_type3A_3326 : f32
      %add3A_3328 = arith.addf %add3A_3322, %mul3A_3327 : f32
      %add3A_3329 = arith.addf %add3A_3306, %add3A_3311 : f32
      %mul3A_3330 = arith.constant 2.000000e+00 : f32
      %mul3A_3331 = arith.mulf %mul3A_3330, %add3A_3328 : f32
      %sub3A_3332 = arith.subf %add3A_3329, %mul3A_3331 : f32
      %max3A_3333 = arith.constant 9.99999996E-13 : f32
      %max3A_3334 = arith.maximumf %sub3A_3332, %max3A_3333 : f32
      %sqrt3A_3335 = math.sqrt %max3A_3334 : f32
      %lt3A_3336 = arith.cmpf olt, %sqrt3A_3335, %select_n3A_3301 : f32
      %jit3A_3337 = arith.constant 4 : i32
      %select_n3A_3338 = arith.select %lt3A_3336, %jit3A_3337, %select_n3A_3300 : i32
      %select_n3A_3339 = arith.select %lt3A_3336, %sqrt3A_3335, %select_n3A_3301 : f32
      %mul3A_3340 = arith.mulf %reduce_sum3A_611, %reduce_sum3A_611 : f32
      %mul3A_3341 = arith.mulf %reduce_sum3A_619, %reduce_sum3A_619 : f32
      %add3A_3342 = arith.addf %mul3A_3340, %mul3A_3341 : f32
      %mul3A_3343 = arith.mulf %reduce_sum3A_627, %reduce_sum3A_627 : f32
      %add3A_3344 = arith.addf %add3A_3342, %mul3A_3343 : f32
      %mul3A_3345 = arith.mulf %select_n3A_1474, %select_n3A_1474 : f32
      %mul3A_3346 = arith.mulf %select_n3A_1477, %select_n3A_1477 : f32
      %add3A_3347 = arith.addf %mul3A_3345, %mul3A_3346 : f32
      %mul3A_3348 = arith.mulf %select_n3A_1480, %select_n3A_1480 : f32
      %add3A_3349 = arith.addf %add3A_3347, %mul3A_3348 : f32
      %convert_element_type3A_3350 = arith.truncf %reduce_sum3A_611 : f32 to bf16
      %convert_element_type3A_3351 = arith.extf %convert_element_type3A_3350 : bf16 to f32
      %convert_element_type3A_3352 = arith.truncf %select_n3A_1474 : f32 to bf16
      %convert_element_type3A_3353 = arith.extf %convert_element_type3A_3352 : bf16 to f32
      %mul3A_3354 = arith.mulf %convert_element_type3A_3351, %convert_element_type3A_3353 : f32
      %convert_element_type3A_3355 = arith.truncf %reduce_sum3A_619 : f32 to bf16
      %convert_element_type3A_3356 = arith.extf %convert_element_type3A_3355 : bf16 to f32
      %convert_element_type3A_3357 = arith.truncf %select_n3A_1477 : f32 to bf16
      %convert_element_type3A_3358 = arith.extf %convert_element_type3A_3357 : bf16 to f32
      %mul3A_3359 = arith.mulf %convert_element_type3A_3356, %convert_element_type3A_3358 : f32
      %add3A_3360 = arith.addf %mul3A_3354, %mul3A_3359 : f32
      %convert_element_type3A_3361 = arith.truncf %reduce_sum3A_627 : f32 to bf16
      %convert_element_type3A_3362 = arith.extf %convert_element_type3A_3361 : bf16 to f32
      %convert_element_type3A_3363 = arith.truncf %select_n3A_1480 : f32 to bf16
      %convert_element_type3A_3364 = arith.extf %convert_element_type3A_3363 : bf16 to f32
      %mul3A_3365 = arith.mulf %convert_element_type3A_3362, %convert_element_type3A_3364 : f32
      %add3A_3366 = arith.addf %add3A_3360, %mul3A_3365 : f32
      %add3A_3367 = arith.addf %add3A_3344, %add3A_3349 : f32
      %mul3A_3368 = arith.constant 2.000000e+00 : f32
      %mul3A_3369 = arith.mulf %mul3A_3368, %add3A_3366 : f32
      %sub3A_3370 = arith.subf %add3A_3367, %mul3A_3369 : f32
      %max3A_3371 = arith.constant 9.99999996E-13 : f32
      %max3A_3372 = arith.maximumf %sub3A_3370, %max3A_3371 : f32
      %sqrt3A_3373 = math.sqrt %max3A_3372 : f32
      %lt3A_3374 = arith.cmpf olt, %sqrt3A_3373, %select_n3A_3339 : f32
      %jit3A_3375 = arith.constant 5 : i32
      %select_n3A_3376 = arith.select %lt3A_3374, %jit3A_3375, %select_n3A_3338 : i32
      %select_n3A_3377 = arith.select %lt3A_3374, %sqrt3A_3373, %select_n3A_3339 : f32
      %mul3A_3378 = arith.mulf %reduce_sum3A_611, %reduce_sum3A_611 : f32
      %mul3A_3379 = arith.mulf %reduce_sum3A_619, %reduce_sum3A_619 : f32
      %add3A_3380 = arith.addf %mul3A_3378, %mul3A_3379 : f32
      %mul3A_3381 = arith.mulf %reduce_sum3A_627, %reduce_sum3A_627 : f32
      %add3A_3382 = arith.addf %add3A_3380, %mul3A_3381 : f32
      %mul3A_3383 = arith.mulf %select_n3A_1515, %select_n3A_1515 : f32
      %mul3A_3384 = arith.mulf %select_n3A_1518, %select_n3A_1518 : f32
      %add3A_3385 = arith.addf %mul3A_3383, %mul3A_3384 : f32
      %mul3A_3386 = arith.mulf %select_n3A_1521, %select_n3A_1521 : f32
      %add3A_3387 = arith.addf %add3A_3385, %mul3A_3386 : f32
      %convert_element_type3A_3388 = arith.truncf %reduce_sum3A_611 : f32 to bf16
      %convert_element_type3A_3389 = arith.extf %convert_element_type3A_3388 : bf16 to f32
      %convert_element_type3A_3390 = arith.truncf %select_n3A_1515 : f32 to bf16
      %convert_element_type3A_3391 = arith.extf %convert_element_type3A_3390 : bf16 to f32
      %mul3A_3392 = arith.mulf %convert_element_type3A_3389, %convert_element_type3A_3391 : f32
      %convert_element_type3A_3393 = arith.truncf %reduce_sum3A_619 : f32 to bf16
      %convert_element_type3A_3394 = arith.extf %convert_element_type3A_3393 : bf16 to f32
      %convert_element_type3A_3395 = arith.truncf %select_n3A_1518 : f32 to bf16
      %convert_element_type3A_3396 = arith.extf %convert_element_type3A_3395 : bf16 to f32
      %mul3A_3397 = arith.mulf %convert_element_type3A_3394, %convert_element_type3A_3396 : f32
      %add3A_3398 = arith.addf %mul3A_3392, %mul3A_3397 : f32
      %convert_element_type3A_3399 = arith.truncf %reduce_sum3A_627 : f32 to bf16
      %convert_element_type3A_3400 = arith.extf %convert_element_type3A_3399 : bf16 to f32
      %convert_element_type3A_3401 = arith.truncf %select_n3A_1521 : f32 to bf16
      %convert_element_type3A_3402 = arith.extf %convert_element_type3A_3401 : bf16 to f32
      %mul3A_3403 = arith.mulf %convert_element_type3A_3400, %convert_element_type3A_3402 : f32
      %add3A_3404 = arith.addf %add3A_3398, %mul3A_3403 : f32
      %add3A_3405 = arith.addf %add3A_3382, %add3A_3387 : f32
      %mul3A_3406 = arith.constant 2.000000e+00 : f32
      %mul3A_3407 = arith.mulf %mul3A_3406, %add3A_3404 : f32
      %sub3A_3408 = arith.subf %add3A_3405, %mul3A_3407 : f32
      %max3A_3409 = arith.constant 9.99999996E-13 : f32
      %max3A_3410 = arith.maximumf %sub3A_3408, %max3A_3409 : f32
      %sqrt3A_3411 = math.sqrt %max3A_3410 : f32
      %lt3A_3412 = arith.cmpf olt, %sqrt3A_3411, %select_n3A_3377 : f32
      %jit3A_3413 = arith.constant 6 : i32
      %select_n3A_3414 = arith.select %lt3A_3412, %jit3A_3413, %select_n3A_3376 : i32
      %select_n3A_3415 = arith.select %lt3A_3412, %sqrt3A_3411, %select_n3A_3377 : f32
      %mul3A_3416 = arith.mulf %reduce_sum3A_611, %reduce_sum3A_611 : f32
      %mul3A_3417 = arith.mulf %reduce_sum3A_619, %reduce_sum3A_619 : f32
      %add3A_3418 = arith.addf %mul3A_3416, %mul3A_3417 : f32
      %mul3A_3419 = arith.mulf %reduce_sum3A_627, %reduce_sum3A_627 : f32
      %add3A_3420 = arith.addf %add3A_3418, %mul3A_3419 : f32
      %mul3A_3421 = arith.mulf %select_n3A_1556, %select_n3A_1556 : f32
      %mul3A_3422 = arith.mulf %select_n3A_1559, %select_n3A_1559 : f32
      %add3A_3423 = arith.addf %mul3A_3421, %mul3A_3422 : f32
      %mul3A_3424 = arith.mulf %select_n3A_1562, %select_n3A_1562 : f32
      %add3A_3425 = arith.addf %add3A_3423, %mul3A_3424 : f32
      %convert_element_type3A_3426 = arith.truncf %reduce_sum3A_611 : f32 to bf16
      %convert_element_type3A_3427 = arith.extf %convert_element_type3A_3426 : bf16 to f32
      %convert_element_type3A_3428 = arith.truncf %select_n3A_1556 : f32 to bf16
      %convert_element_type3A_3429 = arith.extf %convert_element_type3A_3428 : bf16 to f32
      %mul3A_3430 = arith.mulf %convert_element_type3A_3427, %convert_element_type3A_3429 : f32
      %convert_element_type3A_3431 = arith.truncf %reduce_sum3A_619 : f32 to bf16
      %convert_element_type3A_3432 = arith.extf %convert_element_type3A_3431 : bf16 to f32
      %convert_element_type3A_3433 = arith.truncf %select_n3A_1559 : f32 to bf16
      %convert_element_type3A_3434 = arith.extf %convert_element_type3A_3433 : bf16 to f32
      %mul3A_3435 = arith.mulf %convert_element_type3A_3432, %convert_element_type3A_3434 : f32
      %add3A_3436 = arith.addf %mul3A_3430, %mul3A_3435 : f32
      %convert_element_type3A_3437 = arith.truncf %reduce_sum3A_627 : f32 to bf16
      %convert_element_type3A_3438 = arith.extf %convert_element_type3A_3437 : bf16 to f32
      %convert_element_type3A_3439 = arith.truncf %select_n3A_1562 : f32 to bf16
      %convert_element_type3A_3440 = arith.extf %convert_element_type3A_3439 : bf16 to f32
      %mul3A_3441 = arith.mulf %convert_element_type3A_3438, %convert_element_type3A_3440 : f32
      %add3A_3442 = arith.addf %add3A_3436, %mul3A_3441 : f32
      %add3A_3443 = arith.addf %add3A_3420, %add3A_3425 : f32
      %mul3A_3444 = arith.constant 2.000000e+00 : f32
      %mul3A_3445 = arith.mulf %mul3A_3444, %add3A_3442 : f32
      %sub3A_3446 = arith.subf %add3A_3443, %mul3A_3445 : f32
      %max3A_3447 = arith.constant 9.99999996E-13 : f32
      %max3A_3448 = arith.maximumf %sub3A_3446, %max3A_3447 : f32
      %sqrt3A_3449 = math.sqrt %max3A_3448 : f32
      %lt3A_3450 = arith.cmpf olt, %sqrt3A_3449, %select_n3A_3415 : f32
      %jit3A_3451 = arith.constant 7 : i32
      %select_n3A_3452 = arith.select %lt3A_3450, %jit3A_3451, %select_n3A_3414 : i32
      %eq3A_3453 = arith.constant 0 : i32
      %eq3A_3454 = arith.cmpi eq, %select_n3A_3452, %eq3A_3453 : i32
      %jit3A_3455 = arith.constant 0.000000e+00 : f32
      %select_n3A_3456 = arith.select %eq3A_3454, %select_n3A_1269, %jit3A_3455 : f32
      %eq3A_3457 = arith.constant 0 : i32
      %eq3A_3458 = arith.cmpi eq, %select_n3A_3452, %eq3A_3457 : i32
      %jit3A_3459 = arith.constant 0.000000e+00 : f32
      %select_n3A_3460 = arith.select %eq3A_3458, %select_n3A_1272, %jit3A_3459 : f32
      %eq3A_3461 = arith.constant 0 : i32
      %eq3A_3462 = arith.cmpi eq, %select_n3A_3452, %eq3A_3461 : i32
      %jit3A_3463 = arith.constant 0.000000e+00 : f32
      %select_n3A_3464 = arith.select %eq3A_3462, %select_n3A_1275, %jit3A_3463 : f32
      %eq3A_3465 = arith.constant 1 : i32
      %eq3A_3466 = arith.cmpi eq, %select_n3A_3452, %eq3A_3465 : i32
      %select_n3A_3467 = arith.select %eq3A_3466, %select_n3A_1310, %select_n3A_3456 : f32
      %eq3A_3468 = arith.constant 1 : i32
      %eq3A_3469 = arith.cmpi eq, %select_n3A_3452, %eq3A_3468 : i32
      %select_n3A_3470 = arith.select %eq3A_3469, %select_n3A_1313, %select_n3A_3460 : f32
      %eq3A_3471 = arith.constant 1 : i32
      %eq3A_3472 = arith.cmpi eq, %select_n3A_3452, %eq3A_3471 : i32
      %select_n3A_3473 = arith.select %eq3A_3472, %select_n3A_1316, %select_n3A_3464 : f32
      %eq3A_3474 = arith.constant 2 : i32
      %eq3A_3475 = arith.cmpi eq, %select_n3A_3452, %eq3A_3474 : i32
      %select_n3A_3476 = arith.select %eq3A_3475, %select_n3A_1351, %select_n3A_3467 : f32
      %eq3A_3477 = arith.constant 2 : i32
      %eq3A_3478 = arith.cmpi eq, %select_n3A_3452, %eq3A_3477 : i32
      %select_n3A_3479 = arith.select %eq3A_3478, %select_n3A_1354, %select_n3A_3470 : f32
      %eq3A_3480 = arith.constant 2 : i32
      %eq3A_3481 = arith.cmpi eq, %select_n3A_3452, %eq3A_3480 : i32
      %select_n3A_3482 = arith.select %eq3A_3481, %select_n3A_1357, %select_n3A_3473 : f32
      %eq3A_3483 = arith.constant 3 : i32
      %eq3A_3484 = arith.cmpi eq, %select_n3A_3452, %eq3A_3483 : i32
      %select_n3A_3485 = arith.select %eq3A_3484, %select_n3A_1392, %select_n3A_3476 : f32
      %eq3A_3486 = arith.constant 3 : i32
      %eq3A_3487 = arith.cmpi eq, %select_n3A_3452, %eq3A_3486 : i32
      %select_n3A_3488 = arith.select %eq3A_3487, %select_n3A_1395, %select_n3A_3479 : f32
      %eq3A_3489 = arith.constant 3 : i32
      %eq3A_3490 = arith.cmpi eq, %select_n3A_3452, %eq3A_3489 : i32
      %select_n3A_3491 = arith.select %eq3A_3490, %select_n3A_1398, %select_n3A_3482 : f32
      %eq3A_3492 = arith.constant 4 : i32
      %eq3A_3493 = arith.cmpi eq, %select_n3A_3452, %eq3A_3492 : i32
      %select_n3A_3494 = arith.select %eq3A_3493, %select_n3A_1433, %select_n3A_3485 : f32
      %eq3A_3495 = arith.constant 4 : i32
      %eq3A_3496 = arith.cmpi eq, %select_n3A_3452, %eq3A_3495 : i32
      %select_n3A_3497 = arith.select %eq3A_3496, %select_n3A_1436, %select_n3A_3488 : f32
      %eq3A_3498 = arith.constant 4 : i32
      %eq3A_3499 = arith.cmpi eq, %select_n3A_3452, %eq3A_3498 : i32
      %select_n3A_3500 = arith.select %eq3A_3499, %select_n3A_1439, %select_n3A_3491 : f32
      %eq3A_3501 = arith.constant 5 : i32
      %eq3A_3502 = arith.cmpi eq, %select_n3A_3452, %eq3A_3501 : i32
      %select_n3A_3503 = arith.select %eq3A_3502, %select_n3A_1474, %select_n3A_3494 : f32
      %eq3A_3504 = arith.constant 5 : i32
      %eq3A_3505 = arith.cmpi eq, %select_n3A_3452, %eq3A_3504 : i32
      %select_n3A_3506 = arith.select %eq3A_3505, %select_n3A_1477, %select_n3A_3497 : f32
      %eq3A_3507 = arith.constant 5 : i32
      %eq3A_3508 = arith.cmpi eq, %select_n3A_3452, %eq3A_3507 : i32
      %select_n3A_3509 = arith.select %eq3A_3508, %select_n3A_1480, %select_n3A_3500 : f32
      %eq3A_3510 = arith.constant 6 : i32
      %eq3A_3511 = arith.cmpi eq, %select_n3A_3452, %eq3A_3510 : i32
      %select_n3A_3512 = arith.select %eq3A_3511, %select_n3A_1515, %select_n3A_3503 : f32
      %eq3A_3513 = arith.constant 6 : i32
      %eq3A_3514 = arith.cmpi eq, %select_n3A_3452, %eq3A_3513 : i32
      %select_n3A_3515 = arith.select %eq3A_3514, %select_n3A_1518, %select_n3A_3506 : f32
      %eq3A_3516 = arith.constant 6 : i32
      %eq3A_3517 = arith.cmpi eq, %select_n3A_3452, %eq3A_3516 : i32
      %select_n3A_3518 = arith.select %eq3A_3517, %select_n3A_1521, %select_n3A_3509 : f32
      %eq3A_3519 = arith.constant 7 : i32
      %eq3A_3520 = arith.cmpi eq, %select_n3A_3452, %eq3A_3519 : i32
      %select_n3A_3521 = arith.select %eq3A_3520, %select_n3A_1556, %select_n3A_3512 : f32
      %eq3A_3522 = arith.constant 7 : i32
      %eq3A_3523 = arith.cmpi eq, %select_n3A_3452, %eq3A_3522 : i32
      %select_n3A_3524 = arith.select %eq3A_3523, %select_n3A_1559, %select_n3A_3515 : f32
      %eq3A_3525 = arith.constant 7 : i32
      %eq3A_3526 = arith.cmpi eq, %select_n3A_3452, %eq3A_3525 : i32
      %select_n3A_3527 = arith.select %eq3A_3526, %select_n3A_1562, %select_n3A_3518 : f32
      %mul3A_3528 = arith.constant 8.000000e-01 : f32
      %mul3A_3529 = arith.mulf %mul3A_3528, %reduce_sum3A_611 : f32
      %mul3A_3530 = arith.constant 2.000000e-01 : f32
      %mul3A_3531 = arith.mulf %mul3A_3530, %select_n3A_3521 : f32
      %add3A_3532 = arith.addf %mul3A_3529, %mul3A_3531 : f32
      %mul3A_3533 = arith.constant 8.000000e-01 : f32
      %mul3A_3534 = arith.mulf %mul3A_3533, %reduce_sum3A_619 : f32
      %mul3A_3535 = arith.constant 2.000000e-01 : f32
      %mul3A_3536 = arith.mulf %mul3A_3535, %select_n3A_3524 : f32
      %add3A_3537 = arith.addf %mul3A_3534, %mul3A_3536 : f32
      %mul3A_3538 = arith.constant 8.000000e-01 : f32
      %mul3A_3539 = arith.mulf %mul3A_3538, %reduce_sum3A_627 : f32
      %mul3A_3540 = arith.constant 2.000000e-01 : f32
      %mul3A_3541 = arith.mulf %mul3A_3540, %select_n3A_3527 : f32
      %add3A_3542 = arith.addf %mul3A_3539, %mul3A_3541 : f32
      %mul3A_3543 = arith.mulf %reduce_sum3A_637, %reduce_sum3A_637 : f32
      %mul3A_3544 = arith.mulf %reduce_sum3A_645, %reduce_sum3A_645 : f32
      %add3A_3545 = arith.addf %mul3A_3543, %mul3A_3544 : f32
      %mul3A_3546 = arith.mulf %reduce_sum3A_653, %reduce_sum3A_653 : f32
      %add3A_3547 = arith.addf %add3A_3545, %mul3A_3546 : f32
      %mul3A_3548 = arith.mulf %select_n3A_1269, %select_n3A_1269 : f32
      %mul3A_3549 = arith.mulf %select_n3A_1272, %select_n3A_1272 : f32
      %add3A_3550 = arith.addf %mul3A_3548, %mul3A_3549 : f32
      %mul3A_3551 = arith.mulf %select_n3A_1275, %select_n3A_1275 : f32
      %add3A_3552 = arith.addf %add3A_3550, %mul3A_3551 : f32
      %convert_element_type3A_3553 = arith.truncf %reduce_sum3A_637 : f32 to bf16
      %convert_element_type3A_3554 = arith.extf %convert_element_type3A_3553 : bf16 to f32
      %convert_element_type3A_3555 = arith.truncf %select_n3A_1269 : f32 to bf16
      %convert_element_type3A_3556 = arith.extf %convert_element_type3A_3555 : bf16 to f32
      %mul3A_3557 = arith.mulf %convert_element_type3A_3554, %convert_element_type3A_3556 : f32
      %convert_element_type3A_3558 = arith.truncf %reduce_sum3A_645 : f32 to bf16
      %convert_element_type3A_3559 = arith.extf %convert_element_type3A_3558 : bf16 to f32
      %convert_element_type3A_3560 = arith.truncf %select_n3A_1272 : f32 to bf16
      %convert_element_type3A_3561 = arith.extf %convert_element_type3A_3560 : bf16 to f32
      %mul3A_3562 = arith.mulf %convert_element_type3A_3559, %convert_element_type3A_3561 : f32
      %add3A_3563 = arith.addf %mul3A_3557, %mul3A_3562 : f32
      %convert_element_type3A_3564 = arith.truncf %reduce_sum3A_653 : f32 to bf16
      %convert_element_type3A_3565 = arith.extf %convert_element_type3A_3564 : bf16 to f32
      %convert_element_type3A_3566 = arith.truncf %select_n3A_1275 : f32 to bf16
      %convert_element_type3A_3567 = arith.extf %convert_element_type3A_3566 : bf16 to f32
      %mul3A_3568 = arith.mulf %convert_element_type3A_3565, %convert_element_type3A_3567 : f32
      %add3A_3569 = arith.addf %add3A_3563, %mul3A_3568 : f32
      %add3A_3570 = arith.addf %add3A_3547, %add3A_3552 : f32
      %mul3A_3571 = arith.constant 2.000000e+00 : f32
      %mul3A_3572 = arith.mulf %mul3A_3571, %add3A_3569 : f32
      %sub3A_3573 = arith.subf %add3A_3570, %mul3A_3572 : f32
      %max3A_3574 = arith.constant 9.99999996E-13 : f32
      %max3A_3575 = arith.maximumf %sub3A_3573, %max3A_3574 : f32
      %sqrt3A_3576 = math.sqrt %max3A_3575 : f32
      %lt3A_3577 = arith.constant 0x7F800000 : f32
      %lt3A_3578 = arith.cmpf olt, %sqrt3A_3576, %lt3A_3577 : f32
      %jit3A_3579 = arith.constant 0 : i32
      %jit3A_3580 = arith.constant 0 : i32
      %select_n3A_3581 = arith.select %lt3A_3578, %jit3A_3579, %jit3A_3580 : i32
      %jit3A_3582 = arith.constant 0x7F800000 : f32
      %select_n3A_3583 = arith.select %lt3A_3578, %sqrt3A_3576, %jit3A_3582 : f32
      %mul3A_3584 = arith.mulf %reduce_sum3A_637, %reduce_sum3A_637 : f32
      %mul3A_3585 = arith.mulf %reduce_sum3A_645, %reduce_sum3A_645 : f32
      %add3A_3586 = arith.addf %mul3A_3584, %mul3A_3585 : f32
      %mul3A_3587 = arith.mulf %reduce_sum3A_653, %reduce_sum3A_653 : f32
      %add3A_3588 = arith.addf %add3A_3586, %mul3A_3587 : f32
      %mul3A_3589 = arith.mulf %select_n3A_1310, %select_n3A_1310 : f32
      %mul3A_3590 = arith.mulf %select_n3A_1313, %select_n3A_1313 : f32
      %add3A_3591 = arith.addf %mul3A_3589, %mul3A_3590 : f32
      %mul3A_3592 = arith.mulf %select_n3A_1316, %select_n3A_1316 : f32
      %add3A_3593 = arith.addf %add3A_3591, %mul3A_3592 : f32
      %convert_element_type3A_3594 = arith.truncf %reduce_sum3A_637 : f32 to bf16
      %convert_element_type3A_3595 = arith.extf %convert_element_type3A_3594 : bf16 to f32
      %convert_element_type3A_3596 = arith.truncf %select_n3A_1310 : f32 to bf16
      %convert_element_type3A_3597 = arith.extf %convert_element_type3A_3596 : bf16 to f32
      %mul3A_3598 = arith.mulf %convert_element_type3A_3595, %convert_element_type3A_3597 : f32
      %convert_element_type3A_3599 = arith.truncf %reduce_sum3A_645 : f32 to bf16
      %convert_element_type3A_3600 = arith.extf %convert_element_type3A_3599 : bf16 to f32
      %convert_element_type3A_3601 = arith.truncf %select_n3A_1313 : f32 to bf16
      %convert_element_type3A_3602 = arith.extf %convert_element_type3A_3601 : bf16 to f32
      %mul3A_3603 = arith.mulf %convert_element_type3A_3600, %convert_element_type3A_3602 : f32
      %add3A_3604 = arith.addf %mul3A_3598, %mul3A_3603 : f32
      %convert_element_type3A_3605 = arith.truncf %reduce_sum3A_653 : f32 to bf16
      %convert_element_type3A_3606 = arith.extf %convert_element_type3A_3605 : bf16 to f32
      %convert_element_type3A_3607 = arith.truncf %select_n3A_1316 : f32 to bf16
      %convert_element_type3A_3608 = arith.extf %convert_element_type3A_3607 : bf16 to f32
      %mul3A_3609 = arith.mulf %convert_element_type3A_3606, %convert_element_type3A_3608 : f32
      %add3A_3610 = arith.addf %add3A_3604, %mul3A_3609 : f32
      %add3A_3611 = arith.addf %add3A_3588, %add3A_3593 : f32
      %mul3A_3612 = arith.constant 2.000000e+00 : f32
      %mul3A_3613 = arith.mulf %mul3A_3612, %add3A_3610 : f32
      %sub3A_3614 = arith.subf %add3A_3611, %mul3A_3613 : f32
      %max3A_3615 = arith.constant 9.99999996E-13 : f32
      %max3A_3616 = arith.maximumf %sub3A_3614, %max3A_3615 : f32
      %sqrt3A_3617 = math.sqrt %max3A_3616 : f32
      %lt3A_3618 = arith.cmpf olt, %sqrt3A_3617, %select_n3A_3583 : f32
      %jit3A_3619 = arith.constant 1 : i32
      %select_n3A_3620 = arith.select %lt3A_3618, %jit3A_3619, %select_n3A_3581 : i32
      %select_n3A_3621 = arith.select %lt3A_3618, %sqrt3A_3617, %select_n3A_3583 : f32
      %mul3A_3622 = arith.mulf %reduce_sum3A_637, %reduce_sum3A_637 : f32
      %mul3A_3623 = arith.mulf %reduce_sum3A_645, %reduce_sum3A_645 : f32
      %add3A_3624 = arith.addf %mul3A_3622, %mul3A_3623 : f32
      %mul3A_3625 = arith.mulf %reduce_sum3A_653, %reduce_sum3A_653 : f32
      %add3A_3626 = arith.addf %add3A_3624, %mul3A_3625 : f32
      %mul3A_3627 = arith.mulf %select_n3A_1351, %select_n3A_1351 : f32
      %mul3A_3628 = arith.mulf %select_n3A_1354, %select_n3A_1354 : f32
      %add3A_3629 = arith.addf %mul3A_3627, %mul3A_3628 : f32
      %mul3A_3630 = arith.mulf %select_n3A_1357, %select_n3A_1357 : f32
      %add3A_3631 = arith.addf %add3A_3629, %mul3A_3630 : f32
      %convert_element_type3A_3632 = arith.truncf %reduce_sum3A_637 : f32 to bf16
      %convert_element_type3A_3633 = arith.extf %convert_element_type3A_3632 : bf16 to f32
      %convert_element_type3A_3634 = arith.truncf %select_n3A_1351 : f32 to bf16
      %convert_element_type3A_3635 = arith.extf %convert_element_type3A_3634 : bf16 to f32
      %mul3A_3636 = arith.mulf %convert_element_type3A_3633, %convert_element_type3A_3635 : f32
      %convert_element_type3A_3637 = arith.truncf %reduce_sum3A_645 : f32 to bf16
      %convert_element_type3A_3638 = arith.extf %convert_element_type3A_3637 : bf16 to f32
      %convert_element_type3A_3639 = arith.truncf %select_n3A_1354 : f32 to bf16
      %convert_element_type3A_3640 = arith.extf %convert_element_type3A_3639 : bf16 to f32
      %mul3A_3641 = arith.mulf %convert_element_type3A_3638, %convert_element_type3A_3640 : f32
      %add3A_3642 = arith.addf %mul3A_3636, %mul3A_3641 : f32
      %convert_element_type3A_3643 = arith.truncf %reduce_sum3A_653 : f32 to bf16
      %convert_element_type3A_3644 = arith.extf %convert_element_type3A_3643 : bf16 to f32
      %convert_element_type3A_3645 = arith.truncf %select_n3A_1357 : f32 to bf16
      %convert_element_type3A_3646 = arith.extf %convert_element_type3A_3645 : bf16 to f32
      %mul3A_3647 = arith.mulf %convert_element_type3A_3644, %convert_element_type3A_3646 : f32
      %add3A_3648 = arith.addf %add3A_3642, %mul3A_3647 : f32
      %add3A_3649 = arith.addf %add3A_3626, %add3A_3631 : f32
      %mul3A_3650 = arith.constant 2.000000e+00 : f32
      %mul3A_3651 = arith.mulf %mul3A_3650, %add3A_3648 : f32
      %sub3A_3652 = arith.subf %add3A_3649, %mul3A_3651 : f32
      %max3A_3653 = arith.constant 9.99999996E-13 : f32
      %max3A_3654 = arith.maximumf %sub3A_3652, %max3A_3653 : f32
      %sqrt3A_3655 = math.sqrt %max3A_3654 : f32
      %lt3A_3656 = arith.cmpf olt, %sqrt3A_3655, %select_n3A_3621 : f32
      %jit3A_3657 = arith.constant 2 : i32
      %select_n3A_3658 = arith.select %lt3A_3656, %jit3A_3657, %select_n3A_3620 : i32
      %select_n3A_3659 = arith.select %lt3A_3656, %sqrt3A_3655, %select_n3A_3621 : f32
      %mul3A_3660 = arith.mulf %reduce_sum3A_637, %reduce_sum3A_637 : f32
      %mul3A_3661 = arith.mulf %reduce_sum3A_645, %reduce_sum3A_645 : f32
      %add3A_3662 = arith.addf %mul3A_3660, %mul3A_3661 : f32
      %mul3A_3663 = arith.mulf %reduce_sum3A_653, %reduce_sum3A_653 : f32
      %add3A_3664 = arith.addf %add3A_3662, %mul3A_3663 : f32
      %mul3A_3665 = arith.mulf %select_n3A_1392, %select_n3A_1392 : f32
      %mul3A_3666 = arith.mulf %select_n3A_1395, %select_n3A_1395 : f32
      %add3A_3667 = arith.addf %mul3A_3665, %mul3A_3666 : f32
      %mul3A_3668 = arith.mulf %select_n3A_1398, %select_n3A_1398 : f32
      %add3A_3669 = arith.addf %add3A_3667, %mul3A_3668 : f32
      %convert_element_type3A_3670 = arith.truncf %reduce_sum3A_637 : f32 to bf16
      %convert_element_type3A_3671 = arith.extf %convert_element_type3A_3670 : bf16 to f32
      %convert_element_type3A_3672 = arith.truncf %select_n3A_1392 : f32 to bf16
      %convert_element_type3A_3673 = arith.extf %convert_element_type3A_3672 : bf16 to f32
      %mul3A_3674 = arith.mulf %convert_element_type3A_3671, %convert_element_type3A_3673 : f32
      %convert_element_type3A_3675 = arith.truncf %reduce_sum3A_645 : f32 to bf16
      %convert_element_type3A_3676 = arith.extf %convert_element_type3A_3675 : bf16 to f32
      %convert_element_type3A_3677 = arith.truncf %select_n3A_1395 : f32 to bf16
      %convert_element_type3A_3678 = arith.extf %convert_element_type3A_3677 : bf16 to f32
      %mul3A_3679 = arith.mulf %convert_element_type3A_3676, %convert_element_type3A_3678 : f32
      %add3A_3680 = arith.addf %mul3A_3674, %mul3A_3679 : f32
      %convert_element_type3A_3681 = arith.truncf %reduce_sum3A_653 : f32 to bf16
      %convert_element_type3A_3682 = arith.extf %convert_element_type3A_3681 : bf16 to f32
      %convert_element_type3A_3683 = arith.truncf %select_n3A_1398 : f32 to bf16
      %convert_element_type3A_3684 = arith.extf %convert_element_type3A_3683 : bf16 to f32
      %mul3A_3685 = arith.mulf %convert_element_type3A_3682, %convert_element_type3A_3684 : f32
      %add3A_3686 = arith.addf %add3A_3680, %mul3A_3685 : f32
      %add3A_3687 = arith.addf %add3A_3664, %add3A_3669 : f32
      %mul3A_3688 = arith.constant 2.000000e+00 : f32
      %mul3A_3689 = arith.mulf %mul3A_3688, %add3A_3686 : f32
      %sub3A_3690 = arith.subf %add3A_3687, %mul3A_3689 : f32
      %max3A_3691 = arith.constant 9.99999996E-13 : f32
      %max3A_3692 = arith.maximumf %sub3A_3690, %max3A_3691 : f32
      %sqrt3A_3693 = math.sqrt %max3A_3692 : f32
      %lt3A_3694 = arith.cmpf olt, %sqrt3A_3693, %select_n3A_3659 : f32
      %jit3A_3695 = arith.constant 3 : i32
      %select_n3A_3696 = arith.select %lt3A_3694, %jit3A_3695, %select_n3A_3658 : i32
      %select_n3A_3697 = arith.select %lt3A_3694, %sqrt3A_3693, %select_n3A_3659 : f32
      %mul3A_3698 = arith.mulf %reduce_sum3A_637, %reduce_sum3A_637 : f32
      %mul3A_3699 = arith.mulf %reduce_sum3A_645, %reduce_sum3A_645 : f32
      %add3A_3700 = arith.addf %mul3A_3698, %mul3A_3699 : f32
      %mul3A_3701 = arith.mulf %reduce_sum3A_653, %reduce_sum3A_653 : f32
      %add3A_3702 = arith.addf %add3A_3700, %mul3A_3701 : f32
      %mul3A_3703 = arith.mulf %select_n3A_1433, %select_n3A_1433 : f32
      %mul3A_3704 = arith.mulf %select_n3A_1436, %select_n3A_1436 : f32
      %add3A_3705 = arith.addf %mul3A_3703, %mul3A_3704 : f32
      %mul3A_3706 = arith.mulf %select_n3A_1439, %select_n3A_1439 : f32
      %add3A_3707 = arith.addf %add3A_3705, %mul3A_3706 : f32
      %convert_element_type3A_3708 = arith.truncf %reduce_sum3A_637 : f32 to bf16
      %convert_element_type3A_3709 = arith.extf %convert_element_type3A_3708 : bf16 to f32
      %convert_element_type3A_3710 = arith.truncf %select_n3A_1433 : f32 to bf16
      %convert_element_type3A_3711 = arith.extf %convert_element_type3A_3710 : bf16 to f32
      %mul3A_3712 = arith.mulf %convert_element_type3A_3709, %convert_element_type3A_3711 : f32
      %convert_element_type3A_3713 = arith.truncf %reduce_sum3A_645 : f32 to bf16
      %convert_element_type3A_3714 = arith.extf %convert_element_type3A_3713 : bf16 to f32
      %convert_element_type3A_3715 = arith.truncf %select_n3A_1436 : f32 to bf16
      %convert_element_type3A_3716 = arith.extf %convert_element_type3A_3715 : bf16 to f32
      %mul3A_3717 = arith.mulf %convert_element_type3A_3714, %convert_element_type3A_3716 : f32
      %add3A_3718 = arith.addf %mul3A_3712, %mul3A_3717 : f32
      %convert_element_type3A_3719 = arith.truncf %reduce_sum3A_653 : f32 to bf16
      %convert_element_type3A_3720 = arith.extf %convert_element_type3A_3719 : bf16 to f32
      %convert_element_type3A_3721 = arith.truncf %select_n3A_1439 : f32 to bf16
      %convert_element_type3A_3722 = arith.extf %convert_element_type3A_3721 : bf16 to f32
      %mul3A_3723 = arith.mulf %convert_element_type3A_3720, %convert_element_type3A_3722 : f32
      %add3A_3724 = arith.addf %add3A_3718, %mul3A_3723 : f32
      %add3A_3725 = arith.addf %add3A_3702, %add3A_3707 : f32
      %mul3A_3726 = arith.constant 2.000000e+00 : f32
      %mul3A_3727 = arith.mulf %mul3A_3726, %add3A_3724 : f32
      %sub3A_3728 = arith.subf %add3A_3725, %mul3A_3727 : f32
      %max3A_3729 = arith.constant 9.99999996E-13 : f32
      %max3A_3730 = arith.maximumf %sub3A_3728, %max3A_3729 : f32
      %sqrt3A_3731 = math.sqrt %max3A_3730 : f32
      %lt3A_3732 = arith.cmpf olt, %sqrt3A_3731, %select_n3A_3697 : f32
      %jit3A_3733 = arith.constant 4 : i32
      %select_n3A_3734 = arith.select %lt3A_3732, %jit3A_3733, %select_n3A_3696 : i32
      %select_n3A_3735 = arith.select %lt3A_3732, %sqrt3A_3731, %select_n3A_3697 : f32
      %mul3A_3736 = arith.mulf %reduce_sum3A_637, %reduce_sum3A_637 : f32
      %mul3A_3737 = arith.mulf %reduce_sum3A_645, %reduce_sum3A_645 : f32
      %add3A_3738 = arith.addf %mul3A_3736, %mul3A_3737 : f32
      %mul3A_3739 = arith.mulf %reduce_sum3A_653, %reduce_sum3A_653 : f32
      %add3A_3740 = arith.addf %add3A_3738, %mul3A_3739 : f32
      %mul3A_3741 = arith.mulf %select_n3A_1474, %select_n3A_1474 : f32
      %mul3A_3742 = arith.mulf %select_n3A_1477, %select_n3A_1477 : f32
      %add3A_3743 = arith.addf %mul3A_3741, %mul3A_3742 : f32
      %mul3A_3744 = arith.mulf %select_n3A_1480, %select_n3A_1480 : f32
      %add3A_3745 = arith.addf %add3A_3743, %mul3A_3744 : f32
      %convert_element_type3A_3746 = arith.truncf %reduce_sum3A_637 : f32 to bf16
      %convert_element_type3A_3747 = arith.extf %convert_element_type3A_3746 : bf16 to f32
      %convert_element_type3A_3748 = arith.truncf %select_n3A_1474 : f32 to bf16
      %convert_element_type3A_3749 = arith.extf %convert_element_type3A_3748 : bf16 to f32
      %mul3A_3750 = arith.mulf %convert_element_type3A_3747, %convert_element_type3A_3749 : f32
      %convert_element_type3A_3751 = arith.truncf %reduce_sum3A_645 : f32 to bf16
      %convert_element_type3A_3752 = arith.extf %convert_element_type3A_3751 : bf16 to f32
      %convert_element_type3A_3753 = arith.truncf %select_n3A_1477 : f32 to bf16
      %convert_element_type3A_3754 = arith.extf %convert_element_type3A_3753 : bf16 to f32
      %mul3A_3755 = arith.mulf %convert_element_type3A_3752, %convert_element_type3A_3754 : f32
      %add3A_3756 = arith.addf %mul3A_3750, %mul3A_3755 : f32
      %convert_element_type3A_3757 = arith.truncf %reduce_sum3A_653 : f32 to bf16
      %convert_element_type3A_3758 = arith.extf %convert_element_type3A_3757 : bf16 to f32
      %convert_element_type3A_3759 = arith.truncf %select_n3A_1480 : f32 to bf16
      %convert_element_type3A_3760 = arith.extf %convert_element_type3A_3759 : bf16 to f32
      %mul3A_3761 = arith.mulf %convert_element_type3A_3758, %convert_element_type3A_3760 : f32
      %add3A_3762 = arith.addf %add3A_3756, %mul3A_3761 : f32
      %add3A_3763 = arith.addf %add3A_3740, %add3A_3745 : f32
      %mul3A_3764 = arith.constant 2.000000e+00 : f32
      %mul3A_3765 = arith.mulf %mul3A_3764, %add3A_3762 : f32
      %sub3A_3766 = arith.subf %add3A_3763, %mul3A_3765 : f32
      %max3A_3767 = arith.constant 9.99999996E-13 : f32
      %max3A_3768 = arith.maximumf %sub3A_3766, %max3A_3767 : f32
      %sqrt3A_3769 = math.sqrt %max3A_3768 : f32
      %lt3A_3770 = arith.cmpf olt, %sqrt3A_3769, %select_n3A_3735 : f32
      %jit3A_3771 = arith.constant 5 : i32
      %select_n3A_3772 = arith.select %lt3A_3770, %jit3A_3771, %select_n3A_3734 : i32
      %select_n3A_3773 = arith.select %lt3A_3770, %sqrt3A_3769, %select_n3A_3735 : f32
      %mul3A_3774 = arith.mulf %reduce_sum3A_637, %reduce_sum3A_637 : f32
      %mul3A_3775 = arith.mulf %reduce_sum3A_645, %reduce_sum3A_645 : f32
      %add3A_3776 = arith.addf %mul3A_3774, %mul3A_3775 : f32
      %mul3A_3777 = arith.mulf %reduce_sum3A_653, %reduce_sum3A_653 : f32
      %add3A_3778 = arith.addf %add3A_3776, %mul3A_3777 : f32
      %mul3A_3779 = arith.mulf %select_n3A_1515, %select_n3A_1515 : f32
      %mul3A_3780 = arith.mulf %select_n3A_1518, %select_n3A_1518 : f32
      %add3A_3781 = arith.addf %mul3A_3779, %mul3A_3780 : f32
      %mul3A_3782 = arith.mulf %select_n3A_1521, %select_n3A_1521 : f32
      %add3A_3783 = arith.addf %add3A_3781, %mul3A_3782 : f32
      %convert_element_type3A_3784 = arith.truncf %reduce_sum3A_637 : f32 to bf16
      %convert_element_type3A_3785 = arith.extf %convert_element_type3A_3784 : bf16 to f32
      %convert_element_type3A_3786 = arith.truncf %select_n3A_1515 : f32 to bf16
      %convert_element_type3A_3787 = arith.extf %convert_element_type3A_3786 : bf16 to f32
      %mul3A_3788 = arith.mulf %convert_element_type3A_3785, %convert_element_type3A_3787 : f32
      %convert_element_type3A_3789 = arith.truncf %reduce_sum3A_645 : f32 to bf16
      %convert_element_type3A_3790 = arith.extf %convert_element_type3A_3789 : bf16 to f32
      %convert_element_type3A_3791 = arith.truncf %select_n3A_1518 : f32 to bf16
      %convert_element_type3A_3792 = arith.extf %convert_element_type3A_3791 : bf16 to f32
      %mul3A_3793 = arith.mulf %convert_element_type3A_3790, %convert_element_type3A_3792 : f32
      %add3A_3794 = arith.addf %mul3A_3788, %mul3A_3793 : f32
      %convert_element_type3A_3795 = arith.truncf %reduce_sum3A_653 : f32 to bf16
      %convert_element_type3A_3796 = arith.extf %convert_element_type3A_3795 : bf16 to f32
      %convert_element_type3A_3797 = arith.truncf %select_n3A_1521 : f32 to bf16
      %convert_element_type3A_3798 = arith.extf %convert_element_type3A_3797 : bf16 to f32
      %mul3A_3799 = arith.mulf %convert_element_type3A_3796, %convert_element_type3A_3798 : f32
      %add3A_3800 = arith.addf %add3A_3794, %mul3A_3799 : f32
      %add3A_3801 = arith.addf %add3A_3778, %add3A_3783 : f32
      %mul3A_3802 = arith.constant 2.000000e+00 : f32
      %mul3A_3803 = arith.mulf %mul3A_3802, %add3A_3800 : f32
      %sub3A_3804 = arith.subf %add3A_3801, %mul3A_3803 : f32
      %max3A_3805 = arith.constant 9.99999996E-13 : f32
      %max3A_3806 = arith.maximumf %sub3A_3804, %max3A_3805 : f32
      %sqrt3A_3807 = math.sqrt %max3A_3806 : f32
      %lt3A_3808 = arith.cmpf olt, %sqrt3A_3807, %select_n3A_3773 : f32
      %jit3A_3809 = arith.constant 6 : i32
      %select_n3A_3810 = arith.select %lt3A_3808, %jit3A_3809, %select_n3A_3772 : i32
      %select_n3A_3811 = arith.select %lt3A_3808, %sqrt3A_3807, %select_n3A_3773 : f32
      %mul3A_3812 = arith.mulf %reduce_sum3A_637, %reduce_sum3A_637 : f32
      %mul3A_3813 = arith.mulf %reduce_sum3A_645, %reduce_sum3A_645 : f32
      %add3A_3814 = arith.addf %mul3A_3812, %mul3A_3813 : f32
      %mul3A_3815 = arith.mulf %reduce_sum3A_653, %reduce_sum3A_653 : f32
      %add3A_3816 = arith.addf %add3A_3814, %mul3A_3815 : f32
      %mul3A_3817 = arith.mulf %select_n3A_1556, %select_n3A_1556 : f32
      %mul3A_3818 = arith.mulf %select_n3A_1559, %select_n3A_1559 : f32
      %add3A_3819 = arith.addf %mul3A_3817, %mul3A_3818 : f32
      %mul3A_3820 = arith.mulf %select_n3A_1562, %select_n3A_1562 : f32
      %add3A_3821 = arith.addf %add3A_3819, %mul3A_3820 : f32
      %convert_element_type3A_3822 = arith.truncf %reduce_sum3A_637 : f32 to bf16
      %convert_element_type3A_3823 = arith.extf %convert_element_type3A_3822 : bf16 to f32
      %convert_element_type3A_3824 = arith.truncf %select_n3A_1556 : f32 to bf16
      %convert_element_type3A_3825 = arith.extf %convert_element_type3A_3824 : bf16 to f32
      %mul3A_3826 = arith.mulf %convert_element_type3A_3823, %convert_element_type3A_3825 : f32
      %convert_element_type3A_3827 = arith.truncf %reduce_sum3A_645 : f32 to bf16
      %convert_element_type3A_3828 = arith.extf %convert_element_type3A_3827 : bf16 to f32
      %convert_element_type3A_3829 = arith.truncf %select_n3A_1559 : f32 to bf16
      %convert_element_type3A_3830 = arith.extf %convert_element_type3A_3829 : bf16 to f32
      %mul3A_3831 = arith.mulf %convert_element_type3A_3828, %convert_element_type3A_3830 : f32
      %add3A_3832 = arith.addf %mul3A_3826, %mul3A_3831 : f32
      %convert_element_type3A_3833 = arith.truncf %reduce_sum3A_653 : f32 to bf16
      %convert_element_type3A_3834 = arith.extf %convert_element_type3A_3833 : bf16 to f32
      %convert_element_type3A_3835 = arith.truncf %select_n3A_1562 : f32 to bf16
      %convert_element_type3A_3836 = arith.extf %convert_element_type3A_3835 : bf16 to f32
      %mul3A_3837 = arith.mulf %convert_element_type3A_3834, %convert_element_type3A_3836 : f32
      %add3A_3838 = arith.addf %add3A_3832, %mul3A_3837 : f32
      %add3A_3839 = arith.addf %add3A_3816, %add3A_3821 : f32
      %mul3A_3840 = arith.constant 2.000000e+00 : f32
      %mul3A_3841 = arith.mulf %mul3A_3840, %add3A_3838 : f32
      %sub3A_3842 = arith.subf %add3A_3839, %mul3A_3841 : f32
      %max3A_3843 = arith.constant 9.99999996E-13 : f32
      %max3A_3844 = arith.maximumf %sub3A_3842, %max3A_3843 : f32
      %sqrt3A_3845 = math.sqrt %max3A_3844 : f32
      %lt3A_3846 = arith.cmpf olt, %sqrt3A_3845, %select_n3A_3811 : f32
      %jit3A_3847 = arith.constant 7 : i32
      %select_n3A_3848 = arith.select %lt3A_3846, %jit3A_3847, %select_n3A_3810 : i32
      %eq3A_3849 = arith.constant 0 : i32
      %eq3A_3850 = arith.cmpi eq, %select_n3A_3848, %eq3A_3849 : i32
      %jit3A_3851 = arith.constant 0.000000e+00 : f32
      %select_n3A_3852 = arith.select %eq3A_3850, %select_n3A_1269, %jit3A_3851 : f32
      %eq3A_3853 = arith.constant 0 : i32
      %eq3A_3854 = arith.cmpi eq, %select_n3A_3848, %eq3A_3853 : i32
      %jit3A_3855 = arith.constant 0.000000e+00 : f32
      %select_n3A_3856 = arith.select %eq3A_3854, %select_n3A_1272, %jit3A_3855 : f32
      %eq3A_3857 = arith.constant 0 : i32
      %eq3A_3858 = arith.cmpi eq, %select_n3A_3848, %eq3A_3857 : i32
      %jit3A_3859 = arith.constant 0.000000e+00 : f32
      %select_n3A_3860 = arith.select %eq3A_3858, %select_n3A_1275, %jit3A_3859 : f32
      %eq3A_3861 = arith.constant 1 : i32
      %eq3A_3862 = arith.cmpi eq, %select_n3A_3848, %eq3A_3861 : i32
      %select_n3A_3863 = arith.select %eq3A_3862, %select_n3A_1310, %select_n3A_3852 : f32
      %eq3A_3864 = arith.constant 1 : i32
      %eq3A_3865 = arith.cmpi eq, %select_n3A_3848, %eq3A_3864 : i32
      %select_n3A_3866 = arith.select %eq3A_3865, %select_n3A_1313, %select_n3A_3856 : f32
      %eq3A_3867 = arith.constant 1 : i32
      %eq3A_3868 = arith.cmpi eq, %select_n3A_3848, %eq3A_3867 : i32
      %select_n3A_3869 = arith.select %eq3A_3868, %select_n3A_1316, %select_n3A_3860 : f32
      %eq3A_3870 = arith.constant 2 : i32
      %eq3A_3871 = arith.cmpi eq, %select_n3A_3848, %eq3A_3870 : i32
      %select_n3A_3872 = arith.select %eq3A_3871, %select_n3A_1351, %select_n3A_3863 : f32
      %eq3A_3873 = arith.constant 2 : i32
      %eq3A_3874 = arith.cmpi eq, %select_n3A_3848, %eq3A_3873 : i32
      %select_n3A_3875 = arith.select %eq3A_3874, %select_n3A_1354, %select_n3A_3866 : f32
      %eq3A_3876 = arith.constant 2 : i32
      %eq3A_3877 = arith.cmpi eq, %select_n3A_3848, %eq3A_3876 : i32
      %select_n3A_3878 = arith.select %eq3A_3877, %select_n3A_1357, %select_n3A_3869 : f32
      %eq3A_3879 = arith.constant 3 : i32
      %eq3A_3880 = arith.cmpi eq, %select_n3A_3848, %eq3A_3879 : i32
      %select_n3A_3881 = arith.select %eq3A_3880, %select_n3A_1392, %select_n3A_3872 : f32
      %eq3A_3882 = arith.constant 3 : i32
      %eq3A_3883 = arith.cmpi eq, %select_n3A_3848, %eq3A_3882 : i32
      %select_n3A_3884 = arith.select %eq3A_3883, %select_n3A_1395, %select_n3A_3875 : f32
      %eq3A_3885 = arith.constant 3 : i32
      %eq3A_3886 = arith.cmpi eq, %select_n3A_3848, %eq3A_3885 : i32
      %select_n3A_3887 = arith.select %eq3A_3886, %select_n3A_1398, %select_n3A_3878 : f32
      %eq3A_3888 = arith.constant 4 : i32
      %eq3A_3889 = arith.cmpi eq, %select_n3A_3848, %eq3A_3888 : i32
      %select_n3A_3890 = arith.select %eq3A_3889, %select_n3A_1433, %select_n3A_3881 : f32
      %eq3A_3891 = arith.constant 4 : i32
      %eq3A_3892 = arith.cmpi eq, %select_n3A_3848, %eq3A_3891 : i32
      %select_n3A_3893 = arith.select %eq3A_3892, %select_n3A_1436, %select_n3A_3884 : f32
      %eq3A_3894 = arith.constant 4 : i32
      %eq3A_3895 = arith.cmpi eq, %select_n3A_3848, %eq3A_3894 : i32
      %select_n3A_3896 = arith.select %eq3A_3895, %select_n3A_1439, %select_n3A_3887 : f32
      %eq3A_3897 = arith.constant 5 : i32
      %eq3A_3898 = arith.cmpi eq, %select_n3A_3848, %eq3A_3897 : i32
      %select_n3A_3899 = arith.select %eq3A_3898, %select_n3A_1474, %select_n3A_3890 : f32
      %eq3A_3900 = arith.constant 5 : i32
      %eq3A_3901 = arith.cmpi eq, %select_n3A_3848, %eq3A_3900 : i32
      %select_n3A_3902 = arith.select %eq3A_3901, %select_n3A_1477, %select_n3A_3893 : f32
      %eq3A_3903 = arith.constant 5 : i32
      %eq3A_3904 = arith.cmpi eq, %select_n3A_3848, %eq3A_3903 : i32
      %select_n3A_3905 = arith.select %eq3A_3904, %select_n3A_1480, %select_n3A_3896 : f32
      %eq3A_3906 = arith.constant 6 : i32
      %eq3A_3907 = arith.cmpi eq, %select_n3A_3848, %eq3A_3906 : i32
      %select_n3A_3908 = arith.select %eq3A_3907, %select_n3A_1515, %select_n3A_3899 : f32
      %eq3A_3909 = arith.constant 6 : i32
      %eq3A_3910 = arith.cmpi eq, %select_n3A_3848, %eq3A_3909 : i32
      %select_n3A_3911 = arith.select %eq3A_3910, %select_n3A_1518, %select_n3A_3902 : f32
      %eq3A_3912 = arith.constant 6 : i32
      %eq3A_3913 = arith.cmpi eq, %select_n3A_3848, %eq3A_3912 : i32
      %select_n3A_3914 = arith.select %eq3A_3913, %select_n3A_1521, %select_n3A_3905 : f32
      %eq3A_3915 = arith.constant 7 : i32
      %eq3A_3916 = arith.cmpi eq, %select_n3A_3848, %eq3A_3915 : i32
      %select_n3A_3917 = arith.select %eq3A_3916, %select_n3A_1556, %select_n3A_3908 : f32
      %eq3A_3918 = arith.constant 7 : i32
      %eq3A_3919 = arith.cmpi eq, %select_n3A_3848, %eq3A_3918 : i32
      %select_n3A_3920 = arith.select %eq3A_3919, %select_n3A_1559, %select_n3A_3911 : f32
      %eq3A_3921 = arith.constant 7 : i32
      %eq3A_3922 = arith.cmpi eq, %select_n3A_3848, %eq3A_3921 : i32
      %select_n3A_3923 = arith.select %eq3A_3922, %select_n3A_1562, %select_n3A_3914 : f32
      %mul3A_3924 = arith.constant 8.000000e-01 : f32
      %mul3A_3925 = arith.mulf %mul3A_3924, %reduce_sum3A_637 : f32
      %mul3A_3926 = arith.constant 2.000000e-01 : f32
      %mul3A_3927 = arith.mulf %mul3A_3926, %select_n3A_3917 : f32
      %add3A_3928 = arith.addf %mul3A_3925, %mul3A_3927 : f32
      %mul3A_3929 = arith.constant 8.000000e-01 : f32
      %mul3A_3930 = arith.mulf %mul3A_3929, %reduce_sum3A_645 : f32
      %mul3A_3931 = arith.constant 2.000000e-01 : f32
      %mul3A_3932 = arith.mulf %mul3A_3931, %select_n3A_3920 : f32
      %add3A_3933 = arith.addf %mul3A_3930, %mul3A_3932 : f32
      %mul3A_3934 = arith.constant 8.000000e-01 : f32
      %mul3A_3935 = arith.mulf %mul3A_3934, %reduce_sum3A_653 : f32
      %mul3A_3936 = arith.constant 2.000000e-01 : f32
      %mul3A_3937 = arith.mulf %mul3A_3936, %select_n3A_3923 : f32
      %add3A_3938 = arith.addf %mul3A_3935, %mul3A_3937 : f32
      %mul3A_3939 = arith.mulf %reduce_sum3A_663, %reduce_sum3A_663 : f32
      %mul3A_3940 = arith.mulf %reduce_sum3A_671, %reduce_sum3A_671 : f32
      %add3A_3941 = arith.addf %mul3A_3939, %mul3A_3940 : f32
      %mul3A_3942 = arith.mulf %reduce_sum3A_679, %reduce_sum3A_679 : f32
      %add3A_3943 = arith.addf %add3A_3941, %mul3A_3942 : f32
      %mul3A_3944 = arith.mulf %select_n3A_1269, %select_n3A_1269 : f32
      %mul3A_3945 = arith.mulf %select_n3A_1272, %select_n3A_1272 : f32
      %add3A_3946 = arith.addf %mul3A_3944, %mul3A_3945 : f32
      %mul3A_3947 = arith.mulf %select_n3A_1275, %select_n3A_1275 : f32
      %add3A_3948 = arith.addf %add3A_3946, %mul3A_3947 : f32
      %convert_element_type3A_3949 = arith.truncf %reduce_sum3A_663 : f32 to bf16
      %convert_element_type3A_3950 = arith.extf %convert_element_type3A_3949 : bf16 to f32
      %convert_element_type3A_3951 = arith.truncf %select_n3A_1269 : f32 to bf16
      %convert_element_type3A_3952 = arith.extf %convert_element_type3A_3951 : bf16 to f32
      %mul3A_3953 = arith.mulf %convert_element_type3A_3950, %convert_element_type3A_3952 : f32
      %convert_element_type3A_3954 = arith.truncf %reduce_sum3A_671 : f32 to bf16
      %convert_element_type3A_3955 = arith.extf %convert_element_type3A_3954 : bf16 to f32
      %convert_element_type3A_3956 = arith.truncf %select_n3A_1272 : f32 to bf16
      %convert_element_type3A_3957 = arith.extf %convert_element_type3A_3956 : bf16 to f32
      %mul3A_3958 = arith.mulf %convert_element_type3A_3955, %convert_element_type3A_3957 : f32
      %add3A_3959 = arith.addf %mul3A_3953, %mul3A_3958 : f32
      %convert_element_type3A_3960 = arith.truncf %reduce_sum3A_679 : f32 to bf16
      %convert_element_type3A_3961 = arith.extf %convert_element_type3A_3960 : bf16 to f32
      %convert_element_type3A_3962 = arith.truncf %select_n3A_1275 : f32 to bf16
      %convert_element_type3A_3963 = arith.extf %convert_element_type3A_3962 : bf16 to f32
      %mul3A_3964 = arith.mulf %convert_element_type3A_3961, %convert_element_type3A_3963 : f32
      %add3A_3965 = arith.addf %add3A_3959, %mul3A_3964 : f32
      %add3A_3966 = arith.addf %add3A_3943, %add3A_3948 : f32
      %mul3A_3967 = arith.constant 2.000000e+00 : f32
      %mul3A_3968 = arith.mulf %mul3A_3967, %add3A_3965 : f32
      %sub3A_3969 = arith.subf %add3A_3966, %mul3A_3968 : f32
      %max3A_3970 = arith.constant 9.99999996E-13 : f32
      %max3A_3971 = arith.maximumf %sub3A_3969, %max3A_3970 : f32
      %sqrt3A_3972 = math.sqrt %max3A_3971 : f32
      %lt3A_3973 = arith.constant 0x7F800000 : f32
      %lt3A_3974 = arith.cmpf olt, %sqrt3A_3972, %lt3A_3973 : f32
      %jit3A_3975 = arith.constant 0 : i32
      %jit3A_3976 = arith.constant 0 : i32
      %select_n3A_3977 = arith.select %lt3A_3974, %jit3A_3975, %jit3A_3976 : i32
      %jit3A_3978 = arith.constant 0x7F800000 : f32
      %select_n3A_3979 = arith.select %lt3A_3974, %sqrt3A_3972, %jit3A_3978 : f32
      %mul3A_3980 = arith.mulf %reduce_sum3A_663, %reduce_sum3A_663 : f32
      %mul3A_3981 = arith.mulf %reduce_sum3A_671, %reduce_sum3A_671 : f32
      %add3A_3982 = arith.addf %mul3A_3980, %mul3A_3981 : f32
      %mul3A_3983 = arith.mulf %reduce_sum3A_679, %reduce_sum3A_679 : f32
      %add3A_3984 = arith.addf %add3A_3982, %mul3A_3983 : f32
      %mul3A_3985 = arith.mulf %select_n3A_1310, %select_n3A_1310 : f32
      %mul3A_3986 = arith.mulf %select_n3A_1313, %select_n3A_1313 : f32
      %add3A_3987 = arith.addf %mul3A_3985, %mul3A_3986 : f32
      %mul3A_3988 = arith.mulf %select_n3A_1316, %select_n3A_1316 : f32
      %add3A_3989 = arith.addf %add3A_3987, %mul3A_3988 : f32
      %convert_element_type3A_3990 = arith.truncf %reduce_sum3A_663 : f32 to bf16
      %convert_element_type3A_3991 = arith.extf %convert_element_type3A_3990 : bf16 to f32
      %convert_element_type3A_3992 = arith.truncf %select_n3A_1310 : f32 to bf16
      %convert_element_type3A_3993 = arith.extf %convert_element_type3A_3992 : bf16 to f32
      %mul3A_3994 = arith.mulf %convert_element_type3A_3991, %convert_element_type3A_3993 : f32
      %convert_element_type3A_3995 = arith.truncf %reduce_sum3A_671 : f32 to bf16
      %convert_element_type3A_3996 = arith.extf %convert_element_type3A_3995 : bf16 to f32
      %convert_element_type3A_3997 = arith.truncf %select_n3A_1313 : f32 to bf16
      %convert_element_type3A_3998 = arith.extf %convert_element_type3A_3997 : bf16 to f32
      %mul3A_3999 = arith.mulf %convert_element_type3A_3996, %convert_element_type3A_3998 : f32
      %add3A_4000 = arith.addf %mul3A_3994, %mul3A_3999 : f32
      %convert_element_type3A_4001 = arith.truncf %reduce_sum3A_679 : f32 to bf16
      %convert_element_type3A_4002 = arith.extf %convert_element_type3A_4001 : bf16 to f32
      %convert_element_type3A_4003 = arith.truncf %select_n3A_1316 : f32 to bf16
      %convert_element_type3A_4004 = arith.extf %convert_element_type3A_4003 : bf16 to f32
      %mul3A_4005 = arith.mulf %convert_element_type3A_4002, %convert_element_type3A_4004 : f32
      %add3A_4006 = arith.addf %add3A_4000, %mul3A_4005 : f32
      %add3A_4007 = arith.addf %add3A_3984, %add3A_3989 : f32
      %mul3A_4008 = arith.constant 2.000000e+00 : f32
      %mul3A_4009 = arith.mulf %mul3A_4008, %add3A_4006 : f32
      %sub3A_4010 = arith.subf %add3A_4007, %mul3A_4009 : f32
      %max3A_4011 = arith.constant 9.99999996E-13 : f32
      %max3A_4012 = arith.maximumf %sub3A_4010, %max3A_4011 : f32
      %sqrt3A_4013 = math.sqrt %max3A_4012 : f32
      %lt3A_4014 = arith.cmpf olt, %sqrt3A_4013, %select_n3A_3979 : f32
      %jit3A_4015 = arith.constant 1 : i32
      %select_n3A_4016 = arith.select %lt3A_4014, %jit3A_4015, %select_n3A_3977 : i32
      %select_n3A_4017 = arith.select %lt3A_4014, %sqrt3A_4013, %select_n3A_3979 : f32
      %mul3A_4018 = arith.mulf %reduce_sum3A_663, %reduce_sum3A_663 : f32
      %mul3A_4019 = arith.mulf %reduce_sum3A_671, %reduce_sum3A_671 : f32
      %add3A_4020 = arith.addf %mul3A_4018, %mul3A_4019 : f32
      %mul3A_4021 = arith.mulf %reduce_sum3A_679, %reduce_sum3A_679 : f32
      %add3A_4022 = arith.addf %add3A_4020, %mul3A_4021 : f32
      %mul3A_4023 = arith.mulf %select_n3A_1351, %select_n3A_1351 : f32
      %mul3A_4024 = arith.mulf %select_n3A_1354, %select_n3A_1354 : f32
      %add3A_4025 = arith.addf %mul3A_4023, %mul3A_4024 : f32
      %mul3A_4026 = arith.mulf %select_n3A_1357, %select_n3A_1357 : f32
      %add3A_4027 = arith.addf %add3A_4025, %mul3A_4026 : f32
      %convert_element_type3A_4028 = arith.truncf %reduce_sum3A_663 : f32 to bf16
      %convert_element_type3A_4029 = arith.extf %convert_element_type3A_4028 : bf16 to f32
      %convert_element_type3A_4030 = arith.truncf %select_n3A_1351 : f32 to bf16
      %convert_element_type3A_4031 = arith.extf %convert_element_type3A_4030 : bf16 to f32
      %mul3A_4032 = arith.mulf %convert_element_type3A_4029, %convert_element_type3A_4031 : f32
      %convert_element_type3A_4033 = arith.truncf %reduce_sum3A_671 : f32 to bf16
      %convert_element_type3A_4034 = arith.extf %convert_element_type3A_4033 : bf16 to f32
      %convert_element_type3A_4035 = arith.truncf %select_n3A_1354 : f32 to bf16
      %convert_element_type3A_4036 = arith.extf %convert_element_type3A_4035 : bf16 to f32
      %mul3A_4037 = arith.mulf %convert_element_type3A_4034, %convert_element_type3A_4036 : f32
      %add3A_4038 = arith.addf %mul3A_4032, %mul3A_4037 : f32
      %convert_element_type3A_4039 = arith.truncf %reduce_sum3A_679 : f32 to bf16
      %convert_element_type3A_4040 = arith.extf %convert_element_type3A_4039 : bf16 to f32
      %convert_element_type3A_4041 = arith.truncf %select_n3A_1357 : f32 to bf16
      %convert_element_type3A_4042 = arith.extf %convert_element_type3A_4041 : bf16 to f32
      %mul3A_4043 = arith.mulf %convert_element_type3A_4040, %convert_element_type3A_4042 : f32
      %add3A_4044 = arith.addf %add3A_4038, %mul3A_4043 : f32
      %add3A_4045 = arith.addf %add3A_4022, %add3A_4027 : f32
      %mul3A_4046 = arith.constant 2.000000e+00 : f32
      %mul3A_4047 = arith.mulf %mul3A_4046, %add3A_4044 : f32
      %sub3A_4048 = arith.subf %add3A_4045, %mul3A_4047 : f32
      %max3A_4049 = arith.constant 9.99999996E-13 : f32
      %max3A_4050 = arith.maximumf %sub3A_4048, %max3A_4049 : f32
      %sqrt3A_4051 = math.sqrt %max3A_4050 : f32
      %lt3A_4052 = arith.cmpf olt, %sqrt3A_4051, %select_n3A_4017 : f32
      %jit3A_4053 = arith.constant 2 : i32
      %select_n3A_4054 = arith.select %lt3A_4052, %jit3A_4053, %select_n3A_4016 : i32
      %select_n3A_4055 = arith.select %lt3A_4052, %sqrt3A_4051, %select_n3A_4017 : f32
      %mul3A_4056 = arith.mulf %reduce_sum3A_663, %reduce_sum3A_663 : f32
      %mul3A_4057 = arith.mulf %reduce_sum3A_671, %reduce_sum3A_671 : f32
      %add3A_4058 = arith.addf %mul3A_4056, %mul3A_4057 : f32
      %mul3A_4059 = arith.mulf %reduce_sum3A_679, %reduce_sum3A_679 : f32
      %add3A_4060 = arith.addf %add3A_4058, %mul3A_4059 : f32
      %mul3A_4061 = arith.mulf %select_n3A_1392, %select_n3A_1392 : f32
      %mul3A_4062 = arith.mulf %select_n3A_1395, %select_n3A_1395 : f32
      %add3A_4063 = arith.addf %mul3A_4061, %mul3A_4062 : f32
      %mul3A_4064 = arith.mulf %select_n3A_1398, %select_n3A_1398 : f32
      %add3A_4065 = arith.addf %add3A_4063, %mul3A_4064 : f32
      %convert_element_type3A_4066 = arith.truncf %reduce_sum3A_663 : f32 to bf16
      %convert_element_type3A_4067 = arith.extf %convert_element_type3A_4066 : bf16 to f32
      %convert_element_type3A_4068 = arith.truncf %select_n3A_1392 : f32 to bf16
      %convert_element_type3A_4069 = arith.extf %convert_element_type3A_4068 : bf16 to f32
      %mul3A_4070 = arith.mulf %convert_element_type3A_4067, %convert_element_type3A_4069 : f32
      %convert_element_type3A_4071 = arith.truncf %reduce_sum3A_671 : f32 to bf16
      %convert_element_type3A_4072 = arith.extf %convert_element_type3A_4071 : bf16 to f32
      %convert_element_type3A_4073 = arith.truncf %select_n3A_1395 : f32 to bf16
      %convert_element_type3A_4074 = arith.extf %convert_element_type3A_4073 : bf16 to f32
      %mul3A_4075 = arith.mulf %convert_element_type3A_4072, %convert_element_type3A_4074 : f32
      %add3A_4076 = arith.addf %mul3A_4070, %mul3A_4075 : f32
      %convert_element_type3A_4077 = arith.truncf %reduce_sum3A_679 : f32 to bf16
      %convert_element_type3A_4078 = arith.extf %convert_element_type3A_4077 : bf16 to f32
      %convert_element_type3A_4079 = arith.truncf %select_n3A_1398 : f32 to bf16
      %convert_element_type3A_4080 = arith.extf %convert_element_type3A_4079 : bf16 to f32
      %mul3A_4081 = arith.mulf %convert_element_type3A_4078, %convert_element_type3A_4080 : f32
      %add3A_4082 = arith.addf %add3A_4076, %mul3A_4081 : f32
      %add3A_4083 = arith.addf %add3A_4060, %add3A_4065 : f32
      %mul3A_4084 = arith.constant 2.000000e+00 : f32
      %mul3A_4085 = arith.mulf %mul3A_4084, %add3A_4082 : f32
      %sub3A_4086 = arith.subf %add3A_4083, %mul3A_4085 : f32
      %max3A_4087 = arith.constant 9.99999996E-13 : f32
      %max3A_4088 = arith.maximumf %sub3A_4086, %max3A_4087 : f32
      %sqrt3A_4089 = math.sqrt %max3A_4088 : f32
      %lt3A_4090 = arith.cmpf olt, %sqrt3A_4089, %select_n3A_4055 : f32
      %jit3A_4091 = arith.constant 3 : i32
      %select_n3A_4092 = arith.select %lt3A_4090, %jit3A_4091, %select_n3A_4054 : i32
      %select_n3A_4093 = arith.select %lt3A_4090, %sqrt3A_4089, %select_n3A_4055 : f32
      %mul3A_4094 = arith.mulf %reduce_sum3A_663, %reduce_sum3A_663 : f32
      %mul3A_4095 = arith.mulf %reduce_sum3A_671, %reduce_sum3A_671 : f32
      %add3A_4096 = arith.addf %mul3A_4094, %mul3A_4095 : f32
      %mul3A_4097 = arith.mulf %reduce_sum3A_679, %reduce_sum3A_679 : f32
      %add3A_4098 = arith.addf %add3A_4096, %mul3A_4097 : f32
      %mul3A_4099 = arith.mulf %select_n3A_1433, %select_n3A_1433 : f32
      %mul3A_4100 = arith.mulf %select_n3A_1436, %select_n3A_1436 : f32
      %add3A_4101 = arith.addf %mul3A_4099, %mul3A_4100 : f32
      %mul3A_4102 = arith.mulf %select_n3A_1439, %select_n3A_1439 : f32
      %add3A_4103 = arith.addf %add3A_4101, %mul3A_4102 : f32
      %convert_element_type3A_4104 = arith.truncf %reduce_sum3A_663 : f32 to bf16
      %convert_element_type3A_4105 = arith.extf %convert_element_type3A_4104 : bf16 to f32
      %convert_element_type3A_4106 = arith.truncf %select_n3A_1433 : f32 to bf16
      %convert_element_type3A_4107 = arith.extf %convert_element_type3A_4106 : bf16 to f32
      %mul3A_4108 = arith.mulf %convert_element_type3A_4105, %convert_element_type3A_4107 : f32
      %convert_element_type3A_4109 = arith.truncf %reduce_sum3A_671 : f32 to bf16
      %convert_element_type3A_4110 = arith.extf %convert_element_type3A_4109 : bf16 to f32
      %convert_element_type3A_4111 = arith.truncf %select_n3A_1436 : f32 to bf16
      %convert_element_type3A_4112 = arith.extf %convert_element_type3A_4111 : bf16 to f32
      %mul3A_4113 = arith.mulf %convert_element_type3A_4110, %convert_element_type3A_4112 : f32
      %add3A_4114 = arith.addf %mul3A_4108, %mul3A_4113 : f32
      %convert_element_type3A_4115 = arith.truncf %reduce_sum3A_679 : f32 to bf16
      %convert_element_type3A_4116 = arith.extf %convert_element_type3A_4115 : bf16 to f32
      %convert_element_type3A_4117 = arith.truncf %select_n3A_1439 : f32 to bf16
      %convert_element_type3A_4118 = arith.extf %convert_element_type3A_4117 : bf16 to f32
      %mul3A_4119 = arith.mulf %convert_element_type3A_4116, %convert_element_type3A_4118 : f32
      %add3A_4120 = arith.addf %add3A_4114, %mul3A_4119 : f32
      %add3A_4121 = arith.addf %add3A_4098, %add3A_4103 : f32
      %mul3A_4122 = arith.constant 2.000000e+00 : f32
      %mul3A_4123 = arith.mulf %mul3A_4122, %add3A_4120 : f32
      %sub3A_4124 = arith.subf %add3A_4121, %mul3A_4123 : f32
      %max3A_4125 = arith.constant 9.99999996E-13 : f32
      %max3A_4126 = arith.maximumf %sub3A_4124, %max3A_4125 : f32
      %sqrt3A_4127 = math.sqrt %max3A_4126 : f32
      %lt3A_4128 = arith.cmpf olt, %sqrt3A_4127, %select_n3A_4093 : f32
      %jit3A_4129 = arith.constant 4 : i32
      %select_n3A_4130 = arith.select %lt3A_4128, %jit3A_4129, %select_n3A_4092 : i32
      %select_n3A_4131 = arith.select %lt3A_4128, %sqrt3A_4127, %select_n3A_4093 : f32
      %mul3A_4132 = arith.mulf %reduce_sum3A_663, %reduce_sum3A_663 : f32
      %mul3A_4133 = arith.mulf %reduce_sum3A_671, %reduce_sum3A_671 : f32
      %add3A_4134 = arith.addf %mul3A_4132, %mul3A_4133 : f32
      %mul3A_4135 = arith.mulf %reduce_sum3A_679, %reduce_sum3A_679 : f32
      %add3A_4136 = arith.addf %add3A_4134, %mul3A_4135 : f32
      %mul3A_4137 = arith.mulf %select_n3A_1474, %select_n3A_1474 : f32
      %mul3A_4138 = arith.mulf %select_n3A_1477, %select_n3A_1477 : f32
      %add3A_4139 = arith.addf %mul3A_4137, %mul3A_4138 : f32
      %mul3A_4140 = arith.mulf %select_n3A_1480, %select_n3A_1480 : f32
      %add3A_4141 = arith.addf %add3A_4139, %mul3A_4140 : f32
      %convert_element_type3A_4142 = arith.truncf %reduce_sum3A_663 : f32 to bf16
      %convert_element_type3A_4143 = arith.extf %convert_element_type3A_4142 : bf16 to f32
      %convert_element_type3A_4144 = arith.truncf %select_n3A_1474 : f32 to bf16
      %convert_element_type3A_4145 = arith.extf %convert_element_type3A_4144 : bf16 to f32
      %mul3A_4146 = arith.mulf %convert_element_type3A_4143, %convert_element_type3A_4145 : f32
      %convert_element_type3A_4147 = arith.truncf %reduce_sum3A_671 : f32 to bf16
      %convert_element_type3A_4148 = arith.extf %convert_element_type3A_4147 : bf16 to f32
      %convert_element_type3A_4149 = arith.truncf %select_n3A_1477 : f32 to bf16
      %convert_element_type3A_4150 = arith.extf %convert_element_type3A_4149 : bf16 to f32
      %mul3A_4151 = arith.mulf %convert_element_type3A_4148, %convert_element_type3A_4150 : f32
      %add3A_4152 = arith.addf %mul3A_4146, %mul3A_4151 : f32
      %convert_element_type3A_4153 = arith.truncf %reduce_sum3A_679 : f32 to bf16
      %convert_element_type3A_4154 = arith.extf %convert_element_type3A_4153 : bf16 to f32
      %convert_element_type3A_4155 = arith.truncf %select_n3A_1480 : f32 to bf16
      %convert_element_type3A_4156 = arith.extf %convert_element_type3A_4155 : bf16 to f32
      %mul3A_4157 = arith.mulf %convert_element_type3A_4154, %convert_element_type3A_4156 : f32
      %add3A_4158 = arith.addf %add3A_4152, %mul3A_4157 : f32
      %add3A_4159 = arith.addf %add3A_4136, %add3A_4141 : f32
      %mul3A_4160 = arith.constant 2.000000e+00 : f32
      %mul3A_4161 = arith.mulf %mul3A_4160, %add3A_4158 : f32
      %sub3A_4162 = arith.subf %add3A_4159, %mul3A_4161 : f32
      %max3A_4163 = arith.constant 9.99999996E-13 : f32
      %max3A_4164 = arith.maximumf %sub3A_4162, %max3A_4163 : f32
      %sqrt3A_4165 = math.sqrt %max3A_4164 : f32
      %lt3A_4166 = arith.cmpf olt, %sqrt3A_4165, %select_n3A_4131 : f32
      %jit3A_4167 = arith.constant 5 : i32
      %select_n3A_4168 = arith.select %lt3A_4166, %jit3A_4167, %select_n3A_4130 : i32
      %select_n3A_4169 = arith.select %lt3A_4166, %sqrt3A_4165, %select_n3A_4131 : f32
      %mul3A_4170 = arith.mulf %reduce_sum3A_663, %reduce_sum3A_663 : f32
      %mul3A_4171 = arith.mulf %reduce_sum3A_671, %reduce_sum3A_671 : f32
      %add3A_4172 = arith.addf %mul3A_4170, %mul3A_4171 : f32
      %mul3A_4173 = arith.mulf %reduce_sum3A_679, %reduce_sum3A_679 : f32
      %add3A_4174 = arith.addf %add3A_4172, %mul3A_4173 : f32
      %mul3A_4175 = arith.mulf %select_n3A_1515, %select_n3A_1515 : f32
      %mul3A_4176 = arith.mulf %select_n3A_1518, %select_n3A_1518 : f32
      %add3A_4177 = arith.addf %mul3A_4175, %mul3A_4176 : f32
      %mul3A_4178 = arith.mulf %select_n3A_1521, %select_n3A_1521 : f32
      %add3A_4179 = arith.addf %add3A_4177, %mul3A_4178 : f32
      %convert_element_type3A_4180 = arith.truncf %reduce_sum3A_663 : f32 to bf16
      %convert_element_type3A_4181 = arith.extf %convert_element_type3A_4180 : bf16 to f32
      %convert_element_type3A_4182 = arith.truncf %select_n3A_1515 : f32 to bf16
      %convert_element_type3A_4183 = arith.extf %convert_element_type3A_4182 : bf16 to f32
      %mul3A_4184 = arith.mulf %convert_element_type3A_4181, %convert_element_type3A_4183 : f32
      %convert_element_type3A_4185 = arith.truncf %reduce_sum3A_671 : f32 to bf16
      %convert_element_type3A_4186 = arith.extf %convert_element_type3A_4185 : bf16 to f32
      %convert_element_type3A_4187 = arith.truncf %select_n3A_1518 : f32 to bf16
      %convert_element_type3A_4188 = arith.extf %convert_element_type3A_4187 : bf16 to f32
      %mul3A_4189 = arith.mulf %convert_element_type3A_4186, %convert_element_type3A_4188 : f32
      %add3A_4190 = arith.addf %mul3A_4184, %mul3A_4189 : f32
      %convert_element_type3A_4191 = arith.truncf %reduce_sum3A_679 : f32 to bf16
      %convert_element_type3A_4192 = arith.extf %convert_element_type3A_4191 : bf16 to f32
      %convert_element_type3A_4193 = arith.truncf %select_n3A_1521 : f32 to bf16
      %convert_element_type3A_4194 = arith.extf %convert_element_type3A_4193 : bf16 to f32
      %mul3A_4195 = arith.mulf %convert_element_type3A_4192, %convert_element_type3A_4194 : f32
      %add3A_4196 = arith.addf %add3A_4190, %mul3A_4195 : f32
      %add3A_4197 = arith.addf %add3A_4174, %add3A_4179 : f32
      %mul3A_4198 = arith.constant 2.000000e+00 : f32
      %mul3A_4199 = arith.mulf %mul3A_4198, %add3A_4196 : f32
      %sub3A_4200 = arith.subf %add3A_4197, %mul3A_4199 : f32
      %max3A_4201 = arith.constant 9.99999996E-13 : f32
      %max3A_4202 = arith.maximumf %sub3A_4200, %max3A_4201 : f32
      %sqrt3A_4203 = math.sqrt %max3A_4202 : f32
      %lt3A_4204 = arith.cmpf olt, %sqrt3A_4203, %select_n3A_4169 : f32
      %jit3A_4205 = arith.constant 6 : i32
      %select_n3A_4206 = arith.select %lt3A_4204, %jit3A_4205, %select_n3A_4168 : i32
      %select_n3A_4207 = arith.select %lt3A_4204, %sqrt3A_4203, %select_n3A_4169 : f32
      %mul3A_4208 = arith.mulf %reduce_sum3A_663, %reduce_sum3A_663 : f32
      %mul3A_4209 = arith.mulf %reduce_sum3A_671, %reduce_sum3A_671 : f32
      %add3A_4210 = arith.addf %mul3A_4208, %mul3A_4209 : f32
      %mul3A_4211 = arith.mulf %reduce_sum3A_679, %reduce_sum3A_679 : f32
      %add3A_4212 = arith.addf %add3A_4210, %mul3A_4211 : f32
      %mul3A_4213 = arith.mulf %select_n3A_1556, %select_n3A_1556 : f32
      %mul3A_4214 = arith.mulf %select_n3A_1559, %select_n3A_1559 : f32
      %add3A_4215 = arith.addf %mul3A_4213, %mul3A_4214 : f32
      %mul3A_4216 = arith.mulf %select_n3A_1562, %select_n3A_1562 : f32
      %add3A_4217 = arith.addf %add3A_4215, %mul3A_4216 : f32
      %convert_element_type3A_4218 = arith.truncf %reduce_sum3A_663 : f32 to bf16
      %convert_element_type3A_4219 = arith.extf %convert_element_type3A_4218 : bf16 to f32
      %convert_element_type3A_4220 = arith.truncf %select_n3A_1556 : f32 to bf16
      %convert_element_type3A_4221 = arith.extf %convert_element_type3A_4220 : bf16 to f32
      %mul3A_4222 = arith.mulf %convert_element_type3A_4219, %convert_element_type3A_4221 : f32
      %convert_element_type3A_4223 = arith.truncf %reduce_sum3A_671 : f32 to bf16
      %convert_element_type3A_4224 = arith.extf %convert_element_type3A_4223 : bf16 to f32
      %convert_element_type3A_4225 = arith.truncf %select_n3A_1559 : f32 to bf16
      %convert_element_type3A_4226 = arith.extf %convert_element_type3A_4225 : bf16 to f32
      %mul3A_4227 = arith.mulf %convert_element_type3A_4224, %convert_element_type3A_4226 : f32
      %add3A_4228 = arith.addf %mul3A_4222, %mul3A_4227 : f32
      %convert_element_type3A_4229 = arith.truncf %reduce_sum3A_679 : f32 to bf16
      %convert_element_type3A_4230 = arith.extf %convert_element_type3A_4229 : bf16 to f32
      %convert_element_type3A_4231 = arith.truncf %select_n3A_1562 : f32 to bf16
      %convert_element_type3A_4232 = arith.extf %convert_element_type3A_4231 : bf16 to f32
      %mul3A_4233 = arith.mulf %convert_element_type3A_4230, %convert_element_type3A_4232 : f32
      %add3A_4234 = arith.addf %add3A_4228, %mul3A_4233 : f32
      %add3A_4235 = arith.addf %add3A_4212, %add3A_4217 : f32
      %mul3A_4236 = arith.constant 2.000000e+00 : f32
      %mul3A_4237 = arith.mulf %mul3A_4236, %add3A_4234 : f32
      %sub3A_4238 = arith.subf %add3A_4235, %mul3A_4237 : f32
      %max3A_4239 = arith.constant 9.99999996E-13 : f32
      %max3A_4240 = arith.maximumf %sub3A_4238, %max3A_4239 : f32
      %sqrt3A_4241 = math.sqrt %max3A_4240 : f32
      %lt3A_4242 = arith.cmpf olt, %sqrt3A_4241, %select_n3A_4207 : f32
      %jit3A_4243 = arith.constant 7 : i32
      %select_n3A_4244 = arith.select %lt3A_4242, %jit3A_4243, %select_n3A_4206 : i32
      %eq3A_4245 = arith.constant 0 : i32
      %eq3A_4246 = arith.cmpi eq, %select_n3A_4244, %eq3A_4245 : i32
      %jit3A_4247 = arith.constant 0.000000e+00 : f32
      %select_n3A_4248 = arith.select %eq3A_4246, %select_n3A_1269, %jit3A_4247 : f32
      %eq3A_4249 = arith.constant 0 : i32
      %eq3A_4250 = arith.cmpi eq, %select_n3A_4244, %eq3A_4249 : i32
      %jit3A_4251 = arith.constant 0.000000e+00 : f32
      %select_n3A_4252 = arith.select %eq3A_4250, %select_n3A_1272, %jit3A_4251 : f32
      %eq3A_4253 = arith.constant 0 : i32
      %eq3A_4254 = arith.cmpi eq, %select_n3A_4244, %eq3A_4253 : i32
      %jit3A_4255 = arith.constant 0.000000e+00 : f32
      %select_n3A_4256 = arith.select %eq3A_4254, %select_n3A_1275, %jit3A_4255 : f32
      %eq3A_4257 = arith.constant 1 : i32
      %eq3A_4258 = arith.cmpi eq, %select_n3A_4244, %eq3A_4257 : i32
      %select_n3A_4259 = arith.select %eq3A_4258, %select_n3A_1310, %select_n3A_4248 : f32
      %eq3A_4260 = arith.constant 1 : i32
      %eq3A_4261 = arith.cmpi eq, %select_n3A_4244, %eq3A_4260 : i32
      %select_n3A_4262 = arith.select %eq3A_4261, %select_n3A_1313, %select_n3A_4252 : f32
      %eq3A_4263 = arith.constant 1 : i32
      %eq3A_4264 = arith.cmpi eq, %select_n3A_4244, %eq3A_4263 : i32
      %select_n3A_4265 = arith.select %eq3A_4264, %select_n3A_1316, %select_n3A_4256 : f32
      %eq3A_4266 = arith.constant 2 : i32
      %eq3A_4267 = arith.cmpi eq, %select_n3A_4244, %eq3A_4266 : i32
      %select_n3A_4268 = arith.select %eq3A_4267, %select_n3A_1351, %select_n3A_4259 : f32
      %eq3A_4269 = arith.constant 2 : i32
      %eq3A_4270 = arith.cmpi eq, %select_n3A_4244, %eq3A_4269 : i32
      %select_n3A_4271 = arith.select %eq3A_4270, %select_n3A_1354, %select_n3A_4262 : f32
      %eq3A_4272 = arith.constant 2 : i32
      %eq3A_4273 = arith.cmpi eq, %select_n3A_4244, %eq3A_4272 : i32
      %select_n3A_4274 = arith.select %eq3A_4273, %select_n3A_1357, %select_n3A_4265 : f32
      %eq3A_4275 = arith.constant 3 : i32
      %eq3A_4276 = arith.cmpi eq, %select_n3A_4244, %eq3A_4275 : i32
      %select_n3A_4277 = arith.select %eq3A_4276, %select_n3A_1392, %select_n3A_4268 : f32
      %eq3A_4278 = arith.constant 3 : i32
      %eq3A_4279 = arith.cmpi eq, %select_n3A_4244, %eq3A_4278 : i32
      %select_n3A_4280 = arith.select %eq3A_4279, %select_n3A_1395, %select_n3A_4271 : f32
      %eq3A_4281 = arith.constant 3 : i32
      %eq3A_4282 = arith.cmpi eq, %select_n3A_4244, %eq3A_4281 : i32
      %select_n3A_4283 = arith.select %eq3A_4282, %select_n3A_1398, %select_n3A_4274 : f32
      %eq3A_4284 = arith.constant 4 : i32
      %eq3A_4285 = arith.cmpi eq, %select_n3A_4244, %eq3A_4284 : i32
      %select_n3A_4286 = arith.select %eq3A_4285, %select_n3A_1433, %select_n3A_4277 : f32
      %eq3A_4287 = arith.constant 4 : i32
      %eq3A_4288 = arith.cmpi eq, %select_n3A_4244, %eq3A_4287 : i32
      %select_n3A_4289 = arith.select %eq3A_4288, %select_n3A_1436, %select_n3A_4280 : f32
      %eq3A_4290 = arith.constant 4 : i32
      %eq3A_4291 = arith.cmpi eq, %select_n3A_4244, %eq3A_4290 : i32
      %select_n3A_4292 = arith.select %eq3A_4291, %select_n3A_1439, %select_n3A_4283 : f32
      %eq3A_4293 = arith.constant 5 : i32
      %eq3A_4294 = arith.cmpi eq, %select_n3A_4244, %eq3A_4293 : i32
      %select_n3A_4295 = arith.select %eq3A_4294, %select_n3A_1474, %select_n3A_4286 : f32
      %eq3A_4296 = arith.constant 5 : i32
      %eq3A_4297 = arith.cmpi eq, %select_n3A_4244, %eq3A_4296 : i32
      %select_n3A_4298 = arith.select %eq3A_4297, %select_n3A_1477, %select_n3A_4289 : f32
      %eq3A_4299 = arith.constant 5 : i32
      %eq3A_4300 = arith.cmpi eq, %select_n3A_4244, %eq3A_4299 : i32
      %select_n3A_4301 = arith.select %eq3A_4300, %select_n3A_1480, %select_n3A_4292 : f32
      %eq3A_4302 = arith.constant 6 : i32
      %eq3A_4303 = arith.cmpi eq, %select_n3A_4244, %eq3A_4302 : i32
      %select_n3A_4304 = arith.select %eq3A_4303, %select_n3A_1515, %select_n3A_4295 : f32
      %eq3A_4305 = arith.constant 6 : i32
      %eq3A_4306 = arith.cmpi eq, %select_n3A_4244, %eq3A_4305 : i32
      %select_n3A_4307 = arith.select %eq3A_4306, %select_n3A_1518, %select_n3A_4298 : f32
      %eq3A_4308 = arith.constant 6 : i32
      %eq3A_4309 = arith.cmpi eq, %select_n3A_4244, %eq3A_4308 : i32
      %select_n3A_4310 = arith.select %eq3A_4309, %select_n3A_1521, %select_n3A_4301 : f32
      %eq3A_4311 = arith.constant 7 : i32
      %eq3A_4312 = arith.cmpi eq, %select_n3A_4244, %eq3A_4311 : i32
      %select_n3A_4313 = arith.select %eq3A_4312, %select_n3A_1556, %select_n3A_4304 : f32
      %eq3A_4314 = arith.constant 7 : i32
      %eq3A_4315 = arith.cmpi eq, %select_n3A_4244, %eq3A_4314 : i32
      %select_n3A_4316 = arith.select %eq3A_4315, %select_n3A_1559, %select_n3A_4307 : f32
      %eq3A_4317 = arith.constant 7 : i32
      %eq3A_4318 = arith.cmpi eq, %select_n3A_4244, %eq3A_4317 : i32
      %select_n3A_4319 = arith.select %eq3A_4318, %select_n3A_1562, %select_n3A_4310 : f32
      %mul3A_4320 = arith.constant 8.000000e-01 : f32
      %mul3A_4321 = arith.mulf %mul3A_4320, %reduce_sum3A_663 : f32
      %mul3A_4322 = arith.constant 2.000000e-01 : f32
      %mul3A_4323 = arith.mulf %mul3A_4322, %select_n3A_4313 : f32
      %add3A_4324 = arith.addf %mul3A_4321, %mul3A_4323 : f32
      %mul3A_4325 = arith.constant 8.000000e-01 : f32
      %mul3A_4326 = arith.mulf %mul3A_4325, %reduce_sum3A_671 : f32
      %mul3A_4327 = arith.constant 2.000000e-01 : f32
      %mul3A_4328 = arith.mulf %mul3A_4327, %select_n3A_4316 : f32
      %add3A_4329 = arith.addf %mul3A_4326, %mul3A_4328 : f32
      %mul3A_4330 = arith.constant 8.000000e-01 : f32
      %mul3A_4331 = arith.mulf %mul3A_4330, %reduce_sum3A_679 : f32
      %mul3A_4332 = arith.constant 2.000000e-01 : f32
      %mul3A_4333 = arith.mulf %mul3A_4332, %select_n3A_4319 : f32
      %add3A_4334 = arith.addf %mul3A_4331, %mul3A_4333 : f32
      %mul3A_4335 = arith.mulf %reduce_sum3A_689, %reduce_sum3A_689 : f32
      %mul3A_4336 = arith.mulf %reduce_sum3A_697, %reduce_sum3A_697 : f32
      %add3A_4337 = arith.addf %mul3A_4335, %mul3A_4336 : f32
      %mul3A_4338 = arith.mulf %reduce_sum3A_705, %reduce_sum3A_705 : f32
      %add3A_4339 = arith.addf %add3A_4337, %mul3A_4338 : f32
      %mul3A_4340 = arith.mulf %select_n3A_1269, %select_n3A_1269 : f32
      %mul3A_4341 = arith.mulf %select_n3A_1272, %select_n3A_1272 : f32
      %add3A_4342 = arith.addf %mul3A_4340, %mul3A_4341 : f32
      %mul3A_4343 = arith.mulf %select_n3A_1275, %select_n3A_1275 : f32
      %add3A_4344 = arith.addf %add3A_4342, %mul3A_4343 : f32
      %convert_element_type3A_4345 = arith.truncf %reduce_sum3A_689 : f32 to bf16
      %convert_element_type3A_4346 = arith.extf %convert_element_type3A_4345 : bf16 to f32
      %convert_element_type3A_4347 = arith.truncf %select_n3A_1269 : f32 to bf16
      %convert_element_type3A_4348 = arith.extf %convert_element_type3A_4347 : bf16 to f32
      %mul3A_4349 = arith.mulf %convert_element_type3A_4346, %convert_element_type3A_4348 : f32
      %convert_element_type3A_4350 = arith.truncf %reduce_sum3A_697 : f32 to bf16
      %convert_element_type3A_4351 = arith.extf %convert_element_type3A_4350 : bf16 to f32
      %convert_element_type3A_4352 = arith.truncf %select_n3A_1272 : f32 to bf16
      %convert_element_type3A_4353 = arith.extf %convert_element_type3A_4352 : bf16 to f32
      %mul3A_4354 = arith.mulf %convert_element_type3A_4351, %convert_element_type3A_4353 : f32
      %add3A_4355 = arith.addf %mul3A_4349, %mul3A_4354 : f32
      %convert_element_type3A_4356 = arith.truncf %reduce_sum3A_705 : f32 to bf16
      %convert_element_type3A_4357 = arith.extf %convert_element_type3A_4356 : bf16 to f32
      %convert_element_type3A_4358 = arith.truncf %select_n3A_1275 : f32 to bf16
      %convert_element_type3A_4359 = arith.extf %convert_element_type3A_4358 : bf16 to f32
      %mul3A_4360 = arith.mulf %convert_element_type3A_4357, %convert_element_type3A_4359 : f32
      %add3A_4361 = arith.addf %add3A_4355, %mul3A_4360 : f32
      %add3A_4362 = arith.addf %add3A_4339, %add3A_4344 : f32
      %mul3A_4363 = arith.constant 2.000000e+00 : f32
      %mul3A_4364 = arith.mulf %mul3A_4363, %add3A_4361 : f32
      %sub3A_4365 = arith.subf %add3A_4362, %mul3A_4364 : f32
      %max3A_4366 = arith.constant 9.99999996E-13 : f32
      %max3A_4367 = arith.maximumf %sub3A_4365, %max3A_4366 : f32
      %sqrt3A_4368 = math.sqrt %max3A_4367 : f32
      %lt3A_4369 = arith.constant 0x7F800000 : f32
      %lt3A_4370 = arith.cmpf olt, %sqrt3A_4368, %lt3A_4369 : f32
      %jit3A_4371 = arith.constant 0 : i32
      %jit3A_4372 = arith.constant 0 : i32
      %select_n3A_4373 = arith.select %lt3A_4370, %jit3A_4371, %jit3A_4372 : i32
      %jit3A_4374 = arith.constant 0x7F800000 : f32
      %select_n3A_4375 = arith.select %lt3A_4370, %sqrt3A_4368, %jit3A_4374 : f32
      %mul3A_4376 = arith.mulf %reduce_sum3A_689, %reduce_sum3A_689 : f32
      %mul3A_4377 = arith.mulf %reduce_sum3A_697, %reduce_sum3A_697 : f32
      %add3A_4378 = arith.addf %mul3A_4376, %mul3A_4377 : f32
      %mul3A_4379 = arith.mulf %reduce_sum3A_705, %reduce_sum3A_705 : f32
      %add3A_4380 = arith.addf %add3A_4378, %mul3A_4379 : f32
      %mul3A_4381 = arith.mulf %select_n3A_1310, %select_n3A_1310 : f32
      %mul3A_4382 = arith.mulf %select_n3A_1313, %select_n3A_1313 : f32
      %add3A_4383 = arith.addf %mul3A_4381, %mul3A_4382 : f32
      %mul3A_4384 = arith.mulf %select_n3A_1316, %select_n3A_1316 : f32
      %add3A_4385 = arith.addf %add3A_4383, %mul3A_4384 : f32
      %convert_element_type3A_4386 = arith.truncf %reduce_sum3A_689 : f32 to bf16
      %convert_element_type3A_4387 = arith.extf %convert_element_type3A_4386 : bf16 to f32
      %convert_element_type3A_4388 = arith.truncf %select_n3A_1310 : f32 to bf16
      %convert_element_type3A_4389 = arith.extf %convert_element_type3A_4388 : bf16 to f32
      %mul3A_4390 = arith.mulf %convert_element_type3A_4387, %convert_element_type3A_4389 : f32
      %convert_element_type3A_4391 = arith.truncf %reduce_sum3A_697 : f32 to bf16
      %convert_element_type3A_4392 = arith.extf %convert_element_type3A_4391 : bf16 to f32
      %convert_element_type3A_4393 = arith.truncf %select_n3A_1313 : f32 to bf16
      %convert_element_type3A_4394 = arith.extf %convert_element_type3A_4393 : bf16 to f32
      %mul3A_4395 = arith.mulf %convert_element_type3A_4392, %convert_element_type3A_4394 : f32
      %add3A_4396 = arith.addf %mul3A_4390, %mul3A_4395 : f32
      %convert_element_type3A_4397 = arith.truncf %reduce_sum3A_705 : f32 to bf16
      %convert_element_type3A_4398 = arith.extf %convert_element_type3A_4397 : bf16 to f32
      %convert_element_type3A_4399 = arith.truncf %select_n3A_1316 : f32 to bf16
      %convert_element_type3A_4400 = arith.extf %convert_element_type3A_4399 : bf16 to f32
      %mul3A_4401 = arith.mulf %convert_element_type3A_4398, %convert_element_type3A_4400 : f32
      %add3A_4402 = arith.addf %add3A_4396, %mul3A_4401 : f32
      %add3A_4403 = arith.addf %add3A_4380, %add3A_4385 : f32
      %mul3A_4404 = arith.constant 2.000000e+00 : f32
      %mul3A_4405 = arith.mulf %mul3A_4404, %add3A_4402 : f32
      %sub3A_4406 = arith.subf %add3A_4403, %mul3A_4405 : f32
      %max3A_4407 = arith.constant 9.99999996E-13 : f32
      %max3A_4408 = arith.maximumf %sub3A_4406, %max3A_4407 : f32
      %sqrt3A_4409 = math.sqrt %max3A_4408 : f32
      %lt3A_4410 = arith.cmpf olt, %sqrt3A_4409, %select_n3A_4375 : f32
      %jit3A_4411 = arith.constant 1 : i32
      %select_n3A_4412 = arith.select %lt3A_4410, %jit3A_4411, %select_n3A_4373 : i32
      %select_n3A_4413 = arith.select %lt3A_4410, %sqrt3A_4409, %select_n3A_4375 : f32
      %mul3A_4414 = arith.mulf %reduce_sum3A_689, %reduce_sum3A_689 : f32
      %mul3A_4415 = arith.mulf %reduce_sum3A_697, %reduce_sum3A_697 : f32
      %add3A_4416 = arith.addf %mul3A_4414, %mul3A_4415 : f32
      %mul3A_4417 = arith.mulf %reduce_sum3A_705, %reduce_sum3A_705 : f32
      %add3A_4418 = arith.addf %add3A_4416, %mul3A_4417 : f32
      %mul3A_4419 = arith.mulf %select_n3A_1351, %select_n3A_1351 : f32
      %mul3A_4420 = arith.mulf %select_n3A_1354, %select_n3A_1354 : f32
      %add3A_4421 = arith.addf %mul3A_4419, %mul3A_4420 : f32
      %mul3A_4422 = arith.mulf %select_n3A_1357, %select_n3A_1357 : f32
      %add3A_4423 = arith.addf %add3A_4421, %mul3A_4422 : f32
      %convert_element_type3A_4424 = arith.truncf %reduce_sum3A_689 : f32 to bf16
      %convert_element_type3A_4425 = arith.extf %convert_element_type3A_4424 : bf16 to f32
      %convert_element_type3A_4426 = arith.truncf %select_n3A_1351 : f32 to bf16
      %convert_element_type3A_4427 = arith.extf %convert_element_type3A_4426 : bf16 to f32
      %mul3A_4428 = arith.mulf %convert_element_type3A_4425, %convert_element_type3A_4427 : f32
      %convert_element_type3A_4429 = arith.truncf %reduce_sum3A_697 : f32 to bf16
      %convert_element_type3A_4430 = arith.extf %convert_element_type3A_4429 : bf16 to f32
      %convert_element_type3A_4431 = arith.truncf %select_n3A_1354 : f32 to bf16
      %convert_element_type3A_4432 = arith.extf %convert_element_type3A_4431 : bf16 to f32
      %mul3A_4433 = arith.mulf %convert_element_type3A_4430, %convert_element_type3A_4432 : f32
      %add3A_4434 = arith.addf %mul3A_4428, %mul3A_4433 : f32
      %convert_element_type3A_4435 = arith.truncf %reduce_sum3A_705 : f32 to bf16
      %convert_element_type3A_4436 = arith.extf %convert_element_type3A_4435 : bf16 to f32
      %convert_element_type3A_4437 = arith.truncf %select_n3A_1357 : f32 to bf16
      %convert_element_type3A_4438 = arith.extf %convert_element_type3A_4437 : bf16 to f32
      %mul3A_4439 = arith.mulf %convert_element_type3A_4436, %convert_element_type3A_4438 : f32
      %add3A_4440 = arith.addf %add3A_4434, %mul3A_4439 : f32
      %add3A_4441 = arith.addf %add3A_4418, %add3A_4423 : f32
      %mul3A_4442 = arith.constant 2.000000e+00 : f32
      %mul3A_4443 = arith.mulf %mul3A_4442, %add3A_4440 : f32
      %sub3A_4444 = arith.subf %add3A_4441, %mul3A_4443 : f32
      %max3A_4445 = arith.constant 9.99999996E-13 : f32
      %max3A_4446 = arith.maximumf %sub3A_4444, %max3A_4445 : f32
      %sqrt3A_4447 = math.sqrt %max3A_4446 : f32
      %lt3A_4448 = arith.cmpf olt, %sqrt3A_4447, %select_n3A_4413 : f32
      %jit3A_4449 = arith.constant 2 : i32
      %select_n3A_4450 = arith.select %lt3A_4448, %jit3A_4449, %select_n3A_4412 : i32
      %select_n3A_4451 = arith.select %lt3A_4448, %sqrt3A_4447, %select_n3A_4413 : f32
      %mul3A_4452 = arith.mulf %reduce_sum3A_689, %reduce_sum3A_689 : f32
      %mul3A_4453 = arith.mulf %reduce_sum3A_697, %reduce_sum3A_697 : f32
      %add3A_4454 = arith.addf %mul3A_4452, %mul3A_4453 : f32
      %mul3A_4455 = arith.mulf %reduce_sum3A_705, %reduce_sum3A_705 : f32
      %add3A_4456 = arith.addf %add3A_4454, %mul3A_4455 : f32
      %mul3A_4457 = arith.mulf %select_n3A_1392, %select_n3A_1392 : f32
      %mul3A_4458 = arith.mulf %select_n3A_1395, %select_n3A_1395 : f32
      %add3A_4459 = arith.addf %mul3A_4457, %mul3A_4458 : f32
      %mul3A_4460 = arith.mulf %select_n3A_1398, %select_n3A_1398 : f32
      %add3A_4461 = arith.addf %add3A_4459, %mul3A_4460 : f32
      %convert_element_type3A_4462 = arith.truncf %reduce_sum3A_689 : f32 to bf16
      %convert_element_type3A_4463 = arith.extf %convert_element_type3A_4462 : bf16 to f32
      %convert_element_type3A_4464 = arith.truncf %select_n3A_1392 : f32 to bf16
      %convert_element_type3A_4465 = arith.extf %convert_element_type3A_4464 : bf16 to f32
      %mul3A_4466 = arith.mulf %convert_element_type3A_4463, %convert_element_type3A_4465 : f32
      %convert_element_type3A_4467 = arith.truncf %reduce_sum3A_697 : f32 to bf16
      %convert_element_type3A_4468 = arith.extf %convert_element_type3A_4467 : bf16 to f32
      %convert_element_type3A_4469 = arith.truncf %select_n3A_1395 : f32 to bf16
      %convert_element_type3A_4470 = arith.extf %convert_element_type3A_4469 : bf16 to f32
      %mul3A_4471 = arith.mulf %convert_element_type3A_4468, %convert_element_type3A_4470 : f32
      %add3A_4472 = arith.addf %mul3A_4466, %mul3A_4471 : f32
      %convert_element_type3A_4473 = arith.truncf %reduce_sum3A_705 : f32 to bf16
      %convert_element_type3A_4474 = arith.extf %convert_element_type3A_4473 : bf16 to f32
      %convert_element_type3A_4475 = arith.truncf %select_n3A_1398 : f32 to bf16
      %convert_element_type3A_4476 = arith.extf %convert_element_type3A_4475 : bf16 to f32
      %mul3A_4477 = arith.mulf %convert_element_type3A_4474, %convert_element_type3A_4476 : f32
      %add3A_4478 = arith.addf %add3A_4472, %mul3A_4477 : f32
      %add3A_4479 = arith.addf %add3A_4456, %add3A_4461 : f32
      %mul3A_4480 = arith.constant 2.000000e+00 : f32
      %mul3A_4481 = arith.mulf %mul3A_4480, %add3A_4478 : f32
      %sub3A_4482 = arith.subf %add3A_4479, %mul3A_4481 : f32
      %max3A_4483 = arith.constant 9.99999996E-13 : f32
      %max3A_4484 = arith.maximumf %sub3A_4482, %max3A_4483 : f32
      %sqrt3A_4485 = math.sqrt %max3A_4484 : f32
      %lt3A_4486 = arith.cmpf olt, %sqrt3A_4485, %select_n3A_4451 : f32
      %jit3A_4487 = arith.constant 3 : i32
      %select_n3A_4488 = arith.select %lt3A_4486, %jit3A_4487, %select_n3A_4450 : i32
      %select_n3A_4489 = arith.select %lt3A_4486, %sqrt3A_4485, %select_n3A_4451 : f32
      %mul3A_4490 = arith.mulf %reduce_sum3A_689, %reduce_sum3A_689 : f32
      %mul3A_4491 = arith.mulf %reduce_sum3A_697, %reduce_sum3A_697 : f32
      %add3A_4492 = arith.addf %mul3A_4490, %mul3A_4491 : f32
      %mul3A_4493 = arith.mulf %reduce_sum3A_705, %reduce_sum3A_705 : f32
      %add3A_4494 = arith.addf %add3A_4492, %mul3A_4493 : f32
      %mul3A_4495 = arith.mulf %select_n3A_1433, %select_n3A_1433 : f32
      %mul3A_4496 = arith.mulf %select_n3A_1436, %select_n3A_1436 : f32
      %add3A_4497 = arith.addf %mul3A_4495, %mul3A_4496 : f32
      %mul3A_4498 = arith.mulf %select_n3A_1439, %select_n3A_1439 : f32
      %add3A_4499 = arith.addf %add3A_4497, %mul3A_4498 : f32
      %convert_element_type3A_4500 = arith.truncf %reduce_sum3A_689 : f32 to bf16
      %convert_element_type3A_4501 = arith.extf %convert_element_type3A_4500 : bf16 to f32
      %convert_element_type3A_4502 = arith.truncf %select_n3A_1433 : f32 to bf16
      %convert_element_type3A_4503 = arith.extf %convert_element_type3A_4502 : bf16 to f32
      %mul3A_4504 = arith.mulf %convert_element_type3A_4501, %convert_element_type3A_4503 : f32
      %convert_element_type3A_4505 = arith.truncf %reduce_sum3A_697 : f32 to bf16
      %convert_element_type3A_4506 = arith.extf %convert_element_type3A_4505 : bf16 to f32
      %convert_element_type3A_4507 = arith.truncf %select_n3A_1436 : f32 to bf16
      %convert_element_type3A_4508 = arith.extf %convert_element_type3A_4507 : bf16 to f32
      %mul3A_4509 = arith.mulf %convert_element_type3A_4506, %convert_element_type3A_4508 : f32
      %add3A_4510 = arith.addf %mul3A_4504, %mul3A_4509 : f32
      %convert_element_type3A_4511 = arith.truncf %reduce_sum3A_705 : f32 to bf16
      %convert_element_type3A_4512 = arith.extf %convert_element_type3A_4511 : bf16 to f32
      %convert_element_type3A_4513 = arith.truncf %select_n3A_1439 : f32 to bf16
      %convert_element_type3A_4514 = arith.extf %convert_element_type3A_4513 : bf16 to f32
      %mul3A_4515 = arith.mulf %convert_element_type3A_4512, %convert_element_type3A_4514 : f32
      %add3A_4516 = arith.addf %add3A_4510, %mul3A_4515 : f32
      %add3A_4517 = arith.addf %add3A_4494, %add3A_4499 : f32
      %mul3A_4518 = arith.constant 2.000000e+00 : f32
      %mul3A_4519 = arith.mulf %mul3A_4518, %add3A_4516 : f32
      %sub3A_4520 = arith.subf %add3A_4517, %mul3A_4519 : f32
      %max3A_4521 = arith.constant 9.99999996E-13 : f32
      %max3A_4522 = arith.maximumf %sub3A_4520, %max3A_4521 : f32
      %sqrt3A_4523 = math.sqrt %max3A_4522 : f32
      %lt3A_4524 = arith.cmpf olt, %sqrt3A_4523, %select_n3A_4489 : f32
      %jit3A_4525 = arith.constant 4 : i32
      %select_n3A_4526 = arith.select %lt3A_4524, %jit3A_4525, %select_n3A_4488 : i32
      %select_n3A_4527 = arith.select %lt3A_4524, %sqrt3A_4523, %select_n3A_4489 : f32
      %mul3A_4528 = arith.mulf %reduce_sum3A_689, %reduce_sum3A_689 : f32
      %mul3A_4529 = arith.mulf %reduce_sum3A_697, %reduce_sum3A_697 : f32
      %add3A_4530 = arith.addf %mul3A_4528, %mul3A_4529 : f32
      %mul3A_4531 = arith.mulf %reduce_sum3A_705, %reduce_sum3A_705 : f32
      %add3A_4532 = arith.addf %add3A_4530, %mul3A_4531 : f32
      %mul3A_4533 = arith.mulf %select_n3A_1474, %select_n3A_1474 : f32
      %mul3A_4534 = arith.mulf %select_n3A_1477, %select_n3A_1477 : f32
      %add3A_4535 = arith.addf %mul3A_4533, %mul3A_4534 : f32
      %mul3A_4536 = arith.mulf %select_n3A_1480, %select_n3A_1480 : f32
      %add3A_4537 = arith.addf %add3A_4535, %mul3A_4536 : f32
      %convert_element_type3A_4538 = arith.truncf %reduce_sum3A_689 : f32 to bf16
      %convert_element_type3A_4539 = arith.extf %convert_element_type3A_4538 : bf16 to f32
      %convert_element_type3A_4540 = arith.truncf %select_n3A_1474 : f32 to bf16
      %convert_element_type3A_4541 = arith.extf %convert_element_type3A_4540 : bf16 to f32
      %mul3A_4542 = arith.mulf %convert_element_type3A_4539, %convert_element_type3A_4541 : f32
      %convert_element_type3A_4543 = arith.truncf %reduce_sum3A_697 : f32 to bf16
      %convert_element_type3A_4544 = arith.extf %convert_element_type3A_4543 : bf16 to f32
      %convert_element_type3A_4545 = arith.truncf %select_n3A_1477 : f32 to bf16
      %convert_element_type3A_4546 = arith.extf %convert_element_type3A_4545 : bf16 to f32
      %mul3A_4547 = arith.mulf %convert_element_type3A_4544, %convert_element_type3A_4546 : f32
      %add3A_4548 = arith.addf %mul3A_4542, %mul3A_4547 : f32
      %convert_element_type3A_4549 = arith.truncf %reduce_sum3A_705 : f32 to bf16
      %convert_element_type3A_4550 = arith.extf %convert_element_type3A_4549 : bf16 to f32
      %convert_element_type3A_4551 = arith.truncf %select_n3A_1480 : f32 to bf16
      %convert_element_type3A_4552 = arith.extf %convert_element_type3A_4551 : bf16 to f32
      %mul3A_4553 = arith.mulf %convert_element_type3A_4550, %convert_element_type3A_4552 : f32
      %add3A_4554 = arith.addf %add3A_4548, %mul3A_4553 : f32
      %add3A_4555 = arith.addf %add3A_4532, %add3A_4537 : f32
      %mul3A_4556 = arith.constant 2.000000e+00 : f32
      %mul3A_4557 = arith.mulf %mul3A_4556, %add3A_4554 : f32
      %sub3A_4558 = arith.subf %add3A_4555, %mul3A_4557 : f32
      %max3A_4559 = arith.constant 9.99999996E-13 : f32
      %max3A_4560 = arith.maximumf %sub3A_4558, %max3A_4559 : f32
      %sqrt3A_4561 = math.sqrt %max3A_4560 : f32
      %lt3A_4562 = arith.cmpf olt, %sqrt3A_4561, %select_n3A_4527 : f32
      %jit3A_4563 = arith.constant 5 : i32
      %select_n3A_4564 = arith.select %lt3A_4562, %jit3A_4563, %select_n3A_4526 : i32
      %select_n3A_4565 = arith.select %lt3A_4562, %sqrt3A_4561, %select_n3A_4527 : f32
      %mul3A_4566 = arith.mulf %reduce_sum3A_689, %reduce_sum3A_689 : f32
      %mul3A_4567 = arith.mulf %reduce_sum3A_697, %reduce_sum3A_697 : f32
      %add3A_4568 = arith.addf %mul3A_4566, %mul3A_4567 : f32
      %mul3A_4569 = arith.mulf %reduce_sum3A_705, %reduce_sum3A_705 : f32
      %add3A_4570 = arith.addf %add3A_4568, %mul3A_4569 : f32
      %mul3A_4571 = arith.mulf %select_n3A_1515, %select_n3A_1515 : f32
      %mul3A_4572 = arith.mulf %select_n3A_1518, %select_n3A_1518 : f32
      %add3A_4573 = arith.addf %mul3A_4571, %mul3A_4572 : f32
      %mul3A_4574 = arith.mulf %select_n3A_1521, %select_n3A_1521 : f32
      %add3A_4575 = arith.addf %add3A_4573, %mul3A_4574 : f32
      %convert_element_type3A_4576 = arith.truncf %reduce_sum3A_689 : f32 to bf16
      %convert_element_type3A_4577 = arith.extf %convert_element_type3A_4576 : bf16 to f32
      %convert_element_type3A_4578 = arith.truncf %select_n3A_1515 : f32 to bf16
      %convert_element_type3A_4579 = arith.extf %convert_element_type3A_4578 : bf16 to f32
      %mul3A_4580 = arith.mulf %convert_element_type3A_4577, %convert_element_type3A_4579 : f32
      %convert_element_type3A_4581 = arith.truncf %reduce_sum3A_697 : f32 to bf16
      %convert_element_type3A_4582 = arith.extf %convert_element_type3A_4581 : bf16 to f32
      %convert_element_type3A_4583 = arith.truncf %select_n3A_1518 : f32 to bf16
      %convert_element_type3A_4584 = arith.extf %convert_element_type3A_4583 : bf16 to f32
      %mul3A_4585 = arith.mulf %convert_element_type3A_4582, %convert_element_type3A_4584 : f32
      %add3A_4586 = arith.addf %mul3A_4580, %mul3A_4585 : f32
      %convert_element_type3A_4587 = arith.truncf %reduce_sum3A_705 : f32 to bf16
      %convert_element_type3A_4588 = arith.extf %convert_element_type3A_4587 : bf16 to f32
      %convert_element_type3A_4589 = arith.truncf %select_n3A_1521 : f32 to bf16
      %convert_element_type3A_4590 = arith.extf %convert_element_type3A_4589 : bf16 to f32
      %mul3A_4591 = arith.mulf %convert_element_type3A_4588, %convert_element_type3A_4590 : f32
      %add3A_4592 = arith.addf %add3A_4586, %mul3A_4591 : f32
      %add3A_4593 = arith.addf %add3A_4570, %add3A_4575 : f32
      %mul3A_4594 = arith.constant 2.000000e+00 : f32
      %mul3A_4595 = arith.mulf %mul3A_4594, %add3A_4592 : f32
      %sub3A_4596 = arith.subf %add3A_4593, %mul3A_4595 : f32
      %max3A_4597 = arith.constant 9.99999996E-13 : f32
      %max3A_4598 = arith.maximumf %sub3A_4596, %max3A_4597 : f32
      %sqrt3A_4599 = math.sqrt %max3A_4598 : f32
      %lt3A_4600 = arith.cmpf olt, %sqrt3A_4599, %select_n3A_4565 : f32
      %jit3A_4601 = arith.constant 6 : i32
      %select_n3A_4602 = arith.select %lt3A_4600, %jit3A_4601, %select_n3A_4564 : i32
      %select_n3A_4603 = arith.select %lt3A_4600, %sqrt3A_4599, %select_n3A_4565 : f32
      %mul3A_4604 = arith.mulf %reduce_sum3A_689, %reduce_sum3A_689 : f32
      %mul3A_4605 = arith.mulf %reduce_sum3A_697, %reduce_sum3A_697 : f32
      %add3A_4606 = arith.addf %mul3A_4604, %mul3A_4605 : f32
      %mul3A_4607 = arith.mulf %reduce_sum3A_705, %reduce_sum3A_705 : f32
      %add3A_4608 = arith.addf %add3A_4606, %mul3A_4607 : f32
      %mul3A_4609 = arith.mulf %select_n3A_1556, %select_n3A_1556 : f32
      %mul3A_4610 = arith.mulf %select_n3A_1559, %select_n3A_1559 : f32
      %add3A_4611 = arith.addf %mul3A_4609, %mul3A_4610 : f32
      %mul3A_4612 = arith.mulf %select_n3A_1562, %select_n3A_1562 : f32
      %add3A_4613 = arith.addf %add3A_4611, %mul3A_4612 : f32
      %convert_element_type3A_4614 = arith.truncf %reduce_sum3A_689 : f32 to bf16
      %convert_element_type3A_4615 = arith.extf %convert_element_type3A_4614 : bf16 to f32
      %convert_element_type3A_4616 = arith.truncf %select_n3A_1556 : f32 to bf16
      %convert_element_type3A_4617 = arith.extf %convert_element_type3A_4616 : bf16 to f32
      %mul3A_4618 = arith.mulf %convert_element_type3A_4615, %convert_element_type3A_4617 : f32
      %convert_element_type3A_4619 = arith.truncf %reduce_sum3A_697 : f32 to bf16
      %convert_element_type3A_4620 = arith.extf %convert_element_type3A_4619 : bf16 to f32
      %convert_element_type3A_4621 = arith.truncf %select_n3A_1559 : f32 to bf16
      %convert_element_type3A_4622 = arith.extf %convert_element_type3A_4621 : bf16 to f32
      %mul3A_4623 = arith.mulf %convert_element_type3A_4620, %convert_element_type3A_4622 : f32
      %add3A_4624 = arith.addf %mul3A_4618, %mul3A_4623 : f32
      %convert_element_type3A_4625 = arith.truncf %reduce_sum3A_705 : f32 to bf16
      %convert_element_type3A_4626 = arith.extf %convert_element_type3A_4625 : bf16 to f32
      %convert_element_type3A_4627 = arith.truncf %select_n3A_1562 : f32 to bf16
      %convert_element_type3A_4628 = arith.extf %convert_element_type3A_4627 : bf16 to f32
      %mul3A_4629 = arith.mulf %convert_element_type3A_4626, %convert_element_type3A_4628 : f32
      %add3A_4630 = arith.addf %add3A_4624, %mul3A_4629 : f32
      %add3A_4631 = arith.addf %add3A_4608, %add3A_4613 : f32
      %mul3A_4632 = arith.constant 2.000000e+00 : f32
      %mul3A_4633 = arith.mulf %mul3A_4632, %add3A_4630 : f32
      %sub3A_4634 = arith.subf %add3A_4631, %mul3A_4633 : f32
      %max3A_4635 = arith.constant 9.99999996E-13 : f32
      %max3A_4636 = arith.maximumf %sub3A_4634, %max3A_4635 : f32
      %sqrt3A_4637 = math.sqrt %max3A_4636 : f32
      %lt3A_4638 = arith.cmpf olt, %sqrt3A_4637, %select_n3A_4603 : f32
      %jit3A_4639 = arith.constant 7 : i32
      %select_n3A_4640 = arith.select %lt3A_4638, %jit3A_4639, %select_n3A_4602 : i32
      %eq3A_4641 = arith.constant 0 : i32
      %eq3A_4642 = arith.cmpi eq, %select_n3A_4640, %eq3A_4641 : i32
      %jit3A_4643 = arith.constant 0.000000e+00 : f32
      %select_n3A_4644 = arith.select %eq3A_4642, %select_n3A_1269, %jit3A_4643 : f32
      %eq3A_4645 = arith.constant 0 : i32
      %eq3A_4646 = arith.cmpi eq, %select_n3A_4640, %eq3A_4645 : i32
      %jit3A_4647 = arith.constant 0.000000e+00 : f32
      %select_n3A_4648 = arith.select %eq3A_4646, %select_n3A_1272, %jit3A_4647 : f32
      %eq3A_4649 = arith.constant 0 : i32
      %eq3A_4650 = arith.cmpi eq, %select_n3A_4640, %eq3A_4649 : i32
      %jit3A_4651 = arith.constant 0.000000e+00 : f32
      %select_n3A_4652 = arith.select %eq3A_4650, %select_n3A_1275, %jit3A_4651 : f32
      %eq3A_4653 = arith.constant 1 : i32
      %eq3A_4654 = arith.cmpi eq, %select_n3A_4640, %eq3A_4653 : i32
      %select_n3A_4655 = arith.select %eq3A_4654, %select_n3A_1310, %select_n3A_4644 : f32
      %eq3A_4656 = arith.constant 1 : i32
      %eq3A_4657 = arith.cmpi eq, %select_n3A_4640, %eq3A_4656 : i32
      %select_n3A_4658 = arith.select %eq3A_4657, %select_n3A_1313, %select_n3A_4648 : f32
      %eq3A_4659 = arith.constant 1 : i32
      %eq3A_4660 = arith.cmpi eq, %select_n3A_4640, %eq3A_4659 : i32
      %select_n3A_4661 = arith.select %eq3A_4660, %select_n3A_1316, %select_n3A_4652 : f32
      %eq3A_4662 = arith.constant 2 : i32
      %eq3A_4663 = arith.cmpi eq, %select_n3A_4640, %eq3A_4662 : i32
      %select_n3A_4664 = arith.select %eq3A_4663, %select_n3A_1351, %select_n3A_4655 : f32
      %eq3A_4665 = arith.constant 2 : i32
      %eq3A_4666 = arith.cmpi eq, %select_n3A_4640, %eq3A_4665 : i32
      %select_n3A_4667 = arith.select %eq3A_4666, %select_n3A_1354, %select_n3A_4658 : f32
      %eq3A_4668 = arith.constant 2 : i32
      %eq3A_4669 = arith.cmpi eq, %select_n3A_4640, %eq3A_4668 : i32
      %select_n3A_4670 = arith.select %eq3A_4669, %select_n3A_1357, %select_n3A_4661 : f32
      %eq3A_4671 = arith.constant 3 : i32
      %eq3A_4672 = arith.cmpi eq, %select_n3A_4640, %eq3A_4671 : i32
      %select_n3A_4673 = arith.select %eq3A_4672, %select_n3A_1392, %select_n3A_4664 : f32
      %eq3A_4674 = arith.constant 3 : i32
      %eq3A_4675 = arith.cmpi eq, %select_n3A_4640, %eq3A_4674 : i32
      %select_n3A_4676 = arith.select %eq3A_4675, %select_n3A_1395, %select_n3A_4667 : f32
      %eq3A_4677 = arith.constant 3 : i32
      %eq3A_4678 = arith.cmpi eq, %select_n3A_4640, %eq3A_4677 : i32
      %select_n3A_4679 = arith.select %eq3A_4678, %select_n3A_1398, %select_n3A_4670 : f32
      %eq3A_4680 = arith.constant 4 : i32
      %eq3A_4681 = arith.cmpi eq, %select_n3A_4640, %eq3A_4680 : i32
      %select_n3A_4682 = arith.select %eq3A_4681, %select_n3A_1433, %select_n3A_4673 : f32
      %eq3A_4683 = arith.constant 4 : i32
      %eq3A_4684 = arith.cmpi eq, %select_n3A_4640, %eq3A_4683 : i32
      %select_n3A_4685 = arith.select %eq3A_4684, %select_n3A_1436, %select_n3A_4676 : f32
      %eq3A_4686 = arith.constant 4 : i32
      %eq3A_4687 = arith.cmpi eq, %select_n3A_4640, %eq3A_4686 : i32
      %select_n3A_4688 = arith.select %eq3A_4687, %select_n3A_1439, %select_n3A_4679 : f32
      %eq3A_4689 = arith.constant 5 : i32
      %eq3A_4690 = arith.cmpi eq, %select_n3A_4640, %eq3A_4689 : i32
      %select_n3A_4691 = arith.select %eq3A_4690, %select_n3A_1474, %select_n3A_4682 : f32
      %eq3A_4692 = arith.constant 5 : i32
      %eq3A_4693 = arith.cmpi eq, %select_n3A_4640, %eq3A_4692 : i32
      %select_n3A_4694 = arith.select %eq3A_4693, %select_n3A_1477, %select_n3A_4685 : f32
      %eq3A_4695 = arith.constant 5 : i32
      %eq3A_4696 = arith.cmpi eq, %select_n3A_4640, %eq3A_4695 : i32
      %select_n3A_4697 = arith.select %eq3A_4696, %select_n3A_1480, %select_n3A_4688 : f32
      %eq3A_4698 = arith.constant 6 : i32
      %eq3A_4699 = arith.cmpi eq, %select_n3A_4640, %eq3A_4698 : i32
      %select_n3A_4700 = arith.select %eq3A_4699, %select_n3A_1515, %select_n3A_4691 : f32
      %eq3A_4701 = arith.constant 6 : i32
      %eq3A_4702 = arith.cmpi eq, %select_n3A_4640, %eq3A_4701 : i32
      %select_n3A_4703 = arith.select %eq3A_4702, %select_n3A_1518, %select_n3A_4694 : f32
      %eq3A_4704 = arith.constant 6 : i32
      %eq3A_4705 = arith.cmpi eq, %select_n3A_4640, %eq3A_4704 : i32
      %select_n3A_4706 = arith.select %eq3A_4705, %select_n3A_1521, %select_n3A_4697 : f32
      %eq3A_4707 = arith.constant 7 : i32
      %eq3A_4708 = arith.cmpi eq, %select_n3A_4640, %eq3A_4707 : i32
      %select_n3A_4709 = arith.select %eq3A_4708, %select_n3A_1556, %select_n3A_4700 : f32
      %eq3A_4710 = arith.constant 7 : i32
      %eq3A_4711 = arith.cmpi eq, %select_n3A_4640, %eq3A_4710 : i32
      %select_n3A_4712 = arith.select %eq3A_4711, %select_n3A_1559, %select_n3A_4703 : f32
      %eq3A_4713 = arith.constant 7 : i32
      %eq3A_4714 = arith.cmpi eq, %select_n3A_4640, %eq3A_4713 : i32
      %select_n3A_4715 = arith.select %eq3A_4714, %select_n3A_1562, %select_n3A_4706 : f32
      %mul3A_4716 = arith.constant 8.000000e-01 : f32
      %mul3A_4717 = arith.mulf %mul3A_4716, %reduce_sum3A_689 : f32
      %mul3A_4718 = arith.constant 2.000000e-01 : f32
      %mul3A_4719 = arith.mulf %mul3A_4718, %select_n3A_4709 : f32
      %add3A_4720 = arith.addf %mul3A_4717, %mul3A_4719 : f32
      %mul3A_4721 = arith.constant 8.000000e-01 : f32
      %mul3A_4722 = arith.mulf %mul3A_4721, %reduce_sum3A_697 : f32
      %mul3A_4723 = arith.constant 2.000000e-01 : f32
      %mul3A_4724 = arith.mulf %mul3A_4723, %select_n3A_4712 : f32
      %add3A_4725 = arith.addf %mul3A_4722, %mul3A_4724 : f32
      %mul3A_4726 = arith.constant 8.000000e-01 : f32
      %mul3A_4727 = arith.mulf %mul3A_4726, %reduce_sum3A_705 : f32
      %mul3A_4728 = arith.constant 2.000000e-01 : f32
      %mul3A_4729 = arith.mulf %mul3A_4728, %select_n3A_4715 : f32
      %add3A_4730 = arith.addf %mul3A_4727, %mul3A_4729 : f32
      %mul3A_4731 = arith.mulf %slice3A, %slice3A : vector<1x128xf32>
      %mul3A_4732 = arith.mulf %slice3A_254, %slice3A_254 : vector<1x128xf32>
      %add3A_4733 = arith.addf %mul3A_4731, %mul3A_4732 : vector<1x128xf32>
      %mul3A_4734 = arith.mulf %slice3A_255, %slice3A_255 : vector<1x128xf32>
      %add3A_4735 = arith.addf %add3A_4733, %mul3A_4734 : vector<1x128xf32>
      %mul3A_4736 = arith.mulf %add3A_1948, %add3A_1948 : f32
      %mul3A_4737 = arith.mulf %add3A_1953, %add3A_1953 : f32
      %add3A_4738 = arith.addf %mul3A_4736, %mul3A_4737 : f32
      %mul3A_4739 = arith.mulf %add3A_1958, %add3A_1958 : f32
      %add3A_4740 = arith.addf %add3A_4738, %mul3A_4739 : f32
      %convert_element_type3A_4741 = arith.truncf %slice3A : vector<1x128xf32> to vector<1x128xbf16>
      %convert_element_type3A_4742 = arith.extf %convert_element_type3A_4741 : vector<1x128xbf16> to vector<1x128xf32>
      %convert_element_type3A_4743 = arith.truncf %add3A_1948 : f32 to bf16
      %convert_element_type3A_4744 = arith.extf %convert_element_type3A_4743 : bf16 to f32
      %mul3A_4745 = vector.broadcast %convert_element_type3A_4744 : f32 to vector<1x128xf32>
      %mul3A_4746 = arith.mulf %convert_element_type3A_4742, %mul3A_4745 : vector<1x128xf32>
      %convert_element_type3A_4747 = arith.truncf %slice3A_254 : vector<1x128xf32> to vector<1x128xbf16>
      %convert_element_type3A_4748 = arith.extf %convert_element_type3A_4747 : vector<1x128xbf16> to vector<1x128xf32>
      %convert_element_type3A_4749 = arith.truncf %add3A_1953 : f32 to bf16
      %convert_element_type3A_4750 = arith.extf %convert_element_type3A_4749 : bf16 to f32
      %mul3A_4751 = vector.broadcast %convert_element_type3A_4750 : f32 to vector<1x128xf32>
      %mul3A_4752 = arith.mulf %convert_element_type3A_4748, %mul3A_4751 : vector<1x128xf32>
      %add3A_4753 = arith.addf %mul3A_4746, %mul3A_4752 : vector<1x128xf32>
      %convert_element_type3A_4754 = arith.truncf %slice3A_255 : vector<1x128xf32> to vector<1x128xbf16>
      %convert_element_type3A_4755 = arith.extf %convert_element_type3A_4754 : vector<1x128xbf16> to vector<1x128xf32>
      %convert_element_type3A_4756 = arith.truncf %add3A_1958 : f32 to bf16
      %convert_element_type3A_4757 = arith.extf %convert_element_type3A_4756 : bf16 to f32
      %mul3A_4758 = vector.broadcast %convert_element_type3A_4757 : f32 to vector<1x128xf32>
      %mul3A_4759 = arith.mulf %convert_element_type3A_4755, %mul3A_4758 : vector<1x128xf32>
      %add3A_4760 = arith.addf %add3A_4753, %mul3A_4759 : vector<1x128xf32>
      %add3A_4761 = vector.broadcast %add3A_4740 : f32 to vector<1x128xf32>
      %add3A_4762 = arith.addf %add3A_4735, %add3A_4761 : vector<1x128xf32>
      %mul3A_4763 = arith.constant 2.000000e+00 : f32
      %mul3A_4764 = vector.broadcast %mul3A_4763 : f32 to vector<1x128xf32>
      %mul3A_4765 = arith.mulf %mul3A_4764, %add3A_4760 : vector<1x128xf32>
      %sub3A_4766 = arith.subf %add3A_4762, %mul3A_4765 : vector<1x128xf32>
      %max3A_4767 = arith.constant 9.99999996E-13 : f32
      %max3A_4768 = vector.broadcast %max3A_4767 : f32 to vector<1x128xf32>
      %max3A_4769 = arith.maximumf %sub3A_4766, %max3A_4768 : vector<1x128xf32>
      %sqrt3A_4770 = math.sqrt %max3A_4769 : vector<1x128xf32>
      %mul3A_4771 = arith.mulf %slice3A, %slice3A : vector<1x128xf32>
      %mul3A_4772 = arith.mulf %slice3A_254, %slice3A_254 : vector<1x128xf32>
      %add3A_4773 = arith.addf %mul3A_4771, %mul3A_4772 : vector<1x128xf32>
      %mul3A_4774 = arith.mulf %slice3A_255, %slice3A_255 : vector<1x128xf32>
      %add3A_4775 = arith.addf %add3A_4773, %mul3A_4774 : vector<1x128xf32>
      %mul3A_4776 = arith.mulf %add3A_2344, %add3A_2344 : f32
      %mul3A_4777 = arith.mulf %add3A_2349, %add3A_2349 : f32
      %add3A_4778 = arith.addf %mul3A_4776, %mul3A_4777 : f32
      %mul3A_4779 = arith.mulf %add3A_2354, %add3A_2354 : f32
      %add3A_4780 = arith.addf %add3A_4778, %mul3A_4779 : f32
      %convert_element_type3A_4781 = arith.truncf %slice3A : vector<1x128xf32> to vector<1x128xbf16>
      %convert_element_type3A_4782 = arith.extf %convert_element_type3A_4781 : vector<1x128xbf16> to vector<1x128xf32>
      %convert_element_type3A_4783 = arith.truncf %add3A_2344 : f32 to bf16
      %convert_element_type3A_4784 = arith.extf %convert_element_type3A_4783 : bf16 to f32
      %mul3A_4785 = vector.broadcast %convert_element_type3A_4784 : f32 to vector<1x128xf32>
      %mul3A_4786 = arith.mulf %convert_element_type3A_4782, %mul3A_4785 : vector<1x128xf32>
      %convert_element_type3A_4787 = arith.truncf %slice3A_254 : vector<1x128xf32> to vector<1x128xbf16>
      %convert_element_type3A_4788 = arith.extf %convert_element_type3A_4787 : vector<1x128xbf16> to vector<1x128xf32>
      %convert_element_type3A_4789 = arith.truncf %add3A_2349 : f32 to bf16
      %convert_element_type3A_4790 = arith.extf %convert_element_type3A_4789 : bf16 to f32
      %mul3A_4791 = vector.broadcast %convert_element_type3A_4790 : f32 to vector<1x128xf32>
      %mul3A_4792 = arith.mulf %convert_element_type3A_4788, %mul3A_4791 : vector<1x128xf32>
      %add3A_4793 = arith.addf %mul3A_4786, %mul3A_4792 : vector<1x128xf32>
      %convert_element_type3A_4794 = arith.truncf %slice3A_255 : vector<1x128xf32> to vector<1x128xbf16>
      %convert_element_type3A_4795 = arith.extf %convert_element_type3A_4794 : vector<1x128xbf16> to vector<1x128xf32>
      %convert_element_type3A_4796 = arith.truncf %add3A_2354 : f32 to bf16
      %convert_element_type3A_4797 = arith.extf %convert_element_type3A_4796 : bf16 to f32
      %mul3A_4798 = vector.broadcast %convert_element_type3A_4797 : f32 to vector<1x128xf32>
      %mul3A_4799 = arith.mulf %convert_element_type3A_4795, %mul3A_4798 : vector<1x128xf32>
      %add3A_4800 = arith.addf %add3A_4793, %mul3A_4799 : vector<1x128xf32>
      %add3A_4801 = vector.broadcast %add3A_4780 : f32 to vector<1x128xf32>
      %add3A_4802 = arith.addf %add3A_4775, %add3A_4801 : vector<1x128xf32>
      %mul3A_4803 = arith.constant 2.000000e+00 : f32
      %mul3A_4804 = vector.broadcast %mul3A_4803 : f32 to vector<1x128xf32>
      %mul3A_4805 = arith.mulf %mul3A_4804, %add3A_4800 : vector<1x128xf32>
      %sub3A_4806 = arith.subf %add3A_4802, %mul3A_4805 : vector<1x128xf32>
      %max3A_4807 = arith.constant 9.99999996E-13 : f32
      %max3A_4808 = vector.broadcast %max3A_4807 : f32 to vector<1x128xf32>
      %max3A_4809 = arith.maximumf %sub3A_4806, %max3A_4808 : vector<1x128xf32>
      %sqrt3A_4810 = math.sqrt %max3A_4809 : vector<1x128xf32>
      %mul3A_4811 = arith.mulf %slice3A, %slice3A : vector<1x128xf32>
      %mul3A_4812 = arith.mulf %slice3A_254, %slice3A_254 : vector<1x128xf32>
      %add3A_4813 = arith.addf %mul3A_4811, %mul3A_4812 : vector<1x128xf32>
      %mul3A_4814 = arith.mulf %slice3A_255, %slice3A_255 : vector<1x128xf32>
      %add3A_4815 = arith.addf %add3A_4813, %mul3A_4814 : vector<1x128xf32>
      %mul3A_4816 = arith.mulf %add3A_2740, %add3A_2740 : f32
      %mul3A_4817 = arith.mulf %add3A_2745, %add3A_2745 : f32
      %add3A_4818 = arith.addf %mul3A_4816, %mul3A_4817 : f32
      %mul3A_4819 = arith.mulf %add3A_2750, %add3A_2750 : f32
      %add3A_4820 = arith.addf %add3A_4818, %mul3A_4819 : f32
      %convert_element_type3A_4821 = arith.truncf %slice3A : vector<1x128xf32> to vector<1x128xbf16>
      %convert_element_type3A_4822 = arith.extf %convert_element_type3A_4821 : vector<1x128xbf16> to vector<1x128xf32>
      %convert_element_type3A_4823 = arith.truncf %add3A_2740 : f32 to bf16
      %convert_element_type3A_4824 = arith.extf %convert_element_type3A_4823 : bf16 to f32
      %mul3A_4825 = vector.broadcast %convert_element_type3A_4824 : f32 to vector<1x128xf32>
      %mul3A_4826 = arith.mulf %convert_element_type3A_4822, %mul3A_4825 : vector<1x128xf32>
      %convert_element_type3A_4827 = arith.truncf %slice3A_254 : vector<1x128xf32> to vector<1x128xbf16>
      %convert_element_type3A_4828 = arith.extf %convert_element_type3A_4827 : vector<1x128xbf16> to vector<1x128xf32>
      %convert_element_type3A_4829 = arith.truncf %add3A_2745 : f32 to bf16
      %convert_element_type3A_4830 = arith.extf %convert_element_type3A_4829 : bf16 to f32
      %mul3A_4831 = vector.broadcast %convert_element_type3A_4830 : f32 to vector<1x128xf32>
      %mul3A_4832 = arith.mulf %convert_element_type3A_4828, %mul3A_4831 : vector<1x128xf32>
      %add3A_4833 = arith.addf %mul3A_4826, %mul3A_4832 : vector<1x128xf32>
      %convert_element_type3A_4834 = arith.truncf %slice3A_255 : vector<1x128xf32> to vector<1x128xbf16>
      %convert_element_type3A_4835 = arith.extf %convert_element_type3A_4834 : vector<1x128xbf16> to vector<1x128xf32>
      %convert_element_type3A_4836 = arith.truncf %add3A_2750 : f32 to bf16
      %convert_element_type3A_4837 = arith.extf %convert_element_type3A_4836 : bf16 to f32
      %mul3A_4838 = vector.broadcast %convert_element_type3A_4837 : f32 to vector<1x128xf32>
      %mul3A_4839 = arith.mulf %convert_element_type3A_4835, %mul3A_4838 : vector<1x128xf32>
      %add3A_4840 = arith.addf %add3A_4833, %mul3A_4839 : vector<1x128xf32>
      %add3A_4841 = vector.broadcast %add3A_4820 : f32 to vector<1x128xf32>
      %add3A_4842 = arith.addf %add3A_4815, %add3A_4841 : vector<1x128xf32>
      %mul3A_4843 = arith.constant 2.000000e+00 : f32
      %mul3A_4844 = vector.broadcast %mul3A_4843 : f32 to vector<1x128xf32>
      %mul3A_4845 = arith.mulf %mul3A_4844, %add3A_4840 : vector<1x128xf32>
      %sub3A_4846 = arith.subf %add3A_4842, %mul3A_4845 : vector<1x128xf32>
      %max3A_4847 = arith.constant 9.99999996E-13 : f32
      %max3A_4848 = vector.broadcast %max3A_4847 : f32 to vector<1x128xf32>
      %max3A_4849 = arith.maximumf %sub3A_4846, %max3A_4848 : vector<1x128xf32>
      %sqrt3A_4850 = math.sqrt %max3A_4849 : vector<1x128xf32>
      %mul3A_4851 = arith.mulf %slice3A, %slice3A : vector<1x128xf32>
      %mul3A_4852 = arith.mulf %slice3A_254, %slice3A_254 : vector<1x128xf32>
      %add3A_4853 = arith.addf %mul3A_4851, %mul3A_4852 : vector<1x128xf32>
      %mul3A_4854 = arith.mulf %slice3A_255, %slice3A_255 : vector<1x128xf32>
      %add3A_4855 = arith.addf %add3A_4853, %mul3A_4854 : vector<1x128xf32>
      %mul3A_4856 = arith.mulf %add3A_3136, %add3A_3136 : f32
      %mul3A_4857 = arith.mulf %add3A_3141, %add3A_3141 : f32
      %add3A_4858 = arith.addf %mul3A_4856, %mul3A_4857 : f32
      %mul3A_4859 = arith.mulf %add3A_3146, %add3A_3146 : f32
      %add3A_4860 = arith.addf %add3A_4858, %mul3A_4859 : f32
      %convert_element_type3A_4861 = arith.truncf %slice3A : vector<1x128xf32> to vector<1x128xbf16>
      %convert_element_type3A_4862 = arith.extf %convert_element_type3A_4861 : vector<1x128xbf16> to vector<1x128xf32>
      %convert_element_type3A_4863 = arith.truncf %add3A_3136 : f32 to bf16
      %convert_element_type3A_4864 = arith.extf %convert_element_type3A_4863 : bf16 to f32
      %mul3A_4865 = vector.broadcast %convert_element_type3A_4864 : f32 to vector<1x128xf32>
      %mul3A_4866 = arith.mulf %convert_element_type3A_4862, %mul3A_4865 : vector<1x128xf32>
      %convert_element_type3A_4867 = arith.truncf %slice3A_254 : vector<1x128xf32> to vector<1x128xbf16>
      %convert_element_type3A_4868 = arith.extf %convert_element_type3A_4867 : vector<1x128xbf16> to vector<1x128xf32>
      %convert_element_type3A_4869 = arith.truncf %add3A_3141 : f32 to bf16
      %convert_element_type3A_4870 = arith.extf %convert_element_type3A_4869 : bf16 to f32
      %mul3A_4871 = vector.broadcast %convert_element_type3A_4870 : f32 to vector<1x128xf32>
      %mul3A_4872 = arith.mulf %convert_element_type3A_4868, %mul3A_4871 : vector<1x128xf32>
      %add3A_4873 = arith.addf %mul3A_4866, %mul3A_4872 : vector<1x128xf32>
      %convert_element_type3A_4874 = arith.truncf %slice3A_255 : vector<1x128xf32> to vector<1x128xbf16>
      %convert_element_type3A_4875 = arith.extf %convert_element_type3A_4874 : vector<1x128xbf16> to vector<1x128xf32>
      %convert_element_type3A_4876 = arith.truncf %add3A_3146 : f32 to bf16
      %convert_element_type3A_4877 = arith.extf %convert_element_type3A_4876 : bf16 to f32
      %mul3A_4878 = vector.broadcast %convert_element_type3A_4877 : f32 to vector<1x128xf32>
      %mul3A_4879 = arith.mulf %convert_element_type3A_4875, %mul3A_4878 : vector<1x128xf32>
      %add3A_4880 = arith.addf %add3A_4873, %mul3A_4879 : vector<1x128xf32>
      %add3A_4881 = vector.broadcast %add3A_4860 : f32 to vector<1x128xf32>
      %add3A_4882 = arith.addf %add3A_4855, %add3A_4881 : vector<1x128xf32>
      %mul3A_4883 = arith.constant 2.000000e+00 : f32
      %mul3A_4884 = vector.broadcast %mul3A_4883 : f32 to vector<1x128xf32>
      %mul3A_4885 = arith.mulf %mul3A_4884, %add3A_4880 : vector<1x128xf32>
      %sub3A_4886 = arith.subf %add3A_4882, %mul3A_4885 : vector<1x128xf32>
      %max3A_4887 = arith.constant 9.99999996E-13 : f32
      %max3A_4888 = vector.broadcast %max3A_4887 : f32 to vector<1x128xf32>
      %max3A_4889 = arith.maximumf %sub3A_4886, %max3A_4888 : vector<1x128xf32>
      %sqrt3A_4890 = math.sqrt %max3A_4889 : vector<1x128xf32>
      %mul3A_4891 = arith.mulf %slice3A, %slice3A : vector<1x128xf32>
      %mul3A_4892 = arith.mulf %slice3A_254, %slice3A_254 : vector<1x128xf32>
      %add3A_4893 = arith.addf %mul3A_4891, %mul3A_4892 : vector<1x128xf32>
      %mul3A_4894 = arith.mulf %slice3A_255, %slice3A_255 : vector<1x128xf32>
      %add3A_4895 = arith.addf %add3A_4893, %mul3A_4894 : vector<1x128xf32>
      %mul3A_4896 = arith.mulf %add3A_3532, %add3A_3532 : f32
      %mul3A_4897 = arith.mulf %add3A_3537, %add3A_3537 : f32
      %add3A_4898 = arith.addf %mul3A_4896, %mul3A_4897 : f32
      %mul3A_4899 = arith.mulf %add3A_3542, %add3A_3542 : f32
      %add3A_4900 = arith.addf %add3A_4898, %mul3A_4899 : f32
      %convert_element_type3A_4901 = arith.truncf %slice3A : vector<1x128xf32> to vector<1x128xbf16>
      %convert_element_type3A_4902 = arith.extf %convert_element_type3A_4901 : vector<1x128xbf16> to vector<1x128xf32>
      %convert_element_type3A_4903 = arith.truncf %add3A_3532 : f32 to bf16
      %convert_element_type3A_4904 = arith.extf %convert_element_type3A_4903 : bf16 to f32
      %mul3A_4905 = vector.broadcast %convert_element_type3A_4904 : f32 to vector<1x128xf32>
      %mul3A_4906 = arith.mulf %convert_element_type3A_4902, %mul3A_4905 : vector<1x128xf32>
      %convert_element_type3A_4907 = arith.truncf %slice3A_254 : vector<1x128xf32> to vector<1x128xbf16>
      %convert_element_type3A_4908 = arith.extf %convert_element_type3A_4907 : vector<1x128xbf16> to vector<1x128xf32>
      %convert_element_type3A_4909 = arith.truncf %add3A_3537 : f32 to bf16
      %convert_element_type3A_4910 = arith.extf %convert_element_type3A_4909 : bf16 to f32
      %mul3A_4911 = vector.broadcast %convert_element_type3A_4910 : f32 to vector<1x128xf32>
      %mul3A_4912 = arith.mulf %convert_element_type3A_4908, %mul3A_4911 : vector<1x128xf32>
      %add3A_4913 = arith.addf %mul3A_4906, %mul3A_4912 : vector<1x128xf32>
      %convert_element_type3A_4914 = arith.truncf %slice3A_255 : vector<1x128xf32> to vector<1x128xbf16>
      %convert_element_type3A_4915 = arith.extf %convert_element_type3A_4914 : vector<1x128xbf16> to vector<1x128xf32>
      %convert_element_type3A_4916 = arith.truncf %add3A_3542 : f32 to bf16
      %convert_element_type3A_4917 = arith.extf %convert_element_type3A_4916 : bf16 to f32
      %mul3A_4918 = vector.broadcast %convert_element_type3A_4917 : f32 to vector<1x128xf32>
      %mul3A_4919 = arith.mulf %convert_element_type3A_4915, %mul3A_4918 : vector<1x128xf32>
      %add3A_4920 = arith.addf %add3A_4913, %mul3A_4919 : vector<1x128xf32>
      %add3A_4921 = vector.broadcast %add3A_4900 : f32 to vector<1x128xf32>
      %add3A_4922 = arith.addf %add3A_4895, %add3A_4921 : vector<1x128xf32>
      %mul3A_4923 = arith.constant 2.000000e+00 : f32
      %mul3A_4924 = vector.broadcast %mul3A_4923 : f32 to vector<1x128xf32>
      %mul3A_4925 = arith.mulf %mul3A_4924, %add3A_4920 : vector<1x128xf32>
      %sub3A_4926 = arith.subf %add3A_4922, %mul3A_4925 : vector<1x128xf32>
      %max3A_4927 = arith.constant 9.99999996E-13 : f32
      %max3A_4928 = vector.broadcast %max3A_4927 : f32 to vector<1x128xf32>
      %max3A_4929 = arith.maximumf %sub3A_4926, %max3A_4928 : vector<1x128xf32>
      %sqrt3A_4930 = math.sqrt %max3A_4929 : vector<1x128xf32>
      %mul3A_4931 = arith.mulf %slice3A, %slice3A : vector<1x128xf32>
      %mul3A_4932 = arith.mulf %slice3A_254, %slice3A_254 : vector<1x128xf32>
      %add3A_4933 = arith.addf %mul3A_4931, %mul3A_4932 : vector<1x128xf32>
      %mul3A_4934 = arith.mulf %slice3A_255, %slice3A_255 : vector<1x128xf32>
      %add3A_4935 = arith.addf %add3A_4933, %mul3A_4934 : vector<1x128xf32>
      %mul3A_4936 = arith.mulf %add3A_3928, %add3A_3928 : f32
      %mul3A_4937 = arith.mulf %add3A_3933, %add3A_3933 : f32
      %add3A_4938 = arith.addf %mul3A_4936, %mul3A_4937 : f32
      %mul3A_4939 = arith.mulf %add3A_3938, %add3A_3938 : f32
      %add3A_4940 = arith.addf %add3A_4938, %mul3A_4939 : f32
      %convert_element_type3A_4941 = arith.truncf %slice3A : vector<1x128xf32> to vector<1x128xbf16>
      %convert_element_type3A_4942 = arith.extf %convert_element_type3A_4941 : vector<1x128xbf16> to vector<1x128xf32>
      %convert_element_type3A_4943 = arith.truncf %add3A_3928 : f32 to bf16
      %convert_element_type3A_4944 = arith.extf %convert_element_type3A_4943 : bf16 to f32
      %mul3A_4945 = vector.broadcast %convert_element_type3A_4944 : f32 to vector<1x128xf32>
      %mul3A_4946 = arith.mulf %convert_element_type3A_4942, %mul3A_4945 : vector<1x128xf32>
      %convert_element_type3A_4947 = arith.truncf %slice3A_254 : vector<1x128xf32> to vector<1x128xbf16>
      %convert_element_type3A_4948 = arith.extf %convert_element_type3A_4947 : vector<1x128xbf16> to vector<1x128xf32>
      %convert_element_type3A_4949 = arith.truncf %add3A_3933 : f32 to bf16
      %convert_element_type3A_4950 = arith.extf %convert_element_type3A_4949 : bf16 to f32
      %mul3A_4951 = vector.broadcast %convert_element_type3A_4950 : f32 to vector<1x128xf32>
      %mul3A_4952 = arith.mulf %convert_element_type3A_4948, %mul3A_4951 : vector<1x128xf32>
      %add3A_4953 = arith.addf %mul3A_4946, %mul3A_4952 : vector<1x128xf32>
      %convert_element_type3A_4954 = arith.truncf %slice3A_255 : vector<1x128xf32> to vector<1x128xbf16>
      %convert_element_type3A_4955 = arith.extf %convert_element_type3A_4954 : vector<1x128xbf16> to vector<1x128xf32>
      %convert_element_type3A_4956 = arith.truncf %add3A_3938 : f32 to bf16
      %convert_element_type3A_4957 = arith.extf %convert_element_type3A_4956 : bf16 to f32
      %mul3A_4958 = vector.broadcast %convert_element_type3A_4957 : f32 to vector<1x128xf32>
      %mul3A_4959 = arith.mulf %convert_element_type3A_4955, %mul3A_4958 : vector<1x128xf32>
      %add3A_4960 = arith.addf %add3A_4953, %mul3A_4959 : vector<1x128xf32>
      %add3A_4961 = vector.broadcast %add3A_4940 : f32 to vector<1x128xf32>
      %add3A_4962 = arith.addf %add3A_4935, %add3A_4961 : vector<1x128xf32>
      %mul3A_4963 = arith.constant 2.000000e+00 : f32
      %mul3A_4964 = vector.broadcast %mul3A_4963 : f32 to vector<1x128xf32>
      %mul3A_4965 = arith.mulf %mul3A_4964, %add3A_4960 : vector<1x128xf32>
      %sub3A_4966 = arith.subf %add3A_4962, %mul3A_4965 : vector<1x128xf32>
      %max3A_4967 = arith.constant 9.99999996E-13 : f32
      %max3A_4968 = vector.broadcast %max3A_4967 : f32 to vector<1x128xf32>
      %max3A_4969 = arith.maximumf %sub3A_4966, %max3A_4968 : vector<1x128xf32>
      %sqrt3A_4970 = math.sqrt %max3A_4969 : vector<1x128xf32>
      %mul3A_4971 = arith.mulf %slice3A, %slice3A : vector<1x128xf32>
      %mul3A_4972 = arith.mulf %slice3A_254, %slice3A_254 : vector<1x128xf32>
      %add3A_4973 = arith.addf %mul3A_4971, %mul3A_4972 : vector<1x128xf32>
      %mul3A_4974 = arith.mulf %slice3A_255, %slice3A_255 : vector<1x128xf32>
      %add3A_4975 = arith.addf %add3A_4973, %mul3A_4974 : vector<1x128xf32>
      %mul3A_4976 = arith.mulf %add3A_4324, %add3A_4324 : f32
      %mul3A_4977 = arith.mulf %add3A_4329, %add3A_4329 : f32
      %add3A_4978 = arith.addf %mul3A_4976, %mul3A_4977 : f32
      %mul3A_4979 = arith.mulf %add3A_4334, %add3A_4334 : f32
      %add3A_4980 = arith.addf %add3A_4978, %mul3A_4979 : f32
      %convert_element_type3A_4981 = arith.truncf %slice3A : vector<1x128xf32> to vector<1x128xbf16>
      %convert_element_type3A_4982 = arith.extf %convert_element_type3A_4981 : vector<1x128xbf16> to vector<1x128xf32>
      %convert_element_type3A_4983 = arith.truncf %add3A_4324 : f32 to bf16
      %convert_element_type3A_4984 = arith.extf %convert_element_type3A_4983 : bf16 to f32
      %mul3A_4985 = vector.broadcast %convert_element_type3A_4984 : f32 to vector<1x128xf32>
      %mul3A_4986 = arith.mulf %convert_element_type3A_4982, %mul3A_4985 : vector<1x128xf32>
      %convert_element_type3A_4987 = arith.truncf %slice3A_254 : vector<1x128xf32> to vector<1x128xbf16>
      %convert_element_type3A_4988 = arith.extf %convert_element_type3A_4987 : vector<1x128xbf16> to vector<1x128xf32>
      %convert_element_type3A_4989 = arith.truncf %add3A_4329 : f32 to bf16
      %convert_element_type3A_4990 = arith.extf %convert_element_type3A_4989 : bf16 to f32
      %mul3A_4991 = vector.broadcast %convert_element_type3A_4990 : f32 to vector<1x128xf32>
      %mul3A_4992 = arith.mulf %convert_element_type3A_4988, %mul3A_4991 : vector<1x128xf32>
      %add3A_4993 = arith.addf %mul3A_4986, %mul3A_4992 : vector<1x128xf32>
      %convert_element_type3A_4994 = arith.truncf %slice3A_255 : vector<1x128xf32> to vector<1x128xbf16>
      %convert_element_type3A_4995 = arith.extf %convert_element_type3A_4994 : vector<1x128xbf16> to vector<1x128xf32>
      %convert_element_type3A_4996 = arith.truncf %add3A_4334 : f32 to bf16
      %convert_element_type3A_4997 = arith.extf %convert_element_type3A_4996 : bf16 to f32
      %mul3A_4998 = vector.broadcast %convert_element_type3A_4997 : f32 to vector<1x128xf32>
      %mul3A_4999 = arith.mulf %convert_element_type3A_4995, %mul3A_4998 : vector<1x128xf32>
      %add3A_5000 = arith.addf %add3A_4993, %mul3A_4999 : vector<1x128xf32>
      %add3A_5001 = vector.broadcast %add3A_4980 : f32 to vector<1x128xf32>
      %add3A_5002 = arith.addf %add3A_4975, %add3A_5001 : vector<1x128xf32>
      %mul3A_5003 = arith.constant 2.000000e+00 : f32
      %mul3A_5004 = vector.broadcast %mul3A_5003 : f32 to vector<1x128xf32>
      %mul3A_5005 = arith.mulf %mul3A_5004, %add3A_5000 : vector<1x128xf32>
      %sub3A_5006 = arith.subf %add3A_5002, %mul3A_5005 : vector<1x128xf32>
      %max3A_5007 = arith.constant 9.99999996E-13 : f32
      %max3A_5008 = vector.broadcast %max3A_5007 : f32 to vector<1x128xf32>
      %max3A_5009 = arith.maximumf %sub3A_5006, %max3A_5008 : vector<1x128xf32>
      %sqrt3A_5010 = math.sqrt %max3A_5009 : vector<1x128xf32>
      %mul3A_5011 = arith.mulf %slice3A, %slice3A : vector<1x128xf32>
      %mul3A_5012 = arith.mulf %slice3A_254, %slice3A_254 : vector<1x128xf32>
      %add3A_5013 = arith.addf %mul3A_5011, %mul3A_5012 : vector<1x128xf32>
      %mul3A_5014 = arith.mulf %slice3A_255, %slice3A_255 : vector<1x128xf32>
      %add3A_5015 = arith.addf %add3A_5013, %mul3A_5014 : vector<1x128xf32>
      %mul3A_5016 = arith.mulf %add3A_4720, %add3A_4720 : f32
      %mul3A_5017 = arith.mulf %add3A_4725, %add3A_4725 : f32
      %add3A_5018 = arith.addf %mul3A_5016, %mul3A_5017 : f32
      %mul3A_5019 = arith.mulf %add3A_4730, %add3A_4730 : f32
      %add3A_5020 = arith.addf %add3A_5018, %mul3A_5019 : f32
      %convert_element_type3A_5021 = arith.truncf %slice3A : vector<1x128xf32> to vector<1x128xbf16>
      %convert_element_type3A_5022 = arith.extf %convert_element_type3A_5021 : vector<1x128xbf16> to vector<1x128xf32>
      %convert_element_type3A_5023 = arith.truncf %add3A_4720 : f32 to bf16
      %convert_element_type3A_5024 = arith.extf %convert_element_type3A_5023 : bf16 to f32
      %mul3A_5025 = vector.broadcast %convert_element_type3A_5024 : f32 to vector<1x128xf32>
      %mul3A_5026 = arith.mulf %convert_element_type3A_5022, %mul3A_5025 : vector<1x128xf32>
      %convert_element_type3A_5027 = arith.truncf %slice3A_254 : vector<1x128xf32> to vector<1x128xbf16>
      %convert_element_type3A_5028 = arith.extf %convert_element_type3A_5027 : vector<1x128xbf16> to vector<1x128xf32>
      %convert_element_type3A_5029 = arith.truncf %add3A_4725 : f32 to bf16
      %convert_element_type3A_5030 = arith.extf %convert_element_type3A_5029 : bf16 to f32
      %mul3A_5031 = vector.broadcast %convert_element_type3A_5030 : f32 to vector<1x128xf32>
      %mul3A_5032 = arith.mulf %convert_element_type3A_5028, %mul3A_5031 : vector<1x128xf32>
      %add3A_5033 = arith.addf %mul3A_5026, %mul3A_5032 : vector<1x128xf32>
      %convert_element_type3A_5034 = arith.truncf %slice3A_255 : vector<1x128xf32> to vector<1x128xbf16>
      %convert_element_type3A_5035 = arith.extf %convert_element_type3A_5034 : vector<1x128xbf16> to vector<1x128xf32>
      %convert_element_type3A_5036 = arith.truncf %add3A_4730 : f32 to bf16
      %convert_element_type3A_5037 = arith.extf %convert_element_type3A_5036 : bf16 to f32
      %mul3A_5038 = vector.broadcast %convert_element_type3A_5037 : f32 to vector<1x128xf32>
      %mul3A_5039 = arith.mulf %convert_element_type3A_5035, %mul3A_5038 : vector<1x128xf32>
      %add3A_5040 = arith.addf %add3A_5033, %mul3A_5039 : vector<1x128xf32>
      %add3A_5041 = vector.broadcast %add3A_5020 : f32 to vector<1x128xf32>
      %add3A_5042 = arith.addf %add3A_5015, %add3A_5041 : vector<1x128xf32>
      %mul3A_5043 = arith.constant 2.000000e+00 : f32
      %mul3A_5044 = vector.broadcast %mul3A_5043 : f32 to vector<1x128xf32>
      %mul3A_5045 = arith.mulf %mul3A_5044, %add3A_5040 : vector<1x128xf32>
      %sub3A_5046 = arith.subf %add3A_5042, %mul3A_5045 : vector<1x128xf32>
      %max3A_5047 = arith.constant 9.99999996E-13 : f32
      %max3A_5048 = vector.broadcast %max3A_5047 : f32 to vector<1x128xf32>
      %max3A_5049 = arith.maximumf %sub3A_5046, %max3A_5048 : vector<1x128xf32>
      %sqrt3A_5050 = math.sqrt %max3A_5049 : vector<1x128xf32>
      %broadcast_in_dim3A_5051 = arith.constant 0 : i32
      %broadcast_in_dim3A_5052 = vector.broadcast %broadcast_in_dim3A_5051 : i32 to vector<1x128xi32>
      %lt3A_5053 = arith.cmpf olt, %sqrt3A_4810, %sqrt3A_4770 : vector<1x128xf32>
      %jit3A_5054 = arith.constant 1 : i32
      %jit3A_5055 = arith.constant 0 : i32
      %broadcast_in_dim3A_5056 = vector.broadcast %jit3A_5054 : i32 to vector<1x128xi32>
      %broadcast_in_dim3A_5057 = vector.broadcast %jit3A_5055 : i32 to vector<1x128xi32>
      %select_n3A_5058 = arith.select %lt3A_5053, %broadcast_in_dim3A_5056, %broadcast_in_dim3A_5057 : vector<1x128xi1>, vector<1x128xi32>
      %add3A_5059 = arith.addi %broadcast_in_dim3A_5052, %select_n3A_5058 : vector<1x128xi32>
      %lt3A_5060 = arith.cmpf olt, %sqrt3A_4850, %sqrt3A_4770 : vector<1x128xf32>
      %jit3A_5061 = arith.constant 1 : i32
      %jit3A_5062 = arith.constant 0 : i32
      %broadcast_in_dim3A_5063 = vector.broadcast %jit3A_5061 : i32 to vector<1x128xi32>
      %broadcast_in_dim3A_5064 = vector.broadcast %jit3A_5062 : i32 to vector<1x128xi32>
      %select_n3A_5065 = arith.select %lt3A_5060, %broadcast_in_dim3A_5063, %broadcast_in_dim3A_5064 : vector<1x128xi1>, vector<1x128xi32>
      %add3A_5066 = arith.addi %add3A_5059, %select_n3A_5065 : vector<1x128xi32>
      %lt3A_5067 = arith.cmpf olt, %sqrt3A_4890, %sqrt3A_4770 : vector<1x128xf32>
      %jit3A_5068 = arith.constant 1 : i32
      %jit3A_5069 = arith.constant 0 : i32
      %broadcast_in_dim3A_5070 = vector.broadcast %jit3A_5068 : i32 to vector<1x128xi32>
      %broadcast_in_dim3A_5071 = vector.broadcast %jit3A_5069 : i32 to vector<1x128xi32>
      %select_n3A_5072 = arith.select %lt3A_5067, %broadcast_in_dim3A_5070, %broadcast_in_dim3A_5071 : vector<1x128xi1>, vector<1x128xi32>
      %add3A_5073 = arith.addi %add3A_5066, %select_n3A_5072 : vector<1x128xi32>
      %lt3A_5074 = arith.cmpf olt, %sqrt3A_4930, %sqrt3A_4770 : vector<1x128xf32>
      %jit3A_5075 = arith.constant 1 : i32
      %jit3A_5076 = arith.constant 0 : i32
      %broadcast_in_dim3A_5077 = vector.broadcast %jit3A_5075 : i32 to vector<1x128xi32>
      %broadcast_in_dim3A_5078 = vector.broadcast %jit3A_5076 : i32 to vector<1x128xi32>
      %select_n3A_5079 = arith.select %lt3A_5074, %broadcast_in_dim3A_5077, %broadcast_in_dim3A_5078 : vector<1x128xi1>, vector<1x128xi32>
      %add3A_5080 = arith.addi %add3A_5073, %select_n3A_5079 : vector<1x128xi32>
      %lt3A_5081 = arith.cmpf olt, %sqrt3A_4970, %sqrt3A_4770 : vector<1x128xf32>
      %jit3A_5082 = arith.constant 1 : i32
      %jit3A_5083 = arith.constant 0 : i32
      %broadcast_in_dim3A_5084 = vector.broadcast %jit3A_5082 : i32 to vector<1x128xi32>
      %broadcast_in_dim3A_5085 = vector.broadcast %jit3A_5083 : i32 to vector<1x128xi32>
      %select_n3A_5086 = arith.select %lt3A_5081, %broadcast_in_dim3A_5084, %broadcast_in_dim3A_5085 : vector<1x128xi1>, vector<1x128xi32>
      %add3A_5087 = arith.addi %add3A_5080, %select_n3A_5086 : vector<1x128xi32>
      %lt3A_5088 = arith.cmpf olt, %sqrt3A_5010, %sqrt3A_4770 : vector<1x128xf32>
      %jit3A_5089 = arith.constant 1 : i32
      %jit3A_5090 = arith.constant 0 : i32
      %broadcast_in_dim3A_5091 = vector.broadcast %jit3A_5089 : i32 to vector<1x128xi32>
      %broadcast_in_dim3A_5092 = vector.broadcast %jit3A_5090 : i32 to vector<1x128xi32>
      %select_n3A_5093 = arith.select %lt3A_5088, %broadcast_in_dim3A_5091, %broadcast_in_dim3A_5092 : vector<1x128xi1>, vector<1x128xi32>
      %add3A_5094 = arith.addi %add3A_5087, %select_n3A_5093 : vector<1x128xi32>
      %lt3A_5095 = arith.cmpf olt, %sqrt3A_5050, %sqrt3A_4770 : vector<1x128xf32>
      %jit3A_5096 = arith.constant 1 : i32
      %jit3A_5097 = arith.constant 0 : i32
      %broadcast_in_dim3A_5098 = vector.broadcast %jit3A_5096 : i32 to vector<1x128xi32>
      %broadcast_in_dim3A_5099 = vector.broadcast %jit3A_5097 : i32 to vector<1x128xi32>
      %select_n3A_5100 = arith.select %lt3A_5095, %broadcast_in_dim3A_5098, %broadcast_in_dim3A_5099 : vector<1x128xi1>, vector<1x128xi32>
      %add3A_5101 = arith.addi %add3A_5094, %select_n3A_5100 : vector<1x128xi32>
      %broadcast_in_dim3A_5102 = arith.constant 0 : i32
      %broadcast_in_dim3A_5103 = vector.broadcast %broadcast_in_dim3A_5102 : i32 to vector<1x128xi32>
      %lt3A_5104 = arith.cmpf olt, %sqrt3A_4770, %sqrt3A_4810 : vector<1x128xf32>
      %eq3A_5105 = arith.cmpf oeq, %sqrt3A_4770, %sqrt3A_4810 : vector<1x128xf32>
      %or3A = arith.ori %lt3A_5104, %eq3A_5105 : vector<1x128xi1>
      %jit3A_5106 = arith.constant 1 : i32
      %jit3A_5107 = arith.constant 0 : i32
      %broadcast_in_dim3A_5108 = vector.broadcast %jit3A_5106 : i32 to vector<1x128xi32>
      %broadcast_in_dim3A_5109 = vector.broadcast %jit3A_5107 : i32 to vector<1x128xi32>
      %select_n3A_5110 = arith.select %or3A, %broadcast_in_dim3A_5108, %broadcast_in_dim3A_5109 : vector<1x128xi1>, vector<1x128xi32>
      %add3A_5111 = arith.addi %broadcast_in_dim3A_5103, %select_n3A_5110 : vector<1x128xi32>
      %lt3A_5112 = arith.cmpf olt, %sqrt3A_4850, %sqrt3A_4810 : vector<1x128xf32>
      %jit3A_5113 = arith.constant 1 : i32
      %jit3A_5114 = arith.constant 0 : i32
      %broadcast_in_dim3A_5115 = vector.broadcast %jit3A_5113 : i32 to vector<1x128xi32>
      %broadcast_in_dim3A_5116 = vector.broadcast %jit3A_5114 : i32 to vector<1x128xi32>
      %select_n3A_5117 = arith.select %lt3A_5112, %broadcast_in_dim3A_5115, %broadcast_in_dim3A_5116 : vector<1x128xi1>, vector<1x128xi32>
      %add3A_5118 = arith.addi %add3A_5111, %select_n3A_5117 : vector<1x128xi32>
      %lt3A_5119 = arith.cmpf olt, %sqrt3A_4890, %sqrt3A_4810 : vector<1x128xf32>
      %jit3A_5120 = arith.constant 1 : i32
      %jit3A_5121 = arith.constant 0 : i32
      %broadcast_in_dim3A_5122 = vector.broadcast %jit3A_5120 : i32 to vector<1x128xi32>
      %broadcast_in_dim3A_5123 = vector.broadcast %jit3A_5121 : i32 to vector<1x128xi32>
      %select_n3A_5124 = arith.select %lt3A_5119, %broadcast_in_dim3A_5122, %broadcast_in_dim3A_5123 : vector<1x128xi1>, vector<1x128xi32>
      %add3A_5125 = arith.addi %add3A_5118, %select_n3A_5124 : vector<1x128xi32>
      %lt3A_5126 = arith.cmpf olt, %sqrt3A_4930, %sqrt3A_4810 : vector<1x128xf32>
      %jit3A_5127 = arith.constant 1 : i32
      %jit3A_5128 = arith.constant 0 : i32
      %broadcast_in_dim3A_5129 = vector.broadcast %jit3A_5127 : i32 to vector<1x128xi32>
      %broadcast_in_dim3A_5130 = vector.broadcast %jit3A_5128 : i32 to vector<1x128xi32>
      %select_n3A_5131 = arith.select %lt3A_5126, %broadcast_in_dim3A_5129, %broadcast_in_dim3A_5130 : vector<1x128xi1>, vector<1x128xi32>
      %add3A_5132 = arith.addi %add3A_5125, %select_n3A_5131 : vector<1x128xi32>
      %lt3A_5133 = arith.cmpf olt, %sqrt3A_4970, %sqrt3A_4810 : vector<1x128xf32>
      %jit3A_5134 = arith.constant 1 : i32
      %jit3A_5135 = arith.constant 0 : i32
      %broadcast_in_dim3A_5136 = vector.broadcast %jit3A_5134 : i32 to vector<1x128xi32>
      %broadcast_in_dim3A_5137 = vector.broadcast %jit3A_5135 : i32 to vector<1x128xi32>
      %select_n3A_5138 = arith.select %lt3A_5133, %broadcast_in_dim3A_5136, %broadcast_in_dim3A_5137 : vector<1x128xi1>, vector<1x128xi32>
      %add3A_5139 = arith.addi %add3A_5132, %select_n3A_5138 : vector<1x128xi32>
      %lt3A_5140 = arith.cmpf olt, %sqrt3A_5010, %sqrt3A_4810 : vector<1x128xf32>
      %jit3A_5141 = arith.constant 1 : i32
      %jit3A_5142 = arith.constant 0 : i32
      %broadcast_in_dim3A_5143 = vector.broadcast %jit3A_5141 : i32 to vector<1x128xi32>
      %broadcast_in_dim3A_5144 = vector.broadcast %jit3A_5142 : i32 to vector<1x128xi32>
      %select_n3A_5145 = arith.select %lt3A_5140, %broadcast_in_dim3A_5143, %broadcast_in_dim3A_5144 : vector<1x128xi1>, vector<1x128xi32>
      %add3A_5146 = arith.addi %add3A_5139, %select_n3A_5145 : vector<1x128xi32>
      %lt3A_5147 = arith.cmpf olt, %sqrt3A_5050, %sqrt3A_4810 : vector<1x128xf32>
      %jit3A_5148 = arith.constant 1 : i32
      %jit3A_5149 = arith.constant 0 : i32
      %broadcast_in_dim3A_5150 = vector.broadcast %jit3A_5148 : i32 to vector<1x128xi32>
      %broadcast_in_dim3A_5151 = vector.broadcast %jit3A_5149 : i32 to vector<1x128xi32>
      %select_n3A_5152 = arith.select %lt3A_5147, %broadcast_in_dim3A_5150, %broadcast_in_dim3A_5151 : vector<1x128xi1>, vector<1x128xi32>
      %add3A_5153 = arith.addi %add3A_5146, %select_n3A_5152 : vector<1x128xi32>
      %broadcast_in_dim3A_5154 = arith.constant 0 : i32
      %broadcast_in_dim3A_5155 = vector.broadcast %broadcast_in_dim3A_5154 : i32 to vector<1x128xi32>
      %lt3A_5156 = arith.cmpf olt, %sqrt3A_4770, %sqrt3A_4850 : vector<1x128xf32>
      %eq3A_5157 = arith.cmpf oeq, %sqrt3A_4770, %sqrt3A_4850 : vector<1x128xf32>
      %or3A_5158 = arith.ori %lt3A_5156, %eq3A_5157 : vector<1x128xi1>
      %jit3A_5159 = arith.constant 1 : i32
      %jit3A_5160 = arith.constant 0 : i32
      %broadcast_in_dim3A_5161 = vector.broadcast %jit3A_5159 : i32 to vector<1x128xi32>
      %broadcast_in_dim3A_5162 = vector.broadcast %jit3A_5160 : i32 to vector<1x128xi32>
      %select_n3A_5163 = arith.select %or3A_5158, %broadcast_in_dim3A_5161, %broadcast_in_dim3A_5162 : vector<1x128xi1>, vector<1x128xi32>
      %add3A_5164 = arith.addi %broadcast_in_dim3A_5155, %select_n3A_5163 : vector<1x128xi32>
      %lt3A_5165 = arith.cmpf olt, %sqrt3A_4810, %sqrt3A_4850 : vector<1x128xf32>
      %eq3A_5166 = arith.cmpf oeq, %sqrt3A_4810, %sqrt3A_4850 : vector<1x128xf32>
      %or3A_5167 = arith.ori %lt3A_5165, %eq3A_5166 : vector<1x128xi1>
      %jit3A_5168 = arith.constant 1 : i32
      %jit3A_5169 = arith.constant 0 : i32
      %broadcast_in_dim3A_5170 = vector.broadcast %jit3A_5168 : i32 to vector<1x128xi32>
      %broadcast_in_dim3A_5171 = vector.broadcast %jit3A_5169 : i32 to vector<1x128xi32>
      %select_n3A_5172 = arith.select %or3A_5167, %broadcast_in_dim3A_5170, %broadcast_in_dim3A_5171 : vector<1x128xi1>, vector<1x128xi32>
      %add3A_5173 = arith.addi %add3A_5164, %select_n3A_5172 : vector<1x128xi32>
      %lt3A_5174 = arith.cmpf olt, %sqrt3A_4890, %sqrt3A_4850 : vector<1x128xf32>
      %jit3A_5175 = arith.constant 1 : i32
      %jit3A_5176 = arith.constant 0 : i32
      %broadcast_in_dim3A_5177 = vector.broadcast %jit3A_5175 : i32 to vector<1x128xi32>
      %broadcast_in_dim3A_5178 = vector.broadcast %jit3A_5176 : i32 to vector<1x128xi32>
      %select_n3A_5179 = arith.select %lt3A_5174, %broadcast_in_dim3A_5177, %broadcast_in_dim3A_5178 : vector<1x128xi1>, vector<1x128xi32>
      %add3A_5180 = arith.addi %add3A_5173, %select_n3A_5179 : vector<1x128xi32>
      %lt3A_5181 = arith.cmpf olt, %sqrt3A_4930, %sqrt3A_4850 : vector<1x128xf32>
      %jit3A_5182 = arith.constant 1 : i32
      %jit3A_5183 = arith.constant 0 : i32
      %broadcast_in_dim3A_5184 = vector.broadcast %jit3A_5182 : i32 to vector<1x128xi32>
      %broadcast_in_dim3A_5185 = vector.broadcast %jit3A_5183 : i32 to vector<1x128xi32>
      %select_n3A_5186 = arith.select %lt3A_5181, %broadcast_in_dim3A_5184, %broadcast_in_dim3A_5185 : vector<1x128xi1>, vector<1x128xi32>
      %add3A_5187 = arith.addi %add3A_5180, %select_n3A_5186 : vector<1x128xi32>
      %lt3A_5188 = arith.cmpf olt, %sqrt3A_4970, %sqrt3A_4850 : vector<1x128xf32>
      %jit3A_5189 = arith.constant 1 : i32
      %jit3A_5190 = arith.constant 0 : i32
      %broadcast_in_dim3A_5191 = vector.broadcast %jit3A_5189 : i32 to vector<1x128xi32>
      %broadcast_in_dim3A_5192 = vector.broadcast %jit3A_5190 : i32 to vector<1x128xi32>
      %select_n3A_5193 = arith.select %lt3A_5188, %broadcast_in_dim3A_5191, %broadcast_in_dim3A_5192 : vector<1x128xi1>, vector<1x128xi32>
      %add3A_5194 = arith.addi %add3A_5187, %select_n3A_5193 : vector<1x128xi32>
      %lt3A_5195 = arith.cmpf olt, %sqrt3A_5010, %sqrt3A_4850 : vector<1x128xf32>
      %jit3A_5196 = arith.constant 1 : i32
      %jit3A_5197 = arith.constant 0 : i32
      %broadcast_in_dim3A_5198 = vector.broadcast %jit3A_5196 : i32 to vector<1x128xi32>
      %broadcast_in_dim3A_5199 = vector.broadcast %jit3A_5197 : i32 to vector<1x128xi32>
      %select_n3A_5200 = arith.select %lt3A_5195, %broadcast_in_dim3A_5198, %broadcast_in_dim3A_5199 : vector<1x128xi1>, vector<1x128xi32>
      %add3A_5201 = arith.addi %add3A_5194, %select_n3A_5200 : vector<1x128xi32>
      %lt3A_5202 = arith.cmpf olt, %sqrt3A_5050, %sqrt3A_4850 : vector<1x128xf32>
      %jit3A_5203 = arith.constant 1 : i32
      %jit3A_5204 = arith.constant 0 : i32
      %broadcast_in_dim3A_5205 = vector.broadcast %jit3A_5203 : i32 to vector<1x128xi32>
      %broadcast_in_dim3A_5206 = vector.broadcast %jit3A_5204 : i32 to vector<1x128xi32>
      %select_n3A_5207 = arith.select %lt3A_5202, %broadcast_in_dim3A_5205, %broadcast_in_dim3A_5206 : vector<1x128xi1>, vector<1x128xi32>
      %add3A_5208 = arith.addi %add3A_5201, %select_n3A_5207 : vector<1x128xi32>
      %broadcast_in_dim3A_5209 = arith.constant 0 : i32
      %broadcast_in_dim3A_5210 = vector.broadcast %broadcast_in_dim3A_5209 : i32 to vector<1x128xi32>
      %lt3A_5211 = arith.cmpf olt, %sqrt3A_4770, %sqrt3A_4890 : vector<1x128xf32>
      %eq3A_5212 = arith.cmpf oeq, %sqrt3A_4770, %sqrt3A_4890 : vector<1x128xf32>
      %or3A_5213 = arith.ori %lt3A_5211, %eq3A_5212 : vector<1x128xi1>
      %jit3A_5214 = arith.constant 1 : i32
      %jit3A_5215 = arith.constant 0 : i32
      %broadcast_in_dim3A_5216 = vector.broadcast %jit3A_5214 : i32 to vector<1x128xi32>
      %broadcast_in_dim3A_5217 = vector.broadcast %jit3A_5215 : i32 to vector<1x128xi32>
      %select_n3A_5218 = arith.select %or3A_5213, %broadcast_in_dim3A_5216, %broadcast_in_dim3A_5217 : vector<1x128xi1>, vector<1x128xi32>
      %add3A_5219 = arith.addi %broadcast_in_dim3A_5210, %select_n3A_5218 : vector<1x128xi32>
      %lt3A_5220 = arith.cmpf olt, %sqrt3A_4810, %sqrt3A_4890 : vector<1x128xf32>
      %eq3A_5221 = arith.cmpf oeq, %sqrt3A_4810, %sqrt3A_4890 : vector<1x128xf32>
      %or3A_5222 = arith.ori %lt3A_5220, %eq3A_5221 : vector<1x128xi1>
      %jit3A_5223 = arith.constant 1 : i32
      %jit3A_5224 = arith.constant 0 : i32
      %broadcast_in_dim3A_5225 = vector.broadcast %jit3A_5223 : i32 to vector<1x128xi32>
      %broadcast_in_dim3A_5226 = vector.broadcast %jit3A_5224 : i32 to vector<1x128xi32>
      %select_n3A_5227 = arith.select %or3A_5222, %broadcast_in_dim3A_5225, %broadcast_in_dim3A_5226 : vector<1x128xi1>, vector<1x128xi32>
      %add3A_5228 = arith.addi %add3A_5219, %select_n3A_5227 : vector<1x128xi32>
      %lt3A_5229 = arith.cmpf olt, %sqrt3A_4850, %sqrt3A_4890 : vector<1x128xf32>
      %eq3A_5230 = arith.cmpf oeq, %sqrt3A_4850, %sqrt3A_4890 : vector<1x128xf32>
      %or3A_5231 = arith.ori %lt3A_5229, %eq3A_5230 : vector<1x128xi1>
      %jit3A_5232 = arith.constant 1 : i32
      %jit3A_5233 = arith.constant 0 : i32
      %broadcast_in_dim3A_5234 = vector.broadcast %jit3A_5232 : i32 to vector<1x128xi32>
      %broadcast_in_dim3A_5235 = vector.broadcast %jit3A_5233 : i32 to vector<1x128xi32>
      %select_n3A_5236 = arith.select %or3A_5231, %broadcast_in_dim3A_5234, %broadcast_in_dim3A_5235 : vector<1x128xi1>, vector<1x128xi32>
      %add3A_5237 = arith.addi %add3A_5228, %select_n3A_5236 : vector<1x128xi32>
      %lt3A_5238 = arith.cmpf olt, %sqrt3A_4930, %sqrt3A_4890 : vector<1x128xf32>
      %jit3A_5239 = arith.constant 1 : i32
      %jit3A_5240 = arith.constant 0 : i32
      %broadcast_in_dim3A_5241 = vector.broadcast %jit3A_5239 : i32 to vector<1x128xi32>
      %broadcast_in_dim3A_5242 = vector.broadcast %jit3A_5240 : i32 to vector<1x128xi32>
      %select_n3A_5243 = arith.select %lt3A_5238, %broadcast_in_dim3A_5241, %broadcast_in_dim3A_5242 : vector<1x128xi1>, vector<1x128xi32>
      %add3A_5244 = arith.addi %add3A_5237, %select_n3A_5243 : vector<1x128xi32>
      %lt3A_5245 = arith.cmpf olt, %sqrt3A_4970, %sqrt3A_4890 : vector<1x128xf32>
      %jit3A_5246 = arith.constant 1 : i32
      %jit3A_5247 = arith.constant 0 : i32
      %broadcast_in_dim3A_5248 = vector.broadcast %jit3A_5246 : i32 to vector<1x128xi32>
      %broadcast_in_dim3A_5249 = vector.broadcast %jit3A_5247 : i32 to vector<1x128xi32>
      %select_n3A_5250 = arith.select %lt3A_5245, %broadcast_in_dim3A_5248, %broadcast_in_dim3A_5249 : vector<1x128xi1>, vector<1x128xi32>
      %add3A_5251 = arith.addi %add3A_5244, %select_n3A_5250 : vector<1x128xi32>
      %lt3A_5252 = arith.cmpf olt, %sqrt3A_5010, %sqrt3A_4890 : vector<1x128xf32>
      %jit3A_5253 = arith.constant 1 : i32
      %jit3A_5254 = arith.constant 0 : i32
      %broadcast_in_dim3A_5255 = vector.broadcast %jit3A_5253 : i32 to vector<1x128xi32>
      %broadcast_in_dim3A_5256 = vector.broadcast %jit3A_5254 : i32 to vector<1x128xi32>
      %select_n3A_5257 = arith.select %lt3A_5252, %broadcast_in_dim3A_5255, %broadcast_in_dim3A_5256 : vector<1x128xi1>, vector<1x128xi32>
      %add3A_5258 = arith.addi %add3A_5251, %select_n3A_5257 : vector<1x128xi32>
      %lt3A_5259 = arith.cmpf olt, %sqrt3A_5050, %sqrt3A_4890 : vector<1x128xf32>
      %jit3A_5260 = arith.constant 1 : i32
      %jit3A_5261 = arith.constant 0 : i32
      %broadcast_in_dim3A_5262 = vector.broadcast %jit3A_5260 : i32 to vector<1x128xi32>
      %broadcast_in_dim3A_5263 = vector.broadcast %jit3A_5261 : i32 to vector<1x128xi32>
      %select_n3A_5264 = arith.select %lt3A_5259, %broadcast_in_dim3A_5262, %broadcast_in_dim3A_5263 : vector<1x128xi1>, vector<1x128xi32>
      %add3A_5265 = arith.addi %add3A_5258, %select_n3A_5264 : vector<1x128xi32>
      %broadcast_in_dim3A_5266 = arith.constant 0 : i32
      %broadcast_in_dim3A_5267 = vector.broadcast %broadcast_in_dim3A_5266 : i32 to vector<1x128xi32>
      %lt3A_5268 = arith.cmpf olt, %sqrt3A_4770, %sqrt3A_4930 : vector<1x128xf32>
      %eq3A_5269 = arith.cmpf oeq, %sqrt3A_4770, %sqrt3A_4930 : vector<1x128xf32>
      %or3A_5270 = arith.ori %lt3A_5268, %eq3A_5269 : vector<1x128xi1>
      %jit3A_5271 = arith.constant 1 : i32
      %jit3A_5272 = arith.constant 0 : i32
      %broadcast_in_dim3A_5273 = vector.broadcast %jit3A_5271 : i32 to vector<1x128xi32>
      %broadcast_in_dim3A_5274 = vector.broadcast %jit3A_5272 : i32 to vector<1x128xi32>
      %select_n3A_5275 = arith.select %or3A_5270, %broadcast_in_dim3A_5273, %broadcast_in_dim3A_5274 : vector<1x128xi1>, vector<1x128xi32>
      %add3A_5276 = arith.addi %broadcast_in_dim3A_5267, %select_n3A_5275 : vector<1x128xi32>
      %lt3A_5277 = arith.cmpf olt, %sqrt3A_4810, %sqrt3A_4930 : vector<1x128xf32>
      %eq3A_5278 = arith.cmpf oeq, %sqrt3A_4810, %sqrt3A_4930 : vector<1x128xf32>
      %or3A_5279 = arith.ori %lt3A_5277, %eq3A_5278 : vector<1x128xi1>
      %jit3A_5280 = arith.constant 1 : i32
      %jit3A_5281 = arith.constant 0 : i32
      %broadcast_in_dim3A_5282 = vector.broadcast %jit3A_5280 : i32 to vector<1x128xi32>
      %broadcast_in_dim3A_5283 = vector.broadcast %jit3A_5281 : i32 to vector<1x128xi32>
      %select_n3A_5284 = arith.select %or3A_5279, %broadcast_in_dim3A_5282, %broadcast_in_dim3A_5283 : vector<1x128xi1>, vector<1x128xi32>
      %add3A_5285 = arith.addi %add3A_5276, %select_n3A_5284 : vector<1x128xi32>
      %lt3A_5286 = arith.cmpf olt, %sqrt3A_4850, %sqrt3A_4930 : vector<1x128xf32>
      %eq3A_5287 = arith.cmpf oeq, %sqrt3A_4850, %sqrt3A_4930 : vector<1x128xf32>
      %or3A_5288 = arith.ori %lt3A_5286, %eq3A_5287 : vector<1x128xi1>
      %jit3A_5289 = arith.constant 1 : i32
      %jit3A_5290 = arith.constant 0 : i32
      %broadcast_in_dim3A_5291 = vector.broadcast %jit3A_5289 : i32 to vector<1x128xi32>
      %broadcast_in_dim3A_5292 = vector.broadcast %jit3A_5290 : i32 to vector<1x128xi32>
      %select_n3A_5293 = arith.select %or3A_5288, %broadcast_in_dim3A_5291, %broadcast_in_dim3A_5292 : vector<1x128xi1>, vector<1x128xi32>
      %add3A_5294 = arith.addi %add3A_5285, %select_n3A_5293 : vector<1x128xi32>
      %lt3A_5295 = arith.cmpf olt, %sqrt3A_4890, %sqrt3A_4930 : vector<1x128xf32>
      %eq3A_5296 = arith.cmpf oeq, %sqrt3A_4890, %sqrt3A_4930 : vector<1x128xf32>
      %or3A_5297 = arith.ori %lt3A_5295, %eq3A_5296 : vector<1x128xi1>
      %jit3A_5298 = arith.constant 1 : i32
      %jit3A_5299 = arith.constant 0 : i32
      %broadcast_in_dim3A_5300 = vector.broadcast %jit3A_5298 : i32 to vector<1x128xi32>
      %broadcast_in_dim3A_5301 = vector.broadcast %jit3A_5299 : i32 to vector<1x128xi32>
      %select_n3A_5302 = arith.select %or3A_5297, %broadcast_in_dim3A_5300, %broadcast_in_dim3A_5301 : vector<1x128xi1>, vector<1x128xi32>
      %add3A_5303 = arith.addi %add3A_5294, %select_n3A_5302 : vector<1x128xi32>
      %lt3A_5304 = arith.cmpf olt, %sqrt3A_4970, %sqrt3A_4930 : vector<1x128xf32>
      %jit3A_5305 = arith.constant 1 : i32
      %jit3A_5306 = arith.constant 0 : i32
      %broadcast_in_dim3A_5307 = vector.broadcast %jit3A_5305 : i32 to vector<1x128xi32>
      %broadcast_in_dim3A_5308 = vector.broadcast %jit3A_5306 : i32 to vector<1x128xi32>
      %select_n3A_5309 = arith.select %lt3A_5304, %broadcast_in_dim3A_5307, %broadcast_in_dim3A_5308 : vector<1x128xi1>, vector<1x128xi32>
      %add3A_5310 = arith.addi %add3A_5303, %select_n3A_5309 : vector<1x128xi32>
      %lt3A_5311 = arith.cmpf olt, %sqrt3A_5010, %sqrt3A_4930 : vector<1x128xf32>
      %jit3A_5312 = arith.constant 1 : i32
      %jit3A_5313 = arith.constant 0 : i32
      %broadcast_in_dim3A_5314 = vector.broadcast %jit3A_5312 : i32 to vector<1x128xi32>
      %broadcast_in_dim3A_5315 = vector.broadcast %jit3A_5313 : i32 to vector<1x128xi32>
      %select_n3A_5316 = arith.select %lt3A_5311, %broadcast_in_dim3A_5314, %broadcast_in_dim3A_5315 : vector<1x128xi1>, vector<1x128xi32>
      %add3A_5317 = arith.addi %add3A_5310, %select_n3A_5316 : vector<1x128xi32>
      %lt3A_5318 = arith.cmpf olt, %sqrt3A_5050, %sqrt3A_4930 : vector<1x128xf32>
      %jit3A_5319 = arith.constant 1 : i32
      %jit3A_5320 = arith.constant 0 : i32
      %broadcast_in_dim3A_5321 = vector.broadcast %jit3A_5319 : i32 to vector<1x128xi32>
      %broadcast_in_dim3A_5322 = vector.broadcast %jit3A_5320 : i32 to vector<1x128xi32>
      %select_n3A_5323 = arith.select %lt3A_5318, %broadcast_in_dim3A_5321, %broadcast_in_dim3A_5322 : vector<1x128xi1>, vector<1x128xi32>
      %add3A_5324 = arith.addi %add3A_5317, %select_n3A_5323 : vector<1x128xi32>
      %broadcast_in_dim3A_5325 = arith.constant 0 : i32
      %broadcast_in_dim3A_5326 = vector.broadcast %broadcast_in_dim3A_5325 : i32 to vector<1x128xi32>
      %lt3A_5327 = arith.cmpf olt, %sqrt3A_4770, %sqrt3A_4970 : vector<1x128xf32>
      %eq3A_5328 = arith.cmpf oeq, %sqrt3A_4770, %sqrt3A_4970 : vector<1x128xf32>
      %or3A_5329 = arith.ori %lt3A_5327, %eq3A_5328 : vector<1x128xi1>
      %jit3A_5330 = arith.constant 1 : i32
      %jit3A_5331 = arith.constant 0 : i32
      %broadcast_in_dim3A_5332 = vector.broadcast %jit3A_5330 : i32 to vector<1x128xi32>
      %broadcast_in_dim3A_5333 = vector.broadcast %jit3A_5331 : i32 to vector<1x128xi32>
      %select_n3A_5334 = arith.select %or3A_5329, %broadcast_in_dim3A_5332, %broadcast_in_dim3A_5333 : vector<1x128xi1>, vector<1x128xi32>
      %add3A_5335 = arith.addi %broadcast_in_dim3A_5326, %select_n3A_5334 : vector<1x128xi32>
      %lt3A_5336 = arith.cmpf olt, %sqrt3A_4810, %sqrt3A_4970 : vector<1x128xf32>
      %eq3A_5337 = arith.cmpf oeq, %sqrt3A_4810, %sqrt3A_4970 : vector<1x128xf32>
      %or3A_5338 = arith.ori %lt3A_5336, %eq3A_5337 : vector<1x128xi1>
      %jit3A_5339 = arith.constant 1 : i32
      %jit3A_5340 = arith.constant 0 : i32
      %broadcast_in_dim3A_5341 = vector.broadcast %jit3A_5339 : i32 to vector<1x128xi32>
      %broadcast_in_dim3A_5342 = vector.broadcast %jit3A_5340 : i32 to vector<1x128xi32>
      %select_n3A_5343 = arith.select %or3A_5338, %broadcast_in_dim3A_5341, %broadcast_in_dim3A_5342 : vector<1x128xi1>, vector<1x128xi32>
      %add3A_5344 = arith.addi %add3A_5335, %select_n3A_5343 : vector<1x128xi32>
      %lt3A_5345 = arith.cmpf olt, %sqrt3A_4850, %sqrt3A_4970 : vector<1x128xf32>
      %eq3A_5346 = arith.cmpf oeq, %sqrt3A_4850, %sqrt3A_4970 : vector<1x128xf32>
      %or3A_5347 = arith.ori %lt3A_5345, %eq3A_5346 : vector<1x128xi1>
      %jit3A_5348 = arith.constant 1 : i32
      %jit3A_5349 = arith.constant 0 : i32
      %broadcast_in_dim3A_5350 = vector.broadcast %jit3A_5348 : i32 to vector<1x128xi32>
      %broadcast_in_dim3A_5351 = vector.broadcast %jit3A_5349 : i32 to vector<1x128xi32>
      %select_n3A_5352 = arith.select %or3A_5347, %broadcast_in_dim3A_5350, %broadcast_in_dim3A_5351 : vector<1x128xi1>, vector<1x128xi32>
      %add3A_5353 = arith.addi %add3A_5344, %select_n3A_5352 : vector<1x128xi32>
      %lt3A_5354 = arith.cmpf olt, %sqrt3A_4890, %sqrt3A_4970 : vector<1x128xf32>
      %eq3A_5355 = arith.cmpf oeq, %sqrt3A_4890, %sqrt3A_4970 : vector<1x128xf32>
      %or3A_5356 = arith.ori %lt3A_5354, %eq3A_5355 : vector<1x128xi1>
      %jit3A_5357 = arith.constant 1 : i32
      %jit3A_5358 = arith.constant 0 : i32
      %broadcast_in_dim3A_5359 = vector.broadcast %jit3A_5357 : i32 to vector<1x128xi32>
      %broadcast_in_dim3A_5360 = vector.broadcast %jit3A_5358 : i32 to vector<1x128xi32>
      %select_n3A_5361 = arith.select %or3A_5356, %broadcast_in_dim3A_5359, %broadcast_in_dim3A_5360 : vector<1x128xi1>, vector<1x128xi32>
      %add3A_5362 = arith.addi %add3A_5353, %select_n3A_5361 : vector<1x128xi32>
      %lt3A_5363 = arith.cmpf olt, %sqrt3A_4930, %sqrt3A_4970 : vector<1x128xf32>
      %eq3A_5364 = arith.cmpf oeq, %sqrt3A_4930, %sqrt3A_4970 : vector<1x128xf32>
      %or3A_5365 = arith.ori %lt3A_5363, %eq3A_5364 : vector<1x128xi1>
      %jit3A_5366 = arith.constant 1 : i32
      %jit3A_5367 = arith.constant 0 : i32
      %broadcast_in_dim3A_5368 = vector.broadcast %jit3A_5366 : i32 to vector<1x128xi32>
      %broadcast_in_dim3A_5369 = vector.broadcast %jit3A_5367 : i32 to vector<1x128xi32>
      %select_n3A_5370 = arith.select %or3A_5365, %broadcast_in_dim3A_5368, %broadcast_in_dim3A_5369 : vector<1x128xi1>, vector<1x128xi32>
      %add3A_5371 = arith.addi %add3A_5362, %select_n3A_5370 : vector<1x128xi32>
      %lt3A_5372 = arith.cmpf olt, %sqrt3A_5010, %sqrt3A_4970 : vector<1x128xf32>
      %jit3A_5373 = arith.constant 1 : i32
      %jit3A_5374 = arith.constant 0 : i32
      %broadcast_in_dim3A_5375 = vector.broadcast %jit3A_5373 : i32 to vector<1x128xi32>
      %broadcast_in_dim3A_5376 = vector.broadcast %jit3A_5374 : i32 to vector<1x128xi32>
      %select_n3A_5377 = arith.select %lt3A_5372, %broadcast_in_dim3A_5375, %broadcast_in_dim3A_5376 : vector<1x128xi1>, vector<1x128xi32>
      %add3A_5378 = arith.addi %add3A_5371, %select_n3A_5377 : vector<1x128xi32>
      %lt3A_5379 = arith.cmpf olt, %sqrt3A_5050, %sqrt3A_4970 : vector<1x128xf32>
      %jit3A_5380 = arith.constant 1 : i32
      %jit3A_5381 = arith.constant 0 : i32
      %broadcast_in_dim3A_5382 = vector.broadcast %jit3A_5380 : i32 to vector<1x128xi32>
      %broadcast_in_dim3A_5383 = vector.broadcast %jit3A_5381 : i32 to vector<1x128xi32>
      %select_n3A_5384 = arith.select %lt3A_5379, %broadcast_in_dim3A_5382, %broadcast_in_dim3A_5383 : vector<1x128xi1>, vector<1x128xi32>
      %add3A_5385 = arith.addi %add3A_5378, %select_n3A_5384 : vector<1x128xi32>
      %broadcast_in_dim3A_5386 = arith.constant 0 : i32
      %broadcast_in_dim3A_5387 = vector.broadcast %broadcast_in_dim3A_5386 : i32 to vector<1x128xi32>
      %lt3A_5388 = arith.cmpf olt, %sqrt3A_4770, %sqrt3A_5010 : vector<1x128xf32>
      %eq3A_5389 = arith.cmpf oeq, %sqrt3A_4770, %sqrt3A_5010 : vector<1x128xf32>
      %or3A_5390 = arith.ori %lt3A_5388, %eq3A_5389 : vector<1x128xi1>
      %jit3A_5391 = arith.constant 1 : i32
      %jit3A_5392 = arith.constant 0 : i32
      %broadcast_in_dim3A_5393 = vector.broadcast %jit3A_5391 : i32 to vector<1x128xi32>
      %broadcast_in_dim3A_5394 = vector.broadcast %jit3A_5392 : i32 to vector<1x128xi32>
      %select_n3A_5395 = arith.select %or3A_5390, %broadcast_in_dim3A_5393, %broadcast_in_dim3A_5394 : vector<1x128xi1>, vector<1x128xi32>
      %add3A_5396 = arith.addi %broadcast_in_dim3A_5387, %select_n3A_5395 : vector<1x128xi32>
      %lt3A_5397 = arith.cmpf olt, %sqrt3A_4810, %sqrt3A_5010 : vector<1x128xf32>
      %eq3A_5398 = arith.cmpf oeq, %sqrt3A_4810, %sqrt3A_5010 : vector<1x128xf32>
      %or3A_5399 = arith.ori %lt3A_5397, %eq3A_5398 : vector<1x128xi1>
      %jit3A_5400 = arith.constant 1 : i32
      %jit3A_5401 = arith.constant 0 : i32
      %broadcast_in_dim3A_5402 = vector.broadcast %jit3A_5400 : i32 to vector<1x128xi32>
      %broadcast_in_dim3A_5403 = vector.broadcast %jit3A_5401 : i32 to vector<1x128xi32>
      %select_n3A_5404 = arith.select %or3A_5399, %broadcast_in_dim3A_5402, %broadcast_in_dim3A_5403 : vector<1x128xi1>, vector<1x128xi32>
      %add3A_5405 = arith.addi %add3A_5396, %select_n3A_5404 : vector<1x128xi32>
      %lt3A_5406 = arith.cmpf olt, %sqrt3A_4850, %sqrt3A_5010 : vector<1x128xf32>
      %eq3A_5407 = arith.cmpf oeq, %sqrt3A_4850, %sqrt3A_5010 : vector<1x128xf32>
      %or3A_5408 = arith.ori %lt3A_5406, %eq3A_5407 : vector<1x128xi1>
      %jit3A_5409 = arith.constant 1 : i32
      %jit3A_5410 = arith.constant 0 : i32
      %broadcast_in_dim3A_5411 = vector.broadcast %jit3A_5409 : i32 to vector<1x128xi32>
      %broadcast_in_dim3A_5412 = vector.broadcast %jit3A_5410 : i32 to vector<1x128xi32>
      %select_n3A_5413 = arith.select %or3A_5408, %broadcast_in_dim3A_5411, %broadcast_in_dim3A_5412 : vector<1x128xi1>, vector<1x128xi32>
      %add3A_5414 = arith.addi %add3A_5405, %select_n3A_5413 : vector<1x128xi32>
      %lt3A_5415 = arith.cmpf olt, %sqrt3A_4890, %sqrt3A_5010 : vector<1x128xf32>
      %eq3A_5416 = arith.cmpf oeq, %sqrt3A_4890, %sqrt3A_5010 : vector<1x128xf32>
      %or3A_5417 = arith.ori %lt3A_5415, %eq3A_5416 : vector<1x128xi1>
      %jit3A_5418 = arith.constant 1 : i32
      %jit3A_5419 = arith.constant 0 : i32
      %broadcast_in_dim3A_5420 = vector.broadcast %jit3A_5418 : i32 to vector<1x128xi32>
      %broadcast_in_dim3A_5421 = vector.broadcast %jit3A_5419 : i32 to vector<1x128xi32>
      %select_n3A_5422 = arith.select %or3A_5417, %broadcast_in_dim3A_5420, %broadcast_in_dim3A_5421 : vector<1x128xi1>, vector<1x128xi32>
      %add3A_5423 = arith.addi %add3A_5414, %select_n3A_5422 : vector<1x128xi32>
      %lt3A_5424 = arith.cmpf olt, %sqrt3A_4930, %sqrt3A_5010 : vector<1x128xf32>
      %eq3A_5425 = arith.cmpf oeq, %sqrt3A_4930, %sqrt3A_5010 : vector<1x128xf32>
      %or3A_5426 = arith.ori %lt3A_5424, %eq3A_5425 : vector<1x128xi1>
      %jit3A_5427 = arith.constant 1 : i32
      %jit3A_5428 = arith.constant 0 : i32
      %broadcast_in_dim3A_5429 = vector.broadcast %jit3A_5427 : i32 to vector<1x128xi32>
      %broadcast_in_dim3A_5430 = vector.broadcast %jit3A_5428 : i32 to vector<1x128xi32>
      %select_n3A_5431 = arith.select %or3A_5426, %broadcast_in_dim3A_5429, %broadcast_in_dim3A_5430 : vector<1x128xi1>, vector<1x128xi32>
      %add3A_5432 = arith.addi %add3A_5423, %select_n3A_5431 : vector<1x128xi32>
      %lt3A_5433 = arith.cmpf olt, %sqrt3A_4970, %sqrt3A_5010 : vector<1x128xf32>
      %eq3A_5434 = arith.cmpf oeq, %sqrt3A_4970, %sqrt3A_5010 : vector<1x128xf32>
      %or3A_5435 = arith.ori %lt3A_5433, %eq3A_5434 : vector<1x128xi1>
      %jit3A_5436 = arith.constant 1 : i32
      %jit3A_5437 = arith.constant 0 : i32
      %broadcast_in_dim3A_5438 = vector.broadcast %jit3A_5436 : i32 to vector<1x128xi32>
      %broadcast_in_dim3A_5439 = vector.broadcast %jit3A_5437 : i32 to vector<1x128xi32>
      %select_n3A_5440 = arith.select %or3A_5435, %broadcast_in_dim3A_5438, %broadcast_in_dim3A_5439 : vector<1x128xi1>, vector<1x128xi32>
      %add3A_5441 = arith.addi %add3A_5432, %select_n3A_5440 : vector<1x128xi32>
      %lt3A_5442 = arith.cmpf olt, %sqrt3A_5050, %sqrt3A_5010 : vector<1x128xf32>
      %jit3A_5443 = arith.constant 1 : i32
      %jit3A_5444 = arith.constant 0 : i32
      %broadcast_in_dim3A_5445 = vector.broadcast %jit3A_5443 : i32 to vector<1x128xi32>
      %broadcast_in_dim3A_5446 = vector.broadcast %jit3A_5444 : i32 to vector<1x128xi32>
      %select_n3A_5447 = arith.select %lt3A_5442, %broadcast_in_dim3A_5445, %broadcast_in_dim3A_5446 : vector<1x128xi1>, vector<1x128xi32>
      %add3A_5448 = arith.addi %add3A_5441, %select_n3A_5447 : vector<1x128xi32>
      %broadcast_in_dim3A_5449 = arith.constant 0 : i32
      %broadcast_in_dim3A_5450 = vector.broadcast %broadcast_in_dim3A_5449 : i32 to vector<1x128xi32>
      %lt3A_5451 = arith.cmpf olt, %sqrt3A_4770, %sqrt3A_5050 : vector<1x128xf32>
      %eq3A_5452 = arith.cmpf oeq, %sqrt3A_4770, %sqrt3A_5050 : vector<1x128xf32>
      %or3A_5453 = arith.ori %lt3A_5451, %eq3A_5452 : vector<1x128xi1>
      %jit3A_5454 = arith.constant 1 : i32
      %jit3A_5455 = arith.constant 0 : i32
      %broadcast_in_dim3A_5456 = vector.broadcast %jit3A_5454 : i32 to vector<1x128xi32>
      %broadcast_in_dim3A_5457 = vector.broadcast %jit3A_5455 : i32 to vector<1x128xi32>
      %select_n3A_5458 = arith.select %or3A_5453, %broadcast_in_dim3A_5456, %broadcast_in_dim3A_5457 : vector<1x128xi1>, vector<1x128xi32>
      %add3A_5459 = arith.addi %broadcast_in_dim3A_5450, %select_n3A_5458 : vector<1x128xi32>
      %lt3A_5460 = arith.cmpf olt, %sqrt3A_4810, %sqrt3A_5050 : vector<1x128xf32>
      %eq3A_5461 = arith.cmpf oeq, %sqrt3A_4810, %sqrt3A_5050 : vector<1x128xf32>
      %or3A_5462 = arith.ori %lt3A_5460, %eq3A_5461 : vector<1x128xi1>
      %jit3A_5463 = arith.constant 1 : i32
      %jit3A_5464 = arith.constant 0 : i32
      %broadcast_in_dim3A_5465 = vector.broadcast %jit3A_5463 : i32 to vector<1x128xi32>
      %broadcast_in_dim3A_5466 = vector.broadcast %jit3A_5464 : i32 to vector<1x128xi32>
      %select_n3A_5467 = arith.select %or3A_5462, %broadcast_in_dim3A_5465, %broadcast_in_dim3A_5466 : vector<1x128xi1>, vector<1x128xi32>
      %add3A_5468 = arith.addi %add3A_5459, %select_n3A_5467 : vector<1x128xi32>
      %lt3A_5469 = arith.cmpf olt, %sqrt3A_4850, %sqrt3A_5050 : vector<1x128xf32>
      %eq3A_5470 = arith.cmpf oeq, %sqrt3A_4850, %sqrt3A_5050 : vector<1x128xf32>
      %or3A_5471 = arith.ori %lt3A_5469, %eq3A_5470 : vector<1x128xi1>
      %jit3A_5472 = arith.constant 1 : i32
      %jit3A_5473 = arith.constant 0 : i32
      %broadcast_in_dim3A_5474 = vector.broadcast %jit3A_5472 : i32 to vector<1x128xi32>
      %broadcast_in_dim3A_5475 = vector.broadcast %jit3A_5473 : i32 to vector<1x128xi32>
      %select_n3A_5476 = arith.select %or3A_5471, %broadcast_in_dim3A_5474, %broadcast_in_dim3A_5475 : vector<1x128xi1>, vector<1x128xi32>
      %add3A_5477 = arith.addi %add3A_5468, %select_n3A_5476 : vector<1x128xi32>
      %lt3A_5478 = arith.cmpf olt, %sqrt3A_4890, %sqrt3A_5050 : vector<1x128xf32>
      %eq3A_5479 = arith.cmpf oeq, %sqrt3A_4890, %sqrt3A_5050 : vector<1x128xf32>
      %or3A_5480 = arith.ori %lt3A_5478, %eq3A_5479 : vector<1x128xi1>
      %jit3A_5481 = arith.constant 1 : i32
      %jit3A_5482 = arith.constant 0 : i32
      %broadcast_in_dim3A_5483 = vector.broadcast %jit3A_5481 : i32 to vector<1x128xi32>
      %broadcast_in_dim3A_5484 = vector.broadcast %jit3A_5482 : i32 to vector<1x128xi32>
      %select_n3A_5485 = arith.select %or3A_5480, %broadcast_in_dim3A_5483, %broadcast_in_dim3A_5484 : vector<1x128xi1>, vector<1x128xi32>
      %add3A_5486 = arith.addi %add3A_5477, %select_n3A_5485 : vector<1x128xi32>
      %lt3A_5487 = arith.cmpf olt, %sqrt3A_4930, %sqrt3A_5050 : vector<1x128xf32>
      %eq3A_5488 = arith.cmpf oeq, %sqrt3A_4930, %sqrt3A_5050 : vector<1x128xf32>
      %or3A_5489 = arith.ori %lt3A_5487, %eq3A_5488 : vector<1x128xi1>
      %jit3A_5490 = arith.constant 1 : i32
      %jit3A_5491 = arith.constant 0 : i32
      %broadcast_in_dim3A_5492 = vector.broadcast %jit3A_5490 : i32 to vector<1x128xi32>
      %broadcast_in_dim3A_5493 = vector.broadcast %jit3A_5491 : i32 to vector<1x128xi32>
      %select_n3A_5494 = arith.select %or3A_5489, %broadcast_in_dim3A_5492, %broadcast_in_dim3A_5493 : vector<1x128xi1>, vector<1x128xi32>
      %add3A_5495 = arith.addi %add3A_5486, %select_n3A_5494 : vector<1x128xi32>
      %lt3A_5496 = arith.cmpf olt, %sqrt3A_4970, %sqrt3A_5050 : vector<1x128xf32>
      %eq3A_5497 = arith.cmpf oeq, %sqrt3A_4970, %sqrt3A_5050 : vector<1x128xf32>
      %or3A_5498 = arith.ori %lt3A_5496, %eq3A_5497 : vector<1x128xi1>
      %jit3A_5499 = arith.constant 1 : i32
      %jit3A_5500 = arith.constant 0 : i32
      %broadcast_in_dim3A_5501 = vector.broadcast %jit3A_5499 : i32 to vector<1x128xi32>
      %broadcast_in_dim3A_5502 = vector.broadcast %jit3A_5500 : i32 to vector<1x128xi32>
      %select_n3A_5503 = arith.select %or3A_5498, %broadcast_in_dim3A_5501, %broadcast_in_dim3A_5502 : vector<1x128xi1>, vector<1x128xi32>
      %add3A_5504 = arith.addi %add3A_5495, %select_n3A_5503 : vector<1x128xi32>
      %lt3A_5505 = arith.cmpf olt, %sqrt3A_5010, %sqrt3A_5050 : vector<1x128xf32>
      %eq3A_5506 = arith.cmpf oeq, %sqrt3A_5010, %sqrt3A_5050 : vector<1x128xf32>
      %or3A_5507 = arith.ori %lt3A_5505, %eq3A_5506 : vector<1x128xi1>
      %jit3A_5508 = arith.constant 1 : i32
      %jit3A_5509 = arith.constant 0 : i32
      %broadcast_in_dim3A_5510 = vector.broadcast %jit3A_5508 : i32 to vector<1x128xi32>
      %broadcast_in_dim3A_5511 = vector.broadcast %jit3A_5509 : i32 to vector<1x128xi32>
      %select_n3A_5512 = arith.select %or3A_5507, %broadcast_in_dim3A_5510, %broadcast_in_dim3A_5511 : vector<1x128xi1>, vector<1x128xi32>
      %add3A_5513 = arith.addi %add3A_5504, %select_n3A_5512 : vector<1x128xi32>
      %broadcast_in_dim3A_5514 = arith.constant 0 : i32
      %broadcast_in_dim3A_5515 = vector.broadcast %broadcast_in_dim3A_5514 : i32 to vector<128x16xi32>
      %iota3A_5516 = tpu.iota {dimensions = array<i32: 1>} : vector<128x16xi32>
      %broadcast_in_dim3A_5517 = arith.constant 0 : i32
      %broadcast_in_dim3A_5518 = vector.broadcast %broadcast_in_dim3A_5517 : i32 to vector<1x128xi32>
      %eq3A_5519 = arith.constant 0 : i32
      %eq3A_5520 = vector.broadcast %eq3A_5519 : i32 to vector<1x128xi32>
      %eq3A_5521 = arith.cmpi eq, %add3A_5101, %eq3A_5520 : vector<1x128xi32>
      %jit3A_5522 = arith.constant 0 : i32
      %jit3A_5523 = arith.constant 0 : i32
      %broadcast_in_dim3A_5524 = vector.broadcast %jit3A_5522 : i32 to vector<1x128xi32>
      %broadcast_in_dim3A_5525 = vector.broadcast %jit3A_5523 : i32 to vector<1x128xi32>
      %select_n3A_5526 = arith.select %eq3A_5521, %broadcast_in_dim3A_5524, %broadcast_in_dim3A_5525 : vector<1x128xi1>, vector<1x128xi32>
      %add3A_5527 = arith.addi %broadcast_in_dim3A_5518, %select_n3A_5526 : vector<1x128xi32>
      %eq3A_5528 = arith.constant 0 : i32
      %eq3A_5529 = vector.broadcast %eq3A_5528 : i32 to vector<1x128xi32>
      %eq3A_5530 = arith.cmpi eq, %add3A_5153, %eq3A_5529 : vector<1x128xi32>
      %jit3A_5531 = arith.constant 1 : i32
      %jit3A_5532 = arith.constant 0 : i32
      %broadcast_in_dim3A_5533 = vector.broadcast %jit3A_5531 : i32 to vector<1x128xi32>
      %broadcast_in_dim3A_5534 = vector.broadcast %jit3A_5532 : i32 to vector<1x128xi32>
      %select_n3A_5535 = arith.select %eq3A_5530, %broadcast_in_dim3A_5533, %broadcast_in_dim3A_5534 : vector<1x128xi1>, vector<1x128xi32>
      %add3A_5536 = arith.addi %add3A_5527, %select_n3A_5535 : vector<1x128xi32>
      %eq3A_5537 = arith.constant 0 : i32
      %eq3A_5538 = vector.broadcast %eq3A_5537 : i32 to vector<1x128xi32>
      %eq3A_5539 = arith.cmpi eq, %add3A_5208, %eq3A_5538 : vector<1x128xi32>
      %jit3A_5540 = arith.constant 2 : i32
      %jit3A_5541 = arith.constant 0 : i32
      %broadcast_in_dim3A_5542 = vector.broadcast %jit3A_5540 : i32 to vector<1x128xi32>
      %broadcast_in_dim3A_5543 = vector.broadcast %jit3A_5541 : i32 to vector<1x128xi32>
      %select_n3A_5544 = arith.select %eq3A_5539, %broadcast_in_dim3A_5542, %broadcast_in_dim3A_5543 : vector<1x128xi1>, vector<1x128xi32>
      %add3A_5545 = arith.addi %add3A_5536, %select_n3A_5544 : vector<1x128xi32>
      %eq3A_5546 = arith.constant 0 : i32
      %eq3A_5547 = vector.broadcast %eq3A_5546 : i32 to vector<1x128xi32>
      %eq3A_5548 = arith.cmpi eq, %add3A_5265, %eq3A_5547 : vector<1x128xi32>
      %jit3A_5549 = arith.constant 3 : i32
      %jit3A_5550 = arith.constant 0 : i32
      %broadcast_in_dim3A_5551 = vector.broadcast %jit3A_5549 : i32 to vector<1x128xi32>
      %broadcast_in_dim3A_5552 = vector.broadcast %jit3A_5550 : i32 to vector<1x128xi32>
      %select_n3A_5553 = arith.select %eq3A_5548, %broadcast_in_dim3A_5551, %broadcast_in_dim3A_5552 : vector<1x128xi1>, vector<1x128xi32>
      %add3A_5554 = arith.addi %add3A_5545, %select_n3A_5553 : vector<1x128xi32>
      %eq3A_5555 = arith.constant 0 : i32
      %eq3A_5556 = vector.broadcast %eq3A_5555 : i32 to vector<1x128xi32>
      %eq3A_5557 = arith.cmpi eq, %add3A_5324, %eq3A_5556 : vector<1x128xi32>
      %jit3A_5558 = arith.constant 4 : i32
      %jit3A_5559 = arith.constant 0 : i32
      %broadcast_in_dim3A_5560 = vector.broadcast %jit3A_5558 : i32 to vector<1x128xi32>
      %broadcast_in_dim3A_5561 = vector.broadcast %jit3A_5559 : i32 to vector<1x128xi32>
      %select_n3A_5562 = arith.select %eq3A_5557, %broadcast_in_dim3A_5560, %broadcast_in_dim3A_5561 : vector<1x128xi1>, vector<1x128xi32>
      %add3A_5563 = arith.addi %add3A_5554, %select_n3A_5562 : vector<1x128xi32>
      %eq3A_5564 = arith.constant 0 : i32
      %eq3A_5565 = vector.broadcast %eq3A_5564 : i32 to vector<1x128xi32>
      %eq3A_5566 = arith.cmpi eq, %add3A_5385, %eq3A_5565 : vector<1x128xi32>
      %jit3A_5567 = arith.constant 5 : i32
      %jit3A_5568 = arith.constant 0 : i32
      %broadcast_in_dim3A_5569 = vector.broadcast %jit3A_5567 : i32 to vector<1x128xi32>
      %broadcast_in_dim3A_5570 = vector.broadcast %jit3A_5568 : i32 to vector<1x128xi32>
      %select_n3A_5571 = arith.select %eq3A_5566, %broadcast_in_dim3A_5569, %broadcast_in_dim3A_5570 : vector<1x128xi1>, vector<1x128xi32>
      %add3A_5572 = arith.addi %add3A_5563, %select_n3A_5571 : vector<1x128xi32>
      %eq3A_5573 = arith.constant 0 : i32
      %eq3A_5574 = vector.broadcast %eq3A_5573 : i32 to vector<1x128xi32>
      %eq3A_5575 = arith.cmpi eq, %add3A_5448, %eq3A_5574 : vector<1x128xi32>
      %jit3A_5576 = arith.constant 6 : i32
      %jit3A_5577 = arith.constant 0 : i32
      %broadcast_in_dim3A_5578 = vector.broadcast %jit3A_5576 : i32 to vector<1x128xi32>
      %broadcast_in_dim3A_5579 = vector.broadcast %jit3A_5577 : i32 to vector<1x128xi32>
      %select_n3A_5580 = arith.select %eq3A_5575, %broadcast_in_dim3A_5578, %broadcast_in_dim3A_5579 : vector<1x128xi1>, vector<1x128xi32>
      %add3A_5581 = arith.addi %add3A_5572, %select_n3A_5580 : vector<1x128xi32>
      %eq3A_5582 = arith.constant 0 : i32
      %eq3A_5583 = vector.broadcast %eq3A_5582 : i32 to vector<1x128xi32>
      %eq3A_5584 = arith.cmpi eq, %add3A_5513, %eq3A_5583 : vector<1x128xi32>
      %jit3A_5585 = arith.constant 7 : i32
      %jit3A_5586 = arith.constant 0 : i32
      %broadcast_in_dim3A_5587 = vector.broadcast %jit3A_5585 : i32 to vector<1x128xi32>
      %broadcast_in_dim3A_5588 = vector.broadcast %jit3A_5586 : i32 to vector<1x128xi32>
      %select_n3A_5589 = arith.select %eq3A_5584, %broadcast_in_dim3A_5587, %broadcast_in_dim3A_5588 : vector<1x128xi1>, vector<1x128xi32>
      %add3A_5590 = arith.addi %add3A_5581, %select_n3A_5589 : vector<1x128xi32>
      %iota3A_5591 = tpu.iota {dimensions = array<i32: 0>} : vector<128x128xi32>
      %iota3A_5592 = tpu.iota {dimensions = array<i32: 1>} : vector<128x128xi32>
      %eq3A_5593 = arith.cmpi eq, %iota3A_5591, %iota3A_5592 : vector<128x128xi32>
      %convert_element_type3A_5594 = arith.sitofp %add3A_5590 : vector<1x128xi32> to vector<1x128xf32>
      %broadcast_in_dim3A_5595 = vector.shape_cast %convert_element_type3A_5594 : vector<1x128xf32> to vector<1x128xf32>
      %broadcast_in_dim3A_5596 = vector.broadcast %broadcast_in_dim3A_5595 : vector<1x128xf32> to vector<128x128xf32>
      %jit3A_5597 = arith.constant 0.000000e+00 : f32
      %broadcast_in_dim3A_5598 = vector.broadcast %jit3A_5597 : f32 to vector<128x128xf32>
      %select_n3A_5599 = arith.select %eq3A_5593, %broadcast_in_dim3A_5596, %broadcast_in_dim3A_5598 : vector<128x128xi1>, vector<128x128xf32>
      %reduce_sum3A_5600 = arith.constant dense<0.000000e+00> : vector<128xf32>
      %reduce_sum3A_5601 = vector.multi_reduction <add>, %select_n3A_5599, %reduce_sum3A_5600 [1] : vector<128x128xf32> to vector<128xf32>
      %broadcast_in_dim3A_5602 = vector.shape_cast %reduce_sum3A_5601 : vector<128xf32> to vector<128x1xf32>
      %convert_element_type3A_5603 = arith.fptosi %broadcast_in_dim3A_5602 : vector<128x1xf32> to vector<128x1xi32>
      %eq3A_5604 = arith.constant 0 : i32
      %eq3A_5605 = vector.broadcast %eq3A_5604 : i32 to vector<128x16xi32>
      %eq3A_5606 = arith.cmpi eq, %iota3A_5516, %eq3A_5605 : vector<128x16xi32>
      %broadcast_in_dim3A_5607 = vector.shape_cast %convert_element_type3A_5603 : vector<128x1xi32> to vector<128x1xi32>
      %broadcast_in_dim3A_5608 = vector.broadcast %broadcast_in_dim3A_5607 : vector<128x1xi32> to vector<128x16xi32>
      %select_n3A_5609 = arith.select %eq3A_5606, %broadcast_in_dim3A_5608, %broadcast_in_dim3A_5515 : vector<128x16xi1>, vector<128x16xi32>
      %broadcast_in_dim3A_5610 = arith.constant 0 : i32
      %broadcast_in_dim3A_5611 = vector.broadcast %broadcast_in_dim3A_5610 : i32 to vector<1x128xi32>
      %eq3A_5612 = arith.constant 1 : i32
      %eq3A_5613 = vector.broadcast %eq3A_5612 : i32 to vector<1x128xi32>
      %eq3A_5614 = arith.cmpi eq, %add3A_5101, %eq3A_5613 : vector<1x128xi32>
      %jit3A_5615 = arith.constant 0 : i32
      %jit3A_5616 = arith.constant 0 : i32
      %broadcast_in_dim3A_5617 = vector.broadcast %jit3A_5615 : i32 to vector<1x128xi32>
      %broadcast_in_dim3A_5618 = vector.broadcast %jit3A_5616 : i32 to vector<1x128xi32>
      %select_n3A_5619 = arith.select %eq3A_5614, %broadcast_in_dim3A_5617, %broadcast_in_dim3A_5618 : vector<1x128xi1>, vector<1x128xi32>
      %add3A_5620 = arith.addi %broadcast_in_dim3A_5611, %select_n3A_5619 : vector<1x128xi32>
      %eq3A_5621 = arith.constant 1 : i32
      %eq3A_5622 = vector.broadcast %eq3A_5621 : i32 to vector<1x128xi32>
      %eq3A_5623 = arith.cmpi eq, %add3A_5153, %eq3A_5622 : vector<1x128xi32>
      %jit3A_5624 = arith.constant 1 : i32
      %jit3A_5625 = arith.constant 0 : i32
      %broadcast_in_dim3A_5626 = vector.broadcast %jit3A_5624 : i32 to vector<1x128xi32>
      %broadcast_in_dim3A_5627 = vector.broadcast %jit3A_5625 : i32 to vector<1x128xi32>
      %select_n3A_5628 = arith.select %eq3A_5623, %broadcast_in_dim3A_5626, %broadcast_in_dim3A_5627 : vector<1x128xi1>, vector<1x128xi32>
      %add3A_5629 = arith.addi %add3A_5620, %select_n3A_5628 : vector<1x128xi32>
      %eq3A_5630 = arith.constant 1 : i32
      %eq3A_5631 = vector.broadcast %eq3A_5630 : i32 to vector<1x128xi32>
      %eq3A_5632 = arith.cmpi eq, %add3A_5208, %eq3A_5631 : vector<1x128xi32>
      %jit3A_5633 = arith.constant 2 : i32
      %jit3A_5634 = arith.constant 0 : i32
      %broadcast_in_dim3A_5635 = vector.broadcast %jit3A_5633 : i32 to vector<1x128xi32>
      %broadcast_in_dim3A_5636 = vector.broadcast %jit3A_5634 : i32 to vector<1x128xi32>
      %select_n3A_5637 = arith.select %eq3A_5632, %broadcast_in_dim3A_5635, %broadcast_in_dim3A_5636 : vector<1x128xi1>, vector<1x128xi32>
      %add3A_5638 = arith.addi %add3A_5629, %select_n3A_5637 : vector<1x128xi32>
      %eq3A_5639 = arith.constant 1 : i32
      %eq3A_5640 = vector.broadcast %eq3A_5639 : i32 to vector<1x128xi32>
      %eq3A_5641 = arith.cmpi eq, %add3A_5265, %eq3A_5640 : vector<1x128xi32>
      %jit3A_5642 = arith.constant 3 : i32
      %jit3A_5643 = arith.constant 0 : i32
      %broadcast_in_dim3A_5644 = vector.broadcast %jit3A_5642 : i32 to vector<1x128xi32>
      %broadcast_in_dim3A_5645 = vector.broadcast %jit3A_5643 : i32 to vector<1x128xi32>
      %select_n3A_5646 = arith.select %eq3A_5641, %broadcast_in_dim3A_5644, %broadcast_in_dim3A_5645 : vector<1x128xi1>, vector<1x128xi32>
      %add3A_5647 = arith.addi %add3A_5638, %select_n3A_5646 : vector<1x128xi32>
      %eq3A_5648 = arith.constant 1 : i32
      %eq3A_5649 = vector.broadcast %eq3A_5648 : i32 to vector<1x128xi32>
      %eq3A_5650 = arith.cmpi eq, %add3A_5324, %eq3A_5649 : vector<1x128xi32>
      %jit3A_5651 = arith.constant 4 : i32
      %jit3A_5652 = arith.constant 0 : i32
      %broadcast_in_dim3A_5653 = vector.broadcast %jit3A_5651 : i32 to vector<1x128xi32>
      %broadcast_in_dim3A_5654 = vector.broadcast %jit3A_5652 : i32 to vector<1x128xi32>
      %select_n3A_5655 = arith.select %eq3A_5650, %broadcast_in_dim3A_5653, %broadcast_in_dim3A_5654 : vector<1x128xi1>, vector<1x128xi32>
      %add3A_5656 = arith.addi %add3A_5647, %select_n3A_5655 : vector<1x128xi32>
      %eq3A_5657 = arith.constant 1 : i32
      %eq3A_5658 = vector.broadcast %eq3A_5657 : i32 to vector<1x128xi32>
      %eq3A_5659 = arith.cmpi eq, %add3A_5385, %eq3A_5658 : vector<1x128xi32>
      %jit3A_5660 = arith.constant 5 : i32
      %jit3A_5661 = arith.constant 0 : i32
      %broadcast_in_dim3A_5662 = vector.broadcast %jit3A_5660 : i32 to vector<1x128xi32>
      %broadcast_in_dim3A_5663 = vector.broadcast %jit3A_5661 : i32 to vector<1x128xi32>
      %select_n3A_5664 = arith.select %eq3A_5659, %broadcast_in_dim3A_5662, %broadcast_in_dim3A_5663 : vector<1x128xi1>, vector<1x128xi32>
      %add3A_5665 = arith.addi %add3A_5656, %select_n3A_5664 : vector<1x128xi32>
      %eq3A_5666 = arith.constant 1 : i32
      %eq3A_5667 = vector.broadcast %eq3A_5666 : i32 to vector<1x128xi32>
      %eq3A_5668 = arith.cmpi eq, %add3A_5448, %eq3A_5667 : vector<1x128xi32>
      %jit3A_5669 = arith.constant 6 : i32
      %jit3A_5670 = arith.constant 0 : i32
      %broadcast_in_dim3A_5671 = vector.broadcast %jit3A_5669 : i32 to vector<1x128xi32>
      %broadcast_in_dim3A_5672 = vector.broadcast %jit3A_5670 : i32 to vector<1x128xi32>
      %select_n3A_5673 = arith.select %eq3A_5668, %broadcast_in_dim3A_5671, %broadcast_in_dim3A_5672 : vector<1x128xi1>, vector<1x128xi32>
      %add3A_5674 = arith.addi %add3A_5665, %select_n3A_5673 : vector<1x128xi32>
      %eq3A_5675 = arith.constant 1 : i32
      %eq3A_5676 = vector.broadcast %eq3A_5675 : i32 to vector<1x128xi32>
      %eq3A_5677 = arith.cmpi eq, %add3A_5513, %eq3A_5676 : vector<1x128xi32>
      %jit3A_5678 = arith.constant 7 : i32
      %jit3A_5679 = arith.constant 0 : i32
      %broadcast_in_dim3A_5680 = vector.broadcast %jit3A_5678 : i32 to vector<1x128xi32>
      %broadcast_in_dim3A_5681 = vector.broadcast %jit3A_5679 : i32 to vector<1x128xi32>
      %select_n3A_5682 = arith.select %eq3A_5677, %broadcast_in_dim3A_5680, %broadcast_in_dim3A_5681 : vector<1x128xi1>, vector<1x128xi32>
      %add3A_5683 = arith.addi %add3A_5674, %select_n3A_5682 : vector<1x128xi32>
      %iota3A_5684 = tpu.iota {dimensions = array<i32: 0>} : vector<128x128xi32>
      %iota3A_5685 = tpu.iota {dimensions = array<i32: 1>} : vector<128x128xi32>
      %eq3A_5686 = arith.cmpi eq, %iota3A_5684, %iota3A_5685 : vector<128x128xi32>
      %convert_element_type3A_5687 = arith.sitofp %add3A_5683 : vector<1x128xi32> to vector<1x128xf32>
      %broadcast_in_dim3A_5688 = vector.shape_cast %convert_element_type3A_5687 : vector<1x128xf32> to vector<1x128xf32>
      %broadcast_in_dim3A_5689 = vector.broadcast %broadcast_in_dim3A_5688 : vector<1x128xf32> to vector<128x128xf32>
      %jit3A_5690 = arith.constant 0.000000e+00 : f32
      %broadcast_in_dim3A_5691 = vector.broadcast %jit3A_5690 : f32 to vector<128x128xf32>
      %select_n3A_5692 = arith.select %eq3A_5686, %broadcast_in_dim3A_5689, %broadcast_in_dim3A_5691 : vector<128x128xi1>, vector<128x128xf32>
      %reduce_sum3A_5693 = arith.constant dense<0.000000e+00> : vector<128xf32>
      %reduce_sum3A_5694 = vector.multi_reduction <add>, %select_n3A_5692, %reduce_sum3A_5693 [1] : vector<128x128xf32> to vector<128xf32>
      %broadcast_in_dim3A_5695 = vector.shape_cast %reduce_sum3A_5694 : vector<128xf32> to vector<128x1xf32>
      %convert_element_type3A_5696 = arith.fptosi %broadcast_in_dim3A_5695 : vector<128x1xf32> to vector<128x1xi32>
      %eq3A_5697 = arith.constant 1 : i32
      %eq3A_5698 = vector.broadcast %eq3A_5697 : i32 to vector<128x16xi32>
      %eq3A_5699 = arith.cmpi eq, %iota3A_5516, %eq3A_5698 : vector<128x16xi32>
      %broadcast_in_dim3A_5700 = vector.shape_cast %convert_element_type3A_5696 : vector<128x1xi32> to vector<128x1xi32>
      %broadcast_in_dim3A_5701 = vector.broadcast %broadcast_in_dim3A_5700 : vector<128x1xi32> to vector<128x16xi32>
      %select_n3A_5702 = arith.select %eq3A_5699, %broadcast_in_dim3A_5701, %select_n3A_5609 : vector<128x16xi1>, vector<128x16xi32>
      %broadcast_in_dim3A_5703 = arith.constant 0 : i32
      %broadcast_in_dim3A_5704 = vector.broadcast %broadcast_in_dim3A_5703 : i32 to vector<1x128xi32>
      %eq3A_5705 = arith.constant 2 : i32
      %eq3A_5706 = vector.broadcast %eq3A_5705 : i32 to vector<1x128xi32>
      %eq3A_5707 = arith.cmpi eq, %add3A_5101, %eq3A_5706 : vector<1x128xi32>
      %jit3A_5708 = arith.constant 0 : i32
      %jit3A_5709 = arith.constant 0 : i32
      %broadcast_in_dim3A_5710 = vector.broadcast %jit3A_5708 : i32 to vector<1x128xi32>
      %broadcast_in_dim3A_5711 = vector.broadcast %jit3A_5709 : i32 to vector<1x128xi32>
      %select_n3A_5712 = arith.select %eq3A_5707, %broadcast_in_dim3A_5710, %broadcast_in_dim3A_5711 : vector<1x128xi1>, vector<1x128xi32>
      %add3A_5713 = arith.addi %broadcast_in_dim3A_5704, %select_n3A_5712 : vector<1x128xi32>
      %eq3A_5714 = arith.constant 2 : i32
      %eq3A_5715 = vector.broadcast %eq3A_5714 : i32 to vector<1x128xi32>
      %eq3A_5716 = arith.cmpi eq, %add3A_5153, %eq3A_5715 : vector<1x128xi32>
      %jit3A_5717 = arith.constant 1 : i32
      %jit3A_5718 = arith.constant 0 : i32
      %broadcast_in_dim3A_5719 = vector.broadcast %jit3A_5717 : i32 to vector<1x128xi32>
      %broadcast_in_dim3A_5720 = vector.broadcast %jit3A_5718 : i32 to vector<1x128xi32>
      %select_n3A_5721 = arith.select %eq3A_5716, %broadcast_in_dim3A_5719, %broadcast_in_dim3A_5720 : vector<1x128xi1>, vector<1x128xi32>
      %add3A_5722 = arith.addi %add3A_5713, %select_n3A_5721 : vector<1x128xi32>
      %eq3A_5723 = arith.constant 2 : i32
      %eq3A_5724 = vector.broadcast %eq3A_5723 : i32 to vector<1x128xi32>
      %eq3A_5725 = arith.cmpi eq, %add3A_5208, %eq3A_5724 : vector<1x128xi32>
      %jit3A_5726 = arith.constant 2 : i32
      %jit3A_5727 = arith.constant 0 : i32
      %broadcast_in_dim3A_5728 = vector.broadcast %jit3A_5726 : i32 to vector<1x128xi32>
      %broadcast_in_dim3A_5729 = vector.broadcast %jit3A_5727 : i32 to vector<1x128xi32>
      %select_n3A_5730 = arith.select %eq3A_5725, %broadcast_in_dim3A_5728, %broadcast_in_dim3A_5729 : vector<1x128xi1>, vector<1x128xi32>
      %add3A_5731 = arith.addi %add3A_5722, %select_n3A_5730 : vector<1x128xi32>
      %eq3A_5732 = arith.constant 2 : i32
      %eq3A_5733 = vector.broadcast %eq3A_5732 : i32 to vector<1x128xi32>
      %eq3A_5734 = arith.cmpi eq, %add3A_5265, %eq3A_5733 : vector<1x128xi32>
      %jit3A_5735 = arith.constant 3 : i32
      %jit3A_5736 = arith.constant 0 : i32
      %broadcast_in_dim3A_5737 = vector.broadcast %jit3A_5735 : i32 to vector<1x128xi32>
      %broadcast_in_dim3A_5738 = vector.broadcast %jit3A_5736 : i32 to vector<1x128xi32>
      %select_n3A_5739 = arith.select %eq3A_5734, %broadcast_in_dim3A_5737, %broadcast_in_dim3A_5738 : vector<1x128xi1>, vector<1x128xi32>
      %add3A_5740 = arith.addi %add3A_5731, %select_n3A_5739 : vector<1x128xi32>
      %eq3A_5741 = arith.constant 2 : i32
      %eq3A_5742 = vector.broadcast %eq3A_5741 : i32 to vector<1x128xi32>
      %eq3A_5743 = arith.cmpi eq, %add3A_5324, %eq3A_5742 : vector<1x128xi32>
      %jit3A_5744 = arith.constant 4 : i32
      %jit3A_5745 = arith.constant 0 : i32
      %broadcast_in_dim3A_5746 = vector.broadcast %jit3A_5744 : i32 to vector<1x128xi32>
      %broadcast_in_dim3A_5747 = vector.broadcast %jit3A_5745 : i32 to vector<1x128xi32>
      %select_n3A_5748 = arith.select %eq3A_5743, %broadcast_in_dim3A_5746, %broadcast_in_dim3A_5747 : vector<1x128xi1>, vector<1x128xi32>
      %add3A_5749 = arith.addi %add3A_5740, %select_n3A_5748 : vector<1x128xi32>
      %eq3A_5750 = arith.constant 2 : i32
      %eq3A_5751 = vector.broadcast %eq3A_5750 : i32 to vector<1x128xi32>
      %eq3A_5752 = arith.cmpi eq, %add3A_5385, %eq3A_5751 : vector<1x128xi32>
      %jit3A_5753 = arith.constant 5 : i32
      %jit3A_5754 = arith.constant 0 : i32
      %broadcast_in_dim3A_5755 = vector.broadcast %jit3A_5753 : i32 to vector<1x128xi32>
      %broadcast_in_dim3A_5756 = vector.broadcast %jit3A_5754 : i32 to vector<1x128xi32>
      %select_n3A_5757 = arith.select %eq3A_5752, %broadcast_in_dim3A_5755, %broadcast_in_dim3A_5756 : vector<1x128xi1>, vector<1x128xi32>
      %add3A_5758 = arith.addi %add3A_5749, %select_n3A_5757 : vector<1x128xi32>
      %eq3A_5759 = arith.constant 2 : i32
      %eq3A_5760 = vector.broadcast %eq3A_5759 : i32 to vector<1x128xi32>
      %eq3A_5761 = arith.cmpi eq, %add3A_5448, %eq3A_5760 : vector<1x128xi32>
      %jit3A_5762 = arith.constant 6 : i32
      %jit3A_5763 = arith.constant 0 : i32
      %broadcast_in_dim3A_5764 = vector.broadcast %jit3A_5762 : i32 to vector<1x128xi32>
      %broadcast_in_dim3A_5765 = vector.broadcast %jit3A_5763 : i32 to vector<1x128xi32>
      %select_n3A_5766 = arith.select %eq3A_5761, %broadcast_in_dim3A_5764, %broadcast_in_dim3A_5765 : vector<1x128xi1>, vector<1x128xi32>
      %add3A_5767 = arith.addi %add3A_5758, %select_n3A_5766 : vector<1x128xi32>
      %eq3A_5768 = arith.constant 2 : i32
      %eq3A_5769 = vector.broadcast %eq3A_5768 : i32 to vector<1x128xi32>
      %eq3A_5770 = arith.cmpi eq, %add3A_5513, %eq3A_5769 : vector<1x128xi32>
      %jit3A_5771 = arith.constant 7 : i32
      %jit3A_5772 = arith.constant 0 : i32
      %broadcast_in_dim3A_5773 = vector.broadcast %jit3A_5771 : i32 to vector<1x128xi32>
      %broadcast_in_dim3A_5774 = vector.broadcast %jit3A_5772 : i32 to vector<1x128xi32>
      %select_n3A_5775 = arith.select %eq3A_5770, %broadcast_in_dim3A_5773, %broadcast_in_dim3A_5774 : vector<1x128xi1>, vector<1x128xi32>
      %add3A_5776 = arith.addi %add3A_5767, %select_n3A_5775 : vector<1x128xi32>
      %iota3A_5777 = tpu.iota {dimensions = array<i32: 0>} : vector<128x128xi32>
      %iota3A_5778 = tpu.iota {dimensions = array<i32: 1>} : vector<128x128xi32>
      %eq3A_5779 = arith.cmpi eq, %iota3A_5777, %iota3A_5778 : vector<128x128xi32>
      %convert_element_type3A_5780 = arith.sitofp %add3A_5776 : vector<1x128xi32> to vector<1x128xf32>
      %broadcast_in_dim3A_5781 = vector.shape_cast %convert_element_type3A_5780 : vector<1x128xf32> to vector<1x128xf32>
      %broadcast_in_dim3A_5782 = vector.broadcast %broadcast_in_dim3A_5781 : vector<1x128xf32> to vector<128x128xf32>
      %jit3A_5783 = arith.constant 0.000000e+00 : f32
      %broadcast_in_dim3A_5784 = vector.broadcast %jit3A_5783 : f32 to vector<128x128xf32>
      %select_n3A_5785 = arith.select %eq3A_5779, %broadcast_in_dim3A_5782, %broadcast_in_dim3A_5784 : vector<128x128xi1>, vector<128x128xf32>
      %reduce_sum3A_5786 = arith.constant dense<0.000000e+00> : vector<128xf32>
      %reduce_sum3A_5787 = vector.multi_reduction <add>, %select_n3A_5785, %reduce_sum3A_5786 [1] : vector<128x128xf32> to vector<128xf32>
      %broadcast_in_dim3A_5788 = vector.shape_cast %reduce_sum3A_5787 : vector<128xf32> to vector<128x1xf32>
      %convert_element_type3A_5789 = arith.fptosi %broadcast_in_dim3A_5788 : vector<128x1xf32> to vector<128x1xi32>
      %eq3A_5790 = arith.constant 2 : i32
      %eq3A_5791 = vector.broadcast %eq3A_5790 : i32 to vector<128x16xi32>
      %eq3A_5792 = arith.cmpi eq, %iota3A_5516, %eq3A_5791 : vector<128x16xi32>
      %broadcast_in_dim3A_5793 = vector.shape_cast %convert_element_type3A_5789 : vector<128x1xi32> to vector<128x1xi32>
      %broadcast_in_dim3A_5794 = vector.broadcast %broadcast_in_dim3A_5793 : vector<128x1xi32> to vector<128x16xi32>
      %select_n3A_5795 = arith.select %eq3A_5792, %broadcast_in_dim3A_5794, %select_n3A_5702 : vector<128x16xi1>, vector<128x16xi32>
      %broadcast_in_dim3A_5796 = arith.constant 0 : i32
      %broadcast_in_dim3A_5797 = vector.broadcast %broadcast_in_dim3A_5796 : i32 to vector<1x128xi32>
      %eq3A_5798 = arith.constant 3 : i32
      %eq3A_5799 = vector.broadcast %eq3A_5798 : i32 to vector<1x128xi32>
      %eq3A_5800 = arith.cmpi eq, %add3A_5101, %eq3A_5799 : vector<1x128xi32>
      %jit3A_5801 = arith.constant 0 : i32
      %jit3A_5802 = arith.constant 0 : i32
      %broadcast_in_dim3A_5803 = vector.broadcast %jit3A_5801 : i32 to vector<1x128xi32>
      %broadcast_in_dim3A_5804 = vector.broadcast %jit3A_5802 : i32 to vector<1x128xi32>
      %select_n3A_5805 = arith.select %eq3A_5800, %broadcast_in_dim3A_5803, %broadcast_in_dim3A_5804 : vector<1x128xi1>, vector<1x128xi32>
      %add3A_5806 = arith.addi %broadcast_in_dim3A_5797, %select_n3A_5805 : vector<1x128xi32>
      %eq3A_5807 = arith.constant 3 : i32
      %eq3A_5808 = vector.broadcast %eq3A_5807 : i32 to vector<1x128xi32>
      %eq3A_5809 = arith.cmpi eq, %add3A_5153, %eq3A_5808 : vector<1x128xi32>
      %jit3A_5810 = arith.constant 1 : i32
      %jit3A_5811 = arith.constant 0 : i32
      %broadcast_in_dim3A_5812 = vector.broadcast %jit3A_5810 : i32 to vector<1x128xi32>
      %broadcast_in_dim3A_5813 = vector.broadcast %jit3A_5811 : i32 to vector<1x128xi32>
      %select_n3A_5814 = arith.select %eq3A_5809, %broadcast_in_dim3A_5812, %broadcast_in_dim3A_5813 : vector<1x128xi1>, vector<1x128xi32>
      %add3A_5815 = arith.addi %add3A_5806, %select_n3A_5814 : vector<1x128xi32>
      %eq3A_5816 = arith.constant 3 : i32
      %eq3A_5817 = vector.broadcast %eq3A_5816 : i32 to vector<1x128xi32>
      %eq3A_5818 = arith.cmpi eq, %add3A_5208, %eq3A_5817 : vector<1x128xi32>
      %jit3A_5819 = arith.constant 2 : i32
      %jit3A_5820 = arith.constant 0 : i32
      %broadcast_in_dim3A_5821 = vector.broadcast %jit3A_5819 : i32 to vector<1x128xi32>
      %broadcast_in_dim3A_5822 = vector.broadcast %jit3A_5820 : i32 to vector<1x128xi32>
      %select_n3A_5823 = arith.select %eq3A_5818, %broadcast_in_dim3A_5821, %broadcast_in_dim3A_5822 : vector<1x128xi1>, vector<1x128xi32>
      %add3A_5824 = arith.addi %add3A_5815, %select_n3A_5823 : vector<1x128xi32>
      %eq3A_5825 = arith.constant 3 : i32
      %eq3A_5826 = vector.broadcast %eq3A_5825 : i32 to vector<1x128xi32>
      %eq3A_5827 = arith.cmpi eq, %add3A_5265, %eq3A_5826 : vector<1x128xi32>
      %jit3A_5828 = arith.constant 3 : i32
      %jit3A_5829 = arith.constant 0 : i32
      %broadcast_in_dim3A_5830 = vector.broadcast %jit3A_5828 : i32 to vector<1x128xi32>
      %broadcast_in_dim3A_5831 = vector.broadcast %jit3A_5829 : i32 to vector<1x128xi32>
      %select_n3A_5832 = arith.select %eq3A_5827, %broadcast_in_dim3A_5830, %broadcast_in_dim3A_5831 : vector<1x128xi1>, vector<1x128xi32>
      %add3A_5833 = arith.addi %add3A_5824, %select_n3A_5832 : vector<1x128xi32>
      %eq3A_5834 = arith.constant 3 : i32
      %eq3A_5835 = vector.broadcast %eq3A_5834 : i32 to vector<1x128xi32>
      %eq3A_5836 = arith.cmpi eq, %add3A_5324, %eq3A_5835 : vector<1x128xi32>
      %jit3A_5837 = arith.constant 4 : i32
      %jit3A_5838 = arith.constant 0 : i32
      %broadcast_in_dim3A_5839 = vector.broadcast %jit3A_5837 : i32 to vector<1x128xi32>
      %broadcast_in_dim3A_5840 = vector.broadcast %jit3A_5838 : i32 to vector<1x128xi32>
      %select_n3A_5841 = arith.select %eq3A_5836, %broadcast_in_dim3A_5839, %broadcast_in_dim3A_5840 : vector<1x128xi1>, vector<1x128xi32>
      %add3A_5842 = arith.addi %add3A_5833, %select_n3A_5841 : vector<1x128xi32>
      %eq3A_5843 = arith.constant 3 : i32
      %eq3A_5844 = vector.broadcast %eq3A_5843 : i32 to vector<1x128xi32>
      %eq3A_5845 = arith.cmpi eq, %add3A_5385, %eq3A_5844 : vector<1x128xi32>
      %jit3A_5846 = arith.constant 5 : i32
      %jit3A_5847 = arith.constant 0 : i32
      %broadcast_in_dim3A_5848 = vector.broadcast %jit3A_5846 : i32 to vector<1x128xi32>
      %broadcast_in_dim3A_5849 = vector.broadcast %jit3A_5847 : i32 to vector<1x128xi32>
      %select_n3A_5850 = arith.select %eq3A_5845, %broadcast_in_dim3A_5848, %broadcast_in_dim3A_5849 : vector<1x128xi1>, vector<1x128xi32>
      %add3A_5851 = arith.addi %add3A_5842, %select_n3A_5850 : vector<1x128xi32>
      %eq3A_5852 = arith.constant 3 : i32
      %eq3A_5853 = vector.broadcast %eq3A_5852 : i32 to vector<1x128xi32>
      %eq3A_5854 = arith.cmpi eq, %add3A_5448, %eq3A_5853 : vector<1x128xi32>
      %jit3A_5855 = arith.constant 6 : i32
      %jit3A_5856 = arith.constant 0 : i32
      %broadcast_in_dim3A_5857 = vector.broadcast %jit3A_5855 : i32 to vector<1x128xi32>
      %broadcast_in_dim3A_5858 = vector.broadcast %jit3A_5856 : i32 to vector<1x128xi32>
      %select_n3A_5859 = arith.select %eq3A_5854, %broadcast_in_dim3A_5857, %broadcast_in_dim3A_5858 : vector<1x128xi1>, vector<1x128xi32>
      %add3A_5860 = arith.addi %add3A_5851, %select_n3A_5859 : vector<1x128xi32>
      %eq3A_5861 = arith.constant 3 : i32
      %eq3A_5862 = vector.broadcast %eq3A_5861 : i32 to vector<1x128xi32>
      %eq3A_5863 = arith.cmpi eq, %add3A_5513, %eq3A_5862 : vector<1x128xi32>
      %jit3A_5864 = arith.constant 7 : i32
      %jit3A_5865 = arith.constant 0 : i32
      %broadcast_in_dim3A_5866 = vector.broadcast %jit3A_5864 : i32 to vector<1x128xi32>
      %broadcast_in_dim3A_5867 = vector.broadcast %jit3A_5865 : i32 to vector<1x128xi32>
      %select_n3A_5868 = arith.select %eq3A_5863, %broadcast_in_dim3A_5866, %broadcast_in_dim3A_5867 : vector<1x128xi1>, vector<1x128xi32>
      %add3A_5869 = arith.addi %add3A_5860, %select_n3A_5868 : vector<1x128xi32>
      %iota3A_5870 = tpu.iota {dimensions = array<i32: 0>} : vector<128x128xi32>
      %iota3A_5871 = tpu.iota {dimensions = array<i32: 1>} : vector<128x128xi32>
      %eq3A_5872 = arith.cmpi eq, %iota3A_5870, %iota3A_5871 : vector<128x128xi32>
      %convert_element_type3A_5873 = arith.sitofp %add3A_5869 : vector<1x128xi32> to vector<1x128xf32>
      %broadcast_in_dim3A_5874 = vector.shape_cast %convert_element_type3A_5873 : vector<1x128xf32> to vector<1x128xf32>
      %broadcast_in_dim3A_5875 = vector.broadcast %broadcast_in_dim3A_5874 : vector<1x128xf32> to vector<128x128xf32>
      %jit3A_5876 = arith.constant 0.000000e+00 : f32
      %broadcast_in_dim3A_5877 = vector.broadcast %jit3A_5876 : f32 to vector<128x128xf32>
      %select_n3A_5878 = arith.select %eq3A_5872, %broadcast_in_dim3A_5875, %broadcast_in_dim3A_5877 : vector<128x128xi1>, vector<128x128xf32>
      %reduce_sum3A_5879 = arith.constant dense<0.000000e+00> : vector<128xf32>
      %reduce_sum3A_5880 = vector.multi_reduction <add>, %select_n3A_5878, %reduce_sum3A_5879 [1] : vector<128x128xf32> to vector<128xf32>
      %broadcast_in_dim3A_5881 = vector.shape_cast %reduce_sum3A_5880 : vector<128xf32> to vector<128x1xf32>
      %convert_element_type3A_5882 = arith.fptosi %broadcast_in_dim3A_5881 : vector<128x1xf32> to vector<128x1xi32>
      %eq3A_5883 = arith.constant 3 : i32
      %eq3A_5884 = vector.broadcast %eq3A_5883 : i32 to vector<128x16xi32>
      %eq3A_5885 = arith.cmpi eq, %iota3A_5516, %eq3A_5884 : vector<128x16xi32>
      %broadcast_in_dim3A_5886 = vector.shape_cast %convert_element_type3A_5882 : vector<128x1xi32> to vector<128x1xi32>
      %broadcast_in_dim3A_5887 = vector.broadcast %broadcast_in_dim3A_5886 : vector<128x1xi32> to vector<128x16xi32>
      %select_n3A_5888 = arith.select %eq3A_5885, %broadcast_in_dim3A_5887, %select_n3A_5795 : vector<128x16xi1>, vector<128x16xi32>
      %broadcast_in_dim3A_5889 = arith.constant 0 : i32
      %broadcast_in_dim3A_5890 = vector.broadcast %broadcast_in_dim3A_5889 : i32 to vector<1x128xi32>
      %eq3A_5891 = arith.constant 4 : i32
      %eq3A_5892 = vector.broadcast %eq3A_5891 : i32 to vector<1x128xi32>
      %eq3A_5893 = arith.cmpi eq, %add3A_5101, %eq3A_5892 : vector<1x128xi32>
      %jit3A_5894 = arith.constant 0 : i32
      %jit3A_5895 = arith.constant 0 : i32
      %broadcast_in_dim3A_5896 = vector.broadcast %jit3A_5894 : i32 to vector<1x128xi32>
      %broadcast_in_dim3A_5897 = vector.broadcast %jit3A_5895 : i32 to vector<1x128xi32>
      %select_n3A_5898 = arith.select %eq3A_5893, %broadcast_in_dim3A_5896, %broadcast_in_dim3A_5897 : vector<1x128xi1>, vector<1x128xi32>
      %add3A_5899 = arith.addi %broadcast_in_dim3A_5890, %select_n3A_5898 : vector<1x128xi32>
      %eq3A_5900 = arith.constant 4 : i32
      %eq3A_5901 = vector.broadcast %eq3A_5900 : i32 to vector<1x128xi32>
      %eq3A_5902 = arith.cmpi eq, %add3A_5153, %eq3A_5901 : vector<1x128xi32>
      %jit3A_5903 = arith.constant 1 : i32
      %jit3A_5904 = arith.constant 0 : i32
      %broadcast_in_dim3A_5905 = vector.broadcast %jit3A_5903 : i32 to vector<1x128xi32>
      %broadcast_in_dim3A_5906 = vector.broadcast %jit3A_5904 : i32 to vector<1x128xi32>
      %select_n3A_5907 = arith.select %eq3A_5902, %broadcast_in_dim3A_5905, %broadcast_in_dim3A_5906 : vector<1x128xi1>, vector<1x128xi32>
      %add3A_5908 = arith.addi %add3A_5899, %select_n3A_5907 : vector<1x128xi32>
      %eq3A_5909 = arith.constant 4 : i32
      %eq3A_5910 = vector.broadcast %eq3A_5909 : i32 to vector<1x128xi32>
      %eq3A_5911 = arith.cmpi eq, %add3A_5208, %eq3A_5910 : vector<1x128xi32>
      %jit3A_5912 = arith.constant 2 : i32
      %jit3A_5913 = arith.constant 0 : i32
      %broadcast_in_dim3A_5914 = vector.broadcast %jit3A_5912 : i32 to vector<1x128xi32>
      %broadcast_in_dim3A_5915 = vector.broadcast %jit3A_5913 : i32 to vector<1x128xi32>
      %select_n3A_5916 = arith.select %eq3A_5911, %broadcast_in_dim3A_5914, %broadcast_in_dim3A_5915 : vector<1x128xi1>, vector<1x128xi32>
      %add3A_5917 = arith.addi %add3A_5908, %select_n3A_5916 : vector<1x128xi32>
      %eq3A_5918 = arith.constant 4 : i32
      %eq3A_5919 = vector.broadcast %eq3A_5918 : i32 to vector<1x128xi32>
      %eq3A_5920 = arith.cmpi eq, %add3A_5265, %eq3A_5919 : vector<1x128xi32>
      %jit3A_5921 = arith.constant 3 : i32
      %jit3A_5922 = arith.constant 0 : i32
      %broadcast_in_dim3A_5923 = vector.broadcast %jit3A_5921 : i32 to vector<1x128xi32>
      %broadcast_in_dim3A_5924 = vector.broadcast %jit3A_5922 : i32 to vector<1x128xi32>
      %select_n3A_5925 = arith.select %eq3A_5920, %broadcast_in_dim3A_5923, %broadcast_in_dim3A_5924 : vector<1x128xi1>, vector<1x128xi32>
      %add3A_5926 = arith.addi %add3A_5917, %select_n3A_5925 : vector<1x128xi32>
      %eq3A_5927 = arith.constant 4 : i32
      %eq3A_5928 = vector.broadcast %eq3A_5927 : i32 to vector<1x128xi32>
      %eq3A_5929 = arith.cmpi eq, %add3A_5324, %eq3A_5928 : vector<1x128xi32>
      %jit3A_5930 = arith.constant 4 : i32
      %jit3A_5931 = arith.constant 0 : i32
      %broadcast_in_dim3A_5932 = vector.broadcast %jit3A_5930 : i32 to vector<1x128xi32>
      %broadcast_in_dim3A_5933 = vector.broadcast %jit3A_5931 : i32 to vector<1x128xi32>
      %select_n3A_5934 = arith.select %eq3A_5929, %broadcast_in_dim3A_5932, %broadcast_in_dim3A_5933 : vector<1x128xi1>, vector<1x128xi32>
      %add3A_5935 = arith.addi %add3A_5926, %select_n3A_5934 : vector<1x128xi32>
      %eq3A_5936 = arith.constant 4 : i32
      %eq3A_5937 = vector.broadcast %eq3A_5936 : i32 to vector<1x128xi32>
      %eq3A_5938 = arith.cmpi eq, %add3A_5385, %eq3A_5937 : vector<1x128xi32>
      %jit3A_5939 = arith.constant 5 : i32
      %jit3A_5940 = arith.constant 0 : i32
      %broadcast_in_dim3A_5941 = vector.broadcast %jit3A_5939 : i32 to vector<1x128xi32>
      %broadcast_in_dim3A_5942 = vector.broadcast %jit3A_5940 : i32 to vector<1x128xi32>
      %select_n3A_5943 = arith.select %eq3A_5938, %broadcast_in_dim3A_5941, %broadcast_in_dim3A_5942 : vector<1x128xi1>, vector<1x128xi32>
      %add3A_5944 = arith.addi %add3A_5935, %select_n3A_5943 : vector<1x128xi32>
      %eq3A_5945 = arith.constant 4 : i32
      %eq3A_5946 = vector.broadcast %eq3A_5945 : i32 to vector<1x128xi32>
      %eq3A_5947 = arith.cmpi eq, %add3A_5448, %eq3A_5946 : vector<1x128xi32>
      %jit3A_5948 = arith.constant 6 : i32
      %jit3A_5949 = arith.constant 0 : i32
      %broadcast_in_dim3A_5950 = vector.broadcast %jit3A_5948 : i32 to vector<1x128xi32>
      %broadcast_in_dim3A_5951 = vector.broadcast %jit3A_5949 : i32 to vector<1x128xi32>
      %select_n3A_5952 = arith.select %eq3A_5947, %broadcast_in_dim3A_5950, %broadcast_in_dim3A_5951 : vector<1x128xi1>, vector<1x128xi32>
      %add3A_5953 = arith.addi %add3A_5944, %select_n3A_5952 : vector<1x128xi32>
      %eq3A_5954 = arith.constant 4 : i32
      %eq3A_5955 = vector.broadcast %eq3A_5954 : i32 to vector<1x128xi32>
      %eq3A_5956 = arith.cmpi eq, %add3A_5513, %eq3A_5955 : vector<1x128xi32>
      %jit3A_5957 = arith.constant 7 : i32
      %jit3A_5958 = arith.constant 0 : i32
      %broadcast_in_dim3A_5959 = vector.broadcast %jit3A_5957 : i32 to vector<1x128xi32>
      %broadcast_in_dim3A_5960 = vector.broadcast %jit3A_5958 : i32 to vector<1x128xi32>
      %select_n3A_5961 = arith.select %eq3A_5956, %broadcast_in_dim3A_5959, %broadcast_in_dim3A_5960 : vector<1x128xi1>, vector<1x128xi32>
      %add3A_5962 = arith.addi %add3A_5953, %select_n3A_5961 : vector<1x128xi32>
      %iota3A_5963 = tpu.iota {dimensions = array<i32: 0>} : vector<128x128xi32>
      %iota3A_5964 = tpu.iota {dimensions = array<i32: 1>} : vector<128x128xi32>
      %eq3A_5965 = arith.cmpi eq, %iota3A_5963, %iota3A_5964 : vector<128x128xi32>
      %convert_element_type3A_5966 = arith.sitofp %add3A_5962 : vector<1x128xi32> to vector<1x128xf32>
      %broadcast_in_dim3A_5967 = vector.shape_cast %convert_element_type3A_5966 : vector<1x128xf32> to vector<1x128xf32>
      %broadcast_in_dim3A_5968 = vector.broadcast %broadcast_in_dim3A_5967 : vector<1x128xf32> to vector<128x128xf32>
      %jit3A_5969 = arith.constant 0.000000e+00 : f32
      %broadcast_in_dim3A_5970 = vector.broadcast %jit3A_5969 : f32 to vector<128x128xf32>
      %select_n3A_5971 = arith.select %eq3A_5965, %broadcast_in_dim3A_5968, %broadcast_in_dim3A_5970 : vector<128x128xi1>, vector<128x128xf32>
      %reduce_sum3A_5972 = arith.constant dense<0.000000e+00> : vector<128xf32>
      %reduce_sum3A_5973 = vector.multi_reduction <add>, %select_n3A_5971, %reduce_sum3A_5972 [1] : vector<128x128xf32> to vector<128xf32>
      %broadcast_in_dim3A_5974 = vector.shape_cast %reduce_sum3A_5973 : vector<128xf32> to vector<128x1xf32>
      %convert_element_type3A_5975 = arith.fptosi %broadcast_in_dim3A_5974 : vector<128x1xf32> to vector<128x1xi32>
      %eq3A_5976 = arith.constant 4 : i32
      %eq3A_5977 = vector.broadcast %eq3A_5976 : i32 to vector<128x16xi32>
      %eq3A_5978 = arith.cmpi eq, %iota3A_5516, %eq3A_5977 : vector<128x16xi32>
      %broadcast_in_dim3A_5979 = vector.shape_cast %convert_element_type3A_5975 : vector<128x1xi32> to vector<128x1xi32>
      %broadcast_in_dim3A_5980 = vector.broadcast %broadcast_in_dim3A_5979 : vector<128x1xi32> to vector<128x16xi32>
      %select_n3A_5981 = arith.select %eq3A_5978, %broadcast_in_dim3A_5980, %select_n3A_5888 : vector<128x16xi1>, vector<128x16xi32>
      %broadcast_in_dim3A_5982 = arith.constant 0 : i32
      %broadcast_in_dim3A_5983 = vector.broadcast %broadcast_in_dim3A_5982 : i32 to vector<1x128xi32>
      %eq3A_5984 = arith.constant 5 : i32
      %eq3A_5985 = vector.broadcast %eq3A_5984 : i32 to vector<1x128xi32>
      %eq3A_5986 = arith.cmpi eq, %add3A_5101, %eq3A_5985 : vector<1x128xi32>
      %jit3A_5987 = arith.constant 0 : i32
      %jit3A_5988 = arith.constant 0 : i32
      %broadcast_in_dim3A_5989 = vector.broadcast %jit3A_5987 : i32 to vector<1x128xi32>
      %broadcast_in_dim3A_5990 = vector.broadcast %jit3A_5988 : i32 to vector<1x128xi32>
      %select_n3A_5991 = arith.select %eq3A_5986, %broadcast_in_dim3A_5989, %broadcast_in_dim3A_5990 : vector<1x128xi1>, vector<1x128xi32>
      %add3A_5992 = arith.addi %broadcast_in_dim3A_5983, %select_n3A_5991 : vector<1x128xi32>
      %eq3A_5993 = arith.constant 5 : i32
      %eq3A_5994 = vector.broadcast %eq3A_5993 : i32 to vector<1x128xi32>
      %eq3A_5995 = arith.cmpi eq, %add3A_5153, %eq3A_5994 : vector<1x128xi32>
      %jit3A_5996 = arith.constant 1 : i32
      %jit3A_5997 = arith.constant 0 : i32
      %broadcast_in_dim3A_5998 = vector.broadcast %jit3A_5996 : i32 to vector<1x128xi32>
      %broadcast_in_dim3A_5999 = vector.broadcast %jit3A_5997 : i32 to vector<1x128xi32>
      %select_n3A_6000 = arith.select %eq3A_5995, %broadcast_in_dim3A_5998, %broadcast_in_dim3A_5999 : vector<1x128xi1>, vector<1x128xi32>
      %add3A_6001 = arith.addi %add3A_5992, %select_n3A_6000 : vector<1x128xi32>
      %eq3A_6002 = arith.constant 5 : i32
      %eq3A_6003 = vector.broadcast %eq3A_6002 : i32 to vector<1x128xi32>
      %eq3A_6004 = arith.cmpi eq, %add3A_5208, %eq3A_6003 : vector<1x128xi32>
      %jit3A_6005 = arith.constant 2 : i32
      %jit3A_6006 = arith.constant 0 : i32
      %broadcast_in_dim3A_6007 = vector.broadcast %jit3A_6005 : i32 to vector<1x128xi32>
      %broadcast_in_dim3A_6008 = vector.broadcast %jit3A_6006 : i32 to vector<1x128xi32>
      %select_n3A_6009 = arith.select %eq3A_6004, %broadcast_in_dim3A_6007, %broadcast_in_dim3A_6008 : vector<1x128xi1>, vector<1x128xi32>
      %add3A_6010 = arith.addi %add3A_6001, %select_n3A_6009 : vector<1x128xi32>
      %eq3A_6011 = arith.constant 5 : i32
      %eq3A_6012 = vector.broadcast %eq3A_6011 : i32 to vector<1x128xi32>
      %eq3A_6013 = arith.cmpi eq, %add3A_5265, %eq3A_6012 : vector<1x128xi32>
      %jit3A_6014 = arith.constant 3 : i32
      %jit3A_6015 = arith.constant 0 : i32
      %broadcast_in_dim3A_6016 = vector.broadcast %jit3A_6014 : i32 to vector<1x128xi32>
      %broadcast_in_dim3A_6017 = vector.broadcast %jit3A_6015 : i32 to vector<1x128xi32>
      %select_n3A_6018 = arith.select %eq3A_6013, %broadcast_in_dim3A_6016, %broadcast_in_dim3A_6017 : vector<1x128xi1>, vector<1x128xi32>
      %add3A_6019 = arith.addi %add3A_6010, %select_n3A_6018 : vector<1x128xi32>
      %eq3A_6020 = arith.constant 5 : i32
      %eq3A_6021 = vector.broadcast %eq3A_6020 : i32 to vector<1x128xi32>
      %eq3A_6022 = arith.cmpi eq, %add3A_5324, %eq3A_6021 : vector<1x128xi32>
      %jit3A_6023 = arith.constant 4 : i32
      %jit3A_6024 = arith.constant 0 : i32
      %broadcast_in_dim3A_6025 = vector.broadcast %jit3A_6023 : i32 to vector<1x128xi32>
      %broadcast_in_dim3A_6026 = vector.broadcast %jit3A_6024 : i32 to vector<1x128xi32>
      %select_n3A_6027 = arith.select %eq3A_6022, %broadcast_in_dim3A_6025, %broadcast_in_dim3A_6026 : vector<1x128xi1>, vector<1x128xi32>
      %add3A_6028 = arith.addi %add3A_6019, %select_n3A_6027 : vector<1x128xi32>
      %eq3A_6029 = arith.constant 5 : i32
      %eq3A_6030 = vector.broadcast %eq3A_6029 : i32 to vector<1x128xi32>
      %eq3A_6031 = arith.cmpi eq, %add3A_5385, %eq3A_6030 : vector<1x128xi32>
      %jit3A_6032 = arith.constant 5 : i32
      %jit3A_6033 = arith.constant 0 : i32
      %broadcast_in_dim3A_6034 = vector.broadcast %jit3A_6032 : i32 to vector<1x128xi32>
      %broadcast_in_dim3A_6035 = vector.broadcast %jit3A_6033 : i32 to vector<1x128xi32>
      %select_n3A_6036 = arith.select %eq3A_6031, %broadcast_in_dim3A_6034, %broadcast_in_dim3A_6035 : vector<1x128xi1>, vector<1x128xi32>
      %add3A_6037 = arith.addi %add3A_6028, %select_n3A_6036 : vector<1x128xi32>
      %eq3A_6038 = arith.constant 5 : i32
      %eq3A_6039 = vector.broadcast %eq3A_6038 : i32 to vector<1x128xi32>
      %eq3A_6040 = arith.cmpi eq, %add3A_5448, %eq3A_6039 : vector<1x128xi32>
      %jit3A_6041 = arith.constant 6 : i32
      %jit3A_6042 = arith.constant 0 : i32
      %broadcast_in_dim3A_6043 = vector.broadcast %jit3A_6041 : i32 to vector<1x128xi32>
      %broadcast_in_dim3A_6044 = vector.broadcast %jit3A_6042 : i32 to vector<1x128xi32>
      %select_n3A_6045 = arith.select %eq3A_6040, %broadcast_in_dim3A_6043, %broadcast_in_dim3A_6044 : vector<1x128xi1>, vector<1x128xi32>
      %add3A_6046 = arith.addi %add3A_6037, %select_n3A_6045 : vector<1x128xi32>
      %eq3A_6047 = arith.constant 5 : i32
      %eq3A_6048 = vector.broadcast %eq3A_6047 : i32 to vector<1x128xi32>
      %eq3A_6049 = arith.cmpi eq, %add3A_5513, %eq3A_6048 : vector<1x128xi32>
      %jit3A_6050 = arith.constant 7 : i32
      %jit3A_6051 = arith.constant 0 : i32
      %broadcast_in_dim3A_6052 = vector.broadcast %jit3A_6050 : i32 to vector<1x128xi32>
      %broadcast_in_dim3A_6053 = vector.broadcast %jit3A_6051 : i32 to vector<1x128xi32>
      %select_n3A_6054 = arith.select %eq3A_6049, %broadcast_in_dim3A_6052, %broadcast_in_dim3A_6053 : vector<1x128xi1>, vector<1x128xi32>
      %add3A_6055 = arith.addi %add3A_6046, %select_n3A_6054 : vector<1x128xi32>
      %iota3A_6056 = tpu.iota {dimensions = array<i32: 0>} : vector<128x128xi32>
      %iota3A_6057 = tpu.iota {dimensions = array<i32: 1>} : vector<128x128xi32>
      %eq3A_6058 = arith.cmpi eq, %iota3A_6056, %iota3A_6057 : vector<128x128xi32>
      %convert_element_type3A_6059 = arith.sitofp %add3A_6055 : vector<1x128xi32> to vector<1x128xf32>
      %broadcast_in_dim3A_6060 = vector.shape_cast %convert_element_type3A_6059 : vector<1x128xf32> to vector<1x128xf32>
      %broadcast_in_dim3A_6061 = vector.broadcast %broadcast_in_dim3A_6060 : vector<1x128xf32> to vector<128x128xf32>
      %jit3A_6062 = arith.constant 0.000000e+00 : f32
      %broadcast_in_dim3A_6063 = vector.broadcast %jit3A_6062 : f32 to vector<128x128xf32>
      %select_n3A_6064 = arith.select %eq3A_6058, %broadcast_in_dim3A_6061, %broadcast_in_dim3A_6063 : vector<128x128xi1>, vector<128x128xf32>
      %reduce_sum3A_6065 = arith.constant dense<0.000000e+00> : vector<128xf32>
      %reduce_sum3A_6066 = vector.multi_reduction <add>, %select_n3A_6064, %reduce_sum3A_6065 [1] : vector<128x128xf32> to vector<128xf32>
      %broadcast_in_dim3A_6067 = vector.shape_cast %reduce_sum3A_6066 : vector<128xf32> to vector<128x1xf32>
      %convert_element_type3A_6068 = arith.fptosi %broadcast_in_dim3A_6067 : vector<128x1xf32> to vector<128x1xi32>
      %eq3A_6069 = arith.constant 5 : i32
      %eq3A_6070 = vector.broadcast %eq3A_6069 : i32 to vector<128x16xi32>
      %eq3A_6071 = arith.cmpi eq, %iota3A_5516, %eq3A_6070 : vector<128x16xi32>
      %broadcast_in_dim3A_6072 = vector.shape_cast %convert_element_type3A_6068 : vector<128x1xi32> to vector<128x1xi32>
      %broadcast_in_dim3A_6073 = vector.broadcast %broadcast_in_dim3A_6072 : vector<128x1xi32> to vector<128x16xi32>
      %select_n3A_6074 = arith.select %eq3A_6071, %broadcast_in_dim3A_6073, %select_n3A_5981 : vector<128x16xi1>, vector<128x16xi32>
      %broadcast_in_dim3A_6075 = arith.constant 0 : i32
      %broadcast_in_dim3A_6076 = vector.broadcast %broadcast_in_dim3A_6075 : i32 to vector<1x128xi32>
      %eq3A_6077 = arith.constant 6 : i32
      %eq3A_6078 = vector.broadcast %eq3A_6077 : i32 to vector<1x128xi32>
      %eq3A_6079 = arith.cmpi eq, %add3A_5101, %eq3A_6078 : vector<1x128xi32>
      %jit3A_6080 = arith.constant 0 : i32
      %jit3A_6081 = arith.constant 0 : i32
      %broadcast_in_dim3A_6082 = vector.broadcast %jit3A_6080 : i32 to vector<1x128xi32>
      %broadcast_in_dim3A_6083 = vector.broadcast %jit3A_6081 : i32 to vector<1x128xi32>
      %select_n3A_6084 = arith.select %eq3A_6079, %broadcast_in_dim3A_6082, %broadcast_in_dim3A_6083 : vector<1x128xi1>, vector<1x128xi32>
      %add3A_6085 = arith.addi %broadcast_in_dim3A_6076, %select_n3A_6084 : vector<1x128xi32>
      %eq3A_6086 = arith.constant 6 : i32
      %eq3A_6087 = vector.broadcast %eq3A_6086 : i32 to vector<1x128xi32>
      %eq3A_6088 = arith.cmpi eq, %add3A_5153, %eq3A_6087 : vector<1x128xi32>
      %jit3A_6089 = arith.constant 1 : i32
      %jit3A_6090 = arith.constant 0 : i32
      %broadcast_in_dim3A_6091 = vector.broadcast %jit3A_6089 : i32 to vector<1x128xi32>
      %broadcast_in_dim3A_6092 = vector.broadcast %jit3A_6090 : i32 to vector<1x128xi32>
      %select_n3A_6093 = arith.select %eq3A_6088, %broadcast_in_dim3A_6091, %broadcast_in_dim3A_6092 : vector<1x128xi1>, vector<1x128xi32>
      %add3A_6094 = arith.addi %add3A_6085, %select_n3A_6093 : vector<1x128xi32>
      %eq3A_6095 = arith.constant 6 : i32
      %eq3A_6096 = vector.broadcast %eq3A_6095 : i32 to vector<1x128xi32>
      %eq3A_6097 = arith.cmpi eq, %add3A_5208, %eq3A_6096 : vector<1x128xi32>
      %jit3A_6098 = arith.constant 2 : i32
      %jit3A_6099 = arith.constant 0 : i32
      %broadcast_in_dim3A_6100 = vector.broadcast %jit3A_6098 : i32 to vector<1x128xi32>
      %broadcast_in_dim3A_6101 = vector.broadcast %jit3A_6099 : i32 to vector<1x128xi32>
      %select_n3A_6102 = arith.select %eq3A_6097, %broadcast_in_dim3A_6100, %broadcast_in_dim3A_6101 : vector<1x128xi1>, vector<1x128xi32>
      %add3A_6103 = arith.addi %add3A_6094, %select_n3A_6102 : vector<1x128xi32>
      %eq3A_6104 = arith.constant 6 : i32
      %eq3A_6105 = vector.broadcast %eq3A_6104 : i32 to vector<1x128xi32>
      %eq3A_6106 = arith.cmpi eq, %add3A_5265, %eq3A_6105 : vector<1x128xi32>
      %jit3A_6107 = arith.constant 3 : i32
      %jit3A_6108 = arith.constant 0 : i32
      %broadcast_in_dim3A_6109 = vector.broadcast %jit3A_6107 : i32 to vector<1x128xi32>
      %broadcast_in_dim3A_6110 = vector.broadcast %jit3A_6108 : i32 to vector<1x128xi32>
      %select_n3A_6111 = arith.select %eq3A_6106, %broadcast_in_dim3A_6109, %broadcast_in_dim3A_6110 : vector<1x128xi1>, vector<1x128xi32>
      %add3A_6112 = arith.addi %add3A_6103, %select_n3A_6111 : vector<1x128xi32>
      %eq3A_6113 = arith.constant 6 : i32
      %eq3A_6114 = vector.broadcast %eq3A_6113 : i32 to vector<1x128xi32>
      %eq3A_6115 = arith.cmpi eq, %add3A_5324, %eq3A_6114 : vector<1x128xi32>
      %jit3A_6116 = arith.constant 4 : i32
      %jit3A_6117 = arith.constant 0 : i32
      %broadcast_in_dim3A_6118 = vector.broadcast %jit3A_6116 : i32 to vector<1x128xi32>
      %broadcast_in_dim3A_6119 = vector.broadcast %jit3A_6117 : i32 to vector<1x128xi32>
      %select_n3A_6120 = arith.select %eq3A_6115, %broadcast_in_dim3A_6118, %broadcast_in_dim3A_6119 : vector<1x128xi1>, vector<1x128xi32>
      %add3A_6121 = arith.addi %add3A_6112, %select_n3A_6120 : vector<1x128xi32>
      %eq3A_6122 = arith.constant 6 : i32
      %eq3A_6123 = vector.broadcast %eq3A_6122 : i32 to vector<1x128xi32>
      %eq3A_6124 = arith.cmpi eq, %add3A_5385, %eq3A_6123 : vector<1x128xi32>
      %jit3A_6125 = arith.constant 5 : i32
      %jit3A_6126 = arith.constant 0 : i32
      %broadcast_in_dim3A_6127 = vector.broadcast %jit3A_6125 : i32 to vector<1x128xi32>
      %broadcast_in_dim3A_6128 = vector.broadcast %jit3A_6126 : i32 to vector<1x128xi32>
      %select_n3A_6129 = arith.select %eq3A_6124, %broadcast_in_dim3A_6127, %broadcast_in_dim3A_6128 : vector<1x128xi1>, vector<1x128xi32>
      %add3A_6130 = arith.addi %add3A_6121, %select_n3A_6129 : vector<1x128xi32>
      %eq3A_6131 = arith.constant 6 : i32
      %eq3A_6132 = vector.broadcast %eq3A_6131 : i32 to vector<1x128xi32>
      %eq3A_6133 = arith.cmpi eq, %add3A_5448, %eq3A_6132 : vector<1x128xi32>
      %jit3A_6134 = arith.constant 6 : i32
      %jit3A_6135 = arith.constant 0 : i32
      %broadcast_in_dim3A_6136 = vector.broadcast %jit3A_6134 : i32 to vector<1x128xi32>
      %broadcast_in_dim3A_6137 = vector.broadcast %jit3A_6135 : i32 to vector<1x128xi32>
      %select_n3A_6138 = arith.select %eq3A_6133, %broadcast_in_dim3A_6136, %broadcast_in_dim3A_6137 : vector<1x128xi1>, vector<1x128xi32>
      %add3A_6139 = arith.addi %add3A_6130, %select_n3A_6138 : vector<1x128xi32>
      %eq3A_6140 = arith.constant 6 : i32
      %eq3A_6141 = vector.broadcast %eq3A_6140 : i32 to vector<1x128xi32>
      %eq3A_6142 = arith.cmpi eq, %add3A_5513, %eq3A_6141 : vector<1x128xi32>
      %jit3A_6143 = arith.constant 7 : i32
      %jit3A_6144 = arith.constant 0 : i32
      %broadcast_in_dim3A_6145 = vector.broadcast %jit3A_6143 : i32 to vector<1x128xi32>
      %broadcast_in_dim3A_6146 = vector.broadcast %jit3A_6144 : i32 to vector<1x128xi32>
      %select_n3A_6147 = arith.select %eq3A_6142, %broadcast_in_dim3A_6145, %broadcast_in_dim3A_6146 : vector<1x128xi1>, vector<1x128xi32>
      %add3A_6148 = arith.addi %add3A_6139, %select_n3A_6147 : vector<1x128xi32>
      %iota3A_6149 = tpu.iota {dimensions = array<i32: 0>} : vector<128x128xi32>
      %iota3A_6150 = tpu.iota {dimensions = array<i32: 1>} : vector<128x128xi32>
      %eq3A_6151 = arith.cmpi eq, %iota3A_6149, %iota3A_6150 : vector<128x128xi32>
      %convert_element_type3A_6152 = arith.sitofp %add3A_6148 : vector<1x128xi32> to vector<1x128xf32>
      %broadcast_in_dim3A_6153 = vector.shape_cast %convert_element_type3A_6152 : vector<1x128xf32> to vector<1x128xf32>
      %broadcast_in_dim3A_6154 = vector.broadcast %broadcast_in_dim3A_6153 : vector<1x128xf32> to vector<128x128xf32>
      %jit3A_6155 = arith.constant 0.000000e+00 : f32
      %broadcast_in_dim3A_6156 = vector.broadcast %jit3A_6155 : f32 to vector<128x128xf32>
      %select_n3A_6157 = arith.select %eq3A_6151, %broadcast_in_dim3A_6154, %broadcast_in_dim3A_6156 : vector<128x128xi1>, vector<128x128xf32>
      %reduce_sum3A_6158 = arith.constant dense<0.000000e+00> : vector<128xf32>
      %reduce_sum3A_6159 = vector.multi_reduction <add>, %select_n3A_6157, %reduce_sum3A_6158 [1] : vector<128x128xf32> to vector<128xf32>
      %broadcast_in_dim3A_6160 = vector.shape_cast %reduce_sum3A_6159 : vector<128xf32> to vector<128x1xf32>
      %convert_element_type3A_6161 = arith.fptosi %broadcast_in_dim3A_6160 : vector<128x1xf32> to vector<128x1xi32>
      %eq3A_6162 = arith.constant 6 : i32
      %eq3A_6163 = vector.broadcast %eq3A_6162 : i32 to vector<128x16xi32>
      %eq3A_6164 = arith.cmpi eq, %iota3A_5516, %eq3A_6163 : vector<128x16xi32>
      %broadcast_in_dim3A_6165 = vector.shape_cast %convert_element_type3A_6161 : vector<128x1xi32> to vector<128x1xi32>
      %broadcast_in_dim3A_6166 = vector.broadcast %broadcast_in_dim3A_6165 : vector<128x1xi32> to vector<128x16xi32>
      %select_n3A_6167 = arith.select %eq3A_6164, %broadcast_in_dim3A_6166, %select_n3A_6074 : vector<128x16xi1>, vector<128x16xi32>
      %broadcast_in_dim3A_6168 = arith.constant 0 : i32
      %broadcast_in_dim3A_6169 = vector.broadcast %broadcast_in_dim3A_6168 : i32 to vector<1x128xi32>
      %eq3A_6170 = arith.constant 7 : i32
      %eq3A_6171 = vector.broadcast %eq3A_6170 : i32 to vector<1x128xi32>
      %eq3A_6172 = arith.cmpi eq, %add3A_5101, %eq3A_6171 : vector<1x128xi32>
      %jit3A_6173 = arith.constant 0 : i32
      %jit3A_6174 = arith.constant 0 : i32
      %broadcast_in_dim3A_6175 = vector.broadcast %jit3A_6173 : i32 to vector<1x128xi32>
      %broadcast_in_dim3A_6176 = vector.broadcast %jit3A_6174 : i32 to vector<1x128xi32>
      %select_n3A_6177 = arith.select %eq3A_6172, %broadcast_in_dim3A_6175, %broadcast_in_dim3A_6176 : vector<1x128xi1>, vector<1x128xi32>
      %add3A_6178 = arith.addi %broadcast_in_dim3A_6169, %select_n3A_6177 : vector<1x128xi32>
      %eq3A_6179 = arith.constant 7 : i32
      %eq3A_6180 = vector.broadcast %eq3A_6179 : i32 to vector<1x128xi32>
      %eq3A_6181 = arith.cmpi eq, %add3A_5153, %eq3A_6180 : vector<1x128xi32>
      %jit3A_6182 = arith.constant 1 : i32
      %jit3A_6183 = arith.constant 0 : i32
      %broadcast_in_dim3A_6184 = vector.broadcast %jit3A_6182 : i32 to vector<1x128xi32>
      %broadcast_in_dim3A_6185 = vector.broadcast %jit3A_6183 : i32 to vector<1x128xi32>
      %select_n3A_6186 = arith.select %eq3A_6181, %broadcast_in_dim3A_6184, %broadcast_in_dim3A_6185 : vector<1x128xi1>, vector<1x128xi32>
      %add3A_6187 = arith.addi %add3A_6178, %select_n3A_6186 : vector<1x128xi32>
      %eq3A_6188 = arith.constant 7 : i32
      %eq3A_6189 = vector.broadcast %eq3A_6188 : i32 to vector<1x128xi32>
      %eq3A_6190 = arith.cmpi eq, %add3A_5208, %eq3A_6189 : vector<1x128xi32>
      %jit3A_6191 = arith.constant 2 : i32
      %jit3A_6192 = arith.constant 0 : i32
      %broadcast_in_dim3A_6193 = vector.broadcast %jit3A_6191 : i32 to vector<1x128xi32>
      %broadcast_in_dim3A_6194 = vector.broadcast %jit3A_6192 : i32 to vector<1x128xi32>
      %select_n3A_6195 = arith.select %eq3A_6190, %broadcast_in_dim3A_6193, %broadcast_in_dim3A_6194 : vector<1x128xi1>, vector<1x128xi32>
      %add3A_6196 = arith.addi %add3A_6187, %select_n3A_6195 : vector<1x128xi32>
      %eq3A_6197 = arith.constant 7 : i32
      %eq3A_6198 = vector.broadcast %eq3A_6197 : i32 to vector<1x128xi32>
      %eq3A_6199 = arith.cmpi eq, %add3A_5265, %eq3A_6198 : vector<1x128xi32>
      %jit3A_6200 = arith.constant 3 : i32
      %jit3A_6201 = arith.constant 0 : i32
      %broadcast_in_dim3A_6202 = vector.broadcast %jit3A_6200 : i32 to vector<1x128xi32>
      %broadcast_in_dim3A_6203 = vector.broadcast %jit3A_6201 : i32 to vector<1x128xi32>
      %select_n3A_6204 = arith.select %eq3A_6199, %broadcast_in_dim3A_6202, %broadcast_in_dim3A_6203 : vector<1x128xi1>, vector<1x128xi32>
      %add3A_6205 = arith.addi %add3A_6196, %select_n3A_6204 : vector<1x128xi32>
      %eq3A_6206 = arith.constant 7 : i32
      %eq3A_6207 = vector.broadcast %eq3A_6206 : i32 to vector<1x128xi32>
      %eq3A_6208 = arith.cmpi eq, %add3A_5324, %eq3A_6207 : vector<1x128xi32>
      %jit3A_6209 = arith.constant 4 : i32
      %jit3A_6210 = arith.constant 0 : i32
      %broadcast_in_dim3A_6211 = vector.broadcast %jit3A_6209 : i32 to vector<1x128xi32>
      %broadcast_in_dim3A_6212 = vector.broadcast %jit3A_6210 : i32 to vector<1x128xi32>
      %select_n3A_6213 = arith.select %eq3A_6208, %broadcast_in_dim3A_6211, %broadcast_in_dim3A_6212 : vector<1x128xi1>, vector<1x128xi32>
      %add3A_6214 = arith.addi %add3A_6205, %select_n3A_6213 : vector<1x128xi32>
      %eq3A_6215 = arith.constant 7 : i32
      %eq3A_6216 = vector.broadcast %eq3A_6215 : i32 to vector<1x128xi32>
      %eq3A_6217 = arith.cmpi eq, %add3A_5385, %eq3A_6216 : vector<1x128xi32>
      %jit3A_6218 = arith.constant 5 : i32
      %jit3A_6219 = arith.constant 0 : i32
      %broadcast_in_dim3A_6220 = vector.broadcast %jit3A_6218 : i32 to vector<1x128xi32>
      %broadcast_in_dim3A_6221 = vector.broadcast %jit3A_6219 : i32 to vector<1x128xi32>
      %select_n3A_6222 = arith.select %eq3A_6217, %broadcast_in_dim3A_6220, %broadcast_in_dim3A_6221 : vector<1x128xi1>, vector<1x128xi32>
      %add3A_6223 = arith.addi %add3A_6214, %select_n3A_6222 : vector<1x128xi32>
      %eq3A_6224 = arith.constant 7 : i32
      %eq3A_6225 = vector.broadcast %eq3A_6224 : i32 to vector<1x128xi32>
      %eq3A_6226 = arith.cmpi eq, %add3A_5448, %eq3A_6225 : vector<1x128xi32>
      %jit3A_6227 = arith.constant 6 : i32
      %jit3A_6228 = arith.constant 0 : i32
      %broadcast_in_dim3A_6229 = vector.broadcast %jit3A_6227 : i32 to vector<1x128xi32>
      %broadcast_in_dim3A_6230 = vector.broadcast %jit3A_6228 : i32 to vector<1x128xi32>
      %select_n3A_6231 = arith.select %eq3A_6226, %broadcast_in_dim3A_6229, %broadcast_in_dim3A_6230 : vector<1x128xi1>, vector<1x128xi32>
      %add3A_6232 = arith.addi %add3A_6223, %select_n3A_6231 : vector<1x128xi32>
      %eq3A_6233 = arith.constant 7 : i32
      %eq3A_6234 = vector.broadcast %eq3A_6233 : i32 to vector<1x128xi32>
      %eq3A_6235 = arith.cmpi eq, %add3A_5513, %eq3A_6234 : vector<1x128xi32>
      %jit3A_6236 = arith.constant 7 : i32
      %jit3A_6237 = arith.constant 0 : i32
      %broadcast_in_dim3A_6238 = vector.broadcast %jit3A_6236 : i32 to vector<1x128xi32>
      %broadcast_in_dim3A_6239 = vector.broadcast %jit3A_6237 : i32 to vector<1x128xi32>
      %select_n3A_6240 = arith.select %eq3A_6235, %broadcast_in_dim3A_6238, %broadcast_in_dim3A_6239 : vector<1x128xi1>, vector<1x128xi32>
      %add3A_6241 = arith.addi %add3A_6232, %select_n3A_6240 : vector<1x128xi32>
      %iota3A_6242 = tpu.iota {dimensions = array<i32: 0>} : vector<128x128xi32>
      %iota3A_6243 = tpu.iota {dimensions = array<i32: 1>} : vector<128x128xi32>
      %eq3A_6244 = arith.cmpi eq, %iota3A_6242, %iota3A_6243 : vector<128x128xi32>
      %convert_element_type3A_6245 = arith.sitofp %add3A_6241 : vector<1x128xi32> to vector<1x128xf32>
      %broadcast_in_dim3A_6246 = vector.shape_cast %convert_element_type3A_6245 : vector<1x128xf32> to vector<1x128xf32>
      %broadcast_in_dim3A_6247 = vector.broadcast %broadcast_in_dim3A_6246 : vector<1x128xf32> to vector<128x128xf32>
      %jit3A_6248 = arith.constant 0.000000e+00 : f32
      %broadcast_in_dim3A_6249 = vector.broadcast %jit3A_6248 : f32 to vector<128x128xf32>
      %select_n3A_6250 = arith.select %eq3A_6244, %broadcast_in_dim3A_6247, %broadcast_in_dim3A_6249 : vector<128x128xi1>, vector<128x128xf32>
      %reduce_sum3A_6251 = arith.constant dense<0.000000e+00> : vector<128xf32>
      %reduce_sum3A_6252 = vector.multi_reduction <add>, %select_n3A_6250, %reduce_sum3A_6251 [1] : vector<128x128xf32> to vector<128xf32>
      %broadcast_in_dim3A_6253 = vector.shape_cast %reduce_sum3A_6252 : vector<128xf32> to vector<128x1xf32>
      %convert_element_type3A_6254 = arith.fptosi %broadcast_in_dim3A_6253 : vector<128x1xf32> to vector<128x1xi32>
      %eq3A_6255 = arith.constant 7 : i32
      %eq3A_6256 = vector.broadcast %eq3A_6255 : i32 to vector<128x16xi32>
      %eq3A_6257 = arith.cmpi eq, %iota3A_5516, %eq3A_6256 : vector<128x16xi32>
      %broadcast_in_dim3A_6258 = vector.shape_cast %convert_element_type3A_6254 : vector<128x1xi32> to vector<128x1xi32>
      %broadcast_in_dim3A_6259 = vector.broadcast %broadcast_in_dim3A_6258 : vector<128x1xi32> to vector<128x16xi32>
      %select_n3A_6260 = arith.select %eq3A_6257, %broadcast_in_dim3A_6259, %select_n3A_6167 : vector<128x16xi1>, vector<128x16xi32>
      %swap3A_6261 = arith.constant 0 : index
      %swap3A_6262 = arith.constant 0 : index
      %swap3A_6263 = vector.load %arg3[%swap3A_6261, %swap3A_6262] : memref<128x16xi32, #tpu.memory_space<vmem>>, vector<128x16xi32>
      tpu.vector_store %arg3[%swap3A_6261, %swap3A_6262], %select_n3A_6260 {strides = array<i32>} : memref<128x16xi32, #tpu.memory_space<vmem>>, vector<128x16xi32>,
    } else {
    }
    return
  }
  func.func @transform_0(%arg0: i32) -> (i32, i32, i32) {
    %c0_i32 = arith.constant 0 : i32
    %c0_i32_0 = arith.constant 0 : i32
    %c0_i32_1 = arith.constant 0 : i32
    return %arg0, %c0_i32, %c0_i32_0 : i32, i32, i32
  }
  func.func @transform_1(%arg0: i32) -> (i32, i32, i32) {
    %c0_i32 = arith.constant 0 : i32
    %c0_i32_0 = arith.constant 0 : i32
    %c0_i32_1 = arith.constant 0 : i32
    %c0_i32_2 = arith.constant 0 : i32
    return %c0_i32, %c0_i32_0, %c0_i32_1 : i32, i32, i32
  }
  func.func @transform_2(%arg0: i32) -> (i32, i32) {
    %c0_i32 = arith.constant 0 : i32
    %c0_i32_0 = arith.constant 0 : i32
    %c0_i32_1 = arith.constant 0 : i32
    return %c0_i32, %c0_i32_0 : i32, i32
  }
}

</mosaic_0001>

<sc_bundles>
// kernel: kernel.4.cloned.1.call-start
scs
__scs_entry_jumppad:
0x0: {  	(pc) =	sbr.rel $0x88, $3  }
0x1: {  	(tag) =	ssettag $0x0;
	lr =	simm.s32 $0x1  }
0x2: {  	[smem:$0x3F9F] =	sst lr;
	_ =	strace $0xD0000000  }
0x3: {  	_ = 	snop  }
0x4: {  	_ = 	snop  }
0x5: {  	_ = 	snop  }
0x6: {  	_ = 	snop  }
0x7: {  	_ = 	snop  }
__scs_overlays_trampoline_lowered:
0x8: {  	[smem:$0x3FAE] =	sst s0  }
0x9: {  	[smem:$0x3FAF] =	sst s1  }
0xa: {  	[smem:$0x3FB0] =	sst s2  }
0xb: {  	[smem:$0x3FB1] =	sst s3  }
0xc: {  	[smem:$0x3FB2] =	sst s4  }
0xd: {  	[smem:$0x3FB3] =	sst s5  }
0xe: {  	[smem:$0x3FB4] =	sst s6  }
0xf: {  	[smem:$0x3FB5] =	sst s7  }
0x10: {  	[smem:$0x3FB6] =	sst s8  }
0x11: {  	[smem:$0x3FB7] =	sst s9;
	s0 =	simm.s32 @!p0 $0x0  }
0x12: {  	s1 =	sld [smem:$0x3F9D];
	s0 =	simm.s32 @p0 $0x1  }
0x13: {  	[smem:$0x3FB8] =	sst s0;
	s0 =	simm.s32 @!p1 $0x0  }
0x14: {  	s2 =	sld [smem:$0x3F9C];
	s0 =	simm.s32 @p1 $0x1  }
0x15: {  	[smem:$0x3FB9] =	sst s0;
	s0 =	simm.s32 @!p2 $0x0  }
0x16: {  	s3 =	sld [smem:$0x3FDB];
	s0 =	simm.s32 @p2 $0x1  }
0x17: {  	s4 =	simm.s32 $0x1BF5;
	[smem:$0x3FBB] =	sst s0  }
0x18: {  	s0 =	sld [smem:$0x3F9E];
	_ =	swait.ge [sflag:s4], $0x0  }
0x19: {  	s7 =	sld [smem:$0x3F9F]  }
0x1a: {  	s8 =	sadd.s32 $0xFFFFE003, lr  }
0x1b: {  	s9 =	sadd.s32 $0xFFFFFEF7, lr;
	s5 =	simm.s32 $0xFFFFFFFF;
	p2 =	slt.u32 s8, $0xFFFFF086  }
0x1c: {  	p1 =	slt.u32 s9, $0xF7A;
	s5 =	simm.s32 @!p2 $0x0  }
0x1d: {  	s5 =	simm.s32 @p1 $0x1;
	p0 =	seq.s32 s7, s2  }
0x1e: {  	s7 =	smul.u32 @!p0 $0xF7A, s2;
	p2 =	seq.s32 @!p0 s5, $0x0  }
0x1f: {  	s9 =	smul.u32 $0xF7A, s1;
	s8 =	simm.s32 @!p0 $0x1BF5;
	p2 =	por !p2, p0  }
0x20: {  	[sflag:s8] =	ssyncset.s32 @!p0 $0xFFFFF086;
	s6 =	sadd.s32 @!p0 s3, s7;
	s7 =	simm.s32 @!p0 $0x108  }
0x21: {  	s3 =	sadd.s32 s3, s9;
	s6 =	sadd.s32 @!p0 $0x88, s6;
	s7 =	simm.s32 @p2 $0x1082  }
0x22: {  	[simem:s7], [sflag:s8] =	dma.local @!p0 [hbm:s6], $0xF7A  }
0x23: {  	s9 =	sor.u32 $0xD0000000, s2;
	s6 =	simm.s32 $0x108;
	_ =	swait.ge @!p0 [sflag:s8], $0x0  }
0x24: {  	s3 =	sadd.s32 $0x88, s3;
	s6 =	simm.s32 @!p1 $0x1082;
	[sflag:s4] =	ssyncset.s32 $0xFFFFF086  }
0x25: {  	[simem:s6], [sflag:s4] =	dma.local [hbm:s3], $0xF7A  }
0x26: {  	[smem:$0x3F9F] =	sst s1;
	(tag) =	ssettag s2;
	_ =	strace s9  }
0x27: {  	s1 =	sld [smem:$0x3FAF]  }
0x28: {  	s2 =	sld [smem:$0x3FB0]  }
0x29: {  	s4 =	sld [smem:$0x3FB2]  }
0x2a: {  	p0 =	seq.s32 s5, $0x0;
	s5 =	sld [smem:$0x3FB3]  }
0x2b: {  	s6 =	sld [smem:$0x3FB4]  }
0x2c: {  	s7 =	sld [smem:$0x3FB5]  }
0x2d: {  	s3 =	simm.s32 $0x108;
	s8 =	sld [smem:$0x3FB6]  }
0x2e: {  	s3 =	simm.s32 @!p0 $0x1082;
	s9 =	sld [smem:$0x3FB7]  }
0x2f: {  	lr =	sadd.s32 s0, s3;
	s0 =	sld [smem:$0x3FAE]  }
0x30: {  	s3 =	sld [smem:$0x3FB1]  }
0x31: {  	[smem:$0x3FBA] =	sst s10  }
0x32: {  	s10 =	sld [smem:$0x3FB8];
	_ =	sdelay $0x3  }
0x33: {  	p0 =	seq.s32 s10, $0x1;
	s10 =	sld [smem:$0x3FBA];
	_ =	sdelay $0x3  }
0x34: {  	[smem:$0x3FBA] =	sst s10  }
0x35: {  	s10 =	sld [smem:$0x3FB9];
	_ =	sdelay $0x3  }
0x36: {  	p1 =	seq.s32 s10, $0x1;
	s10 =	sld [smem:$0x3FBA];
	_ =	sdelay $0x3  }
0x37: {  	[smem:$0x3FBA] =	sst s10  }
0x38: {  	s10 =	sld [smem:$0x3FBB]  }
0x39: {  	_ = 	snop;
	(pc) =	sbr.ind lr, $3  }
0x3a: {  	_ = 	snop  }
0x3b: {  	_ = 	snop  }
0x3c: {  	p2 =	seq.s32 s10, $0x1;
	s10 =	sld [smem:$0x3FBA]  }
0x3d: {  	_ =	shalt  }
0x3e: {  	_ =	shalt  }
0x3f: {  	_ =	shalt  }
0x40: {  	_ =	shalt  }
0x41: {  	_ =	shalt  }
0x42: {  	_ =	shalt  }
0x43: {  	_ =	shalt  }
0x44: {  	_ =	shalt  }
0x45: {  	_ =	shalt  }
0x46: {  	_ =	shalt  }
0x47: {  	_ =	shalt  }
0x48: {  	_ =	shalt  }
0x49: {  	_ =	shalt  }
0x4a: {  	_ =	shalt  }
0x4b: {  	_ =	shalt  }
0x4c: {  	_ =	shalt  }
0x4d: {  	_ =	shalt  }
0x4e: {  	_ =	shalt  }
0x4f: {  	_ =	shalt  }
0x50: {  	_ =	shalt  }
0x51: {  	_ =	shalt  }
0x52: {  	_ =	shalt  }
0x53: {  	_ =	shalt  }
0x54: {  	_ =	shalt  }
0x55: {  	_ =	shalt  }
0x56: {  	_ =	shalt  }
0x57: {  	_ =	shalt  }
0x58: {  	_ =	shalt  }
0x59: {  	_ =	shalt  }
0x5a: {  	_ =	shalt  }
0x5b: {  	_ =	shalt  }
0x5c: {  	_ =	shalt  }
0x5d: {  	_ =	shalt  }
0x5e: {  	_ =	shalt  }
0x5f: {  	_ =	shalt  }
0x60: {  	_ =	shalt  }
0x61: {  	_ =	shalt  }
0x62: {  	_ =	shalt  }
0x63: {  	_ =	shalt  }
0x64: {  	_ =	shalt  }
0x65: {  	_ =	shalt  }
0x66: {  	_ =	shalt  }
0x67: {  	_ =	shalt  }
0x68: {  	_ =	shalt  }
0x69: {  	_ =	shalt  }
0x6a: {  	_ =	shalt  }
0x6b: {  	_ =	shalt  }
0x6c: {  	_ =	shalt  }
0x6d: {  	_ =	shalt  }
0x6e: {  	_ =	shalt  }
0x6f: {  	_ =	shalt  }
0x70: {  	_ =	shalt  }
0x71: {  	_ =	shalt  }
0x72: {  	_ =	shalt  }
0x73: {  	_ =	shalt  }
0x74: {  	_ =	shalt  }
0x75: {  	_ =	shalt  }
0x76: {  	_ =	shalt  }
0x77: {  	_ =	shalt  }
0x78: {  	_ =	shalt  }
0x79: {  	_ =	shalt  }
0x7a: {  	_ =	shalt  }
0x7b: {  	_ =	shalt  }
0x7c: {  	_ =	shalt  }
0x7d: {  	_ =	shalt  }
0x7e: {  	_ =	shalt  }
0x7f: {  	_ =	shalt  }
0x80: {  	_ =	shalt  }
0x81: {  	_ =	shalt  }
0x82: {  	_ =	shalt  }
0x83: {  	_ =	shalt  }
0x84: {  	_ =	shalt  }
0x85: {  	_ =	shalt  }
0x86: {  	_ =	shalt  }
0x87: {  	_ =	shalt  }
.Lfunc_end0:
.L_simem_size_0:
called_computation_lowered:
.L_overlay_start_0:
0x88: {  	s2 =	sld [smem:$0x3FD9]  }
0x89: {  	s3 =	sld [smem:$0x3FFE];
	_ =	sdelay $0x1  }
0x8a: {  	s1 =	srdreg.scid  }
0x8b: {  	s0 =	sand.u32 $0x1, s1  }
0x8c: {  	s17 =	sshll.u32 s0, $0xA;
	s2 =	sadd.s32 s3, s2  }
0x8d: {  	s2 =	sadd.s32 s2, s17  }
0x8e: {  	[smem:$0x3FC6] =	sst s2  }
0x8f: {  	_ = 	snop  }
0x90: {  	s2 =	sld [smem:$0x3FD0];
	(tm) =	ssettm $0x1  }
0x91: {  	s18 =	sld [smem:$0x3FFB];
	_ =	sdelay $0x3  }
0x92: {  	_ =	strace s18  }
0x93: {  	s3 =	sld [smem:$0x3FFC];
	_ =	sdelay $0x3  }
0x94: {  	_ =	strace s3  }
0x95: {  	s3 =	sld [smem:$0x3FFD];
	_ =	sdelay $0x3  }
0x96: {  	_ =	strace s3  }
0x97: {  	_ =	strace $0x8FFFFFFF  }
0x98: {  	s19 =	sld [smem:$0x3FDB];
	_ =	sdelay $0x1  }
0x99: {  	s4 =	simm.s32 $_scs_section_size  }
0x9a: {  	s5 =	simm.s32 $_size__tile_overlayer_lowered;
	s6 =	simm.s32 $_tile_overlayer_lowered  }
0x9b: {  	s22 =	simm.s32 $0x1BFF;
	s21 =	sshll.u32 s6, $0x1;
	s3 =	sadd.s32 s4, s19  }
0x9c: {  	s7 =	simm.s32 $0x0;
	s20 =	sshll.u32 s5, $0x1;
	s5 =	sadd.s32 s21, s3  }
0x9d: {  	[timem:s7], [sflag:s22] =	dma.local [hbm:s5], s20  }
0x9e: {  	_ =	swait.ge [sflag:s22], s20  }
0x9f: {  	s4 =	ssub.s32 $0x0, s20;
	[sflag:s22] =	ssyncset.done $0x0  }
0xa0: {  	[sflag:s22] =	ssyncadd.s32 s4;
	_ =	sdelay $0x1  }
0xa1: {  	s23 =	simm.s32 $0x1B8B  }
0xa2: {  	_ =	swait.ge [sflag:s23], $0x1  }
0xa3: {  	[sflag:s23] =	ssyncset.done $0x0  }
0xa4: {  	s25 =	simm.s32 $0x1B8E;
	s24 =	sld [smem:$0x3FFE];
	[sflag:s23] =	ssyncadd.s32 $0xFFFFFFFF  }
0xa5: {  	s26 =	simm.s32 $execute0_lowered;
	[smem:$0x3FD2] =	sst s25  }
0xa6: {  	s5 =	sshll.u32 s26, $0x1;
	_ =	strace $0x80000046;
	[dreg:$0x1] =	wrdreg $0xFFFFFFFF  }
0xa7: {  	s28 =	simm.s32 $_size_execute0_lowered;
	s3 =	sadd.s32 s3, s5;
	[dreg:$0x0] =	wrdreg $0x0  }
0xa8: {  	s5 =	sshll.u32 s28, $0x1;
	[dreg:$0x2] =	wrdreg s3  }
0xa9: {  	[dreg:$0x3] =	wrdreg s5  }
0xaa: {  	[dreg:$0x4] =	wrdreg $0xC0  }
0xab: {  	_ =	task [dreg:s7], $0x5FFFF  }
0xac: {  	[dreg:$0x1] =	wrdreg $0xFFFFFFFF  }
0xad: {  	[dreg:$0x0] =	wrdreg $0x60  }
0xae: {  	[dreg:$0x2] =	wrdreg s24  }
0xaf: {  	[dreg:$0x3] =	wrdreg s2  }
0xb0: {  	[dreg:$0x4] =	wrdreg $0x9  }
0xb1: {  	_ =	task.clear_ibuf [dreg:s7], $0x5FFFF;
	_ =	strace $0x90000046  }
0xb2: {  	s29 =	simm.s32 $0x9;
	_ =	strace $0x80000048  }
0xb3: {  	_ =	swait.ge [sflag:s29], $0x1  }
0xb4: {  	[sflag:s29] =	ssyncadd.s32 $0xFFFFFFFF  }
0xb5: {  	_ =	strace $0x90000048  }
0xb6: {  	_ =	sfence  }
0xb7: {  	s30 =	sld [smem:$0x0];
	_ =	sdelay $0x2  }
0xb8: {  	s31 =	sshll.u32 s1, $0xD;
	s1 =	sshrl.u32 s1, $0x2  }
0xb9: {  	s3 =	sand.u32 $0x4000, s31;
	s1 =	sadd.s32 s1, s30  }
0xba: {  	s0 =	sor.u32 s3, s0;
	s1 =	sshll.u32 s1, $0x11  }
0xbb: {  	s0 =	sor.u32 s1, s0  }
0xbc: {  	s0 =	sadd.s32 $0x8F2B, s0  }
0xbd: {  	[sflag:s0] =	ssyncadd.remote.s32 $0x1  }
0xbe: {  	_ =	sfence.sel $0xFFFF  }
0xbf: {  	[dreg:$0x0] =	wrdreg $0xFFFFFFFF;
	(pc) =	sbr.abs _section_cstart, $3  }
0xc0: {  	[dreg:$0x1] =	wrdreg $0xFFFFFFFF  }
0xc1: {  	_ =	task.clear_ibuf [dreg:s7], $0x2FFFF;
	_ =	strace $0x9FFFFFFF  }
0xc2: {  	(tm) =	ssettm $0x7FFFFFFF  }
0xc3: {  	_ =	shalt  }
tec
execute0_lowered:
.L_overlay_start_1:
0x0: {  	(tag) =	ssettag $0x1  }
0x1: {  	s0 =	srdreg.scid  }
0x2: {  	s4 =	sand.u32 $0x1, s0;
	s0 =	stileid.u32  }
0x3: {  	s5 =	sor.u32 s0, s4  }
0x4: {  	p0 =	sne.s32 s5, $0x0  }
.Ltmp0:
0x5: {  	_ = 	snop;
	(pc) =	sbr.rel @p0 .LBB2_5-.Ltmp0, $4  }
0x6: {  	_ = 	snop  }
0x7: {  	s3 =	rddreg [dreg:$0x0]  }
0x8: {  	s2 =	rddreg [dreg:$0x1]  }
0x9: {  	s1 =	rddreg [dreg:$0x2];
	_ =	strace $0x80000047  }
0xa: {  	s4 =	ssub.s32 $0x2, s4;
	s3 =	sadd.s32 $0x800, s3;
	s6 =	simm.s32 $0x1  }
0xb: {  	v0 =	vimm.s32 $0x0;
	s7 =	simm.s32 $0x4000;
	s8 =	simm.s32 $0x4080;
	s5 =	sshrl.u32 s4, $0x1  }
0xc: {  	vm0 =	vmmov $0xff;
	v1 =	vlaneseq.u32;
	v2 =	vimm.s32 $0x1;
	s9 =	simm.s32 $0x0;
	s4 =	ssub.s32 s4, s5;
	s5 =	simm.s32 $0x0  }
.LBB2_2:
0xd: {  	[tilespmem:s5], [sflag:$0x1] =	stream.linear.gather [hbm4b:s3+s5], $0x4000, $0x38;
	[tilespmem:$0x4100] =	vst v63  }
0xe: {  	_ =	swait.ge [sflag:s6], $0x4000  }
0xf: {  	[sflag:s6] =	ssyncset.done $0x0  }
0x10: {  	[sflag:s6] =	ssyncadd.s32 $0xFFFFC000  }
0x11: {  	[tilespmem:$0x4000] =	vst v0  }
0x12: {  	s11 =	simm.s32 $0x1;
	s10 =	simm.s32 $0x0;
	s12 =	simm.s32 $0x0;
	v3 =	vld [tilespmem:s5+$0x0]  }
.LBB2_3:
0x13: {  	p0 =	sne.s32 s11, $0x7F;
	_ =	sdelay $0x6  }
0x14: {  	v4 =	vld.idx.msk [tilespmem:v3+s7+$0x0], $0xffff;
	_ =	sdelay $0x5  }
0x15: {  	vm1 =	vlt.s32 v4, $0x10  }
0x16: {  	vm1 =	vmand vm1, vm0  }
0x17: {  	v4 =	vmctz.xlane vm1;
	_ =	sdelay $0x1  }
0x18: {  	vm1 =	veq.s32 v4, v1  }
0x19: {  	v4 =	vnsel vm1, $0x0, v3  }
0x1a: {  	(xrf0) =	vadd.scan.msk.s32 $0xffff, v4;
	_ =	sdelay $0x3  }
0x1b: {  	v4 =	vmov s10;
	s10 =	smov.u32 s11;
	_ =	sdelay $0x1  }
.Ltmp1:
0x1c: {  	v5, _, _ =	vpop (xrf0);
	(pc) =	sbr.rel @p0 .LBB2_3-.Ltmp1, $4  }
0x1d: {  	v5 =	vbroadcast v5, $0xF  }
0x1e: {  	[tilespmem:v3+s7+$0x0] =	vst.idx.add.s32.msk vm1, v2  }
0x1f: {  	s12 =	sadd.s32 $0x80, s12;
	[tilespmem:v4+s8+$0x0] =	vst.idx.msk $0x1, v5  }
0x20: {  	s11 =	sadd.s32 $0x1, s11;
	v3 =	vld [tilespmem:s12+$0x0]  }
0x21: {  	_ =	sdelay $0x7  }
0x22: {  	v4 =	vld.idx.msk [tilespmem:v3+s7+$0x0], $0xffff;
	_ =	sdelay $0x4  }
0x23: {  	vm1 =	vlt.s32 v4, $0x10  }
0x24: {  	vm1 =	vmand vm1, vm0  }
0x25: {  	v62 =	vmctz.xlane vm1;
	_ =	sdelay $0x1  }
0x26: {  	vm1 =	veq.s32 v62, v1  }
0x27: {  	v4 =	vnsel vm1, $0x0, v3  }
0x28: {  	(xrf0) =	vadd.scan.msk.s32 $0xffff, v4;
	_ =	sdelay $0x3  }
0x29: {  	v63 =	vmov s10;
	_ =	sdelay $0x1  }
0x2a: {  	v5, _, _ =	vpop (xrf0)  }
0x2b: {  	s9 =	sadd.s32 $0x1, s9;
	v5 =	vbroadcast v5, $0xF  }
0x2c: {  	p0 =	sne.s32 s9, s4;
	[tilespmem:v3+s7+$0x0] =	vst.idx.add.s32.msk vm1, v2  }
.Ltmp2:
0x2d: {  	[tilespmem:v63+s8+$0x0] =	vst.idx.msk $0x1, v5;
	(pc) =	sbr.rel @p0 .LBB2_2-.Ltmp2, $4  }
0x2e: {  	[hbm4b:s2+s5] =	stream.linear.scatter [tilespmem:s8], [sflag:$0x1], $0x80, $0x38;
	[tilespmem:$0x4100] =	vst v63  }
0x2f: {  	_ =	swait.ge [sflag:s6], $0x80  }
0x30: {  	[sflag:s6] =	ssyncset.done $0x0  }
0x31: {  	[sflag:s6] =	ssyncadd.s32 $0xFFFFFF80  }
.LBB2_5:
0x32: {  	_ =	sfence.sel $0x180000  }
0x33: {  	[bflag:$0x0] =	sbarrier.arrive $0xFFFF  }
0x34: {  	p0 =	sne.s32 s0, $0x0;
	_ =	strace $0x90000047  }
0x35: {  	s0 =	sadd.s32 @!p0 $0x100000, s1;
	[bflag:$0x2] =	sbarrier.arrive $0xFFFF  }
0x36: {  	[sflag:s0] =	ssyncadd.tile.s32 @!p0 $0x1;
	_ =	shalt  }
.Lfunc_end2:
_tile_overlayer_lowered:
.L_overlay_start_2:
0x37: {  	(tag) =	ssettag $0x2  }
0x38: {  	s0 =	rddreg [dreg:$0x0];
	s2 =	stileid.u32  }
0x39: {  	s1 =	rddreg [dreg:$0x1];
	p0 =	sne.s32 s2, $0x0  }
0x3a: {  	s3 =	rddreg [dreg:$0x2];
	[bflag:$0x3] =	sbarrier.arrive $0xFFFF;
	s2 =	simm.s32 @!p0 $0x1C01  }
0x3b: {  	[timem:s3], [sflag:s2] =	dma.local @!p0 [hbm:s0], s1  }
0x3c: {  	s0 =	simm.s32 @!p0 $0x1  }
0x3d: {  	_ =	swait.ge @!p0 [sflag:s0], s1  }
0x3e: {  	s1 =	ssub.s32 @!p0 $0x0, s1;
	[sflag:s0] =	ssyncset.done @!p0 $0x0  }
0x3f: {  	[sflag:s0] =	ssyncadd.s32 @!p0 s1  }
0x40: {  	[bflag:$0x3] =	sbarrier.arrive $0xFFFF  }
0x41: {  	_ =	shalt  }

</sc_bundles>
